<compile_context>
chip_gen: v7x
topology: tpu7x:2x2x1
jax: 0.10.2.dev20260603
libtpu: 0.0.44.dev20260713+nightly
codegen_flags: <defaults>
</compile_context>

<pallas_src>
import functools

import numpy as np

import jax
import jax.numpy as jnp
from jax import lax
from jax.experimental import pallas as pl
from jax.experimental.pallas import tpu as pltpu
from jax.experimental.pallas import tpu_sc as plsc

N = 10000
E = 320000
D = 128
G = 128
DH2 = 64
_SQRT_C = float(np.sqrt(np.float32(1.0 + 1e-5)))

NC, NS = 2, 16
NW = NC * NS
EPW = E // NW
CH = 80
NCH = EPW // CH
ZCH = 80
NZ = N // ZCH
NZPT = -(-NZ // NS)

R = 1000
GRID = N // R

@functools.lru_cache(maxsize=1)
def _sc_degree_kernel():
    mesh = plsc.VectorSubcoreMesh(core_axis_name="c", subcore_axis_name="s",
                                  num_cores=NC, num_subcores=NS)

    @functools.partial(
        pl.kernel,
        out_type=jax.ShapeDtypeStruct((NC, N, D), jnp.float32),
        mesh=mesh,
        scratch_types=[
            pltpu.VMEM((CH,), jnp.int32),
            pltpu.VMEM((CH,), jnp.int32),
            pltpu.VMEM((CH, D), jnp.float32),
            pltpu.VMEM_SHARED((N, D), jnp.float32),
            pltpu.SemaphoreType.DMA,
            pltpu.SemaphoreType.DMA,
        ],
    )
    def deg(dst_hbm, zeros_hbm, ones_hbm, out_hbm, idx_v0, idx_v1, ones_v,
            acc_sh, semd0, semd1):
        cid = lax.axis_index("c")
        sid = lax.axis_index("s")
        wid = sid * NC + cid
        ebase = wid * EPW
        pltpu.sync_copy(ones_hbm, ones_v)

        def idx_start(j, buf, sem):
            pltpu.async_copy(dst_hbm.at[pl.ds(ebase + j * CH, CH)], buf, sem)

        def idx_wait(j, buf, sem):
            pltpu.make_async_copy(dst_hbm.at[pl.ds(ebase + j * CH, CH)],
                                  buf, sem).wait()

        idx_start(0, idx_v0, semd0)
        for k in range(NZPT):
            c = sid + NS * k
            @pl.when(c < NZ)
            def _():
                pltpu.sync_copy(zeros_hbm.at[pl.ds(c * ZCH, ZCH)],
                                acc_sh.at[pl.ds(c * ZCH, ZCH)])
        plsc.subcore_barrier()

        def pair(t, carry):
            j1 = 2 * t + 1
            j2 = 2 * t + 2
            idx_start(j1, idx_v1, semd1)
            idx_wait(j1 - 1, idx_v0, semd0)
            pltpu.sync_copy(ones_v, acc_sh.at[idx_v0], add=True)
            idx_start(j2, idx_v0, semd0)
            idx_wait(j1, idx_v1, semd1)
            pltpu.sync_copy(ones_v, acc_sh.at[idx_v1], add=True)
            return carry

        lax.fori_loop(0, (NCH - 1) // 2, pair, None)
        idx_wait(NCH - 1, idx_v0, semd0)
        pltpu.sync_copy(ones_v, acc_sh.at[idx_v0], add=True)
        plsc.subcore_barrier()
        for k in range(NZPT):
            c = sid + NS * k
            @pl.when(c < NZ)
            def _():
                pltpu.sync_copy(acc_sh.at[pl.ds(c * ZCH, ZCH)],
                                out_hbm.at[cid, pl.ds(c * ZCH, ZCH)])

    return deg


def _sc_degree(dst, zeros_nd, ones_ch):
    return _sc_degree_kernel()(dst, zeros_nd, ones_ch)


@functools.lru_cache(maxsize=1)
def _sc_scatter_kernel():
    mesh = plsc.VectorSubcoreMesh(core_axis_name="c", subcore_axis_name="s",
                                  num_cores=NC, num_subcores=NS)

    @functools.partial(
        pl.kernel,
        out_type=jax.ShapeDtypeStruct((NC, N, D), jnp.float32),
        mesh=mesh,
        scratch_types=[
            pltpu.VMEM((EPW,), jnp.int32),
            pltpu.VMEM((CH,), jnp.int32),
            pltpu.VMEM((CH,), jnp.int32),
            pltpu.VMEM((CH, D), jnp.float32),
            pltpu.VMEM((CH, D), jnp.float32),
            pltpu.VMEM_SHARED((N, D), jnp.float32),
            pltpu.SemaphoreType.DMA,
            pltpu.SemaphoreType.DMA,
            pltpu.SemaphoreType.DMA,
            pltpu.SemaphoreType.DMA,
        ],
    )
    def scat(u_hbm, src_hbm, dst_hbm, zeros_hbm, out_hbm,
             srcall_v, dst_v0, dst_v1, rows_v0, rows_v1, acc_sh,
             sem0, sem1, semd0, semd1):
        cid = lax.axis_index("c")
        sid = lax.axis_index("s")
        wid = sid * NC + cid
        ebase = wid * EPW
        pltpu.sync_copy(src_hbm.at[pl.ds(ebase, EPW)], srcall_v)

        def gather_start(j, rows_v, sem):
            pltpu.async_copy(u_hbm.at[srcall_v.at[pl.ds(j * CH, CH)]],
                             rows_v, sem)

        def gather_wait(j, rows_v, sem):
            pltpu.make_async_copy(u_hbm.at[srcall_v.at[pl.ds(j * CH, CH)]],
                                  rows_v, sem).wait()

        def idx_start(j, buf, sem):
            pltpu.async_copy(dst_hbm.at[pl.ds(ebase + j * CH, CH)], buf, sem)

        def idx_wait(j, buf, sem):
            pltpu.make_async_copy(dst_hbm.at[pl.ds(ebase + j * CH, CH)],
                                  buf, sem).wait()

        idx_start(0, dst_v0, semd0)
        gather_start(0, rows_v0, sem0)
        for k in range(NZPT):
            c = sid + NS * k
            @pl.when(c < NZ)
            def _():
                pltpu.sync_copy(zeros_hbm.at[pl.ds(c * ZCH, ZCH)],
                                acc_sh.at[pl.ds(c * ZCH, ZCH)])
        plsc.subcore_barrier()

        def pair(t, carry):
            j1 = 2 * t + 1
            j2 = 2 * t + 2
            idx_start(j1, dst_v1, semd1)
            gather_start(j1, rows_v1, sem1)
            idx_wait(j1 - 1, dst_v0, semd0)
            gather_wait(j1 - 1, rows_v0, sem0)
            pltpu.sync_copy(rows_v0, acc_sh.at[dst_v0], add=True)
            idx_start(j2, dst_v0, semd0)
            gather_start(j2, rows_v0, sem0)
            idx_wait(j1, dst_v1, semd1)
            gather_wait(j1, rows_v1, sem1)
            pltpu.sync_copy(rows_v1, acc_sh.at[dst_v1], add=True)
            return carry

        lax.fori_loop(0, (NCH - 1) // 2, pair, None)
        idx_wait(NCH - 1, dst_v0, semd0)
        gather_wait(NCH - 1, rows_v0, sem0)
        pltpu.sync_copy(rows_v0, acc_sh.at[dst_v0], add=True)
        plsc.subcore_barrier()
        for k in range(NZPT):
            c = sid + NS * k
            @pl.when(c < NZ)
            def _():
                pltpu.sync_copy(acc_sh.at[pl.ds(c * ZCH, ZCH)],
                                out_hbm.at[cid, pl.ds(c * ZCH, ZCH)])

    return scat


def _sc_scatter(u, src, dst, zeros_nd):
    return _sc_scatter_kernel()(u, src, dst, zeros_nd)


def _k1_body(x_ref, w_ref, d0_ref, d1_ref, u_ref, dinv_ref):
    deg = 1.0 + d0_ref[...][:, :1] + d1_ref[...][:, :1]
    dinv = lax.rsqrt(deg)
    t = jnp.dot(x_ref[...], w_ref[...], preferred_element_type=jnp.float32)
    u_ref[...] = t * dinv
    dinv_ref[...] = jnp.broadcast_to(dinv, (R, D))


def _k1(x, W1, d0, d1):
    return pl.pallas_call(
        _k1_body,
        grid=(GRID,),
        in_specs=[
            pl.BlockSpec((R, D), lambda i: (i, 0)),
            pl.BlockSpec((D, D), lambda i: (0, 0)),
            pl.BlockSpec((R, D), lambda i: (i, 0)),
            pl.BlockSpec((R, D), lambda i: (i, 0)),
        ],
        out_specs=[pl.BlockSpec((R, D), lambda i: (i, 0)),
                   pl.BlockSpec((R, D), lambda i: (i, 0))],
        out_shape=[jax.ShapeDtypeStruct((N, D), jnp.float32),
                   jax.ShapeDtypeStruct((N, D), jnp.float32)],
    )(x, W1, d0, d1)


def _k23_body(p_ref, u_ref, dinv_ref, b_ref, g_ref, be_ref, w_ref, uo_ref):
    p = p_ref[...]
    s = p[0] + p[1] + u_ref[...]
    dinv = dinv_ref[...]
    conv = dinv * s + b_ref[...]
    h = jnp.maximum(g_ref[...] * conv / _SQRT_C + be_ref[...], 0.0)
    uo_ref[...] = dinv * jnp.dot(h, w_ref[...],
                                 preferred_element_type=jnp.float32)


def _k23(p, u, dinv_b, b, g, be, W):
    return pl.pallas_call(
        _k23_body,
        grid=(GRID,),
        in_specs=[
            pl.BlockSpec((NC, R, D), lambda i: (0, i, 0)),
            pl.BlockSpec((R, D), lambda i: (i, 0)),
            pl.BlockSpec((R, D), lambda i: (i, 0)),
            pl.BlockSpec((1, D), lambda i: (0, 0)),
            pl.BlockSpec((1, D), lambda i: (0, 0)),
            pl.BlockSpec((1, D), lambda i: (0, 0)),
            pl.BlockSpec((D, D), lambda i: (0, 0)),
        ],
        out_specs=pl.BlockSpec((R, D), lambda i: (i, 0)),
        out_shape=jax.ShapeDtypeStruct((N, D), jnp.float32),
    )(p, u, dinv_b, b, g, be, W)


def _k4_body(batch3_ref, p_ref, u_ref, dinv_ref, b_ref, g_ref, be_ref,
             wm1_ref, bm1_ref, gm_ref, bem_ref, wm2_ref, bm2_ref,
             out_ref, acc_s, acc_c):
    i = pl.program_id(0)

    @pl.when(i == 0)
    def _():
        acc_s[...] = jnp.zeros_like(acc_s)
        acc_c[...] = jnp.zeros_like(acc_c)

    p = p_ref[...]
    s = p[0] + p[1] + u_ref[...]
    dinv = dinv_ref[...]
    conv = dinv * s + b_ref[...]
    h = jnp.maximum(g_ref[...] * conv / _SQRT_C + be_ref[...], 0.0)
    gids = lax.broadcasted_iota(jnp.int32, (G, R), 0)
    m = (gids == jnp.broadcast_to(batch3_ref[...][0], (G, R))).astype(jnp.float32)
    acc_s[...] += jnp.dot(m, h, preferred_element_type=jnp.float32, precision=lax.Precision.HIGHEST)
    acc_c[...] += jnp.broadcast_to(jnp.sum(m, axis=1, keepdims=True), (G, D))

    @pl.when(i == GRID - 1)
    def _():
        pooled = acc_s[...] / jnp.maximum(acc_c[...], 1.0)
        mlin = jnp.dot(pooled, wm1_ref[...],
                       preferred_element_type=jnp.float32) + bm1_ref[...]
        mm = jnp.maximum(gm_ref[...] * mlin / _SQRT_C + bem_ref[...], 0.0)
        out_ref[...] = (jnp.dot(mm, wm2_ref[...],
                                preferred_element_type=jnp.float32)
                        + bm2_ref[...][:, :1])


def _k4(batch3d, p, u, dinv_b, b, g, be, Wm1, bm1, gm, bem, wm2row, bm2b):
    return pl.pallas_call(
        _k4_body,
        grid=(GRID,),
        in_specs=[
            pl.BlockSpec((1, 1, R), lambda i: (i, 0, 0)),
            pl.BlockSpec((NC, R, D), lambda i: (0, i, 0)),
            pl.BlockSpec((R, D), lambda i: (i, 0)),
            pl.BlockSpec((R, D), lambda i: (i, 0)),
            pl.BlockSpec((1, D), lambda i: (0, 0)),
            pl.BlockSpec((1, D), lambda i: (0, 0)),
            pl.BlockSpec((1, D), lambda i: (0, 0)),
            pl.BlockSpec((D, DH2), lambda i: (0, 0)),
            pl.BlockSpec((1, DH2), lambda i: (0, 0)),
            pl.BlockSpec((1, DH2), lambda i: (0, 0)),
            pl.BlockSpec((1, DH2), lambda i: (0, 0)),
            pl.BlockSpec((DH2, 1), lambda i: (0, 0)),
            pl.BlockSpec((1, D), lambda i: (0, 0)),
        ],
        out_specs=pl.BlockSpec((G, 1), lambda i: (0, 0)),
        out_shape=jax.ShapeDtypeStruct((G, 1), jnp.float32),
        scratch_shapes=[
            pltpu.VMEM((G, D), jnp.float32),
            pltpu.VMEM((G, D), jnp.float32),
        ],
    )(batch3d, p, u, dinv_b, b, g, be, Wm1, bm1, gm, bem, wm2row, bm2b)


def kernel(x, edge_index, batch, W1, b1, g1, be1, W2, b2, g2, be2,
           W3, b3, g3, be3, Wm1, bm1, gm, bem, Wm2, bm2):
    src = edge_index[0]
    dst = edge_index[1]
    zeros_nd = jnp.zeros((N, D), jnp.float32)
    ones_ch = jnp.ones((CH, D), jnp.float32)

    degp = _sc_degree(dst, zeros_nd, ones_ch)
    d0 = degp[0]
    d1 = degp[1]

    u1, dinv_b = _k1(x, W1, d0, d1)
    p1 = _sc_scatter(u1, src, dst, zeros_nd)
    u2 = _k23(p1, u1, dinv_b, b1.reshape(1, D), g1.reshape(1, D),
              be1.reshape(1, D), W2)
    p2 = _sc_scatter(u2, src, dst, zeros_nd)
    u3 = _k23(p2, u2, dinv_b, b2.reshape(1, D), g2.reshape(1, D),
              be2.reshape(1, D), W3)
    p3 = _sc_scatter(u3, src, dst, zeros_nd)

    out = _k4(batch.reshape(GRID, 1, R), p3, u3, dinv_b,
              b3.reshape(1, D), g3.reshape(1, D), be3.reshape(1, D),
              Wm1, bm1.reshape(1, DH2), gm.reshape(1, DH2),
              bem.reshape(1, DH2), Wm2,
              jnp.broadcast_to(bm2.reshape(1, 1), (1, D)))
    return out

# --- scband reference (transcript-rebuilt; emitter-appended) ---
"""Pipeline reference for scband-gnnpredictor-72756745994791 (READ-ONLY COPY).

The authoritative reference and input builder live on the scoring server;
editing this copy changes nothing except your own understanding.
"""

import jax, jax.numpy as jnp
import numpy as np

N_NODES = 10000
N_EDGES = 320000
D_IN = 128
D_HID = 128
N_GRAPHS = 128
BN_EPS = 1e-5


def _gcn_conv(x, src, dst, W, b, n):
    # PyG GCNConv: x' = D^{-1/2} (A + I) D^{-1/2} X W + b
    h = x @ W
    loop = jnp.arange(n, dtype=src.dtype)
    s = jnp.concatenate([src, loop])
    d = jnp.concatenate([dst, loop])
    ones = jnp.ones(s.shape[0], dtype=h.dtype)
    deg = jnp.zeros((n,), h.dtype).at[d].add(ones)
    dinv = jnp.where(deg > 0, jax.lax.rsqrt(jnp.maximum(deg, 1e-12)), 0.0)
    norm = dinv[s] * dinv[d]
    msg = h[s] * norm[:, None]
    out = jnp.zeros((n, h.shape[1]), h.dtype).at[d].add(msg)
    return out + b


def _bn_eval(x, gamma, beta):
    # BatchNorm1d in eval mode with fresh running stats (mean=0, var=1)
    return gamma * x / jnp.sqrt(1.0 + BN_EPS) + beta


def _forward(x, params, edge_index, batch):
    (W1, b1, g1, be1, W2, b2, g2, be2, W3, b3, g3, be3,
     Wm1, bm1, gm, bem, Wm2, bm2) = params
    src = edge_index[0]
    dst = edge_index[1]
    h = x
    for (W, b, g, be) in ((W1, b1, g1, be1), (W2, b2, g2, be2), (W3, b3, g3, be3)):
        h = _gcn_conv(h, src, dst, W, b, N_NODES)
        h = _bn_eval(h, g, be)
        h = jax.nn.relu(h)
        # dropout is identity in eval mode
    sums = jax.ops.segment_sum(h, batch, num_segments=N_GRAPHS)
    cnt = jax.ops.segment_sum(jnp.ones((h.shape[0],), h.dtype), batch, num_segments=N_GRAPHS)
    pooled = sums / jnp.maximum(cnt, 1.0)[:, None]
    m = pooled @ Wm1 + bm1
    m = _bn_eval(m, gm, bem)
    m = jax.nn.relu(m)
    out = m @ Wm2 + bm2
    return out


def setup_inputs(seed: int = 0):
    key = jax.random.key(seed)
    ks = jax.random.split(key, 12)
    x = jax.random.normal(ks[0], (N_NODES, D_IN), dtype=jnp.float32)
    edge_index = jax.random.randint(ks[1], (2, N_EDGES), 0, N_NODES, dtype=jnp.int32)
    batch = jnp.sort(jax.random.randint(ks[2], (N_NODES,), 0, N_GRAPHS, dtype=jnp.int32))

    def lin(k, i, o):
        return jax.random.normal(k, (i, o), dtype=jnp.float32) * (1.0 / np.sqrt(i))

    inp = {"x": x, "edge_index": edge_index, "batch": batch}
    inp["W1"] = lin(ks[3], D_IN, D_HID)
    inp["b1"] = jnp.zeros((D_HID,), jnp.float32)
    inp["g1"] = jnp.ones((D_HID,), jnp.float32)
    inp["be1"] = jnp.zeros((D_HID,), jnp.float32)
    inp["W2"] = lin(ks[4], D_HID, D_HID)
    inp["b2"] = jnp.zeros((D_HID,), jnp.float32)
    inp["g2"] = jnp.ones((D_HID,), jnp.float32)
    inp["be2"] = jnp.zeros((D_HID,), jnp.float32)
    inp["W3"] = lin(ks[5], D_HID, D_HID)
    inp["b3"] = jnp.zeros((D_HID,), jnp.float32)
    inp["g3"] = jnp.ones((D_HID,), jnp.float32)
    inp["be3"] = jnp.zeros((D_HID,), jnp.float32)
    inp["Wm1"] = lin(ks[6], D_HID, D_HID // 2)
    inp["bm1"] = jnp.zeros((D_HID // 2,), jnp.float32)
    inp["gm"] = jnp.ones((D_HID // 2,), jnp.float32)
    inp["bem"] = jnp.zeros((D_HID // 2,), jnp.float32)
    inp["Wm2"] = lin(ks[7], D_HID // 2, 1)
    inp["bm2"] = jnp.zeros((1,), jnp.float32)
    return inp


def reference(x, edge_index, batch, W1, b1, g1, be1, W2, b2, g2, be2, W3, b3, g3, be3, Wm1, bm1, gm, bem, Wm2, bm2):
    params = (W1, b1, g1, be1, W2, b2, g2, be2, W3, b3, g3, be3, Wm1, bm1, gm, bem, Wm2, bm2)
    return _forward(x, params, edge_index, batch)

if __name__ == "__main__":
    import jax
    _d = setup_inputs()
    print(jax.jit(kernel)(*tuple(_d.values())))

</pallas_src>

<mosaic_0001>
#map = affine_map<(d0, d1) -> (0, 0)>
#map1 = affine_map<(d0, d1) -> (0)>
#map2 = affine_map<(d0, d1) -> (0, 0, 0)>
module attributes {stable_mosaic.version = 14 : i64} {
  func.func @scat(%arg0: i32, %arg1: i32, %arg2: memref<10000x128xf32, #tpu.memory_space<hbm>>, %arg3: memref<320000xi32, #tpu.memory_space<hbm>>, %arg4: memref<320000xi32, #tpu.memory_space<hbm>>, %arg5: memref<10000x128xf32, #tpu.memory_space<hbm>>, %arg6: memref<2x10000x128xf32, #tpu.memory_space<hbm>>, %arg7: memref<10000xi32, #tpu.memory_space<vmem>>, %arg8: memref<80xi32, #tpu.memory_space<vmem>>, %arg9: memref<80xi32, #tpu.memory_space<vmem>>, %arg10: memref<80x128xf32, #tpu.memory_space<vmem>>, %arg11: memref<80x128xf32, #tpu.memory_space<vmem>>, %arg12: memref<10000x128xf32, #tpu.memory_space<vmem_shared>>, %arg13: memref<!tpu.dma_semaphore, #tpu.memory_space<semaphore_mem>>, %arg14: memref<!tpu.dma_semaphore, #tpu.memory_space<semaphore_mem>>, %arg15: memref<!tpu.dma_semaphore, #tpu.memory_space<semaphore_mem>>, %arg16: memref<!tpu.dma_semaphore, #tpu.memory_space<semaphore_mem>>) attributes {dimension_semantics = [#tpu.dimension_semantics<core_parallel>, #tpu.dimension_semantics<subcore_parallel>], iteration_bounds = array<i64: 2, 16>, scalar_prefetch = 0 : i64, scratch_operands = 10 : i64, tpu.core_type = #tpu.core_type<sc_vector_subcore>, window_params = [{transform_indices = #map}, {transform_indices = #map1}, {transform_indices = #map1}, {transform_indices = #map}, {transform_indices = #map2}]} {
    %mul3A = arith.constant 2 : i32
    %mul3A_0 = arith.muli %arg1, %mul3A : i32
    %add3A = arith.addi %mul3A_0, %arg0 : i32
    %mul3A_1 = arith.constant 10000 : i32
    %mul3A_2 = arith.muli %add3A, %mul3A_1 : i32
    "tpu.region"() ({
      %run_scoped3A = tpu.sem_alloc : memref<!tpu.dma_semaphore, #tpu.memory_space<semaphore_mem>>
      %dma_start3A_133 = tpu.memref_slice %arg3[%mul3A_2] : memref<320000xi32, #tpu.memory_space<hbm>> -> memref<10000xi32, #tpu.memory_space<hbm>>
      %dma_start3A_134 = tpu.memref_slice %arg3[%mul3A_2] : memref<320000xi32, #tpu.memory_space<hbm>> -> memref<10000xi32, #tpu.memory_space<hbm>>
      tpu.enqueue_dma source(%dma_start3A_134 : memref<10000xi32, #tpu.memory_space<hbm>>) target(%arg7 : memref<10000xi32, #tpu.memory_space<vmem>>) target_semaphore(%run_scoped3A : memref<!tpu.dma_semaphore, #tpu.memory_space<semaphore_mem>>)
      %dma_wait3A_135 = tpu.memref_slice %arg3[%mul3A_2] : memref<320000xi32, #tpu.memory_space<hbm>> -> memref<10000xi32, #tpu.memory_space<hbm>>
      %dma_wait3A_136 = tpu.memref_slice %arg3[%mul3A_2] : memref<320000xi32, #tpu.memory_space<hbm>> -> memref<10000xi32, #tpu.memory_space<hbm>>
      tpu.wait_dma2 semaphore(%run_scoped3A : memref<!tpu.dma_semaphore, #tpu.memory_space<semaphore_mem>>) src(%dma_wait3A_136 : memref<10000xi32, #tpu.memory_space<hbm>>) dst(%arg7 : memref<10000xi32, #tpu.memory_space<vmem>>)
      tpu.yield
    }) : () -> ()
    %add3A_3 = arith.constant 0 : i32
    %add3A_4 = arith.addi %mul3A_2, %add3A_3 : i32
    %dma_start3A = tpu.memref_slice %arg4[%add3A_4] : memref<320000xi32, #tpu.memory_space<hbm>> -> memref<80xi32, #tpu.memory_space<hbm>>
    %dma_start3A_5 = tpu.memref_slice %arg4[%add3A_4] : memref<320000xi32, #tpu.memory_space<hbm>> -> memref<80xi32, #tpu.memory_space<hbm>>
    tpu.enqueue_dma source(%dma_start3A_5 : memref<80xi32, #tpu.memory_space<hbm>>) target(%arg8 : memref<80xi32, #tpu.memory_space<vmem>>) target_semaphore(%arg15 : memref<!tpu.dma_semaphore, #tpu.memory_space<semaphore_mem>>)
    %dma_start3A_6 = arith.constant 0 : i32
    %dma_start3A_7 = tpu.memref_slice %arg7[%dma_start3A_6] : memref<10000xi32, #tpu.memory_space<vmem>> -> memref<80xi32, #tpu.memory_space<vmem>>
    %dma_start3A_8 = arith.constant 0 : i32
    %dma_start3A_9 = arith.constant 0 : i32
    %dma_start3A_10 = tpu.memref_slice %arg2[%dma_start3A_8, %dma_start3A_9] : memref<10000x128xf32, #tpu.memory_space<hbm>> -> memref<10000x128xf32, #tpu.memory_space<hbm>>
    tpu.enqueue_indirect_dma source(%dma_start3A_10 : memref<10000x128xf32, #tpu.memory_space<hbm>>) target(%arg10 : memref<80x128xf32, #tpu.memory_space<vmem>>) offsets(%dma_start3A_7 : memref<80xi32, #tpu.memory_space<vmem>>) semaphore(%arg13 : memref<!tpu.dma_semaphore, #tpu.memory_space<semaphore_mem>>)
    %add3A_11 = arith.constant 0 : i32
    %add3A_12 = arith.addi %arg1, %add3A_11 : i32
    %lt3A = arith.constant 125 : i32
    %lt3A_13 = arith.cmpi slt, %add3A_12, %lt3A : i32
    %convert_element_type3A = arith.extui %lt3A_13 : i1 to i32
    %cond3A = arith.constant 0 : i32
    %cond3A_14 = arith.cmpi ne, %convert_element_type3A, %cond3A : i32
    scf.if %cond3A_14 {
      %mul3A_133 = arith.constant 80 : i32
      %mul3A_134 = arith.muli %add3A_12, %mul3A_133 : i32
      %mul3A_135 = arith.constant 80 : i32
      %mul3A_136 = arith.muli %add3A_12, %mul3A_135 : i32
      "tpu.region"() ({
        %run_scoped3A = tpu.sem_alloc : memref<!tpu.dma_semaphore, #tpu.memory_space<semaphore_mem>>
        %dma_start3A_137 = arith.constant 0 : i32
        %dma_start3A_138 = tpu.memref_slice %arg12[%mul3A_136, %dma_start3A_137] : memref<10000x128xf32, #tpu.memory_space<vmem_shared>> -> memref<80x128xf32, #tpu.memory_space<vmem_shared>>
        %dma_start3A_139 = arith.constant 0 : i32
        %dma_start3A_140 = tpu.memref_slice %arg5[%mul3A_134, %dma_start3A_139] : memref<10000x128xf32, #tpu.memory_space<hbm>> -> memref<80x128xf32, #tpu.memory_space<hbm>>
        tpu.enqueue_dma source(%dma_start3A_140 : memref<80x128xf32, #tpu.memory_space<hbm>>) target(%dma_start3A_138 : memref<80x128xf32, #tpu.memory_space<vmem_shared>>) target_semaphore(%run_scoped3A : memref<!tpu.dma_semaphore, #tpu.memory_space<semaphore_mem>>)
        %dma_wait3A_141 = arith.constant 0 : i32
        %dma_wait3A_142 = tpu.memref_slice %arg12[%mul3A_136, %dma_wait3A_141] : memref<10000x128xf32, #tpu.memory_space<vmem_shared>> -> memref<80x128xf32, #tpu.memory_space<vmem_shared>>
        %dma_wait3A_143 = arith.constant 0 : i32
        %dma_wait3A_144 = tpu.memref_slice %arg5[%mul3A_134, %dma_wait3A_143] : memref<10000x128xf32, #tpu.memory_space<hbm>> -> memref<80x128xf32, #tpu.memory_space<hbm>>
        tpu.wait_dma2 semaphore(%run_scoped3A : memref<!tpu.dma_semaphore, #tpu.memory_space<semaphore_mem>>) src(%dma_wait3A_144 : memref<80x128xf32, #tpu.memory_space<hbm>>) dst(%dma_wait3A_142 : memref<80x128xf32, #tpu.memory_space<vmem_shared>>)
        tpu.yield
      }) : () -> ()
    } else {
    }
    %add3A_15 = arith.constant 16 : i32
    %add3A_16 = arith.addi %arg1, %add3A_15 : i32
    %lt3A_17 = arith.constant 125 : i32
    %lt3A_18 = arith.cmpi slt, %add3A_16, %lt3A_17 : i32
    %convert_element_type3A_19 = arith.extui %lt3A_18 : i1 to i32
    %cond3A_20 = arith.constant 0 : i32
    %cond3A_21 = arith.cmpi ne, %convert_element_type3A_19, %cond3A_20 : i32
    scf.if %cond3A_21 {
      %mul3A_133 = arith.constant 80 : i32
      %mul3A_134 = arith.muli %add3A_16, %mul3A_133 : i32
      %mul3A_135 = arith.constant 80 : i32
      %mul3A_136 = arith.muli %add3A_16, %mul3A_135 : i32
      "tpu.region"() ({
        %run_scoped3A = tpu.sem_alloc : memref<!tpu.dma_semaphore, #tpu.memory_space<semaphore_mem>>
        %dma_start3A_137 = arith.constant 0 : i32
        %dma_start3A_138 = tpu.memref_slice %arg12[%mul3A_136, %dma_start3A_137] : memref<10000x128xf32, #tpu.memory_space<vmem_shared>> -> memref<80x128xf32, #tpu.memory_space<vmem_shared>>
        %dma_start3A_139 = arith.constant 0 : i32
        %dma_start3A_140 = tpu.memref_slice %arg5[%mul3A_134, %dma_start3A_139] : memref<10000x128xf32, #tpu.memory_space<hbm>> -> memref<80x128xf32, #tpu.memory_space<hbm>>
        tpu.enqueue_dma source(%dma_start3A_140 : memref<80x128xf32, #tpu.memory_space<hbm>>) target(%dma_start3A_138 : memref<80x128xf32, #tpu.memory_space<vmem_shared>>) target_semaphore(%run_scoped3A : memref<!tpu.dma_semaphore, #tpu.memory_space<semaphore_mem>>)
        %dma_wait3A_141 = arith.constant 0 : i32
        %dma_wait3A_142 = tpu.memref_slice %arg12[%mul3A_136, %dma_wait3A_141] : memref<10000x128xf32, #tpu.memory_space<vmem_shared>> -> memref<80x128xf32, #tpu.memory_space<vmem_shared>>
        %dma_wait3A_143 = arith.constant 0 : i32
        %dma_wait3A_144 = tpu.memref_slice %arg5[%mul3A_134, %dma_wait3A_143] : memref<10000x128xf32, #tpu.memory_space<hbm>> -> memref<80x128xf32, #tpu.memory_space<hbm>>
        tpu.wait_dma2 semaphore(%run_scoped3A : memref<!tpu.dma_semaphore, #tpu.memory_space<semaphore_mem>>) src(%dma_wait3A_144 : memref<80x128xf32, #tpu.memory_space<hbm>>) dst(%dma_wait3A_142 : memref<80x128xf32, #tpu.memory_space<vmem_shared>>)
        tpu.yield
      }) : () -> ()
    } else {
    }
    %add3A_22 = arith.constant 32 : i32
    %add3A_23 = arith.addi %arg1, %add3A_22 : i32
    %lt3A_24 = arith.constant 125 : i32
    %lt3A_25 = arith.cmpi slt, %add3A_23, %lt3A_24 : i32
    %convert_element_type3A_26 = arith.extui %lt3A_25 : i1 to i32
    %cond3A_27 = arith.constant 0 : i32
    %cond3A_28 = arith.cmpi ne, %convert_element_type3A_26, %cond3A_27 : i32
    scf.if %cond3A_28 {
      %mul3A_133 = arith.constant 80 : i32
      %mul3A_134 = arith.muli %add3A_23, %mul3A_133 : i32
      %mul3A_135 = arith.constant 80 : i32
      %mul3A_136 = arith.muli %add3A_23, %mul3A_135 : i32
      "tpu.region"() ({
        %run_scoped3A = tpu.sem_alloc : memref<!tpu.dma_semaphore, #tpu.memory_space<semaphore_mem>>
        %dma_start3A_137 = arith.constant 0 : i32
        %dma_start3A_138 = tpu.memref_slice %arg12[%mul3A_136, %dma_start3A_137] : memref<10000x128xf32, #tpu.memory_space<vmem_shared>> -> memref<80x128xf32, #tpu.memory_space<vmem_shared>>
        %dma_start3A_139 = arith.constant 0 : i32
        %dma_start3A_140 = tpu.memref_slice %arg5[%mul3A_134, %dma_start3A_139] : memref<10000x128xf32, #tpu.memory_space<hbm>> -> memref<80x128xf32, #tpu.memory_space<hbm>>
        tpu.enqueue_dma source(%dma_start3A_140 : memref<80x128xf32, #tpu.memory_space<hbm>>) target(%dma_start3A_138 : memref<80x128xf32, #tpu.memory_space<vmem_shared>>) target_semaphore(%run_scoped3A : memref<!tpu.dma_semaphore, #tpu.memory_space<semaphore_mem>>)
        %dma_wait3A_141 = arith.constant 0 : i32
        %dma_wait3A_142 = tpu.memref_slice %arg12[%mul3A_136, %dma_wait3A_141] : memref<10000x128xf32, #tpu.memory_space<vmem_shared>> -> memref<80x128xf32, #tpu.memory_space<vmem_shared>>
        %dma_wait3A_143 = arith.constant 0 : i32
        %dma_wait3A_144 = tpu.memref_slice %arg5[%mul3A_134, %dma_wait3A_143] : memref<10000x128xf32, #tpu.memory_space<hbm>> -> memref<80x128xf32, #tpu.memory_space<hbm>>
        tpu.wait_dma2 semaphore(%run_scoped3A : memref<!tpu.dma_semaphore, #tpu.memory_space<semaphore_mem>>) src(%dma_wait3A_144 : memref<80x128xf32, #tpu.memory_space<hbm>>) dst(%dma_wait3A_142 : memref<80x128xf32, #tpu.memory_space<vmem_shared>>)
        tpu.yield
      }) : () -> ()
    } else {
    }
    %add3A_29 = arith.constant 48 : i32
    %add3A_30 = arith.addi %arg1, %add3A_29 : i32
    %lt3A_31 = arith.constant 125 : i32
    %lt3A_32 = arith.cmpi slt, %add3A_30, %lt3A_31 : i32
    %convert_element_type3A_33 = arith.extui %lt3A_32 : i1 to i32
    %cond3A_34 = arith.constant 0 : i32
    %cond3A_35 = arith.cmpi ne, %convert_element_type3A_33, %cond3A_34 : i32
    scf.if %cond3A_35 {
      %mul3A_133 = arith.constant 80 : i32
      %mul3A_134 = arith.muli %add3A_30, %mul3A_133 : i32
      %mul3A_135 = arith.constant 80 : i32
      %mul3A_136 = arith.muli %add3A_30, %mul3A_135 : i32
      "tpu.region"() ({
        %run_scoped3A = tpu.sem_alloc : memref<!tpu.dma_semaphore, #tpu.memory_space<semaphore_mem>>
        %dma_start3A_137 = arith.constant 0 : i32
        %dma_start3A_138 = tpu.memref_slice %arg12[%mul3A_136, %dma_start3A_137] : memref<10000x128xf32, #tpu.memory_space<vmem_shared>> -> memref<80x128xf32, #tpu.memory_space<vmem_shared>>
        %dma_start3A_139 = arith.constant 0 : i32
        %dma_start3A_140 = tpu.memref_slice %arg5[%mul3A_134, %dma_start3A_139] : memref<10000x128xf32, #tpu.memory_space<hbm>> -> memref<80x128xf32, #tpu.memory_space<hbm>>
        tpu.enqueue_dma source(%dma_start3A_140 : memref<80x128xf32, #tpu.memory_space<hbm>>) target(%dma_start3A_138 : memref<80x128xf32, #tpu.memory_space<vmem_shared>>) target_semaphore(%run_scoped3A : memref<!tpu.dma_semaphore, #tpu.memory_space<semaphore_mem>>)
        %dma_wait3A_141 = arith.constant 0 : i32
        %dma_wait3A_142 = tpu.memref_slice %arg12[%mul3A_136, %dma_wait3A_141] : memref<10000x128xf32, #tpu.memory_space<vmem_shared>> -> memref<80x128xf32, #tpu.memory_space<vmem_shared>>
        %dma_wait3A_143 = arith.constant 0 : i32
        %dma_wait3A_144 = tpu.memref_slice %arg5[%mul3A_134, %dma_wait3A_143] : memref<10000x128xf32, #tpu.memory_space<hbm>> -> memref<80x128xf32, #tpu.memory_space<hbm>>
        tpu.wait_dma2 semaphore(%run_scoped3A : memref<!tpu.dma_semaphore, #tpu.memory_space<semaphore_mem>>) src(%dma_wait3A_144 : memref<80x128xf32, #tpu.memory_space<hbm>>) dst(%dma_wait3A_142 : memref<80x128xf32, #tpu.memory_space<vmem_shared>>)
        tpu.yield
      }) : () -> ()
    } else {
    }
    %add3A_36 = arith.constant 64 : i32
    %add3A_37 = arith.addi %arg1, %add3A_36 : i32
    %lt3A_38 = arith.constant 125 : i32
    %lt3A_39 = arith.cmpi slt, %add3A_37, %lt3A_38 : i32
    %convert_element_type3A_40 = arith.extui %lt3A_39 : i1 to i32
    %cond3A_41 = arith.constant 0 : i32
    %cond3A_42 = arith.cmpi ne, %convert_element_type3A_40, %cond3A_41 : i32
    scf.if %cond3A_42 {
      %mul3A_133 = arith.constant 80 : i32
      %mul3A_134 = arith.muli %add3A_37, %mul3A_133 : i32
      %mul3A_135 = arith.constant 80 : i32
      %mul3A_136 = arith.muli %add3A_37, %mul3A_135 : i32
      "tpu.region"() ({
        %run_scoped3A = tpu.sem_alloc : memref<!tpu.dma_semaphore, #tpu.memory_space<semaphore_mem>>
        %dma_start3A_137 = arith.constant 0 : i32
        %dma_start3A_138 = tpu.memref_slice %arg12[%mul3A_136, %dma_start3A_137] : memref<10000x128xf32, #tpu.memory_space<vmem_shared>> -> memref<80x128xf32, #tpu.memory_space<vmem_shared>>
        %dma_start3A_139 = arith.constant 0 : i32
        %dma_start3A_140 = tpu.memref_slice %arg5[%mul3A_134, %dma_start3A_139] : memref<10000x128xf32, #tpu.memory_space<hbm>> -> memref<80x128xf32, #tpu.memory_space<hbm>>
        tpu.enqueue_dma source(%dma_start3A_140 : memref<80x128xf32, #tpu.memory_space<hbm>>) target(%dma_start3A_138 : memref<80x128xf32, #tpu.memory_space<vmem_shared>>) target_semaphore(%run_scoped3A : memref<!tpu.dma_semaphore, #tpu.memory_space<semaphore_mem>>)
        %dma_wait3A_141 = arith.constant 0 : i32
        %dma_wait3A_142 = tpu.memref_slice %arg12[%mul3A_136, %dma_wait3A_141] : memref<10000x128xf32, #tpu.memory_space<vmem_shared>> -> memref<80x128xf32, #tpu.memory_space<vmem_shared>>
        %dma_wait3A_143 = arith.constant 0 : i32
        %dma_wait3A_144 = tpu.memref_slice %arg5[%mul3A_134, %dma_wait3A_143] : memref<10000x128xf32, #tpu.memory_space<hbm>> -> memref<80x128xf32, #tpu.memory_space<hbm>>
        tpu.wait_dma2 semaphore(%run_scoped3A : memref<!tpu.dma_semaphore, #tpu.memory_space<semaphore_mem>>) src(%dma_wait3A_144 : memref<80x128xf32, #tpu.memory_space<hbm>>) dst(%dma_wait3A_142 : memref<80x128xf32, #tpu.memory_space<vmem_shared>>)
        tpu.yield
      }) : () -> ()
    } else {
    }
    %add3A_43 = arith.constant 80 : i32
    %add3A_44 = arith.addi %arg1, %add3A_43 : i32
    %lt3A_45 = arith.constant 125 : i32
    %lt3A_46 = arith.cmpi slt, %add3A_44, %lt3A_45 : i32
    %convert_element_type3A_47 = arith.extui %lt3A_46 : i1 to i32
    %cond3A_48 = arith.constant 0 : i32
    %cond3A_49 = arith.cmpi ne, %convert_element_type3A_47, %cond3A_48 : i32
    scf.if %cond3A_49 {
      %mul3A_133 = arith.constant 80 : i32
      %mul3A_134 = arith.muli %add3A_44, %mul3A_133 : i32
      %mul3A_135 = arith.constant 80 : i32
      %mul3A_136 = arith.muli %add3A_44, %mul3A_135 : i32
      "tpu.region"() ({
        %run_scoped3A = tpu.sem_alloc : memref<!tpu.dma_semaphore, #tpu.memory_space<semaphore_mem>>
        %dma_start3A_137 = arith.constant 0 : i32
        %dma_start3A_138 = tpu.memref_slice %arg12[%mul3A_136, %dma_start3A_137] : memref<10000x128xf32, #tpu.memory_space<vmem_shared>> -> memref<80x128xf32, #tpu.memory_space<vmem_shared>>
        %dma_start3A_139 = arith.constant 0 : i32
        %dma_start3A_140 = tpu.memref_slice %arg5[%mul3A_134, %dma_start3A_139] : memref<10000x128xf32, #tpu.memory_space<hbm>> -> memref<80x128xf32, #tpu.memory_space<hbm>>
        tpu.enqueue_dma source(%dma_start3A_140 : memref<80x128xf32, #tpu.memory_space<hbm>>) target(%dma_start3A_138 : memref<80x128xf32, #tpu.memory_space<vmem_shared>>) target_semaphore(%run_scoped3A : memref<!tpu.dma_semaphore, #tpu.memory_space<semaphore_mem>>)
        %dma_wait3A_141 = arith.constant 0 : i32
        %dma_wait3A_142 = tpu.memref_slice %arg12[%mul3A_136, %dma_wait3A_141] : memref<10000x128xf32, #tpu.memory_space<vmem_shared>> -> memref<80x128xf32, #tpu.memory_space<vmem_shared>>
        %dma_wait3A_143 = arith.constant 0 : i32
        %dma_wait3A_144 = tpu.memref_slice %arg5[%mul3A_134, %dma_wait3A_143] : memref<10000x128xf32, #tpu.memory_space<hbm>> -> memref<80x128xf32, #tpu.memory_space<hbm>>
        tpu.wait_dma2 semaphore(%run_scoped3A : memref<!tpu.dma_semaphore, #tpu.memory_space<semaphore_mem>>) src(%dma_wait3A_144 : memref<80x128xf32, #tpu.memory_space<hbm>>) dst(%dma_wait3A_142 : memref<80x128xf32, #tpu.memory_space<vmem_shared>>)
        tpu.yield
      }) : () -> ()
    } else {
    }
    %add3A_50 = arith.constant 96 : i32
    %add3A_51 = arith.addi %arg1, %add3A_50 : i32
    %lt3A_52 = arith.constant 125 : i32
    %lt3A_53 = arith.cmpi slt, %add3A_51, %lt3A_52 : i32
    %convert_element_type3A_54 = arith.extui %lt3A_53 : i1 to i32
    %cond3A_55 = arith.constant 0 : i32
    %cond3A_56 = arith.cmpi ne, %convert_element_type3A_54, %cond3A_55 : i32
    scf.if %cond3A_56 {
      %mul3A_133 = arith.constant 80 : i32
      %mul3A_134 = arith.muli %add3A_51, %mul3A_133 : i32
      %mul3A_135 = arith.constant 80 : i32
      %mul3A_136 = arith.muli %add3A_51, %mul3A_135 : i32
      "tpu.region"() ({
        %run_scoped3A = tpu.sem_alloc : memref<!tpu.dma_semaphore, #tpu.memory_space<semaphore_mem>>
        %dma_start3A_137 = arith.constant 0 : i32
        %dma_start3A_138 = tpu.memref_slice %arg12[%mul3A_136, %dma_start3A_137] : memref<10000x128xf32, #tpu.memory_space<vmem_shared>> -> memref<80x128xf32, #tpu.memory_space<vmem_shared>>
        %dma_start3A_139 = arith.constant 0 : i32
        %dma_start3A_140 = tpu.memref_slice %arg5[%mul3A_134, %dma_start3A_139] : memref<10000x128xf32, #tpu.memory_space<hbm>> -> memref<80x128xf32, #tpu.memory_space<hbm>>
        tpu.enqueue_dma source(%dma_start3A_140 : memref<80x128xf32, #tpu.memory_space<hbm>>) target(%dma_start3A_138 : memref<80x128xf32, #tpu.memory_space<vmem_shared>>) target_semaphore(%run_scoped3A : memref<!tpu.dma_semaphore, #tpu.memory_space<semaphore_mem>>)
        %dma_wait3A_141 = arith.constant 0 : i32
        %dma_wait3A_142 = tpu.memref_slice %arg12[%mul3A_136, %dma_wait3A_141] : memref<10000x128xf32, #tpu.memory_space<vmem_shared>> -> memref<80x128xf32, #tpu.memory_space<vmem_shared>>
        %dma_wait3A_143 = arith.constant 0 : i32
        %dma_wait3A_144 = tpu.memref_slice %arg5[%mul3A_134, %dma_wait3A_143] : memref<10000x128xf32, #tpu.memory_space<hbm>> -> memref<80x128xf32, #tpu.memory_space<hbm>>
        tpu.wait_dma2 semaphore(%run_scoped3A : memref<!tpu.dma_semaphore, #tpu.memory_space<semaphore_mem>>) src(%dma_wait3A_144 : memref<80x128xf32, #tpu.memory_space<hbm>>) dst(%dma_wait3A_142 : memref<80x128xf32, #tpu.memory_space<vmem_shared>>)
        tpu.yield
      }) : () -> ()
    } else {
    }
    %add3A_57 = arith.constant 112 : i32
    %add3A_58 = arith.addi %arg1, %add3A_57 : i32
    %lt3A_59 = arith.constant 125 : i32
    %lt3A_60 = arith.cmpi slt, %add3A_58, %lt3A_59 : i32
    %convert_element_type3A_61 = arith.extui %lt3A_60 : i1 to i32
    %cond3A_62 = arith.constant 0 : i32
    %cond3A_63 = arith.cmpi ne, %convert_element_type3A_61, %cond3A_62 : i32
    scf.if %cond3A_63 {
      %mul3A_133 = arith.constant 80 : i32
      %mul3A_134 = arith.muli %add3A_58, %mul3A_133 : i32
      %mul3A_135 = arith.constant 80 : i32
      %mul3A_136 = arith.muli %add3A_58, %mul3A_135 : i32
      "tpu.region"() ({
        %run_scoped3A = tpu.sem_alloc : memref<!tpu.dma_semaphore, #tpu.memory_space<semaphore_mem>>
        %dma_start3A_137 = arith.constant 0 : i32
        %dma_start3A_138 = tpu.memref_slice %arg12[%mul3A_136, %dma_start3A_137] : memref<10000x128xf32, #tpu.memory_space<vmem_shared>> -> memref<80x128xf32, #tpu.memory_space<vmem_shared>>
        %dma_start3A_139 = arith.constant 0 : i32
        %dma_start3A_140 = tpu.memref_slice %arg5[%mul3A_134, %dma_start3A_139] : memref<10000x128xf32, #tpu.memory_space<hbm>> -> memref<80x128xf32, #tpu.memory_space<hbm>>
        tpu.enqueue_dma source(%dma_start3A_140 : memref<80x128xf32, #tpu.memory_space<hbm>>) target(%dma_start3A_138 : memref<80x128xf32, #tpu.memory_space<vmem_shared>>) target_semaphore(%run_scoped3A : memref<!tpu.dma_semaphore, #tpu.memory_space<semaphore_mem>>)
        %dma_wait3A_141 = arith.constant 0 : i32
        %dma_wait3A_142 = tpu.memref_slice %arg12[%mul3A_136, %dma_wait3A_141] : memref<10000x128xf32, #tpu.memory_space<vmem_shared>> -> memref<80x128xf32, #tpu.memory_space<vmem_shared>>
        %dma_wait3A_143 = arith.constant 0 : i32
        %dma_wait3A_144 = tpu.memref_slice %arg5[%mul3A_134, %dma_wait3A_143] : memref<10000x128xf32, #tpu.memory_space<hbm>> -> memref<80x128xf32, #tpu.memory_space<hbm>>
        tpu.wait_dma2 semaphore(%run_scoped3A : memref<!tpu.dma_semaphore, #tpu.memory_space<semaphore_mem>>) src(%dma_wait3A_144 : memref<80x128xf32, #tpu.memory_space<hbm>>) dst(%dma_wait3A_142 : memref<80x128xf32, #tpu.memory_space<vmem_shared>>)
        tpu.yield
      }) : () -> ()
    } else {
    }
    %barrier3A = arith.constant 0 : index
    tpu.barrier barrier_id(%barrier3A)
    %scan3A = arith.constant 0 : i32
    %scan3A_64 = arith.constant 62 : i32
    %scan3A_65 = arith.addi %scan3A, %scan3A_64 : i32
    %scan3A_66 = arith.constant 1 : i32
    scf.for %scan3A_133 = %scan3A to %scan3A_65 step %scan3A_66  : i32 {
      %mul3A_134 = arith.constant 2 : i32
      %mul3A_135 = arith.muli %mul3A_134, %scan3A_133 : i32
      %add3A_136 = arith.constant 1 : i32
      %add3A_137 = arith.addi %mul3A_135, %add3A_136 : i32
      %mul3A_138 = arith.constant 2 : i32
      %mul3A_139 = arith.muli %mul3A_138, %scan3A_133 : i32
      %add3A_140 = arith.constant 2 : i32
      %add3A_141 = arith.addi %mul3A_139, %add3A_140 : i32
      %mul3A_142 = arith.constant 80 : i32
      %mul3A_143 = arith.muli %add3A_137, %mul3A_142 : i32
      %add3A_144 = arith.addi %mul3A_2, %mul3A_143 : i32
      %dma_start3A_145 = tpu.memref_slice %arg4[%add3A_144] : memref<320000xi32, #tpu.memory_space<hbm>> -> memref<80xi32, #tpu.memory_space<hbm>>
      %dma_start3A_146 = tpu.memref_slice %arg4[%add3A_144] : memref<320000xi32, #tpu.memory_space<hbm>> -> memref<80xi32, #tpu.memory_space<hbm>>
      tpu.enqueue_dma source(%dma_start3A_146 : memref<80xi32, #tpu.memory_space<hbm>>) target(%arg9 : memref<80xi32, #tpu.memory_space<vmem>>) target_semaphore(%arg16 : memref<!tpu.dma_semaphore, #tpu.memory_space<semaphore_mem>>)
      %mul3A_147 = arith.constant 80 : i32
      %mul3A_148 = arith.muli %add3A_137, %mul3A_147 : i32
      %dma_start3A_149 = tpu.memref_slice %arg7[%mul3A_148] : memref<10000xi32, #tpu.memory_space<vmem>> -> memref<80xi32, #tpu.memory_space<vmem>>
      %dma_start3A_150 = arith.constant 0 : i32
      %dma_start3A_151 = arith.constant 0 : i32
      %dma_start3A_152 = tpu.memref_slice %arg2[%dma_start3A_150, %dma_start3A_151] : memref<10000x128xf32, #tpu.memory_space<hbm>> -> memref<10000x128xf32, #tpu.memory_space<hbm>>
      tpu.enqueue_indirect_dma source(%dma_start3A_152 : memref<10000x128xf32, #tpu.memory_space<hbm>>) target(%arg11 : memref<80x128xf32, #tpu.memory_space<vmem>>) offsets(%dma_start3A_149 : memref<80xi32, #tpu.memory_space<vmem>>) semaphore(%arg14 : memref<!tpu.dma_semaphore, #tpu.memory_space<semaphore_mem>>)
      %sub3A = arith.constant 1 : i32
      %sub3A_153 = arith.subi %add3A_137, %sub3A : i32
      %mul3A_154 = arith.constant 80 : i32
      %mul3A_155 = arith.muli %sub3A_153, %mul3A_154 : i32
      %add3A_156 = arith.addi %mul3A_2, %mul3A_155 : i32
      %dma_wait3A_157 = tpu.memref_slice %arg4[%add3A_156] : memref<320000xi32, #tpu.memory_space<hbm>> -> memref<80xi32, #tpu.memory_space<hbm>>
      %dma_wait3A_158 = tpu.memref_slice %arg4[%add3A_156] : memref<320000xi32, #tpu.memory_space<hbm>> -> memref<80xi32, #tpu.memory_space<hbm>>
      tpu.wait_dma2 semaphore(%arg15 : memref<!tpu.dma_semaphore, #tpu.memory_space<semaphore_mem>>) src(%dma_wait3A_158 : memref<80xi32, #tpu.memory_space<hbm>>) dst(%arg8 : memref<80xi32, #tpu.memory_space<vmem>>)
      %sub3A_159 = arith.constant 1 : i32
      %sub3A_160 = arith.subi %add3A_137, %sub3A_159 : i32
      %mul3A_161 = arith.constant 80 : i32
      %mul3A_162 = arith.muli %sub3A_160, %mul3A_161 : i32
      %dma_wait3A_163 = tpu.memref_slice %arg7[%mul3A_162] : memref<10000xi32, #tpu.memory_space<vmem>> -> memref<80xi32, #tpu.memory_space<vmem>>
      %dma_wait3A_164 = arith.constant 0 : i32
      %dma_wait3A_165 = arith.constant 0 : i32
      %dma_wait3A_166 = tpu.memref_slice %arg2[%dma_wait3A_164, %dma_wait3A_165] : memref<10000x128xf32, #tpu.memory_space<hbm>> -> memref<10000x128xf32, #tpu.memory_space<hbm>>
      tpu.wait_indirect_dma semaphore(%arg13 : memref<!tpu.dma_semaphore, #tpu.memory_space<semaphore_mem>>) src(%dma_wait3A_166 : memref<10000x128xf32, #tpu.memory_space<hbm>>) dst(%arg10 : memref<80x128xf32, #tpu.memory_space<vmem>>)
      "tpu.region"() ({
        %run_scoped3A = tpu.sem_alloc : memref<!tpu.dma_semaphore, #tpu.memory_space<semaphore_mem>>
        %dma_start3A_189 = arith.constant 0 : i32
        %dma_start3A_190 = arith.constant 0 : i32
        %dma_start3A_191 = tpu.memref_slice %arg12[%dma_start3A_189, %dma_start3A_190] : memref<10000x128xf32, #tpu.memory_space<vmem_shared>> -> memref<10000x128xf32, #tpu.memory_space<vmem_shared>>
        tpu.enqueue_indirect_dma source(%arg10 : memref<80x128xf32, #tpu.memory_space<vmem>>) target(%dma_start3A_191 : memref<10000x128xf32, #tpu.memory_space<vmem_shared>>) offsets(%arg8 : memref<80xi32, #tpu.memory_space<vmem>>) semaphore(%run_scoped3A : memref<!tpu.dma_semaphore, #tpu.memory_space<semaphore_mem>>) {add = true}
        %dma_wait3A_192 = arith.constant 0 : i32
        %dma_wait3A_193 = arith.constant 0 : i32
        %dma_wait3A_194 = tpu.memref_slice %arg12[%dma_wait3A_192, %dma_wait3A_193] : memref<10000x128xf32, #tpu.memory_space<vmem_shared>> -> memref<10000x128xf32, #tpu.memory_space<vmem_shared>>
        tpu.wait_indirect_dma semaphore(%run_scoped3A : memref<!tpu.dma_semaphore, #tpu.memory_space<semaphore_mem>>) src(%arg10 : memref<80x128xf32, #tpu.memory_space<vmem>>) dst(%dma_wait3A_194 : memref<10000x128xf32, #tpu.memory_space<vmem_shared>>)
        tpu.yield
      }) : () -> ()
      %mul3A_167 = arith.constant 80 : i32
      %mul3A_168 = arith.muli %add3A_141, %mul3A_167 : i32
      %add3A_169 = arith.addi %mul3A_2, %mul3A_168 : i32
      %dma_start3A_170 = tpu.memref_slice %arg4[%add3A_169] : memref<320000xi32, #tpu.memory_space<hbm>> -> memref<80xi32, #tpu.memory_space<hbm>>
      %dma_start3A_171 = tpu.memref_slice %arg4[%add3A_169] : memref<320000xi32, #tpu.memory_space<hbm>> -> memref<80xi32, #tpu.memory_space<hbm>>
      tpu.enqueue_dma source(%dma_start3A_171 : memref<80xi32, #tpu.memory_space<hbm>>) target(%arg8 : memref<80xi32, #tpu.memory_space<vmem>>) target_semaphore(%arg15 : memref<!tpu.dma_semaphore, #tpu.memory_space<semaphore_mem>>)
      %mul3A_172 = arith.constant 80 : i32
      %mul3A_173 = arith.muli %add3A_141, %mul3A_172 : i32
      %dma_start3A_174 = tpu.memref_slice %arg7[%mul3A_173] : memref<10000xi32, #tpu.memory_space<vmem>> -> memref<80xi32, #tpu.memory_space<vmem>>
      %dma_start3A_175 = arith.constant 0 : i32
      %dma_start3A_176 = arith.constant 0 : i32
      %dma_start3A_177 = tpu.memref_slice %arg2[%dma_start3A_175, %dma_start3A_176] : memref<10000x128xf32, #tpu.memory_space<hbm>> -> memref<10000x128xf32, #tpu.memory_space<hbm>>
      tpu.enqueue_indirect_dma source(%dma_start3A_177 : memref<10000x128xf32, #tpu.memory_space<hbm>>) target(%arg10 : memref<80x128xf32, #tpu.memory_space<vmem>>) offsets(%dma_start3A_174 : memref<80xi32, #tpu.memory_space<vmem>>) semaphore(%arg13 : memref<!tpu.dma_semaphore, #tpu.memory_space<semaphore_mem>>)
      %mul3A_178 = arith.constant 80 : i32
      %mul3A_179 = arith.muli %add3A_137, %mul3A_178 : i32
      %add3A_180 = arith.addi %mul3A_2, %mul3A_179 : i32
      %dma_wait3A_181 = tpu.memref_slice %arg4[%add3A_180] : memref<320000xi32, #tpu.memory_space<hbm>> -> memref<80xi32, #tpu.memory_space<hbm>>
      %dma_wait3A_182 = tpu.memref_slice %arg4[%add3A_180] : memref<320000xi32, #tpu.memory_space<hbm>> -> memref<80xi32, #tpu.memory_space<hbm>>
      tpu.wait_dma2 semaphore(%arg16 : memref<!tpu.dma_semaphore, #tpu.memory_space<semaphore_mem>>) src(%dma_wait3A_182 : memref<80xi32, #tpu.memory_space<hbm>>) dst(%arg9 : memref<80xi32, #tpu.memory_space<vmem>>)
      %mul3A_183 = arith.constant 80 : i32
      %mul3A_184 = arith.muli %add3A_137, %mul3A_183 : i32
      %dma_wait3A_185 = tpu.memref_slice %arg7[%mul3A_184] : memref<10000xi32, #tpu.memory_space<vmem>> -> memref<80xi32, #tpu.memory_space<vmem>>
      %dma_wait3A_186 = arith.constant 0 : i32
      %dma_wait3A_187 = arith.constant 0 : i32
      %dma_wait3A_188 = tpu.memref_slice %arg2[%dma_wait3A_186, %dma_wait3A_187] : memref<10000x128xf32, #tpu.memory_space<hbm>> -> memref<10000x128xf32, #tpu.memory_space<hbm>>
      tpu.wait_indirect_dma semaphore(%arg14 : memref<!tpu.dma_semaphore, #tpu.memory_space<semaphore_mem>>) src(%dma_wait3A_188 : memref<10000x128xf32, #tpu.memory_space<hbm>>) dst(%arg11 : memref<80x128xf32, #tpu.memory_space<vmem>>)
      "tpu.region"() ({
        %run_scoped3A = tpu.sem_alloc : memref<!tpu.dma_semaphore, #tpu.memory_space<semaphore_mem>>
        %dma_start3A_189 = arith.constant 0 : i32
        %dma_start3A_190 = arith.constant 0 : i32
        %dma_start3A_191 = tpu.memref_slice %arg12[%dma_start3A_189, %dma_start3A_190] : memref<10000x128xf32, #tpu.memory_space<vmem_shared>> -> memref<10000x128xf32, #tpu.memory_space<vmem_shared>>
        tpu.enqueue_indirect_dma source(%arg11 : memref<80x128xf32, #tpu.memory_space<vmem>>) target(%dma_start3A_191 : memref<10000x128xf32, #tpu.memory_space<vmem_shared>>) offsets(%arg9 : memref<80xi32, #tpu.memory_space<vmem>>) semaphore(%run_scoped3A : memref<!tpu.dma_semaphore, #tpu.memory_space<semaphore_mem>>) {add = true}
        %dma_wait3A_192 = arith.constant 0 : i32
        %dma_wait3A_193 = arith.constant 0 : i32
        %dma_wait3A_194 = tpu.memref_slice %arg12[%dma_wait3A_192, %dma_wait3A_193] : memref<10000x128xf32, #tpu.memory_space<vmem_shared>> -> memref<10000x128xf32, #tpu.memory_space<vmem_shared>>
        tpu.wait_indirect_dma semaphore(%run_scoped3A : memref<!tpu.dma_semaphore, #tpu.memory_space<semaphore_mem>>) src(%arg11 : memref<80x128xf32, #tpu.memory_space<vmem>>) dst(%dma_wait3A_194 : memref<10000x128xf32, #tpu.memory_space<vmem_shared>>)
        tpu.yield
      }) : () -> ()
    }
    %scan3A_67 = arith.constant 62 : i32
    %add3A_68 = arith.constant 9920 : i32
    %add3A_69 = arith.addi %mul3A_2, %add3A_68 : i32
    %dma_wait3A = tpu.memref_slice %arg4[%add3A_69] : memref<320000xi32, #tpu.memory_space<hbm>> -> memref<80xi32, #tpu.memory_space<hbm>>
    %dma_wait3A_70 = tpu.memref_slice %arg4[%add3A_69] : memref<320000xi32, #tpu.memory_space<hbm>> -> memref<80xi32, #tpu.memory_space<hbm>>
    tpu.wait_dma2 semaphore(%arg15 : memref<!tpu.dma_semaphore, #tpu.memory_space<semaphore_mem>>) src(%dma_wait3A_70 : memref<80xi32, #tpu.memory_space<hbm>>) dst(%arg8 : memref<80xi32, #tpu.memory_space<vmem>>)
    %dma_wait3A_71 = arith.constant 9920 : i32
    %dma_wait3A_72 = tpu.memref_slice %arg7[%dma_wait3A_71] : memref<10000xi32, #tpu.memory_space<vmem>> -> memref<80xi32, #tpu.memory_space<vmem>>
    %dma_wait3A_73 = arith.constant 0 : i32
    %dma_wait3A_74 = arith.constant 0 : i32
    %dma_wait3A_75 = tpu.memref_slice %arg2[%dma_wait3A_73, %dma_wait3A_74] : memref<10000x128xf32, #tpu.memory_space<hbm>> -> memref<10000x128xf32, #tpu.memory_space<hbm>>
    tpu.wait_indirect_dma semaphore(%arg13 : memref<!tpu.dma_semaphore, #tpu.memory_space<semaphore_mem>>) src(%dma_wait3A_75 : memref<10000x128xf32, #tpu.memory_space<hbm>>) dst(%arg10 : memref<80x128xf32, #tpu.memory_space<vmem>>)
    "tpu.region"() ({
      %run_scoped3A = tpu.sem_alloc : memref<!tpu.dma_semaphore, #tpu.memory_space<semaphore_mem>>
      %dma_start3A_133 = arith.constant 0 : i32
      %dma_start3A_134 = arith.constant 0 : i32
      %dma_start3A_135 = tpu.memref_slice %arg12[%dma_start3A_133, %dma_start3A_134] : memref<10000x128xf32, #tpu.memory_space<vmem_shared>> -> memref<10000x128xf32, #tpu.memory_space<vmem_shared>>
      tpu.enqueue_indirect_dma source(%arg10 : memref<80x128xf32, #tpu.memory_space<vmem>>) target(%dma_start3A_135 : memref<10000x128xf32, #tpu.memory_space<vmem_shared>>) offsets(%arg8 : memref<80xi32, #tpu.memory_space<vmem>>) semaphore(%run_scoped3A : memref<!tpu.dma_semaphore, #tpu.memory_space<semaphore_mem>>) {add = true}
      %dma_wait3A_136 = arith.constant 0 : i32
      %dma_wait3A_137 = arith.constant 0 : i32
      %dma_wait3A_138 = tpu.memref_slice %arg12[%dma_wait3A_136, %dma_wait3A_137] : memref<10000x128xf32, #tpu.memory_space<vmem_shared>> -> memref<10000x128xf32, #tpu.memory_space<vmem_shared>>
      tpu.wait_indirect_dma semaphore(%run_scoped3A : memref<!tpu.dma_semaphore, #tpu.memory_space<semaphore_mem>>) src(%arg10 : memref<80x128xf32, #tpu.memory_space<vmem>>) dst(%dma_wait3A_138 : memref<10000x128xf32, #tpu.memory_space<vmem_shared>>)
      tpu.yield
    }) : () -> ()
    %barrier3A_76 = arith.constant 0 : index
    tpu.barrier barrier_id(%barrier3A_76)
    %add3A_77 = arith.constant 0 : i32
    %add3A_78 = arith.addi %arg1, %add3A_77 : i32
    %lt3A_79 = arith.constant 125 : i32
    %lt3A_80 = arith.cmpi slt, %add3A_78, %lt3A_79 : i32
    %convert_element_type3A_81 = arith.extui %lt3A_80 : i1 to i32
    %cond3A_82 = arith.constant 0 : i32
    %cond3A_83 = arith.cmpi ne, %convert_element_type3A_81, %cond3A_82 : i32
    scf.if %cond3A_83 {
      %mul3A_133 = arith.constant 80 : i32
      %mul3A_134 = arith.muli %add3A_78, %mul3A_133 : i32
      %mul3A_135 = arith.constant 80 : i32
      %mul3A_136 = arith.muli %add3A_78, %mul3A_135 : i32
      "tpu.region"() ({
        %run_scoped3A = tpu.sem_alloc : memref<!tpu.dma_semaphore, #tpu.memory_space<semaphore_mem>>
        %dma_start3A_137 = arith.constant 0 : i32
        %dma_start3A_138 = tpu.memref_slice %arg6[%arg0, %mul3A_136, %dma_start3A_137] : memref<2x10000x128xf32, #tpu.memory_space<hbm>> -> memref<1x80x128xf32, #tpu.memory_space<hbm>>
        %dma_start3A_139 = tpu.memref_squeeze %dma_start3A_138 : memref<1x80x128xf32, #tpu.memory_space<hbm>> -> memref<80x128xf32, #tpu.memory_space<hbm>>
        %dma_start3A_140 = arith.constant 0 : i32
        %dma_start3A_141 = tpu.memref_slice %arg12[%mul3A_134, %dma_start3A_140] : memref<10000x128xf32, #tpu.memory_space<vmem_shared>> -> memref<80x128xf32, #tpu.memory_space<vmem_shared>>
        tpu.enqueue_dma source(%dma_start3A_141 : memref<80x128xf32, #tpu.memory_space<vmem_shared>>) target(%dma_start3A_139 : memref<80x128xf32, #tpu.memory_space<hbm>>) target_semaphore(%run_scoped3A : memref<!tpu.dma_semaphore, #tpu.memory_space<semaphore_mem>>)
        %dma_wait3A_142 = arith.constant 0 : i32
        %dma_wait3A_143 = tpu.memref_slice %arg6[%arg0, %mul3A_136, %dma_wait3A_142] : memref<2x10000x128xf32, #tpu.memory_space<hbm>> -> memref<1x80x128xf32, #tpu.memory_space<hbm>>
        %dma_wait3A_144 = tpu.memref_squeeze %dma_wait3A_143 : memref<1x80x128xf32, #tpu.memory_space<hbm>> -> memref<80x128xf32, #tpu.memory_space<hbm>>
        %dma_wait3A_145 = arith.constant 0 : i32
        %dma_wait3A_146 = tpu.memref_slice %arg12[%mul3A_134, %dma_wait3A_145] : memref<10000x128xf32, #tpu.memory_space<vmem_shared>> -> memref<80x128xf32, #tpu.memory_space<vmem_shared>>
        tpu.wait_dma2 semaphore(%run_scoped3A : memref<!tpu.dma_semaphore, #tpu.memory_space<semaphore_mem>>) src(%dma_wait3A_146 : memref<80x128xf32, #tpu.memory_space<vmem_shared>>) dst(%dma_wait3A_144 : memref<80x128xf32, #tpu.memory_space<hbm>>)
        tpu.yield
      }) : () -> ()
    } else {
    }
    %add3A_84 = arith.constant 16 : i32
    %add3A_85 = arith.addi %arg1, %add3A_84 : i32
    %lt3A_86 = arith.constant 125 : i32
    %lt3A_87 = arith.cmpi slt, %add3A_85, %lt3A_86 : i32
    %convert_element_type3A_88 = arith.extui %lt3A_87 : i1 to i32
    %cond3A_89 = arith.constant 0 : i32
    %cond3A_90 = arith.cmpi ne, %convert_element_type3A_88, %cond3A_89 : i32
    scf.if %cond3A_90 {
      %mul3A_133 = arith.constant 80 : i32
      %mul3A_134 = arith.muli %add3A_85, %mul3A_133 : i32
      %mul3A_135 = arith.constant 80 : i32
      %mul3A_136 = arith.muli %add3A_85, %mul3A_135 : i32
      "tpu.region"() ({
        %run_scoped3A = tpu.sem_alloc : memref<!tpu.dma_semaphore, #tpu.memory_space<semaphore_mem>>
        %dma_start3A_137 = arith.constant 0 : i32
        %dma_start3A_138 = tpu.memref_slice %arg6[%arg0, %mul3A_136, %dma_start3A_137] : memref<2x10000x128xf32, #tpu.memory_space<hbm>> -> memref<1x80x128xf32, #tpu.memory_space<hbm>>
        %dma_start3A_139 = tpu.memref_squeeze %dma_start3A_138 : memref<1x80x128xf32, #tpu.memory_space<hbm>> -> memref<80x128xf32, #tpu.memory_space<hbm>>
        %dma_start3A_140 = arith.constant 0 : i32
        %dma_start3A_141 = tpu.memref_slice %arg12[%mul3A_134, %dma_start3A_140] : memref<10000x128xf32, #tpu.memory_space<vmem_shared>> -> memref<80x128xf32, #tpu.memory_space<vmem_shared>>
        tpu.enqueue_dma source(%dma_start3A_141 : memref<80x128xf32, #tpu.memory_space<vmem_shared>>) target(%dma_start3A_139 : memref<80x128xf32, #tpu.memory_space<hbm>>) target_semaphore(%run_scoped3A : memref<!tpu.dma_semaphore, #tpu.memory_space<semaphore_mem>>)
        %dma_wait3A_142 = arith.constant 0 : i32
        %dma_wait3A_143 = tpu.memref_slice %arg6[%arg0, %mul3A_136, %dma_wait3A_142] : memref<2x10000x128xf32, #tpu.memory_space<hbm>> -> memref<1x80x128xf32, #tpu.memory_space<hbm>>
        %dma_wait3A_144 = tpu.memref_squeeze %dma_wait3A_143 : memref<1x80x128xf32, #tpu.memory_space<hbm>> -> memref<80x128xf32, #tpu.memory_space<hbm>>
        %dma_wait3A_145 = arith.constant 0 : i32
        %dma_wait3A_146 = tpu.memref_slice %arg12[%mul3A_134, %dma_wait3A_145] : memref<10000x128xf32, #tpu.memory_space<vmem_shared>> -> memref<80x128xf32, #tpu.memory_space<vmem_shared>>
        tpu.wait_dma2 semaphore(%run_scoped3A : memref<!tpu.dma_semaphore, #tpu.memory_space<semaphore_mem>>) src(%dma_wait3A_146 : memref<80x128xf32, #tpu.memory_space<vmem_shared>>) dst(%dma_wait3A_144 : memref<80x128xf32, #tpu.memory_space<hbm>>)
        tpu.yield
      }) : () -> ()
    } else {
    }
    %add3A_91 = arith.constant 32 : i32
    %add3A_92 = arith.addi %arg1, %add3A_91 : i32
    %lt3A_93 = arith.constant 125 : i32
    %lt3A_94 = arith.cmpi slt, %add3A_92, %lt3A_93 : i32
    %convert_element_type3A_95 = arith.extui %lt3A_94 : i1 to i32
    %cond3A_96 = arith.constant 0 : i32
    %cond3A_97 = arith.cmpi ne, %convert_element_type3A_95, %cond3A_96 : i32
    scf.if %cond3A_97 {
      %mul3A_133 = arith.constant 80 : i32
      %mul3A_134 = arith.muli %add3A_92, %mul3A_133 : i32
      %mul3A_135 = arith.constant 80 : i32
      %mul3A_136 = arith.muli %add3A_92, %mul3A_135 : i32
      "tpu.region"() ({
        %run_scoped3A = tpu.sem_alloc : memref<!tpu.dma_semaphore, #tpu.memory_space<semaphore_mem>>
        %dma_start3A_137 = arith.constant 0 : i32
        %dma_start3A_138 = tpu.memref_slice %arg6[%arg0, %mul3A_136, %dma_start3A_137] : memref<2x10000x128xf32, #tpu.memory_space<hbm>> -> memref<1x80x128xf32, #tpu.memory_space<hbm>>
        %dma_start3A_139 = tpu.memref_squeeze %dma_start3A_138 : memref<1x80x128xf32, #tpu.memory_space<hbm>> -> memref<80x128xf32, #tpu.memory_space<hbm>>
        %dma_start3A_140 = arith.constant 0 : i32
        %dma_start3A_141 = tpu.memref_slice %arg12[%mul3A_134, %dma_start3A_140] : memref<10000x128xf32, #tpu.memory_space<vmem_shared>> -> memref<80x128xf32, #tpu.memory_space<vmem_shared>>
        tpu.enqueue_dma source(%dma_start3A_141 : memref<80x128xf32, #tpu.memory_space<vmem_shared>>) target(%dma_start3A_139 : memref<80x128xf32, #tpu.memory_space<hbm>>) target_semaphore(%run_scoped3A : memref<!tpu.dma_semaphore, #tpu.memory_space<semaphore_mem>>)
        %dma_wait3A_142 = arith.constant 0 : i32
        %dma_wait3A_143 = tpu.memref_slice %arg6[%arg0, %mul3A_136, %dma_wait3A_142] : memref<2x10000x128xf32, #tpu.memory_space<hbm>> -> memref<1x80x128xf32, #tpu.memory_space<hbm>>
        %dma_wait3A_144 = tpu.memref_squeeze %dma_wait3A_143 : memref<1x80x128xf32, #tpu.memory_space<hbm>> -> memref<80x128xf32, #tpu.memory_space<hbm>>
        %dma_wait3A_145 = arith.constant 0 : i32
        %dma_wait3A_146 = tpu.memref_slice %arg12[%mul3A_134, %dma_wait3A_145] : memref<10000x128xf32, #tpu.memory_space<vmem_shared>> -> memref<80x128xf32, #tpu.memory_space<vmem_shared>>
        tpu.wait_dma2 semaphore(%run_scoped3A : memref<!tpu.dma_semaphore, #tpu.memory_space<semaphore_mem>>) src(%dma_wait3A_146 : memref<80x128xf32, #tpu.memory_space<vmem_shared>>) dst(%dma_wait3A_144 : memref<80x128xf32, #tpu.memory_space<hbm>>)
        tpu.yield
      }) : () -> ()
    } else {
    }
    %add3A_98 = arith.constant 48 : i32
    %add3A_99 = arith.addi %arg1, %add3A_98 : i32
    %lt3A_100 = arith.constant 125 : i32
    %lt3A_101 = arith.cmpi slt, %add3A_99, %lt3A_100 : i32
    %convert_element_type3A_102 = arith.extui %lt3A_101 : i1 to i32
    %cond3A_103 = arith.constant 0 : i32
    %cond3A_104 = arith.cmpi ne, %convert_element_type3A_102, %cond3A_103 : i32
    scf.if %cond3A_104 {
      %mul3A_133 = arith.constant 80 : i32
      %mul3A_134 = arith.muli %add3A_99, %mul3A_133 : i32
      %mul3A_135 = arith.constant 80 : i32
      %mul3A_136 = arith.muli %add3A_99, %mul3A_135 : i32
      "tpu.region"() ({
        %run_scoped3A = tpu.sem_alloc : memref<!tpu.dma_semaphore, #tpu.memory_space<semaphore_mem>>
        %dma_start3A_137 = arith.constant 0 : i32
        %dma_start3A_138 = tpu.memref_slice %arg6[%arg0, %mul3A_136, %dma_start3A_137] : memref<2x10000x128xf32, #tpu.memory_space<hbm>> -> memref<1x80x128xf32, #tpu.memory_space<hbm>>
        %dma_start3A_139 = tpu.memref_squeeze %dma_start3A_138 : memref<1x80x128xf32, #tpu.memory_space<hbm>> -> memref<80x128xf32, #tpu.memory_space<hbm>>
        %dma_start3A_140 = arith.constant 0 : i32
        %dma_start3A_141 = tpu.memref_slice %arg12[%mul3A_134, %dma_start3A_140] : memref<10000x128xf32, #tpu.memory_space<vmem_shared>> -> memref<80x128xf32, #tpu.memory_space<vmem_shared>>
        tpu.enqueue_dma source(%dma_start3A_141 : memref<80x128xf32, #tpu.memory_space<vmem_shared>>) target(%dma_start3A_139 : memref<80x128xf32, #tpu.memory_space<hbm>>) target_semaphore(%run_scoped3A : memref<!tpu.dma_semaphore, #tpu.memory_space<semaphore_mem>>)
        %dma_wait3A_142 = arith.constant 0 : i32
        %dma_wait3A_143 = tpu.memref_slice %arg6[%arg0, %mul3A_136, %dma_wait3A_142] : memref<2x10000x128xf32, #tpu.memory_space<hbm>> -> memref<1x80x128xf32, #tpu.memory_space<hbm>>
        %dma_wait3A_144 = tpu.memref_squeeze %dma_wait3A_143 : memref<1x80x128xf32, #tpu.memory_space<hbm>> -> memref<80x128xf32, #tpu.memory_space<hbm>>
        %dma_wait3A_145 = arith.constant 0 : i32
        %dma_wait3A_146 = tpu.memref_slice %arg12[%mul3A_134, %dma_wait3A_145] : memref<10000x128xf32, #tpu.memory_space<vmem_shared>> -> memref<80x128xf32, #tpu.memory_space<vmem_shared>>
        tpu.wait_dma2 semaphore(%run_scoped3A : memref<!tpu.dma_semaphore, #tpu.memory_space<semaphore_mem>>) src(%dma_wait3A_146 : memref<80x128xf32, #tpu.memory_space<vmem_shared>>) dst(%dma_wait3A_144 : memref<80x128xf32, #tpu.memory_space<hbm>>)
        tpu.yield
      }) : () -> ()
    } else {
    }
    %add3A_105 = arith.constant 64 : i32
    %add3A_106 = arith.addi %arg1, %add3A_105 : i32
    %lt3A_107 = arith.constant 125 : i32
    %lt3A_108 = arith.cmpi slt, %add3A_106, %lt3A_107 : i32
    %convert_element_type3A_109 = arith.extui %lt3A_108 : i1 to i32
    %cond3A_110 = arith.constant 0 : i32
    %cond3A_111 = arith.cmpi ne, %convert_element_type3A_109, %cond3A_110 : i32
    scf.if %cond3A_111 {
      %mul3A_133 = arith.constant 80 : i32
      %mul3A_134 = arith.muli %add3A_106, %mul3A_133 : i32
      %mul3A_135 = arith.constant 80 : i32
      %mul3A_136 = arith.muli %add3A_106, %mul3A_135 : i32
      "tpu.region"() ({
        %run_scoped3A = tpu.sem_alloc : memref<!tpu.dma_semaphore, #tpu.memory_space<semaphore_mem>>
        %dma_start3A_137 = arith.constant 0 : i32
        %dma_start3A_138 = tpu.memref_slice %arg6[%arg0, %mul3A_136, %dma_start3A_137] : memref<2x10000x128xf32, #tpu.memory_space<hbm>> -> memref<1x80x128xf32, #tpu.memory_space<hbm>>
        %dma_start3A_139 = tpu.memref_squeeze %dma_start3A_138 : memref<1x80x128xf32, #tpu.memory_space<hbm>> -> memref<80x128xf32, #tpu.memory_space<hbm>>
        %dma_start3A_140 = arith.constant 0 : i32
        %dma_start3A_141 = tpu.memref_slice %arg12[%mul3A_134, %dma_start3A_140] : memref<10000x128xf32, #tpu.memory_space<vmem_shared>> -> memref<80x128xf32, #tpu.memory_space<vmem_shared>>
        tpu.enqueue_dma source(%dma_start3A_141 : memref<80x128xf32, #tpu.memory_space<vmem_shared>>) target(%dma_start3A_139 : memref<80x128xf32, #tpu.memory_space<hbm>>) target_semaphore(%run_scoped3A : memref<!tpu.dma_semaphore, #tpu.memory_space<semaphore_mem>>)
        %dma_wait3A_142 = arith.constant 0 : i32
        %dma_wait3A_143 = tpu.memref_slice %arg6[%arg0, %mul3A_136, %dma_wait3A_142] : memref<2x10000x128xf32, #tpu.memory_space<hbm>> -> memref<1x80x128xf32, #tpu.memory_space<hbm>>
        %dma_wait3A_144 = tpu.memref_squeeze %dma_wait3A_143 : memref<1x80x128xf32, #tpu.memory_space<hbm>> -> memref<80x128xf32, #tpu.memory_space<hbm>>
        %dma_wait3A_145 = arith.constant 0 : i32
        %dma_wait3A_146 = tpu.memref_slice %arg12[%mul3A_134, %dma_wait3A_145] : memref<10000x128xf32, #tpu.memory_space<vmem_shared>> -> memref<80x128xf32, #tpu.memory_space<vmem_shared>>
        tpu.wait_dma2 semaphore(%run_scoped3A : memref<!tpu.dma_semaphore, #tpu.memory_space<semaphore_mem>>) src(%dma_wait3A_146 : memref<80x128xf32, #tpu.memory_space<vmem_shared>>) dst(%dma_wait3A_144 : memref<80x128xf32, #tpu.memory_space<hbm>>)
        tpu.yield
      }) : () -> ()
    } else {
    }
    %add3A_112 = arith.constant 80 : i32
    %add3A_113 = arith.addi %arg1, %add3A_112 : i32
    %lt3A_114 = arith.constant 125 : i32
    %lt3A_115 = arith.cmpi slt, %add3A_113, %lt3A_114 : i32
    %convert_element_type3A_116 = arith.extui %lt3A_115 : i1 to i32
    %cond3A_117 = arith.constant 0 : i32
    %cond3A_118 = arith.cmpi ne, %convert_element_type3A_116, %cond3A_117 : i32
    scf.if %cond3A_118 {
      %mul3A_133 = arith.constant 80 : i32
      %mul3A_134 = arith.muli %add3A_113, %mul3A_133 : i32
      %mul3A_135 = arith.constant 80 : i32
      %mul3A_136 = arith.muli %add3A_113, %mul3A_135 : i32
      "tpu.region"() ({
        %run_scoped3A = tpu.sem_alloc : memref<!tpu.dma_semaphore, #tpu.memory_space<semaphore_mem>>
        %dma_start3A_137 = arith.constant 0 : i32
        %dma_start3A_138 = tpu.memref_slice %arg6[%arg0, %mul3A_136, %dma_start3A_137] : memref<2x10000x128xf32, #tpu.memory_space<hbm>> -> memref<1x80x128xf32, #tpu.memory_space<hbm>>
        %dma_start3A_139 = tpu.memref_squeeze %dma_start3A_138 : memref<1x80x128xf32, #tpu.memory_space<hbm>> -> memref<80x128xf32, #tpu.memory_space<hbm>>
        %dma_start3A_140 = arith.constant 0 : i32
        %dma_start3A_141 = tpu.memref_slice %arg12[%mul3A_134, %dma_start3A_140] : memref<10000x128xf32, #tpu.memory_space<vmem_shared>> -> memref<80x128xf32, #tpu.memory_space<vmem_shared>>
        tpu.enqueue_dma source(%dma_start3A_141 : memref<80x128xf32, #tpu.memory_space<vmem_shared>>) target(%dma_start3A_139 : memref<80x128xf32, #tpu.memory_space<hbm>>) target_semaphore(%run_scoped3A : memref<!tpu.dma_semaphore, #tpu.memory_space<semaphore_mem>>)
        %dma_wait3A_142 = arith.constant 0 : i32
        %dma_wait3A_143 = tpu.memref_slice %arg6[%arg0, %mul3A_136, %dma_wait3A_142] : memref<2x10000x128xf32, #tpu.memory_space<hbm>> -> memref<1x80x128xf32, #tpu.memory_space<hbm>>
        %dma_wait3A_144 = tpu.memref_squeeze %dma_wait3A_143 : memref<1x80x128xf32, #tpu.memory_space<hbm>> -> memref<80x128xf32, #tpu.memory_space<hbm>>
        %dma_wait3A_145 = arith.constant 0 : i32
        %dma_wait3A_146 = tpu.memref_slice %arg12[%mul3A_134, %dma_wait3A_145] : memref<10000x128xf32, #tpu.memory_space<vmem_shared>> -> memref<80x128xf32, #tpu.memory_space<vmem_shared>>
        tpu.wait_dma2 semaphore(%run_scoped3A : memref<!tpu.dma_semaphore, #tpu.memory_space<semaphore_mem>>) src(%dma_wait3A_146 : memref<80x128xf32, #tpu.memory_space<vmem_shared>>) dst(%dma_wait3A_144 : memref<80x128xf32, #tpu.memory_space<hbm>>)
        tpu.yield
      }) : () -> ()
    } else {
    }
    %add3A_119 = arith.constant 96 : i32
    %add3A_120 = arith.addi %arg1, %add3A_119 : i32
    %lt3A_121 = arith.constant 125 : i32
    %lt3A_122 = arith.cmpi slt, %add3A_120, %lt3A_121 : i32
    %convert_element_type3A_123 = arith.extui %lt3A_122 : i1 to i32
    %cond3A_124 = arith.constant 0 : i32
    %cond3A_125 = arith.cmpi ne, %convert_element_type3A_123, %cond3A_124 : i32
    scf.if %cond3A_125 {
      %mul3A_133 = arith.constant 80 : i32
      %mul3A_134 = arith.muli %add3A_120, %mul3A_133 : i32
      %mul3A_135 = arith.constant 80 : i32
      %mul3A_136 = arith.muli %add3A_120, %mul3A_135 : i32
      "tpu.region"() ({
        %run_scoped3A = tpu.sem_alloc : memref<!tpu.dma_semaphore, #tpu.memory_space<semaphore_mem>>
        %dma_start3A_137 = arith.constant 0 : i32
        %dma_start3A_138 = tpu.memref_slice %arg6[%arg0, %mul3A_136, %dma_start3A_137] : memref<2x10000x128xf32, #tpu.memory_space<hbm>> -> memref<1x80x128xf32, #tpu.memory_space<hbm>>
        %dma_start3A_139 = tpu.memref_squeeze %dma_start3A_138 : memref<1x80x128xf32, #tpu.memory_space<hbm>> -> memref<80x128xf32, #tpu.memory_space<hbm>>
        %dma_start3A_140 = arith.constant 0 : i32
        %dma_start3A_141 = tpu.memref_slice %arg12[%mul3A_134, %dma_start3A_140] : memref<10000x128xf32, #tpu.memory_space<vmem_shared>> -> memref<80x128xf32, #tpu.memory_space<vmem_shared>>
        tpu.enqueue_dma source(%dma_start3A_141 : memref<80x128xf32, #tpu.memory_space<vmem_shared>>) target(%dma_start3A_139 : memref<80x128xf32, #tpu.memory_space<hbm>>) target_semaphore(%run_scoped3A : memref<!tpu.dma_semaphore, #tpu.memory_space<semaphore_mem>>)
        %dma_wait3A_142 = arith.constant 0 : i32
        %dma_wait3A_143 = tpu.memref_slice %arg6[%arg0, %mul3A_136, %dma_wait3A_142] : memref<2x10000x128xf32, #tpu.memory_space<hbm>> -> memref<1x80x128xf32, #tpu.memory_space<hbm>>
        %dma_wait3A_144 = tpu.memref_squeeze %dma_wait3A_143 : memref<1x80x128xf32, #tpu.memory_space<hbm>> -> memref<80x128xf32, #tpu.memory_space<hbm>>
        %dma_wait3A_145 = arith.constant 0 : i32
        %dma_wait3A_146 = tpu.memref_slice %arg12[%mul3A_134, %dma_wait3A_145] : memref<10000x128xf32, #tpu.memory_space<vmem_shared>> -> memref<80x128xf32, #tpu.memory_space<vmem_shared>>
        tpu.wait_dma2 semaphore(%run_scoped3A : memref<!tpu.dma_semaphore, #tpu.memory_space<semaphore_mem>>) src(%dma_wait3A_146 : memref<80x128xf32, #tpu.memory_space<vmem_shared>>) dst(%dma_wait3A_144 : memref<80x128xf32, #tpu.memory_space<hbm>>)
        tpu.yield
      }) : () -> ()
    } else {
    }
    %add3A_126 = arith.constant 112 : i32
    %add3A_127 = arith.addi %arg1, %add3A_126 : i32
    %lt3A_128 = arith.constant 125 : i32
    %lt3A_129 = arith.cmpi slt, %add3A_127, %lt3A_128 : i32
    %convert_element_type3A_130 = arith.extui %lt3A_129 : i1 to i32
    %cond3A_131 = arith.constant 0 : i32
    %cond3A_132 = arith.cmpi ne, %convert_element_type3A_130, %cond3A_131 : i32
    scf.if %cond3A_132 {
      %mul3A_133 = arith.constant 80 : i32
      %mul3A_134 = arith.muli %add3A_127, %mul3A_133 : i32
      %mul3A_135 = arith.constant 80 : i32
      %mul3A_136 = arith.muli %add3A_127, %mul3A_135 : i32
      "tpu.region"() ({
        %run_scoped3A = tpu.sem_alloc : memref<!tpu.dma_semaphore, #tpu.memory_space<semaphore_mem>>
        %dma_start3A_137 = arith.constant 0 : i32
        %dma_start3A_138 = tpu.memref_slice %arg6[%arg0, %mul3A_136, %dma_start3A_137] : memref<2x10000x128xf32, #tpu.memory_space<hbm>> -> memref<1x80x128xf32, #tpu.memory_space<hbm>>
        %dma_start3A_139 = tpu.memref_squeeze %dma_start3A_138 : memref<1x80x128xf32, #tpu.memory_space<hbm>> -> memref<80x128xf32, #tpu.memory_space<hbm>>
        %dma_start3A_140 = arith.constant 0 : i32
        %dma_start3A_141 = tpu.memref_slice %arg12[%mul3A_134, %dma_start3A_140] : memref<10000x128xf32, #tpu.memory_space<vmem_shared>> -> memref<80x128xf32, #tpu.memory_space<vmem_shared>>
        tpu.enqueue_dma source(%dma_start3A_141 : memref<80x128xf32, #tpu.memory_space<vmem_shared>>) target(%dma_start3A_139 : memref<80x128xf32, #tpu.memory_space<hbm>>) target_semaphore(%run_scoped3A : memref<!tpu.dma_semaphore, #tpu.memory_space<semaphore_mem>>)
        %dma_wait3A_142 = arith.constant 0 : i32
        %dma_wait3A_143 = tpu.memref_slice %arg6[%arg0, %mul3A_136, %dma_wait3A_142] : memref<2x10000x128xf32, #tpu.memory_space<hbm>> -> memref<1x80x128xf32, #tpu.memory_space<hbm>>
        %dma_wait3A_144 = tpu.memref_squeeze %dma_wait3A_143 : memref<1x80x128xf32, #tpu.memory_space<hbm>> -> memref<80x128xf32, #tpu.memory_space<hbm>>
        %dma_wait3A_145 = arith.constant 0 : i32
        %dma_wait3A_146 = tpu.memref_slice %arg12[%mul3A_134, %dma_wait3A_145] : memref<10000x128xf32, #tpu.memory_space<vmem_shared>> -> memref<80x128xf32, #tpu.memory_space<vmem_shared>>
        tpu.wait_dma2 semaphore(%run_scoped3A : memref<!tpu.dma_semaphore, #tpu.memory_space<semaphore_mem>>) src(%dma_wait3A_146 : memref<80x128xf32, #tpu.memory_space<vmem_shared>>) dst(%dma_wait3A_144 : memref<80x128xf32, #tpu.memory_space<hbm>>)
        tpu.yield
      }) : () -> ()
    } else {
    }
    return
  }
}

#map = affine_map<(d0, d1) -> (0)>
#map1 = affine_map<(d0, d1) -> (0, 0)>
#map2 = affine_map<(d0, d1) -> (0, 0, 0)>
module attributes {stable_mosaic.version = 14 : i64} {
  func.func @deg(%arg0: i32, %arg1: i32, %arg2: memref<320000xi32, #tpu.memory_space<hbm>>, %arg3: memref<10000x128xf32, #tpu.memory_space<hbm>>, %arg4: memref<80x128xf32, #tpu.memory_space<hbm>>, %arg5: memref<2x10000x128xf32, #tpu.memory_space<hbm>>, %arg6: memref<80xi32, #tpu.memory_space<vmem>>, %arg7: memref<80xi32, #tpu.memory_space<vmem>>, %arg8: memref<80x128xf32, #tpu.memory_space<vmem>>, %arg9: memref<10000x128xf32, #tpu.memory_space<vmem_shared>>, %arg10: memref<!tpu.dma_semaphore, #tpu.memory_space<semaphore_mem>>, %arg11: memref<!tpu.dma_semaphore, #tpu.memory_space<semaphore_mem>>) attributes {dimension_semantics = [#tpu.dimension_semantics<core_parallel>, #tpu.dimension_semantics<subcore_parallel>], iteration_bounds = array<i64: 2, 16>, scalar_prefetch = 0 : i64, scratch_operands = 6 : i64, tpu.core_type = #tpu.core_type<sc_vector_subcore>, window_params = [{transform_indices = #map}, {transform_indices = #map1}, {transform_indices = #map1}, {transform_indices = #map2}]} {
    %mul3A = arith.constant 2 : i32
    %mul3A_0 = arith.muli %arg1, %mul3A : i32
    %add3A = arith.addi %mul3A_0, %arg0 : i32
    %mul3A_1 = arith.constant 10000 : i32
    %mul3A_2 = arith.muli %add3A, %mul3A_1 : i32
    "tpu.region"() ({
      %run_scoped3A = tpu.sem_alloc : memref<!tpu.dma_semaphore, #tpu.memory_space<semaphore_mem>>
      tpu.enqueue_dma source(%arg4 : memref<80x128xf32, #tpu.memory_space<hbm>>) target(%arg8 : memref<80x128xf32, #tpu.memory_space<vmem>>) target_semaphore(%run_scoped3A : memref<!tpu.dma_semaphore, #tpu.memory_space<semaphore_mem>>)
      tpu.wait_dma2 semaphore(%run_scoped3A : memref<!tpu.dma_semaphore, #tpu.memory_space<semaphore_mem>>) src(%arg4 : memref<80x128xf32, #tpu.memory_space<hbm>>) dst(%arg8 : memref<80x128xf32, #tpu.memory_space<vmem>>)
      tpu.yield
    }) : () -> ()
    %add3A_3 = arith.constant 0 : i32
    %add3A_4 = arith.addi %mul3A_2, %add3A_3 : i32
    %dma_start3A = tpu.memref_slice %arg2[%add3A_4] : memref<320000xi32, #tpu.memory_space<hbm>> -> memref<80xi32, #tpu.memory_space<hbm>>
    %dma_start3A_5 = tpu.memref_slice %arg2[%add3A_4] : memref<320000xi32, #tpu.memory_space<hbm>> -> memref<80xi32, #tpu.memory_space<hbm>>
    tpu.enqueue_dma source(%dma_start3A_5 : memref<80xi32, #tpu.memory_space<hbm>>) target(%arg6 : memref<80xi32, #tpu.memory_space<vmem>>) target_semaphore(%arg10 : memref<!tpu.dma_semaphore, #tpu.memory_space<semaphore_mem>>)
    %add3A_6 = arith.constant 0 : i32
    %add3A_7 = arith.addi %arg1, %add3A_6 : i32
    %lt3A = arith.constant 125 : i32
    %lt3A_8 = arith.cmpi slt, %add3A_7, %lt3A : i32
    %convert_element_type3A = arith.extui %lt3A_8 : i1 to i32
    %cond3A = arith.constant 0 : i32
    %cond3A_9 = arith.cmpi ne, %convert_element_type3A, %cond3A : i32
    scf.if %cond3A_9 {
      %mul3A_123 = arith.constant 80 : i32
      %mul3A_124 = arith.muli %add3A_7, %mul3A_123 : i32
      %mul3A_125 = arith.constant 80 : i32
      %mul3A_126 = arith.muli %add3A_7, %mul3A_125 : i32
      "tpu.region"() ({
        %run_scoped3A = tpu.sem_alloc : memref<!tpu.dma_semaphore, #tpu.memory_space<semaphore_mem>>
        %dma_start3A_127 = arith.constant 0 : i32
        %dma_start3A_128 = tpu.memref_slice %arg9[%mul3A_126, %dma_start3A_127] : memref<10000x128xf32, #tpu.memory_space<vmem_shared>> -> memref<80x128xf32, #tpu.memory_space<vmem_shared>>
        %dma_start3A_129 = arith.constant 0 : i32
        %dma_start3A_130 = tpu.memref_slice %arg3[%mul3A_124, %dma_start3A_129] : memref<10000x128xf32, #tpu.memory_space<hbm>> -> memref<80x128xf32, #tpu.memory_space<hbm>>
        tpu.enqueue_dma source(%dma_start3A_130 : memref<80x128xf32, #tpu.memory_space<hbm>>) target(%dma_start3A_128 : memref<80x128xf32, #tpu.memory_space<vmem_shared>>) target_semaphore(%run_scoped3A : memref<!tpu.dma_semaphore, #tpu.memory_space<semaphore_mem>>)
        %dma_wait3A_131 = arith.constant 0 : i32
        %dma_wait3A_132 = tpu.memref_slice %arg9[%mul3A_126, %dma_wait3A_131] : memref<10000x128xf32, #tpu.memory_space<vmem_shared>> -> memref<80x128xf32, #tpu.memory_space<vmem_shared>>
        %dma_wait3A_133 = arith.constant 0 : i32
        %dma_wait3A_134 = tpu.memref_slice %arg3[%mul3A_124, %dma_wait3A_133] : memref<10000x128xf32, #tpu.memory_space<hbm>> -> memref<80x128xf32, #tpu.memory_space<hbm>>
        tpu.wait_dma2 semaphore(%run_scoped3A : memref<!tpu.dma_semaphore, #tpu.memory_space<semaphore_mem>>) src(%dma_wait3A_134 : memref<80x128xf32, #tpu.memory_space<hbm>>) dst(%dma_wait3A_132 : memref<80x128xf32, #tpu.memory_space<vmem_shared>>)
        tpu.yield
      }) : () -> ()
    } else {
    }
    %add3A_10 = arith.constant 16 : i32
    %add3A_11 = arith.addi %arg1, %add3A_10 : i32
    %lt3A_12 = arith.constant 125 : i32
    %lt3A_13 = arith.cmpi slt, %add3A_11, %lt3A_12 : i32
    %convert_element_type3A_14 = arith.extui %lt3A_13 : i1 to i32
    %cond3A_15 = arith.constant 0 : i32
    %cond3A_16 = arith.cmpi ne, %convert_element_type3A_14, %cond3A_15 : i32
    scf.if %cond3A_16 {
      %mul3A_123 = arith.constant 80 : i32
      %mul3A_124 = arith.muli %add3A_11, %mul3A_123 : i32
      %mul3A_125 = arith.constant 80 : i32
      %mul3A_126 = arith.muli %add3A_11, %mul3A_125 : i32
      "tpu.region"() ({
        %run_scoped3A = tpu.sem_alloc : memref<!tpu.dma_semaphore, #tpu.memory_space<semaphore_mem>>
        %dma_start3A_127 = arith.constant 0 : i32
        %dma_start3A_128 = tpu.memref_slice %arg9[%mul3A_126, %dma_start3A_127] : memref<10000x128xf32, #tpu.memory_space<vmem_shared>> -> memref<80x128xf32, #tpu.memory_space<vmem_shared>>
        %dma_start3A_129 = arith.constant 0 : i32
        %dma_start3A_130 = tpu.memref_slice %arg3[%mul3A_124, %dma_start3A_129] : memref<10000x128xf32, #tpu.memory_space<hbm>> -> memref<80x128xf32, #tpu.memory_space<hbm>>
        tpu.enqueue_dma source(%dma_start3A_130 : memref<80x128xf32, #tpu.memory_space<hbm>>) target(%dma_start3A_128 : memref<80x128xf32, #tpu.memory_space<vmem_shared>>) target_semaphore(%run_scoped3A : memref<!tpu.dma_semaphore, #tpu.memory_space<semaphore_mem>>)
        %dma_wait3A_131 = arith.constant 0 : i32
        %dma_wait3A_132 = tpu.memref_slice %arg9[%mul3A_126, %dma_wait3A_131] : memref<10000x128xf32, #tpu.memory_space<vmem_shared>> -> memref<80x128xf32, #tpu.memory_space<vmem_shared>>
        %dma_wait3A_133 = arith.constant 0 : i32
        %dma_wait3A_134 = tpu.memref_slice %arg3[%mul3A_124, %dma_wait3A_133] : memref<10000x128xf32, #tpu.memory_space<hbm>> -> memref<80x128xf32, #tpu.memory_space<hbm>>
        tpu.wait_dma2 semaphore(%run_scoped3A : memref<!tpu.dma_semaphore, #tpu.memory_space<semaphore_mem>>) src(%dma_wait3A_134 : memref<80x128xf32, #tpu.memory_space<hbm>>) dst(%dma_wait3A_132 : memref<80x128xf32, #tpu.memory_space<vmem_shared>>)
        tpu.yield
      }) : () -> ()
    } else {
    }
    %add3A_17 = arith.constant 32 : i32
    %add3A_18 = arith.addi %arg1, %add3A_17 : i32
    %lt3A_19 = arith.constant 125 : i32
    %lt3A_20 = arith.cmpi slt, %add3A_18, %lt3A_19 : i32
    %convert_element_type3A_21 = arith.extui %lt3A_20 : i1 to i32
    %cond3A_22 = arith.constant 0 : i32
    %cond3A_23 = arith.cmpi ne, %convert_element_type3A_21, %cond3A_22 : i32
    scf.if %cond3A_23 {
      %mul3A_123 = arith.constant 80 : i32
      %mul3A_124 = arith.muli %add3A_18, %mul3A_123 : i32
      %mul3A_125 = arith.constant 80 : i32
      %mul3A_126 = arith.muli %add3A_18, %mul3A_125 : i32
      "tpu.region"() ({
        %run_scoped3A = tpu.sem_alloc : memref<!tpu.dma_semaphore, #tpu.memory_space<semaphore_mem>>
        %dma_start3A_127 = arith.constant 0 : i32
        %dma_start3A_128 = tpu.memref_slice %arg9[%mul3A_126, %dma_start3A_127] : memref<10000x128xf32, #tpu.memory_space<vmem_shared>> -> memref<80x128xf32, #tpu.memory_space<vmem_shared>>
        %dma_start3A_129 = arith.constant 0 : i32
        %dma_start3A_130 = tpu.memref_slice %arg3[%mul3A_124, %dma_start3A_129] : memref<10000x128xf32, #tpu.memory_space<hbm>> -> memref<80x128xf32, #tpu.memory_space<hbm>>
        tpu.enqueue_dma source(%dma_start3A_130 : memref<80x128xf32, #tpu.memory_space<hbm>>) target(%dma_start3A_128 : memref<80x128xf32, #tpu.memory_space<vmem_shared>>) target_semaphore(%run_scoped3A : memref<!tpu.dma_semaphore, #tpu.memory_space<semaphore_mem>>)
        %dma_wait3A_131 = arith.constant 0 : i32
        %dma_wait3A_132 = tpu.memref_slice %arg9[%mul3A_126, %dma_wait3A_131] : memref<10000x128xf32, #tpu.memory_space<vmem_shared>> -> memref<80x128xf32, #tpu.memory_space<vmem_shared>>
        %dma_wait3A_133 = arith.constant 0 : i32
        %dma_wait3A_134 = tpu.memref_slice %arg3[%mul3A_124, %dma_wait3A_133] : memref<10000x128xf32, #tpu.memory_space<hbm>> -> memref<80x128xf32, #tpu.memory_space<hbm>>
        tpu.wait_dma2 semaphore(%run_scoped3A : memref<!tpu.dma_semaphore, #tpu.memory_space<semaphore_mem>>) src(%dma_wait3A_134 : memref<80x128xf32, #tpu.memory_space<hbm>>) dst(%dma_wait3A_132 : memref<80x128xf32, #tpu.memory_space<vmem_shared>>)
        tpu.yield
      }) : () -> ()
    } else {
    }
    %add3A_24 = arith.constant 48 : i32
    %add3A_25 = arith.addi %arg1, %add3A_24 : i32
    %lt3A_26 = arith.constant 125 : i32
    %lt3A_27 = arith.cmpi slt, %add3A_25, %lt3A_26 : i32
    %convert_element_type3A_28 = arith.extui %lt3A_27 : i1 to i32
    %cond3A_29 = arith.constant 0 : i32
    %cond3A_30 = arith.cmpi ne, %convert_element_type3A_28, %cond3A_29 : i32
    scf.if %cond3A_30 {
      %mul3A_123 = arith.constant 80 : i32
      %mul3A_124 = arith.muli %add3A_25, %mul3A_123 : i32
      %mul3A_125 = arith.constant 80 : i32
      %mul3A_126 = arith.muli %add3A_25, %mul3A_125 : i32
      "tpu.region"() ({
        %run_scoped3A = tpu.sem_alloc : memref<!tpu.dma_semaphore, #tpu.memory_space<semaphore_mem>>
        %dma_start3A_127 = arith.constant 0 : i32
        %dma_start3A_128 = tpu.memref_slice %arg9[%mul3A_126, %dma_start3A_127] : memref<10000x128xf32, #tpu.memory_space<vmem_shared>> -> memref<80x128xf32, #tpu.memory_space<vmem_shared>>
        %dma_start3A_129 = arith.constant 0 : i32
        %dma_start3A_130 = tpu.memref_slice %arg3[%mul3A_124, %dma_start3A_129] : memref<10000x128xf32, #tpu.memory_space<hbm>> -> memref<80x128xf32, #tpu.memory_space<hbm>>
        tpu.enqueue_dma source(%dma_start3A_130 : memref<80x128xf32, #tpu.memory_space<hbm>>) target(%dma_start3A_128 : memref<80x128xf32, #tpu.memory_space<vmem_shared>>) target_semaphore(%run_scoped3A : memref<!tpu.dma_semaphore, #tpu.memory_space<semaphore_mem>>)
        %dma_wait3A_131 = arith.constant 0 : i32
        %dma_wait3A_132 = tpu.memref_slice %arg9[%mul3A_126, %dma_wait3A_131] : memref<10000x128xf32, #tpu.memory_space<vmem_shared>> -> memref<80x128xf32, #tpu.memory_space<vmem_shared>>
        %dma_wait3A_133 = arith.constant 0 : i32
        %dma_wait3A_134 = tpu.memref_slice %arg3[%mul3A_124, %dma_wait3A_133] : memref<10000x128xf32, #tpu.memory_space<hbm>> -> memref<80x128xf32, #tpu.memory_space<hbm>>
        tpu.wait_dma2 semaphore(%run_scoped3A : memref<!tpu.dma_semaphore, #tpu.memory_space<semaphore_mem>>) src(%dma_wait3A_134 : memref<80x128xf32, #tpu.memory_space<hbm>>) dst(%dma_wait3A_132 : memref<80x128xf32, #tpu.memory_space<vmem_shared>>)
        tpu.yield
      }) : () -> ()
    } else {
    }
    %add3A_31 = arith.constant 64 : i32
    %add3A_32 = arith.addi %arg1, %add3A_31 : i32
    %lt3A_33 = arith.constant 125 : i32
    %lt3A_34 = arith.cmpi slt, %add3A_32, %lt3A_33 : i32
    %convert_element_type3A_35 = arith.extui %lt3A_34 : i1 to i32
    %cond3A_36 = arith.constant 0 : i32
    %cond3A_37 = arith.cmpi ne, %convert_element_type3A_35, %cond3A_36 : i32
    scf.if %cond3A_37 {
      %mul3A_123 = arith.constant 80 : i32
      %mul3A_124 = arith.muli %add3A_32, %mul3A_123 : i32
      %mul3A_125 = arith.constant 80 : i32
      %mul3A_126 = arith.muli %add3A_32, %mul3A_125 : i32
      "tpu.region"() ({
        %run_scoped3A = tpu.sem_alloc : memref<!tpu.dma_semaphore, #tpu.memory_space<semaphore_mem>>
        %dma_start3A_127 = arith.constant 0 : i32
        %dma_start3A_128 = tpu.memref_slice %arg9[%mul3A_126, %dma_start3A_127] : memref<10000x128xf32, #tpu.memory_space<vmem_shared>> -> memref<80x128xf32, #tpu.memory_space<vmem_shared>>
        %dma_start3A_129 = arith.constant 0 : i32
        %dma_start3A_130 = tpu.memref_slice %arg3[%mul3A_124, %dma_start3A_129] : memref<10000x128xf32, #tpu.memory_space<hbm>> -> memref<80x128xf32, #tpu.memory_space<hbm>>
        tpu.enqueue_dma source(%dma_start3A_130 : memref<80x128xf32, #tpu.memory_space<hbm>>) target(%dma_start3A_128 : memref<80x128xf32, #tpu.memory_space<vmem_shared>>) target_semaphore(%run_scoped3A : memref<!tpu.dma_semaphore, #tpu.memory_space<semaphore_mem>>)
        %dma_wait3A_131 = arith.constant 0 : i32
        %dma_wait3A_132 = tpu.memref_slice %arg9[%mul3A_126, %dma_wait3A_131] : memref<10000x128xf32, #tpu.memory_space<vmem_shared>> -> memref<80x128xf32, #tpu.memory_space<vmem_shared>>
        %dma_wait3A_133 = arith.constant 0 : i32
        %dma_wait3A_134 = tpu.memref_slice %arg3[%mul3A_124, %dma_wait3A_133] : memref<10000x128xf32, #tpu.memory_space<hbm>> -> memref<80x128xf32, #tpu.memory_space<hbm>>
        tpu.wait_dma2 semaphore(%run_scoped3A : memref<!tpu.dma_semaphore, #tpu.memory_space<semaphore_mem>>) src(%dma_wait3A_134 : memref<80x128xf32, #tpu.memory_space<hbm>>) dst(%dma_wait3A_132 : memref<80x128xf32, #tpu.memory_space<vmem_shared>>)
        tpu.yield
      }) : () -> ()
    } else {
    }
    %add3A_38 = arith.constant 80 : i32
    %add3A_39 = arith.addi %arg1, %add3A_38 : i32
    %lt3A_40 = arith.constant 125 : i32
    %lt3A_41 = arith.cmpi slt, %add3A_39, %lt3A_40 : i32
    %convert_element_type3A_42 = arith.extui %lt3A_41 : i1 to i32
    %cond3A_43 = arith.constant 0 : i32
    %cond3A_44 = arith.cmpi ne, %convert_element_type3A_42, %cond3A_43 : i32
    scf.if %cond3A_44 {
      %mul3A_123 = arith.constant 80 : i32
      %mul3A_124 = arith.muli %add3A_39, %mul3A_123 : i32
      %mul3A_125 = arith.constant 80 : i32
      %mul3A_126 = arith.muli %add3A_39, %mul3A_125 : i32
      "tpu.region"() ({
        %run_scoped3A = tpu.sem_alloc : memref<!tpu.dma_semaphore, #tpu.memory_space<semaphore_mem>>
        %dma_start3A_127 = arith.constant 0 : i32
        %dma_start3A_128 = tpu.memref_slice %arg9[%mul3A_126, %dma_start3A_127] : memref<10000x128xf32, #tpu.memory_space<vmem_shared>> -> memref<80x128xf32, #tpu.memory_space<vmem_shared>>
        %dma_start3A_129 = arith.constant 0 : i32
        %dma_start3A_130 = tpu.memref_slice %arg3[%mul3A_124, %dma_start3A_129] : memref<10000x128xf32, #tpu.memory_space<hbm>> -> memref<80x128xf32, #tpu.memory_space<hbm>>
        tpu.enqueue_dma source(%dma_start3A_130 : memref<80x128xf32, #tpu.memory_space<hbm>>) target(%dma_start3A_128 : memref<80x128xf32, #tpu.memory_space<vmem_shared>>) target_semaphore(%run_scoped3A : memref<!tpu.dma_semaphore, #tpu.memory_space<semaphore_mem>>)
        %dma_wait3A_131 = arith.constant 0 : i32
        %dma_wait3A_132 = tpu.memref_slice %arg9[%mul3A_126, %dma_wait3A_131] : memref<10000x128xf32, #tpu.memory_space<vmem_shared>> -> memref<80x128xf32, #tpu.memory_space<vmem_shared>>
        %dma_wait3A_133 = arith.constant 0 : i32
        %dma_wait3A_134 = tpu.memref_slice %arg3[%mul3A_124, %dma_wait3A_133] : memref<10000x128xf32, #tpu.memory_space<hbm>> -> memref<80x128xf32, #tpu.memory_space<hbm>>
        tpu.wait_dma2 semaphore(%run_scoped3A : memref<!tpu.dma_semaphore, #tpu.memory_space<semaphore_mem>>) src(%dma_wait3A_134 : memref<80x128xf32, #tpu.memory_space<hbm>>) dst(%dma_wait3A_132 : memref<80x128xf32, #tpu.memory_space<vmem_shared>>)
        tpu.yield
      }) : () -> ()
    } else {
    }
    %add3A_45 = arith.constant 96 : i32
    %add3A_46 = arith.addi %arg1, %add3A_45 : i32
    %lt3A_47 = arith.constant 125 : i32
    %lt3A_48 = arith.cmpi slt, %add3A_46, %lt3A_47 : i32
    %convert_element_type3A_49 = arith.extui %lt3A_48 : i1 to i32
    %cond3A_50 = arith.constant 0 : i32
    %cond3A_51 = arith.cmpi ne, %convert_element_type3A_49, %cond3A_50 : i32
    scf.if %cond3A_51 {
      %mul3A_123 = arith.constant 80 : i32
      %mul3A_124 = arith.muli %add3A_46, %mul3A_123 : i32
      %mul3A_125 = arith.constant 80 : i32
      %mul3A_126 = arith.muli %add3A_46, %mul3A_125 : i32
      "tpu.region"() ({
        %run_scoped3A = tpu.sem_alloc : memref<!tpu.dma_semaphore, #tpu.memory_space<semaphore_mem>>
        %dma_start3A_127 = arith.constant 0 : i32
        %dma_start3A_128 = tpu.memref_slice %arg9[%mul3A_126, %dma_start3A_127] : memref<10000x128xf32, #tpu.memory_space<vmem_shared>> -> memref<80x128xf32, #tpu.memory_space<vmem_shared>>
        %dma_start3A_129 = arith.constant 0 : i32
        %dma_start3A_130 = tpu.memref_slice %arg3[%mul3A_124, %dma_start3A_129] : memref<10000x128xf32, #tpu.memory_space<hbm>> -> memref<80x128xf32, #tpu.memory_space<hbm>>
        tpu.enqueue_dma source(%dma_start3A_130 : memref<80x128xf32, #tpu.memory_space<hbm>>) target(%dma_start3A_128 : memref<80x128xf32, #tpu.memory_space<vmem_shared>>) target_semaphore(%run_scoped3A : memref<!tpu.dma_semaphore, #tpu.memory_space<semaphore_mem>>)
        %dma_wait3A_131 = arith.constant 0 : i32
        %dma_wait3A_132 = tpu.memref_slice %arg9[%mul3A_126, %dma_wait3A_131] : memref<10000x128xf32, #tpu.memory_space<vmem_shared>> -> memref<80x128xf32, #tpu.memory_space<vmem_shared>>
        %dma_wait3A_133 = arith.constant 0 : i32
        %dma_wait3A_134 = tpu.memref_slice %arg3[%mul3A_124, %dma_wait3A_133] : memref<10000x128xf32, #tpu.memory_space<hbm>> -> memref<80x128xf32, #tpu.memory_space<hbm>>
        tpu.wait_dma2 semaphore(%run_scoped3A : memref<!tpu.dma_semaphore, #tpu.memory_space<semaphore_mem>>) src(%dma_wait3A_134 : memref<80x128xf32, #tpu.memory_space<hbm>>) dst(%dma_wait3A_132 : memref<80x128xf32, #tpu.memory_space<vmem_shared>>)
        tpu.yield
      }) : () -> ()
    } else {
    }
    %add3A_52 = arith.constant 112 : i32
    %add3A_53 = arith.addi %arg1, %add3A_52 : i32
    %lt3A_54 = arith.constant 125 : i32
    %lt3A_55 = arith.cmpi slt, %add3A_53, %lt3A_54 : i32
    %convert_element_type3A_56 = arith.extui %lt3A_55 : i1 to i32
    %cond3A_57 = arith.constant 0 : i32
    %cond3A_58 = arith.cmpi ne, %convert_element_type3A_56, %cond3A_57 : i32
    scf.if %cond3A_58 {
      %mul3A_123 = arith.constant 80 : i32
      %mul3A_124 = arith.muli %add3A_53, %mul3A_123 : i32
      %mul3A_125 = arith.constant 80 : i32
      %mul3A_126 = arith.muli %add3A_53, %mul3A_125 : i32
      "tpu.region"() ({
        %run_scoped3A = tpu.sem_alloc : memref<!tpu.dma_semaphore, #tpu.memory_space<semaphore_mem>>
        %dma_start3A_127 = arith.constant 0 : i32
        %dma_start3A_128 = tpu.memref_slice %arg9[%mul3A_126, %dma_start3A_127] : memref<10000x128xf32, #tpu.memory_space<vmem_shared>> -> memref<80x128xf32, #tpu.memory_space<vmem_shared>>
        %dma_start3A_129 = arith.constant 0 : i32
        %dma_start3A_130 = tpu.memref_slice %arg3[%mul3A_124, %dma_start3A_129] : memref<10000x128xf32, #tpu.memory_space<hbm>> -> memref<80x128xf32, #tpu.memory_space<hbm>>
        tpu.enqueue_dma source(%dma_start3A_130 : memref<80x128xf32, #tpu.memory_space<hbm>>) target(%dma_start3A_128 : memref<80x128xf32, #tpu.memory_space<vmem_shared>>) target_semaphore(%run_scoped3A : memref<!tpu.dma_semaphore, #tpu.memory_space<semaphore_mem>>)
        %dma_wait3A_131 = arith.constant 0 : i32
        %dma_wait3A_132 = tpu.memref_slice %arg9[%mul3A_126, %dma_wait3A_131] : memref<10000x128xf32, #tpu.memory_space<vmem_shared>> -> memref<80x128xf32, #tpu.memory_space<vmem_shared>>
        %dma_wait3A_133 = arith.constant 0 : i32
        %dma_wait3A_134 = tpu.memref_slice %arg3[%mul3A_124, %dma_wait3A_133] : memref<10000x128xf32, #tpu.memory_space<hbm>> -> memref<80x128xf32, #tpu.memory_space<hbm>>
        tpu.wait_dma2 semaphore(%run_scoped3A : memref<!tpu.dma_semaphore, #tpu.memory_space<semaphore_mem>>) src(%dma_wait3A_134 : memref<80x128xf32, #tpu.memory_space<hbm>>) dst(%dma_wait3A_132 : memref<80x128xf32, #tpu.memory_space<vmem_shared>>)
        tpu.yield
      }) : () -> ()
    } else {
    }
    %barrier3A = arith.constant 0 : index
    tpu.barrier barrier_id(%barrier3A)
    %scan3A = arith.constant 0 : i32
    %scan3A_59 = arith.constant 62 : i32
    %scan3A_60 = arith.addi %scan3A, %scan3A_59 : i32
    %scan3A_61 = arith.constant 1 : i32
    scf.for %scan3A_123 = %scan3A to %scan3A_60 step %scan3A_61  : i32 {
      %mul3A_124 = arith.constant 2 : i32
      %mul3A_125 = arith.muli %mul3A_124, %scan3A_123 : i32
      %add3A_126 = arith.constant 1 : i32
      %add3A_127 = arith.addi %mul3A_125, %add3A_126 : i32
      %mul3A_128 = arith.constant 2 : i32
      %mul3A_129 = arith.muli %mul3A_128, %scan3A_123 : i32
      %add3A_130 = arith.constant 2 : i32
      %add3A_131 = arith.addi %mul3A_129, %add3A_130 : i32
      %mul3A_132 = arith.constant 80 : i32
      %mul3A_133 = arith.muli %add3A_127, %mul3A_132 : i32
      %add3A_134 = arith.addi %mul3A_2, %mul3A_133 : i32
      %dma_start3A_135 = tpu.memref_slice %arg2[%add3A_134] : memref<320000xi32, #tpu.memory_space<hbm>> -> memref<80xi32, #tpu.memory_space<hbm>>
      %dma_start3A_136 = tpu.memref_slice %arg2[%add3A_134] : memref<320000xi32, #tpu.memory_space<hbm>> -> memref<80xi32, #tpu.memory_space<hbm>>
      tpu.enqueue_dma source(%dma_start3A_136 : memref<80xi32, #tpu.memory_space<hbm>>) target(%arg7 : memref<80xi32, #tpu.memory_space<vmem>>) target_semaphore(%arg11 : memref<!tpu.dma_semaphore, #tpu.memory_space<semaphore_mem>>)
      %sub3A = arith.constant 1 : i32
      %sub3A_137 = arith.subi %add3A_127, %sub3A : i32
      %mul3A_138 = arith.constant 80 : i32
      %mul3A_139 = arith.muli %sub3A_137, %mul3A_138 : i32
      %add3A_140 = arith.addi %mul3A_2, %mul3A_139 : i32
      %dma_wait3A_141 = tpu.memref_slice %arg2[%add3A_140] : memref<320000xi32, #tpu.memory_space<hbm>> -> memref<80xi32, #tpu.memory_space<hbm>>
      %dma_wait3A_142 = tpu.memref_slice %arg2[%add3A_140] : memref<320000xi32, #tpu.memory_space<hbm>> -> memref<80xi32, #tpu.memory_space<hbm>>
      tpu.wait_dma2 semaphore(%arg10 : memref<!tpu.dma_semaphore, #tpu.memory_space<semaphore_mem>>) src(%dma_wait3A_142 : memref<80xi32, #tpu.memory_space<hbm>>) dst(%arg6 : memref<80xi32, #tpu.memory_space<vmem>>)
      "tpu.region"() ({
        %run_scoped3A = tpu.sem_alloc : memref<!tpu.dma_semaphore, #tpu.memory_space<semaphore_mem>>
        %dma_start3A_153 = arith.constant 0 : i32
        %dma_start3A_154 = arith.constant 0 : i32
        %dma_start3A_155 = tpu.memref_slice %arg9[%dma_start3A_153, %dma_start3A_154] : memref<10000x128xf32, #tpu.memory_space<vmem_shared>> -> memref<10000x128xf32, #tpu.memory_space<vmem_shared>>
        tpu.enqueue_indirect_dma source(%arg8 : memref<80x128xf32, #tpu.memory_space<vmem>>) target(%dma_start3A_155 : memref<10000x128xf32, #tpu.memory_space<vmem_shared>>) offsets(%arg6 : memref<80xi32, #tpu.memory_space<vmem>>) semaphore(%run_scoped3A : memref<!tpu.dma_semaphore, #tpu.memory_space<semaphore_mem>>) {add = true}
        %dma_wait3A_156 = arith.constant 0 : i32
        %dma_wait3A_157 = arith.constant 0 : i32
        %dma_wait3A_158 = tpu.memref_slice %arg9[%dma_wait3A_156, %dma_wait3A_157] : memref<10000x128xf32, #tpu.memory_space<vmem_shared>> -> memref<10000x128xf32, #tpu.memory_space<vmem_shared>>
        tpu.wait_indirect_dma semaphore(%run_scoped3A : memref<!tpu.dma_semaphore, #tpu.memory_space<semaphore_mem>>) src(%arg8 : memref<80x128xf32, #tpu.memory_space<vmem>>) dst(%dma_wait3A_158 : memref<10000x128xf32, #tpu.memory_space<vmem_shared>>)
        tpu.yield
      }) : () -> ()
      %mul3A_143 = arith.constant 80 : i32
      %mul3A_144 = arith.muli %add3A_131, %mul3A_143 : i32
      %add3A_145 = arith.addi %mul3A_2, %mul3A_144 : i32
      %dma_start3A_146 = tpu.memref_slice %arg2[%add3A_145] : memref<320000xi32, #tpu.memory_space<hbm>> -> memref<80xi32, #tpu.memory_space<hbm>>
      %dma_start3A_147 = tpu.memref_slice %arg2[%add3A_145] : memref<320000xi32, #tpu.memory_space<hbm>> -> memref<80xi32, #tpu.memory_space<hbm>>
      tpu.enqueue_dma source(%dma_start3A_147 : memref<80xi32, #tpu.memory_space<hbm>>) target(%arg6 : memref<80xi32, #tpu.memory_space<vmem>>) target_semaphore(%arg10 : memref<!tpu.dma_semaphore, #tpu.memory_space<semaphore_mem>>)
      %mul3A_148 = arith.constant 80 : i32
      %mul3A_149 = arith.muli %add3A_127, %mul3A_148 : i32
      %add3A_150 = arith.addi %mul3A_2, %mul3A_149 : i32
      %dma_wait3A_151 = tpu.memref_slice %arg2[%add3A_150] : memref<320000xi32, #tpu.memory_space<hbm>> -> memref<80xi32, #tpu.memory_space<hbm>>
      %dma_wait3A_152 = tpu.memref_slice %arg2[%add3A_150] : memref<320000xi32, #tpu.memory_space<hbm>> -> memref<80xi32, #tpu.memory_space<hbm>>
      tpu.wait_dma2 semaphore(%arg11 : memref<!tpu.dma_semaphore, #tpu.memory_space<semaphore_mem>>) src(%dma_wait3A_152 : memref<80xi32, #tpu.memory_space<hbm>>) dst(%arg7 : memref<80xi32, #tpu.memory_space<vmem>>)
      "tpu.region"() ({
        %run_scoped3A = tpu.sem_alloc : memref<!tpu.dma_semaphore, #tpu.memory_space<semaphore_mem>>
        %dma_start3A_153 = arith.constant 0 : i32
        %dma_start3A_154 = arith.constant 0 : i32
        %dma_start3A_155 = tpu.memref_slice %arg9[%dma_start3A_153, %dma_start3A_154] : memref<10000x128xf32, #tpu.memory_space<vmem_shared>> -> memref<10000x128xf32, #tpu.memory_space<vmem_shared>>
        tpu.enqueue_indirect_dma source(%arg8 : memref<80x128xf32, #tpu.memory_space<vmem>>) target(%dma_start3A_155 : memref<10000x128xf32, #tpu.memory_space<vmem_shared>>) offsets(%arg7 : memref<80xi32, #tpu.memory_space<vmem>>) semaphore(%run_scoped3A : memref<!tpu.dma_semaphore, #tpu.memory_space<semaphore_mem>>) {add = true}
        %dma_wait3A_156 = arith.constant 0 : i32
        %dma_wait3A_157 = arith.constant 0 : i32
        %dma_wait3A_158 = tpu.memref_slice %arg9[%dma_wait3A_156, %dma_wait3A_157] : memref<10000x128xf32, #tpu.memory_space<vmem_shared>> -> memref<10000x128xf32, #tpu.memory_space<vmem_shared>>
        tpu.wait_indirect_dma semaphore(%run_scoped3A : memref<!tpu.dma_semaphore, #tpu.memory_space<semaphore_mem>>) src(%arg8 : memref<80x128xf32, #tpu.memory_space<vmem>>) dst(%dma_wait3A_158 : memref<10000x128xf32, #tpu.memory_space<vmem_shared>>)
        tpu.yield
      }) : () -> ()
    }
    %scan3A_62 = arith.constant 62 : i32
    %add3A_63 = arith.constant 9920 : i32
    %add3A_64 = arith.addi %mul3A_2, %add3A_63 : i32
    %dma_wait3A = tpu.memref_slice %arg2[%add3A_64] : memref<320000xi32, #tpu.memory_space<hbm>> -> memref<80xi32, #tpu.memory_space<hbm>>
    %dma_wait3A_65 = tpu.memref_slice %arg2[%add3A_64] : memref<320000xi32, #tpu.memory_space<hbm>> -> memref<80xi32, #tpu.memory_space<hbm>>
    tpu.wait_dma2 semaphore(%arg10 : memref<!tpu.dma_semaphore, #tpu.memory_space<semaphore_mem>>) src(%dma_wait3A_65 : memref<80xi32, #tpu.memory_space<hbm>>) dst(%arg6 : memref<80xi32, #tpu.memory_space<vmem>>)
    "tpu.region"() ({
      %run_scoped3A = tpu.sem_alloc : memref<!tpu.dma_semaphore, #tpu.memory_space<semaphore_mem>>
      %dma_start3A_123 = arith.constant 0 : i32
      %dma_start3A_124 = arith.constant 0 : i32
      %dma_start3A_125 = tpu.memref_slice %arg9[%dma_start3A_123, %dma_start3A_124] : memref<10000x128xf32, #tpu.memory_space<vmem_shared>> -> memref<10000x128xf32, #tpu.memory_space<vmem_shared>>
      tpu.enqueue_indirect_dma source(%arg8 : memref<80x128xf32, #tpu.memory_space<vmem>>) target(%dma_start3A_125 : memref<10000x128xf32, #tpu.memory_space<vmem_shared>>) offsets(%arg6 : memref<80xi32, #tpu.memory_space<vmem>>) semaphore(%run_scoped3A : memref<!tpu.dma_semaphore, #tpu.memory_space<semaphore_mem>>) {add = true}
      %dma_wait3A_126 = arith.constant 0 : i32
      %dma_wait3A_127 = arith.constant 0 : i32
      %dma_wait3A_128 = tpu.memref_slice %arg9[%dma_wait3A_126, %dma_wait3A_127] : memref<10000x128xf32, #tpu.memory_space<vmem_shared>> -> memref<10000x128xf32, #tpu.memory_space<vmem_shared>>
      tpu.wait_indirect_dma semaphore(%run_scoped3A : memref<!tpu.dma_semaphore, #tpu.memory_space<semaphore_mem>>) src(%arg8 : memref<80x128xf32, #tpu.memory_space<vmem>>) dst(%dma_wait3A_128 : memref<10000x128xf32, #tpu.memory_space<vmem_shared>>)
      tpu.yield
    }) : () -> ()
    %barrier3A_66 = arith.constant 0 : index
    tpu.barrier barrier_id(%barrier3A_66)
    %add3A_67 = arith.constant 0 : i32
    %add3A_68 = arith.addi %arg1, %add3A_67 : i32
    %lt3A_69 = arith.constant 125 : i32
    %lt3A_70 = arith.cmpi slt, %add3A_68, %lt3A_69 : i32
    %convert_element_type3A_71 = arith.extui %lt3A_70 : i1 to i32
    %cond3A_72 = arith.constant 0 : i32
    %cond3A_73 = arith.cmpi ne, %convert_element_type3A_71, %cond3A_72 : i32
    scf.if %cond3A_73 {
      %mul3A_123 = arith.constant 80 : i32
      %mul3A_124 = arith.muli %add3A_68, %mul3A_123 : i32
      %mul3A_125 = arith.constant 80 : i32
      %mul3A_126 = arith.muli %add3A_68, %mul3A_125 : i32
      "tpu.region"() ({
        %run_scoped3A = tpu.sem_alloc : memref<!tpu.dma_semaphore, #tpu.memory_space<semaphore_mem>>
        %dma_start3A_127 = arith.constant 0 : i32
        %dma_start3A_128 = tpu.memref_slice %arg5[%arg0, %mul3A_126, %dma_start3A_127] : memref<2x10000x128xf32, #tpu.memory_space<hbm>> -> memref<1x80x128xf32, #tpu.memory_space<hbm>>
        %dma_start3A_129 = tpu.memref_squeeze %dma_start3A_128 : memref<1x80x128xf32, #tpu.memory_space<hbm>> -> memref<80x128xf32, #tpu.memory_space<hbm>>
        %dma_start3A_130 = arith.constant 0 : i32
        %dma_start3A_131 = tpu.memref_slice %arg9[%mul3A_124, %dma_start3A_130] : memref<10000x128xf32, #tpu.memory_space<vmem_shared>> -> memref<80x128xf32, #tpu.memory_space<vmem_shared>>
        tpu.enqueue_dma source(%dma_start3A_131 : memref<80x128xf32, #tpu.memory_space<vmem_shared>>) target(%dma_start3A_129 : memref<80x128xf32, #tpu.memory_space<hbm>>) target_semaphore(%run_scoped3A : memref<!tpu.dma_semaphore, #tpu.memory_space<semaphore_mem>>)
        %dma_wait3A_132 = arith.constant 0 : i32
        %dma_wait3A_133 = tpu.memref_slice %arg5[%arg0, %mul3A_126, %dma_wait3A_132] : memref<2x10000x128xf32, #tpu.memory_space<hbm>> -> memref<1x80x128xf32, #tpu.memory_space<hbm>>
        %dma_wait3A_134 = tpu.memref_squeeze %dma_wait3A_133 : memref<1x80x128xf32, #tpu.memory_space<hbm>> -> memref<80x128xf32, #tpu.memory_space<hbm>>
        %dma_wait3A_135 = arith.constant 0 : i32
        %dma_wait3A_136 = tpu.memref_slice %arg9[%mul3A_124, %dma_wait3A_135] : memref<10000x128xf32, #tpu.memory_space<vmem_shared>> -> memref<80x128xf32, #tpu.memory_space<vmem_shared>>
        tpu.wait_dma2 semaphore(%run_scoped3A : memref<!tpu.dma_semaphore, #tpu.memory_space<semaphore_mem>>) src(%dma_wait3A_136 : memref<80x128xf32, #tpu.memory_space<vmem_shared>>) dst(%dma_wait3A_134 : memref<80x128xf32, #tpu.memory_space<hbm>>)
        tpu.yield
      }) : () -> ()
    } else {
    }
    %add3A_74 = arith.constant 16 : i32
    %add3A_75 = arith.addi %arg1, %add3A_74 : i32
    %lt3A_76 = arith.constant 125 : i32
    %lt3A_77 = arith.cmpi slt, %add3A_75, %lt3A_76 : i32
    %convert_element_type3A_78 = arith.extui %lt3A_77 : i1 to i32
    %cond3A_79 = arith.constant 0 : i32
    %cond3A_80 = arith.cmpi ne, %convert_element_type3A_78, %cond3A_79 : i32
    scf.if %cond3A_80 {
      %mul3A_123 = arith.constant 80 : i32
      %mul3A_124 = arith.muli %add3A_75, %mul3A_123 : i32
      %mul3A_125 = arith.constant 80 : i32
      %mul3A_126 = arith.muli %add3A_75, %mul3A_125 : i32
      "tpu.region"() ({
        %run_scoped3A = tpu.sem_alloc : memref<!tpu.dma_semaphore, #tpu.memory_space<semaphore_mem>>
        %dma_start3A_127 = arith.constant 0 : i32
        %dma_start3A_128 = tpu.memref_slice %arg5[%arg0, %mul3A_126, %dma_start3A_127] : memref<2x10000x128xf32, #tpu.memory_space<hbm>> -> memref<1x80x128xf32, #tpu.memory_space<hbm>>
        %dma_start3A_129 = tpu.memref_squeeze %dma_start3A_128 : memref<1x80x128xf32, #tpu.memory_space<hbm>> -> memref<80x128xf32, #tpu.memory_space<hbm>>
        %dma_start3A_130 = arith.constant 0 : i32
        %dma_start3A_131 = tpu.memref_slice %arg9[%mul3A_124, %dma_start3A_130] : memref<10000x128xf32, #tpu.memory_space<vmem_shared>> -> memref<80x128xf32, #tpu.memory_space<vmem_shared>>
        tpu.enqueue_dma source(%dma_start3A_131 : memref<80x128xf32, #tpu.memory_space<vmem_shared>>) target(%dma_start3A_129 : memref<80x128xf32, #tpu.memory_space<hbm>>) target_semaphore(%run_scoped3A : memref<!tpu.dma_semaphore, #tpu.memory_space<semaphore_mem>>)
        %dma_wait3A_132 = arith.constant 0 : i32
        %dma_wait3A_133 = tpu.memref_slice %arg5[%arg0, %mul3A_126, %dma_wait3A_132] : memref<2x10000x128xf32, #tpu.memory_space<hbm>> -> memref<1x80x128xf32, #tpu.memory_space<hbm>>
        %dma_wait3A_134 = tpu.memref_squeeze %dma_wait3A_133 : memref<1x80x128xf32, #tpu.memory_space<hbm>> -> memref<80x128xf32, #tpu.memory_space<hbm>>
        %dma_wait3A_135 = arith.constant 0 : i32
        %dma_wait3A_136 = tpu.memref_slice %arg9[%mul3A_124, %dma_wait3A_135] : memref<10000x128xf32, #tpu.memory_space<vmem_shared>> -> memref<80x128xf32, #tpu.memory_space<vmem_shared>>
        tpu.wait_dma2 semaphore(%run_scoped3A : memref<!tpu.dma_semaphore, #tpu.memory_space<semaphore_mem>>) src(%dma_wait3A_136 : memref<80x128xf32, #tpu.memory_space<vmem_shared>>) dst(%dma_wait3A_134 : memref<80x128xf32, #tpu.memory_space<hbm>>)
        tpu.yield
      }) : () -> ()
    } else {
    }
    %add3A_81 = arith.constant 32 : i32
    %add3A_82 = arith.addi %arg1, %add3A_81 : i32
    %lt3A_83 = arith.constant 125 : i32
    %lt3A_84 = arith.cmpi slt, %add3A_82, %lt3A_83 : i32
    %convert_element_type3A_85 = arith.extui %lt3A_84 : i1 to i32
    %cond3A_86 = arith.constant 0 : i32
    %cond3A_87 = arith.cmpi ne, %convert_element_type3A_85, %cond3A_86 : i32
    scf.if %cond3A_87 {
      %mul3A_123 = arith.constant 80 : i32
      %mul3A_124 = arith.muli %add3A_82, %mul3A_123 : i32
      %mul3A_125 = arith.constant 80 : i32
      %mul3A_126 = arith.muli %add3A_82, %mul3A_125 : i32
      "tpu.region"() ({
        %run_scoped3A = tpu.sem_alloc : memref<!tpu.dma_semaphore, #tpu.memory_space<semaphore_mem>>
        %dma_start3A_127 = arith.constant 0 : i32
        %dma_start3A_128 = tpu.memref_slice %arg5[%arg0, %mul3A_126, %dma_start3A_127] : memref<2x10000x128xf32, #tpu.memory_space<hbm>> -> memref<1x80x128xf32, #tpu.memory_space<hbm>>
        %dma_start3A_129 = tpu.memref_squeeze %dma_start3A_128 : memref<1x80x128xf32, #tpu.memory_space<hbm>> -> memref<80x128xf32, #tpu.memory_space<hbm>>
        %dma_start3A_130 = arith.constant 0 : i32
        %dma_start3A_131 = tpu.memref_slice %arg9[%mul3A_124, %dma_start3A_130] : memref<10000x128xf32, #tpu.memory_space<vmem_shared>> -> memref<80x128xf32, #tpu.memory_space<vmem_shared>>
        tpu.enqueue_dma source(%dma_start3A_131 : memref<80x128xf32, #tpu.memory_space<vmem_shared>>) target(%dma_start3A_129 : memref<80x128xf32, #tpu.memory_space<hbm>>) target_semaphore(%run_scoped3A : memref<!tpu.dma_semaphore, #tpu.memory_space<semaphore_mem>>)
        %dma_wait3A_132 = arith.constant 0 : i32
        %dma_wait3A_133 = tpu.memref_slice %arg5[%arg0, %mul3A_126, %dma_wait3A_132] : memref<2x10000x128xf32, #tpu.memory_space<hbm>> -> memref<1x80x128xf32, #tpu.memory_space<hbm>>
        %dma_wait3A_134 = tpu.memref_squeeze %dma_wait3A_133 : memref<1x80x128xf32, #tpu.memory_space<hbm>> -> memref<80x128xf32, #tpu.memory_space<hbm>>
        %dma_wait3A_135 = arith.constant 0 : i32
        %dma_wait3A_136 = tpu.memref_slice %arg9[%mul3A_124, %dma_wait3A_135] : memref<10000x128xf32, #tpu.memory_space<vmem_shared>> -> memref<80x128xf32, #tpu.memory_space<vmem_shared>>
        tpu.wait_dma2 semaphore(%run_scoped3A : memref<!tpu.dma_semaphore, #tpu.memory_space<semaphore_mem>>) src(%dma_wait3A_136 : memref<80x128xf32, #tpu.memory_space<vmem_shared>>) dst(%dma_wait3A_134 : memref<80x128xf32, #tpu.memory_space<hbm>>)
        tpu.yield
      }) : () -> ()
    } else {
    }
    %add3A_88 = arith.constant 48 : i32
    %add3A_89 = arith.addi %arg1, %add3A_88 : i32
    %lt3A_90 = arith.constant 125 : i32
    %lt3A_91 = arith.cmpi slt, %add3A_89, %lt3A_90 : i32
    %convert_element_type3A_92 = arith.extui %lt3A_91 : i1 to i32
    %cond3A_93 = arith.constant 0 : i32
    %cond3A_94 = arith.cmpi ne, %convert_element_type3A_92, %cond3A_93 : i32
    scf.if %cond3A_94 {
      %mul3A_123 = arith.constant 80 : i32
      %mul3A_124 = arith.muli %add3A_89, %mul3A_123 : i32
      %mul3A_125 = arith.constant 80 : i32
      %mul3A_126 = arith.muli %add3A_89, %mul3A_125 : i32
      "tpu.region"() ({
        %run_scoped3A = tpu.sem_alloc : memref<!tpu.dma_semaphore, #tpu.memory_space<semaphore_mem>>
        %dma_start3A_127 = arith.constant 0 : i32
        %dma_start3A_128 = tpu.memref_slice %arg5[%arg0, %mul3A_126, %dma_start3A_127] : memref<2x10000x128xf32, #tpu.memory_space<hbm>> -> memref<1x80x128xf32, #tpu.memory_space<hbm>>
        %dma_start3A_129 = tpu.memref_squeeze %dma_start3A_128 : memref<1x80x128xf32, #tpu.memory_space<hbm>> -> memref<80x128xf32, #tpu.memory_space<hbm>>
        %dma_start3A_130 = arith.constant 0 : i32
        %dma_start3A_131 = tpu.memref_slice %arg9[%mul3A_124, %dma_start3A_130] : memref<10000x128xf32, #tpu.memory_space<vmem_shared>> -> memref<80x128xf32, #tpu.memory_space<vmem_shared>>
        tpu.enqueue_dma source(%dma_start3A_131 : memref<80x128xf32, #tpu.memory_space<vmem_shared>>) target(%dma_start3A_129 : memref<80x128xf32, #tpu.memory_space<hbm>>) target_semaphore(%run_scoped3A : memref<!tpu.dma_semaphore, #tpu.memory_space<semaphore_mem>>)
        %dma_wait3A_132 = arith.constant 0 : i32
        %dma_wait3A_133 = tpu.memref_slice %arg5[%arg0, %mul3A_126, %dma_wait3A_132] : memref<2x10000x128xf32, #tpu.memory_space<hbm>> -> memref<1x80x128xf32, #tpu.memory_space<hbm>>
        %dma_wait3A_134 = tpu.memref_squeeze %dma_wait3A_133 : memref<1x80x128xf32, #tpu.memory_space<hbm>> -> memref<80x128xf32, #tpu.memory_space<hbm>>
        %dma_wait3A_135 = arith.constant 0 : i32
        %dma_wait3A_136 = tpu.memref_slice %arg9[%mul3A_124, %dma_wait3A_135] : memref<10000x128xf32, #tpu.memory_space<vmem_shared>> -> memref<80x128xf32, #tpu.memory_space<vmem_shared>>
        tpu.wait_dma2 semaphore(%run_scoped3A : memref<!tpu.dma_semaphore, #tpu.memory_space<semaphore_mem>>) src(%dma_wait3A_136 : memref<80x128xf32, #tpu.memory_space<vmem_shared>>) dst(%dma_wait3A_134 : memref<80x128xf32, #tpu.memory_space<hbm>>)
        tpu.yield
      }) : () -> ()
    } else {
    }
    %add3A_95 = arith.constant 64 : i32
    %add3A_96 = arith.addi %arg1, %add3A_95 : i32
    %lt3A_97 = arith.constant 125 : i32
    %lt3A_98 = arith.cmpi slt, %add3A_96, %lt3A_97 : i32
    %convert_element_type3A_99 = arith.extui %lt3A_98 : i1 to i32
    %cond3A_100 = arith.constant 0 : i32
    %cond3A_101 = arith.cmpi ne, %convert_element_type3A_99, %cond3A_100 : i32
    scf.if %cond3A_101 {
      %mul3A_123 = arith.constant 80 : i32
      %mul3A_124 = arith.muli %add3A_96, %mul3A_123 : i32
      %mul3A_125 = arith.constant 80 : i32
      %mul3A_126 = arith.muli %add3A_96, %mul3A_125 : i32
      "tpu.region"() ({
        %run_scoped3A = tpu.sem_alloc : memref<!tpu.dma_semaphore, #tpu.memory_space<semaphore_mem>>
        %dma_start3A_127 = arith.constant 0 : i32
        %dma_start3A_128 = tpu.memref_slice %arg5[%arg0, %mul3A_126, %dma_start3A_127] : memref<2x10000x128xf32, #tpu.memory_space<hbm>> -> memref<1x80x128xf32, #tpu.memory_space<hbm>>
        %dma_start3A_129 = tpu.memref_squeeze %dma_start3A_128 : memref<1x80x128xf32, #tpu.memory_space<hbm>> -> memref<80x128xf32, #tpu.memory_space<hbm>>
        %dma_start3A_130 = arith.constant 0 : i32
        %dma_start3A_131 = tpu.memref_slice %arg9[%mul3A_124, %dma_start3A_130] : memref<10000x128xf32, #tpu.memory_space<vmem_shared>> -> memref<80x128xf32, #tpu.memory_space<vmem_shared>>
        tpu.enqueue_dma source(%dma_start3A_131 : memref<80x128xf32, #tpu.memory_space<vmem_shared>>) target(%dma_start3A_129 : memref<80x128xf32, #tpu.memory_space<hbm>>) target_semaphore(%run_scoped3A : memref<!tpu.dma_semaphore, #tpu.memory_space<semaphore_mem>>)
        %dma_wait3A_132 = arith.constant 0 : i32
        %dma_wait3A_133 = tpu.memref_slice %arg5[%arg0, %mul3A_126, %dma_wait3A_132] : memref<2x10000x128xf32, #tpu.memory_space<hbm>> -> memref<1x80x128xf32, #tpu.memory_space<hbm>>
        %dma_wait3A_134 = tpu.memref_squeeze %dma_wait3A_133 : memref<1x80x128xf32, #tpu.memory_space<hbm>> -> memref<80x128xf32, #tpu.memory_space<hbm>>
        %dma_wait3A_135 = arith.constant 0 : i32
        %dma_wait3A_136 = tpu.memref_slice %arg9[%mul3A_124, %dma_wait3A_135] : memref<10000x128xf32, #tpu.memory_space<vmem_shared>> -> memref<80x128xf32, #tpu.memory_space<vmem_shared>>
        tpu.wait_dma2 semaphore(%run_scoped3A : memref<!tpu.dma_semaphore, #tpu.memory_space<semaphore_mem>>) src(%dma_wait3A_136 : memref<80x128xf32, #tpu.memory_space<vmem_shared>>) dst(%dma_wait3A_134 : memref<80x128xf32, #tpu.memory_space<hbm>>)
        tpu.yield
      }) : () -> ()
    } else {
    }
    %add3A_102 = arith.constant 80 : i32
    %add3A_103 = arith.addi %arg1, %add3A_102 : i32
    %lt3A_104 = arith.constant 125 : i32
    %lt3A_105 = arith.cmpi slt, %add3A_103, %lt3A_104 : i32
    %convert_element_type3A_106 = arith.extui %lt3A_105 : i1 to i32
    %cond3A_107 = arith.constant 0 : i32
    %cond3A_108 = arith.cmpi ne, %convert_element_type3A_106, %cond3A_107 : i32
    scf.if %cond3A_108 {
      %mul3A_123 = arith.constant 80 : i32
      %mul3A_124 = arith.muli %add3A_103, %mul3A_123 : i32
      %mul3A_125 = arith.constant 80 : i32
      %mul3A_126 = arith.muli %add3A_103, %mul3A_125 : i32
      "tpu.region"() ({
        %run_scoped3A = tpu.sem_alloc : memref<!tpu.dma_semaphore, #tpu.memory_space<semaphore_mem>>
        %dma_start3A_127 = arith.constant 0 : i32
        %dma_start3A_128 = tpu.memref_slice %arg5[%arg0, %mul3A_126, %dma_start3A_127] : memref<2x10000x128xf32, #tpu.memory_space<hbm>> -> memref<1x80x128xf32, #tpu.memory_space<hbm>>
        %dma_start3A_129 = tpu.memref_squeeze %dma_start3A_128 : memref<1x80x128xf32, #tpu.memory_space<hbm>> -> memref<80x128xf32, #tpu.memory_space<hbm>>
        %dma_start3A_130 = arith.constant 0 : i32
        %dma_start3A_131 = tpu.memref_slice %arg9[%mul3A_124, %dma_start3A_130] : memref<10000x128xf32, #tpu.memory_space<vmem_shared>> -> memref<80x128xf32, #tpu.memory_space<vmem_shared>>
        tpu.enqueue_dma source(%dma_start3A_131 : memref<80x128xf32, #tpu.memory_space<vmem_shared>>) target(%dma_start3A_129 : memref<80x128xf32, #tpu.memory_space<hbm>>) target_semaphore(%run_scoped3A : memref<!tpu.dma_semaphore, #tpu.memory_space<semaphore_mem>>)
        %dma_wait3A_132 = arith.constant 0 : i32
        %dma_wait3A_133 = tpu.memref_slice %arg5[%arg0, %mul3A_126, %dma_wait3A_132] : memref<2x10000x128xf32, #tpu.memory_space<hbm>> -> memref<1x80x128xf32, #tpu.memory_space<hbm>>
        %dma_wait3A_134 = tpu.memref_squeeze %dma_wait3A_133 : memref<1x80x128xf32, #tpu.memory_space<hbm>> -> memref<80x128xf32, #tpu.memory_space<hbm>>
        %dma_wait3A_135 = arith.constant 0 : i32
        %dma_wait3A_136 = tpu.memref_slice %arg9[%mul3A_124, %dma_wait3A_135] : memref<10000x128xf32, #tpu.memory_space<vmem_shared>> -> memref<80x128xf32, #tpu.memory_space<vmem_shared>>
        tpu.wait_dma2 semaphore(%run_scoped3A : memref<!tpu.dma_semaphore, #tpu.memory_space<semaphore_mem>>) src(%dma_wait3A_136 : memref<80x128xf32, #tpu.memory_space<vmem_shared>>) dst(%dma_wait3A_134 : memref<80x128xf32, #tpu.memory_space<hbm>>)
        tpu.yield
      }) : () -> ()
    } else {
    }
    %add3A_109 = arith.constant 96 : i32
    %add3A_110 = arith.addi %arg1, %add3A_109 : i32
    %lt3A_111 = arith.constant 125 : i32
    %lt3A_112 = arith.cmpi slt, %add3A_110, %lt3A_111 : i32
    %convert_element_type3A_113 = arith.extui %lt3A_112 : i1 to i32
    %cond3A_114 = arith.constant 0 : i32
    %cond3A_115 = arith.cmpi ne, %convert_element_type3A_113, %cond3A_114 : i32
    scf.if %cond3A_115 {
      %mul3A_123 = arith.constant 80 : i32
      %mul3A_124 = arith.muli %add3A_110, %mul3A_123 : i32
      %mul3A_125 = arith.constant 80 : i32
      %mul3A_126 = arith.muli %add3A_110, %mul3A_125 : i32
      "tpu.region"() ({
        %run_scoped3A = tpu.sem_alloc : memref<!tpu.dma_semaphore, #tpu.memory_space<semaphore_mem>>
        %dma_start3A_127 = arith.constant 0 : i32
        %dma_start3A_128 = tpu.memref_slice %arg5[%arg0, %mul3A_126, %dma_start3A_127] : memref<2x10000x128xf32, #tpu.memory_space<hbm>> -> memref<1x80x128xf32, #tpu.memory_space<hbm>>
        %dma_start3A_129 = tpu.memref_squeeze %dma_start3A_128 : memref<1x80x128xf32, #tpu.memory_space<hbm>> -> memref<80x128xf32, #tpu.memory_space<hbm>>
        %dma_start3A_130 = arith.constant 0 : i32
        %dma_start3A_131 = tpu.memref_slice %arg9[%mul3A_124, %dma_start3A_130] : memref<10000x128xf32, #tpu.memory_space<vmem_shared>> -> memref<80x128xf32, #tpu.memory_space<vmem_shared>>
        tpu.enqueue_dma source(%dma_start3A_131 : memref<80x128xf32, #tpu.memory_space<vmem_shared>>) target(%dma_start3A_129 : memref<80x128xf32, #tpu.memory_space<hbm>>) target_semaphore(%run_scoped3A : memref<!tpu.dma_semaphore, #tpu.memory_space<semaphore_mem>>)
        %dma_wait3A_132 = arith.constant 0 : i32
        %dma_wait3A_133 = tpu.memref_slice %arg5[%arg0, %mul3A_126, %dma_wait3A_132] : memref<2x10000x128xf32, #tpu.memory_space<hbm>> -> memref<1x80x128xf32, #tpu.memory_space<hbm>>
        %dma_wait3A_134 = tpu.memref_squeeze %dma_wait3A_133 : memref<1x80x128xf32, #tpu.memory_space<hbm>> -> memref<80x128xf32, #tpu.memory_space<hbm>>
        %dma_wait3A_135 = arith.constant 0 : i32
        %dma_wait3A_136 = tpu.memref_slice %arg9[%mul3A_124, %dma_wait3A_135] : memref<10000x128xf32, #tpu.memory_space<vmem_shared>> -> memref<80x128xf32, #tpu.memory_space<vmem_shared>>
        tpu.wait_dma2 semaphore(%run_scoped3A : memref<!tpu.dma_semaphore, #tpu.memory_space<semaphore_mem>>) src(%dma_wait3A_136 : memref<80x128xf32, #tpu.memory_space<vmem_shared>>) dst(%dma_wait3A_134 : memref<80x128xf32, #tpu.memory_space<hbm>>)
        tpu.yield
      }) : () -> ()
    } else {
    }
    %add3A_116 = arith.constant 112 : i32
    %add3A_117 = arith.addi %arg1, %add3A_116 : i32
    %lt3A_118 = arith.constant 125 : i32
    %lt3A_119 = arith.cmpi slt, %add3A_117, %lt3A_118 : i32
    %convert_element_type3A_120 = arith.extui %lt3A_119 : i1 to i32
    %cond3A_121 = arith.constant 0 : i32
    %cond3A_122 = arith.cmpi ne, %convert_element_type3A_120, %cond3A_121 : i32
    scf.if %cond3A_122 {
      %mul3A_123 = arith.constant 80 : i32
      %mul3A_124 = arith.muli %add3A_117, %mul3A_123 : i32
      %mul3A_125 = arith.constant 80 : i32
      %mul3A_126 = arith.muli %add3A_117, %mul3A_125 : i32
      "tpu.region"() ({
        %run_scoped3A = tpu.sem_alloc : memref<!tpu.dma_semaphore, #tpu.memory_space<semaphore_mem>>
        %dma_start3A_127 = arith.constant 0 : i32
        %dma_start3A_128 = tpu.memref_slice %arg5[%arg0, %mul3A_126, %dma_start3A_127] : memref<2x10000x128xf32, #tpu.memory_space<hbm>> -> memref<1x80x128xf32, #tpu.memory_space<hbm>>
        %dma_start3A_129 = tpu.memref_squeeze %dma_start3A_128 : memref<1x80x128xf32, #tpu.memory_space<hbm>> -> memref<80x128xf32, #tpu.memory_space<hbm>>
        %dma_start3A_130 = arith.constant 0 : i32
        %dma_start3A_131 = tpu.memref_slice %arg9[%mul3A_124, %dma_start3A_130] : memref<10000x128xf32, #tpu.memory_space<vmem_shared>> -> memref<80x128xf32, #tpu.memory_space<vmem_shared>>
        tpu.enqueue_dma source(%dma_start3A_131 : memref<80x128xf32, #tpu.memory_space<vmem_shared>>) target(%dma_start3A_129 : memref<80x128xf32, #tpu.memory_space<hbm>>) target_semaphore(%run_scoped3A : memref<!tpu.dma_semaphore, #tpu.memory_space<semaphore_mem>>)
        %dma_wait3A_132 = arith.constant 0 : i32
        %dma_wait3A_133 = tpu.memref_slice %arg5[%arg0, %mul3A_126, %dma_wait3A_132] : memref<2x10000x128xf32, #tpu.memory_space<hbm>> -> memref<1x80x128xf32, #tpu.memory_space<hbm>>
        %dma_wait3A_134 = tpu.memref_squeeze %dma_wait3A_133 : memref<1x80x128xf32, #tpu.memory_space<hbm>> -> memref<80x128xf32, #tpu.memory_space<hbm>>
        %dma_wait3A_135 = arith.constant 0 : i32
        %dma_wait3A_136 = tpu.memref_slice %arg9[%mul3A_124, %dma_wait3A_135] : memref<10000x128xf32, #tpu.memory_space<vmem_shared>> -> memref<80x128xf32, #tpu.memory_space<vmem_shared>>
        tpu.wait_dma2 semaphore(%run_scoped3A : memref<!tpu.dma_semaphore, #tpu.memory_space<semaphore_mem>>) src(%dma_wait3A_136 : memref<80x128xf32, #tpu.memory_space<vmem_shared>>) dst(%dma_wait3A_134 : memref<80x128xf32, #tpu.memory_space<hbm>>)
        tpu.yield
      }) : () -> ()
    } else {
    }
    return
  }
}

#map = affine_map<(d0, d1) -> (0, 0)>
#map1 = affine_map<(d0, d1) -> (0)>
#map2 = affine_map<(d0, d1) -> (0, 0, 0)>
module attributes {stable_mosaic.version = 14 : i64} {
  func.func @scat(%arg0: i32, %arg1: i32, %arg2: memref<10000x128xf32, #tpu.memory_space<hbm>>, %arg3: memref<320000xi32, #tpu.memory_space<hbm>>, %arg4: memref<320000xi32, #tpu.memory_space<hbm>>, %arg5: memref<10000x128xf32, #tpu.memory_space<hbm>>, %arg6: memref<2x10000x128xf32, #tpu.memory_space<hbm>>, %arg7: memref<10000xi32, #tpu.memory_space<vmem>>, %arg8: memref<80xi32, #tpu.memory_space<vmem>>, %arg9: memref<80xi32, #tpu.memory_space<vmem>>, %arg10: memref<80x128xf32, #tpu.memory_space<vmem>>, %arg11: memref<80x128xf32, #tpu.memory_space<vmem>>, %arg12: memref<10000x128xf32, #tpu.memory_space<vmem_shared>>, %arg13: memref<!tpu.dma_semaphore, #tpu.memory_space<semaphore_mem>>, %arg14: memref<!tpu.dma_semaphore, #tpu.memory_space<semaphore_mem>>, %arg15: memref<!tpu.dma_semaphore, #tpu.memory_space<semaphore_mem>>, %arg16: memref<!tpu.dma_semaphore, #tpu.memory_space<semaphore_mem>>) attributes {dimension_semantics = [#tpu.dimension_semantics<core_parallel>, #tpu.dimension_semantics<subcore_parallel>], iteration_bounds = array<i64: 2, 16>, scalar_prefetch = 0 : i64, scratch_operands = 10 : i64, tpu.core_type = #tpu.core_type<sc_vector_subcore>, window_params = [{transform_indices = #map}, {transform_indices = #map1}, {transform_indices = #map1}, {transform_indices = #map}, {transform_indices = #map2}]} {
    %mul3A = arith.constant 2 : i32
    %mul3A_0 = arith.muli %arg1, %mul3A : i32
    %add3A = arith.addi %mul3A_0, %arg0 : i32
    %mul3A_1 = arith.constant 10000 : i32
    %mul3A_2 = arith.muli %add3A, %mul3A_1 : i32
    "tpu.region"() ({
      %run_scoped3A = tpu.sem_alloc : memref<!tpu.dma_semaphore, #tpu.memory_space<semaphore_mem>>
      %dma_start3A_133 = tpu.memref_slice %arg3[%mul3A_2] : memref<320000xi32, #tpu.memory_space<hbm>> -> memref<10000xi32, #tpu.memory_space<hbm>>
      %dma_start3A_134 = tpu.memref_slice %arg3[%mul3A_2] : memref<320000xi32, #tpu.memory_space<hbm>> -> memref<10000xi32, #tpu.memory_space<hbm>>
      tpu.enqueue_dma source(%dma_start3A_134 : memref<10000xi32, #tpu.memory_space<hbm>>) target(%arg7 : memref<10000xi32, #tpu.memory_space<vmem>>) target_semaphore(%run_scoped3A : memref<!tpu.dma_semaphore, #tpu.memory_space<semaphore_mem>>)
      %dma_wait3A_135 = tpu.memref_slice %arg3[%mul3A_2] : memref<320000xi32, #tpu.memory_space<hbm>> -> memref<10000xi32, #tpu.memory_space<hbm>>
      %dma_wait3A_136 = tpu.memref_slice %arg3[%mul3A_2] : memref<320000xi32, #tpu.memory_space<hbm>> -> memref<10000xi32, #tpu.memory_space<hbm>>
      tpu.wait_dma2 semaphore(%run_scoped3A : memref<!tpu.dma_semaphore, #tpu.memory_space<semaphore_mem>>) src(%dma_wait3A_136 : memref<10000xi32, #tpu.memory_space<hbm>>) dst(%arg7 : memref<10000xi32, #tpu.memory_space<vmem>>)
      tpu.yield
    }) : () -> ()
    %add3A_3 = arith.constant 0 : i32
    %add3A_4 = arith.addi %mul3A_2, %add3A_3 : i32
    %dma_start3A = tpu.memref_slice %arg4[%add3A_4] : memref<320000xi32, #tpu.memory_space<hbm>> -> memref<80xi32, #tpu.memory_space<hbm>>
    %dma_start3A_5 = tpu.memref_slice %arg4[%add3A_4] : memref<320000xi32, #tpu.memory_space<hbm>> -> memref<80xi32, #tpu.memory_space<hbm>>
    tpu.enqueue_dma source(%dma_start3A_5 : memref<80xi32, #tpu.memory_space<hbm>>) target(%arg8 : memref<80xi32, #tpu.memory_space<vmem>>) target_semaphore(%arg15 : memref<!tpu.dma_semaphore, #tpu.memory_space<semaphore_mem>>)
    %dma_start3A_6 = arith.constant 0 : i32
    %dma_start3A_7 = tpu.memref_slice %arg7[%dma_start3A_6] : memref<10000xi32, #tpu.memory_space<vmem>> -> memref<80xi32, #tpu.memory_space<vmem>>
    %dma_start3A_8 = arith.constant 0 : i32
    %dma_start3A_9 = arith.constant 0 : i32
    %dma_start3A_10 = tpu.memref_slice %arg2[%dma_start3A_8, %dma_start3A_9] : memref<10000x128xf32, #tpu.memory_space<hbm>> -> memref<10000x128xf32, #tpu.memory_space<hbm>>
    tpu.enqueue_indirect_dma source(%dma_start3A_10 : memref<10000x128xf32, #tpu.memory_space<hbm>>) target(%arg10 : memref<80x128xf32, #tpu.memory_space<vmem>>) offsets(%dma_start3A_7 : memref<80xi32, #tpu.memory_space<vmem>>) semaphore(%arg13 : memref<!tpu.dma_semaphore, #tpu.memory_space<semaphore_mem>>)
    %add3A_11 = arith.constant 0 : i32
    %add3A_12 = arith.addi %arg1, %add3A_11 : i32
    %lt3A = arith.constant 125 : i32
    %lt3A_13 = arith.cmpi slt, %add3A_12, %lt3A : i32
    %convert_element_type3A = arith.extui %lt3A_13 : i1 to i32
    %cond3A = arith.constant 0 : i32
    %cond3A_14 = arith.cmpi ne, %convert_element_type3A, %cond3A : i32
    scf.if %cond3A_14 {
      %mul3A_133 = arith.constant 80 : i32
      %mul3A_134 = arith.muli %add3A_12, %mul3A_133 : i32
      %mul3A_135 = arith.constant 80 : i32
      %mul3A_136 = arith.muli %add3A_12, %mul3A_135 : i32
      "tpu.region"() ({
        %run_scoped3A = tpu.sem_alloc : memref<!tpu.dma_semaphore, #tpu.memory_space<semaphore_mem>>
        %dma_start3A_137 = arith.constant 0 : i32
        %dma_start3A_138 = tpu.memref_slice %arg12[%mul3A_136, %dma_start3A_137] : memref<10000x128xf32, #tpu.memory_space<vmem_shared>> -> memref<80x128xf32, #tpu.memory_space<vmem_shared>>
        %dma_start3A_139 = arith.constant 0 : i32
        %dma_start3A_140 = tpu.memref_slice %arg5[%mul3A_134, %dma_start3A_139] : memref<10000x128xf32, #tpu.memory_space<hbm>> -> memref<80x128xf32, #tpu.memory_space<hbm>>
        tpu.enqueue_dma source(%dma_start3A_140 : memref<80x128xf32, #tpu.memory_space<hbm>>) target(%dma_start3A_138 : memref<80x128xf32, #tpu.memory_space<vmem_shared>>) target_semaphore(%run_scoped3A : memref<!tpu.dma_semaphore, #tpu.memory_space<semaphore_mem>>)
        %dma_wait3A_141 = arith.constant 0 : i32
        %dma_wait3A_142 = tpu.memref_slice %arg12[%mul3A_136, %dma_wait3A_141] : memref<10000x128xf32, #tpu.memory_space<vmem_shared>> -> memref<80x128xf32, #tpu.memory_space<vmem_shared>>
        %dma_wait3A_143 = arith.constant 0 : i32
        %dma_wait3A_144 = tpu.memref_slice %arg5[%mul3A_134, %dma_wait3A_143] : memref<10000x128xf32, #tpu.memory_space<hbm>> -> memref<80x128xf32, #tpu.memory_space<hbm>>
        tpu.wait_dma2 semaphore(%run_scoped3A : memref<!tpu.dma_semaphore, #tpu.memory_space<semaphore_mem>>) src(%dma_wait3A_144 : memref<80x128xf32, #tpu.memory_space<hbm>>) dst(%dma_wait3A_142 : memref<80x128xf32, #tpu.memory_space<vmem_shared>>)
        tpu.yield
      }) : () -> ()
    } else {
    }
    %add3A_15 = arith.constant 16 : i32
    %add3A_16 = arith.addi %arg1, %add3A_15 : i32
    %lt3A_17 = arith.constant 125 : i32
    %lt3A_18 = arith.cmpi slt, %add3A_16, %lt3A_17 : i32
    %convert_element_type3A_19 = arith.extui %lt3A_18 : i1 to i32
    %cond3A_20 = arith.constant 0 : i32
    %cond3A_21 = arith.cmpi ne, %convert_element_type3A_19, %cond3A_20 : i32
    scf.if %cond3A_21 {
      %mul3A_133 = arith.constant 80 : i32
      %mul3A_134 = arith.muli %add3A_16, %mul3A_133 : i32
      %mul3A_135 = arith.constant 80 : i32
      %mul3A_136 = arith.muli %add3A_16, %mul3A_135 : i32
      "tpu.region"() ({
        %run_scoped3A = tpu.sem_alloc : memref<!tpu.dma_semaphore, #tpu.memory_space<semaphore_mem>>
        %dma_start3A_137 = arith.constant 0 : i32
        %dma_start3A_138 = tpu.memref_slice %arg12[%mul3A_136, %dma_start3A_137] : memref<10000x128xf32, #tpu.memory_space<vmem_shared>> -> memref<80x128xf32, #tpu.memory_space<vmem_shared>>
        %dma_start3A_139 = arith.constant 0 : i32
        %dma_start3A_140 = tpu.memref_slice %arg5[%mul3A_134, %dma_start3A_139] : memref<10000x128xf32, #tpu.memory_space<hbm>> -> memref<80x128xf32, #tpu.memory_space<hbm>>
        tpu.enqueue_dma source(%dma_start3A_140 : memref<80x128xf32, #tpu.memory_space<hbm>>) target(%dma_start3A_138 : memref<80x128xf32, #tpu.memory_space<vmem_shared>>) target_semaphore(%run_scoped3A : memref<!tpu.dma_semaphore, #tpu.memory_space<semaphore_mem>>)
        %dma_wait3A_141 = arith.constant 0 : i32
        %dma_wait3A_142 = tpu.memref_slice %arg12[%mul3A_136, %dma_wait3A_141] : memref<10000x128xf32, #tpu.memory_space<vmem_shared>> -> memref<80x128xf32, #tpu.memory_space<vmem_shared>>
        %dma_wait3A_143 = arith.constant 0 : i32
        %dma_wait3A_144 = tpu.memref_slice %arg5[%mul3A_134, %dma_wait3A_143] : memref<10000x128xf32, #tpu.memory_space<hbm>> -> memref<80x128xf32, #tpu.memory_space<hbm>>
        tpu.wait_dma2 semaphore(%run_scoped3A : memref<!tpu.dma_semaphore, #tpu.memory_space<semaphore_mem>>) src(%dma_wait3A_144 : memref<80x128xf32, #tpu.memory_space<hbm>>) dst(%dma_wait3A_142 : memref<80x128xf32, #tpu.memory_space<vmem_shared>>)
        tpu.yield
      }) : () -> ()
    } else {
    }
    %add3A_22 = arith.constant 32 : i32
    %add3A_23 = arith.addi %arg1, %add3A_22 : i32
    %lt3A_24 = arith.constant 125 : i32
    %lt3A_25 = arith.cmpi slt, %add3A_23, %lt3A_24 : i32
    %convert_element_type3A_26 = arith.extui %lt3A_25 : i1 to i32
    %cond3A_27 = arith.constant 0 : i32
    %cond3A_28 = arith.cmpi ne, %convert_element_type3A_26, %cond3A_27 : i32
    scf.if %cond3A_28 {
      %mul3A_133 = arith.constant 80 : i32
      %mul3A_134 = arith.muli %add3A_23, %mul3A_133 : i32
      %mul3A_135 = arith.constant 80 : i32
      %mul3A_136 = arith.muli %add3A_23, %mul3A_135 : i32
      "tpu.region"() ({
        %run_scoped3A = tpu.sem_alloc : memref<!tpu.dma_semaphore, #tpu.memory_space<semaphore_mem>>
        %dma_start3A_137 = arith.constant 0 : i32
        %dma_start3A_138 = tpu.memref_slice %arg12[%mul3A_136, %dma_start3A_137] : memref<10000x128xf32, #tpu.memory_space<vmem_shared>> -> memref<80x128xf32, #tpu.memory_space<vmem_shared>>
        %dma_start3A_139 = arith.constant 0 : i32
        %dma_start3A_140 = tpu.memref_slice %arg5[%mul3A_134, %dma_start3A_139] : memref<10000x128xf32, #tpu.memory_space<hbm>> -> memref<80x128xf32, #tpu.memory_space<hbm>>
        tpu.enqueue_dma source(%dma_start3A_140 : memref<80x128xf32, #tpu.memory_space<hbm>>) target(%dma_start3A_138 : memref<80x128xf32, #tpu.memory_space<vmem_shared>>) target_semaphore(%run_scoped3A : memref<!tpu.dma_semaphore, #tpu.memory_space<semaphore_mem>>)
        %dma_wait3A_141 = arith.constant 0 : i32
        %dma_wait3A_142 = tpu.memref_slice %arg12[%mul3A_136, %dma_wait3A_141] : memref<10000x128xf32, #tpu.memory_space<vmem_shared>> -> memref<80x128xf32, #tpu.memory_space<vmem_shared>>
        %dma_wait3A_143 = arith.constant 0 : i32
        %dma_wait3A_144 = tpu.memref_slice %arg5[%mul3A_134, %dma_wait3A_143] : memref<10000x128xf32, #tpu.memory_space<hbm>> -> memref<80x128xf32, #tpu.memory_space<hbm>>
        tpu.wait_dma2 semaphore(%run_scoped3A : memref<!tpu.dma_semaphore, #tpu.memory_space<semaphore_mem>>) src(%dma_wait3A_144 : memref<80x128xf32, #tpu.memory_space<hbm>>) dst(%dma_wait3A_142 : memref<80x128xf32, #tpu.memory_space<vmem_shared>>)
        tpu.yield
      }) : () -> ()
    } else {
    }
    %add3A_29 = arith.constant 48 : i32
    %add3A_30 = arith.addi %arg1, %add3A_29 : i32
    %lt3A_31 = arith.constant 125 : i32
    %lt3A_32 = arith.cmpi slt, %add3A_30, %lt3A_31 : i32
    %convert_element_type3A_33 = arith.extui %lt3A_32 : i1 to i32
    %cond3A_34 = arith.constant 0 : i32
    %cond3A_35 = arith.cmpi ne, %convert_element_type3A_33, %cond3A_34 : i32
    scf.if %cond3A_35 {
      %mul3A_133 = arith.constant 80 : i32
      %mul3A_134 = arith.muli %add3A_30, %mul3A_133 : i32
      %mul3A_135 = arith.constant 80 : i32
      %mul3A_136 = arith.muli %add3A_30, %mul3A_135 : i32
      "tpu.region"() ({
        %run_scoped3A = tpu.sem_alloc : memref<!tpu.dma_semaphore, #tpu.memory_space<semaphore_mem>>
        %dma_start3A_137 = arith.constant 0 : i32
        %dma_start3A_138 = tpu.memref_slice %arg12[%mul3A_136, %dma_start3A_137] : memref<10000x128xf32, #tpu.memory_space<vmem_shared>> -> memref<80x128xf32, #tpu.memory_space<vmem_shared>>
        %dma_start3A_139 = arith.constant 0 : i32
        %dma_start3A_140 = tpu.memref_slice %arg5[%mul3A_134, %dma_start3A_139] : memref<10000x128xf32, #tpu.memory_space<hbm>> -> memref<80x128xf32, #tpu.memory_space<hbm>>
        tpu.enqueue_dma source(%dma_start3A_140 : memref<80x128xf32, #tpu.memory_space<hbm>>) target(%dma_start3A_138 : memref<80x128xf32, #tpu.memory_space<vmem_shared>>) target_semaphore(%run_scoped3A : memref<!tpu.dma_semaphore, #tpu.memory_space<semaphore_mem>>)
        %dma_wait3A_141 = arith.constant 0 : i32
        %dma_wait3A_142 = tpu.memref_slice %arg12[%mul3A_136, %dma_wait3A_141] : memref<10000x128xf32, #tpu.memory_space<vmem_shared>> -> memref<80x128xf32, #tpu.memory_space<vmem_shared>>
        %dma_wait3A_143 = arith.constant 0 : i32
        %dma_wait3A_144 = tpu.memref_slice %arg5[%mul3A_134, %dma_wait3A_143] : memref<10000x128xf32, #tpu.memory_space<hbm>> -> memref<80x128xf32, #tpu.memory_space<hbm>>
        tpu.wait_dma2 semaphore(%run_scoped3A : memref<!tpu.dma_semaphore, #tpu.memory_space<semaphore_mem>>) src(%dma_wait3A_144 : memref<80x128xf32, #tpu.memory_space<hbm>>) dst(%dma_wait3A_142 : memref<80x128xf32, #tpu.memory_space<vmem_shared>>)
        tpu.yield
      }) : () -> ()
    } else {
    }
    %add3A_36 = arith.constant 64 : i32
    %add3A_37 = arith.addi %arg1, %add3A_36 : i32
    %lt3A_38 = arith.constant 125 : i32
    %lt3A_39 = arith.cmpi slt, %add3A_37, %lt3A_38 : i32
    %convert_element_type3A_40 = arith.extui %lt3A_39 : i1 to i32
    %cond3A_41 = arith.constant 0 : i32
    %cond3A_42 = arith.cmpi ne, %convert_element_type3A_40, %cond3A_41 : i32
    scf.if %cond3A_42 {
      %mul3A_133 = arith.constant 80 : i32
      %mul3A_134 = arith.muli %add3A_37, %mul3A_133 : i32
      %mul3A_135 = arith.constant 80 : i32
      %mul3A_136 = arith.muli %add3A_37, %mul3A_135 : i32
      "tpu.region"() ({
        %run_scoped3A = tpu.sem_alloc : memref<!tpu.dma_semaphore, #tpu.memory_space<semaphore_mem>>
        %dma_start3A_137 = arith.constant 0 : i32
        %dma_start3A_138 = tpu.memref_slice %arg12[%mul3A_136, %dma_start3A_137] : memref<10000x128xf32, #tpu.memory_space<vmem_shared>> -> memref<80x128xf32, #tpu.memory_space<vmem_shared>>
        %dma_start3A_139 = arith.constant 0 : i32
        %dma_start3A_140 = tpu.memref_slice %arg5[%mul3A_134, %dma_start3A_139] : memref<10000x128xf32, #tpu.memory_space<hbm>> -> memref<80x128xf32, #tpu.memory_space<hbm>>
        tpu.enqueue_dma source(%dma_start3A_140 : memref<80x128xf32, #tpu.memory_space<hbm>>) target(%dma_start3A_138 : memref<80x128xf32, #tpu.memory_space<vmem_shared>>) target_semaphore(%run_scoped3A : memref<!tpu.dma_semaphore, #tpu.memory_space<semaphore_mem>>)
        %dma_wait3A_141 = arith.constant 0 : i32
        %dma_wait3A_142 = tpu.memref_slice %arg12[%mul3A_136, %dma_wait3A_141] : memref<10000x128xf32, #tpu.memory_space<vmem_shared>> -> memref<80x128xf32, #tpu.memory_space<vmem_shared>>
        %dma_wait3A_143 = arith.constant 0 : i32
        %dma_wait3A_144 = tpu.memref_slice %arg5[%mul3A_134, %dma_wait3A_143] : memref<10000x128xf32, #tpu.memory_space<hbm>> -> memref<80x128xf32, #tpu.memory_space<hbm>>
        tpu.wait_dma2 semaphore(%run_scoped3A : memref<!tpu.dma_semaphore, #tpu.memory_space<semaphore_mem>>) src(%dma_wait3A_144 : memref<80x128xf32, #tpu.memory_space<hbm>>) dst(%dma_wait3A_142 : memref<80x128xf32, #tpu.memory_space<vmem_shared>>)
        tpu.yield
      }) : () -> ()
    } else {
    }
    %add3A_43 = arith.constant 80 : i32
    %add3A_44 = arith.addi %arg1, %add3A_43 : i32
    %lt3A_45 = arith.constant 125 : i32
    %lt3A_46 = arith.cmpi slt, %add3A_44, %lt3A_45 : i32
    %convert_element_type3A_47 = arith.extui %lt3A_46 : i1 to i32
    %cond3A_48 = arith.constant 0 : i32
    %cond3A_49 = arith.cmpi ne, %convert_element_type3A_47, %cond3A_48 : i32
    scf.if %cond3A_49 {
      %mul3A_133 = arith.constant 80 : i32
      %mul3A_134 = arith.muli %add3A_44, %mul3A_133 : i32
      %mul3A_135 = arith.constant 80 : i32
      %mul3A_136 = arith.muli %add3A_44, %mul3A_135 : i32
      "tpu.region"() ({
        %run_scoped3A = tpu.sem_alloc : memref<!tpu.dma_semaphore, #tpu.memory_space<semaphore_mem>>
        %dma_start3A_137 = arith.constant 0 : i32
        %dma_start3A_138 = tpu.memref_slice %arg12[%mul3A_136, %dma_start3A_137] : memref<10000x128xf32, #tpu.memory_space<vmem_shared>> -> memref<80x128xf32, #tpu.memory_space<vmem_shared>>
        %dma_start3A_139 = arith.constant 0 : i32
        %dma_start3A_140 = tpu.memref_slice %arg5[%mul3A_134, %dma_start3A_139] : memref<10000x128xf32, #tpu.memory_space<hbm>> -> memref<80x128xf32, #tpu.memory_space<hbm>>
        tpu.enqueue_dma source(%dma_start3A_140 : memref<80x128xf32, #tpu.memory_space<hbm>>) target(%dma_start3A_138 : memref<80x128xf32, #tpu.memory_space<vmem_shared>>) target_semaphore(%run_scoped3A : memref<!tpu.dma_semaphore, #tpu.memory_space<semaphore_mem>>)
        %dma_wait3A_141 = arith.constant 0 : i32
        %dma_wait3A_142 = tpu.memref_slice %arg12[%mul3A_136, %dma_wait3A_141] : memref<10000x128xf32, #tpu.memory_space<vmem_shared>> -> memref<80x128xf32, #tpu.memory_space<vmem_shared>>
        %dma_wait3A_143 = arith.constant 0 : i32
        %dma_wait3A_144 = tpu.memref_slice %arg5[%mul3A_134, %dma_wait3A_143] : memref<10000x128xf32, #tpu.memory_space<hbm>> -> memref<80x128xf32, #tpu.memory_space<hbm>>
        tpu.wait_dma2 semaphore(%run_scoped3A : memref<!tpu.dma_semaphore, #tpu.memory_space<semaphore_mem>>) src(%dma_wait3A_144 : memref<80x128xf32, #tpu.memory_space<hbm>>) dst(%dma_wait3A_142 : memref<80x128xf32, #tpu.memory_space<vmem_shared>>)
        tpu.yield
      }) : () -> ()
    } else {
    }
    %add3A_50 = arith.constant 96 : i32
    %add3A_51 = arith.addi %arg1, %add3A_50 : i32
    %lt3A_52 = arith.constant 125 : i32
    %lt3A_53 = arith.cmpi slt, %add3A_51, %lt3A_52 : i32
    %convert_element_type3A_54 = arith.extui %lt3A_53 : i1 to i32
    %cond3A_55 = arith.constant 0 : i32
    %cond3A_56 = arith.cmpi ne, %convert_element_type3A_54, %cond3A_55 : i32
    scf.if %cond3A_56 {
      %mul3A_133 = arith.constant 80 : i32
      %mul3A_134 = arith.muli %add3A_51, %mul3A_133 : i32
      %mul3A_135 = arith.constant 80 : i32
      %mul3A_136 = arith.muli %add3A_51, %mul3A_135 : i32
      "tpu.region"() ({
        %run_scoped3A = tpu.sem_alloc : memref<!tpu.dma_semaphore, #tpu.memory_space<semaphore_mem>>
        %dma_start3A_137 = arith.constant 0 : i32
        %dma_start3A_138 = tpu.memref_slice %arg12[%mul3A_136, %dma_start3A_137] : memref<10000x128xf32, #tpu.memory_space<vmem_shared>> -> memref<80x128xf32, #tpu.memory_space<vmem_shared>>
        %dma_start3A_139 = arith.constant 0 : i32
        %dma_start3A_140 = tpu.memref_slice %arg5[%mul3A_134, %dma_start3A_139] : memref<10000x128xf32, #tpu.memory_space<hbm>> -> memref<80x128xf32, #tpu.memory_space<hbm>>
        tpu.enqueue_dma source(%dma_start3A_140 : memref<80x128xf32, #tpu.memory_space<hbm>>) target(%dma_start3A_138 : memref<80x128xf32, #tpu.memory_space<vmem_shared>>) target_semaphore(%run_scoped3A : memref<!tpu.dma_semaphore, #tpu.memory_space<semaphore_mem>>)
        %dma_wait3A_141 = arith.constant 0 : i32
        %dma_wait3A_142 = tpu.memref_slice %arg12[%mul3A_136, %dma_wait3A_141] : memref<10000x128xf32, #tpu.memory_space<vmem_shared>> -> memref<80x128xf32, #tpu.memory_space<vmem_shared>>
        %dma_wait3A_143 = arith.constant 0 : i32
        %dma_wait3A_144 = tpu.memref_slice %arg5[%mul3A_134, %dma_wait3A_143] : memref<10000x128xf32, #tpu.memory_space<hbm>> -> memref<80x128xf32, #tpu.memory_space<hbm>>
        tpu.wait_dma2 semaphore(%run_scoped3A : memref<!tpu.dma_semaphore, #tpu.memory_space<semaphore_mem>>) src(%dma_wait3A_144 : memref<80x128xf32, #tpu.memory_space<hbm>>) dst(%dma_wait3A_142 : memref<80x128xf32, #tpu.memory_space<vmem_shared>>)
        tpu.yield
      }) : () -> ()
    } else {
    }
    %add3A_57 = arith.constant 112 : i32
    %add3A_58 = arith.addi %arg1, %add3A_57 : i32
    %lt3A_59 = arith.constant 125 : i32
    %lt3A_60 = arith.cmpi slt, %add3A_58, %lt3A_59 : i32
    %convert_element_type3A_61 = arith.extui %lt3A_60 : i1 to i32
    %cond3A_62 = arith.constant 0 : i32
    %cond3A_63 = arith.cmpi ne, %convert_element_type3A_61, %cond3A_62 : i32
    scf.if %cond3A_63 {
      %mul3A_133 = arith.constant 80 : i32
      %mul3A_134 = arith.muli %add3A_58, %mul3A_133 : i32
      %mul3A_135 = arith.constant 80 : i32
      %mul3A_136 = arith.muli %add3A_58, %mul3A_135 : i32
      "tpu.region"() ({
        %run_scoped3A = tpu.sem_alloc : memref<!tpu.dma_semaphore, #tpu.memory_space<semaphore_mem>>
        %dma_start3A_137 = arith.constant 0 : i32
        %dma_start3A_138 = tpu.memref_slice %arg12[%mul3A_136, %dma_start3A_137] : memref<10000x128xf32, #tpu.memory_space<vmem_shared>> -> memref<80x128xf32, #tpu.memory_space<vmem_shared>>
        %dma_start3A_139 = arith.constant 0 : i32
        %dma_start3A_140 = tpu.memref_slice %arg5[%mul3A_134, %dma_start3A_139] : memref<10000x128xf32, #tpu.memory_space<hbm>> -> memref<80x128xf32, #tpu.memory_space<hbm>>
        tpu.enqueue_dma source(%dma_start3A_140 : memref<80x128xf32, #tpu.memory_space<hbm>>) target(%dma_start3A_138 : memref<80x128xf32, #tpu.memory_space<vmem_shared>>) target_semaphore(%run_scoped3A : memref<!tpu.dma_semaphore, #tpu.memory_space<semaphore_mem>>)
        %dma_wait3A_141 = arith.constant 0 : i32
        %dma_wait3A_142 = tpu.memref_slice %arg12[%mul3A_136, %dma_wait3A_141] : memref<10000x128xf32, #tpu.memory_space<vmem_shared>> -> memref<80x128xf32, #tpu.memory_space<vmem_shared>>
        %dma_wait3A_143 = arith.constant 0 : i32
        %dma_wait3A_144 = tpu.memref_slice %arg5[%mul3A_134, %dma_wait3A_143] : memref<10000x128xf32, #tpu.memory_space<hbm>> -> memref<80x128xf32, #tpu.memory_space<hbm>>
        tpu.wait_dma2 semaphore(%run_scoped3A : memref<!tpu.dma_semaphore, #tpu.memory_space<semaphore_mem>>) src(%dma_wait3A_144 : memref<80x128xf32, #tpu.memory_space<hbm>>) dst(%dma_wait3A_142 : memref<80x128xf32, #tpu.memory_space<vmem_shared>>)
        tpu.yield
      }) : () -> ()
    } else {
    }
    %barrier3A = arith.constant 0 : index
    tpu.barrier barrier_id(%barrier3A)
    %scan3A = arith.constant 0 : i32
    %scan3A_64 = arith.constant 62 : i32
    %scan3A_65 = arith.addi %scan3A, %scan3A_64 : i32
    %scan3A_66 = arith.constant 1 : i32
    scf.for %scan3A_133 = %scan3A to %scan3A_65 step %scan3A_66  : i32 {
      %mul3A_134 = arith.constant 2 : i32
      %mul3A_135 = arith.muli %mul3A_134, %scan3A_133 : i32
      %add3A_136 = arith.constant 1 : i32
      %add3A_137 = arith.addi %mul3A_135, %add3A_136 : i32
      %mul3A_138 = arith.constant 2 : i32
      %mul3A_139 = arith.muli %mul3A_138, %scan3A_133 : i32
      %add3A_140 = arith.constant 2 : i32
      %add3A_141 = arith.addi %mul3A_139, %add3A_140 : i32
      %mul3A_142 = arith.constant 80 : i32
      %mul3A_143 = arith.muli %add3A_137, %mul3A_142 : i32
      %add3A_144 = arith.addi %mul3A_2, %mul3A_143 : i32
      %dma_start3A_145 = tpu.memref_slice %arg4[%add3A_144] : memref<320000xi32, #tpu.memory_space<hbm>> -> memref<80xi32, #tpu.memory_space<hbm>>
      %dma_start3A_146 = tpu.memref_slice %arg4[%add3A_144] : memref<320000xi32, #tpu.memory_space<hbm>> -> memref<80xi32, #tpu.memory_space<hbm>>
      tpu.enqueue_dma source(%dma_start3A_146 : memref<80xi32, #tpu.memory_space<hbm>>) target(%arg9 : memref<80xi32, #tpu.memory_space<vmem>>) target_semaphore(%arg16 : memref<!tpu.dma_semaphore, #tpu.memory_space<semaphore_mem>>)
      %mul3A_147 = arith.constant 80 : i32
      %mul3A_148 = arith.muli %add3A_137, %mul3A_147 : i32
      %dma_start3A_149 = tpu.memref_slice %arg7[%mul3A_148] : memref<10000xi32, #tpu.memory_space<vmem>> -> memref<80xi32, #tpu.memory_space<vmem>>
      %dma_start3A_150 = arith.constant 0 : i32
      %dma_start3A_151 = arith.constant 0 : i32
      %dma_start3A_152 = tpu.memref_slice %arg2[%dma_start3A_150, %dma_start3A_151] : memref<10000x128xf32, #tpu.memory_space<hbm>> -> memref<10000x128xf32, #tpu.memory_space<hbm>>
      tpu.enqueue_indirect_dma source(%dma_start3A_152 : memref<10000x128xf32, #tpu.memory_space<hbm>>) target(%arg11 : memref<80x128xf32, #tpu.memory_space<vmem>>) offsets(%dma_start3A_149 : memref<80xi32, #tpu.memory_space<vmem>>) semaphore(%arg14 : memref<!tpu.dma_semaphore, #tpu.memory_space<semaphore_mem>>)
      %sub3A = arith.constant 1 : i32
      %sub3A_153 = arith.subi %add3A_137, %sub3A : i32
      %mul3A_154 = arith.constant 80 : i32
      %mul3A_155 = arith.muli %sub3A_153, %mul3A_154 : i32
      %add3A_156 = arith.addi %mul3A_2, %mul3A_155 : i32
      %dma_wait3A_157 = tpu.memref_slice %arg4[%add3A_156] : memref<320000xi32, #tpu.memory_space<hbm>> -> memref<80xi32, #tpu.memory_space<hbm>>
      %dma_wait3A_158 = tpu.memref_slice %arg4[%add3A_156] : memref<320000xi32, #tpu.memory_space<hbm>> -> memref<80xi32, #tpu.memory_space<hbm>>
      tpu.wait_dma2 semaphore(%arg15 : memref<!tpu.dma_semaphore, #tpu.memory_space<semaphore_mem>>) src(%dma_wait3A_158 : memref<80xi32, #tpu.memory_space<hbm>>) dst(%arg8 : memref<80xi32, #tpu.memory_space<vmem>>)
      %sub3A_159 = arith.constant 1 : i32
      %sub3A_160 = arith.subi %add3A_137, %sub3A_159 : i32
      %mul3A_161 = arith.constant 80 : i32
      %mul3A_162 = arith.muli %sub3A_160, %mul3A_161 : i32
      %dma_wait3A_163 = tpu.memref_slice %arg7[%mul3A_162] : memref<10000xi32, #tpu.memory_space<vmem>> -> memref<80xi32, #tpu.memory_space<vmem>>
      %dma_wait3A_164 = arith.constant 0 : i32
      %dma_wait3A_165 = arith.constant 0 : i32
      %dma_wait3A_166 = tpu.memref_slice %arg2[%dma_wait3A_164, %dma_wait3A_165] : memref<10000x128xf32, #tpu.memory_space<hbm>> -> memref<10000x128xf32, #tpu.memory_space<hbm>>
      tpu.wait_indirect_dma semaphore(%arg13 : memref<!tpu.dma_semaphore, #tpu.memory_space<semaphore_mem>>) src(%dma_wait3A_166 : memref<10000x128xf32, #tpu.memory_space<hbm>>) dst(%arg10 : memref<80x128xf32, #tpu.memory_space<vmem>>)
      "tpu.region"() ({
        %run_scoped3A = tpu.sem_alloc : memref<!tpu.dma_semaphore, #tpu.memory_space<semaphore_mem>>
        %dma_start3A_189 = arith.constant 0 : i32
        %dma_start3A_190 = arith.constant 0 : i32
        %dma_start3A_191 = tpu.memref_slice %arg12[%dma_start3A_189, %dma_start3A_190] : memref<10000x128xf32, #tpu.memory_space<vmem_shared>> -> memref<10000x128xf32, #tpu.memory_space<vmem_shared>>
        tpu.enqueue_indirect_dma source(%arg10 : memref<80x128xf32, #tpu.memory_space<vmem>>) target(%dma_start3A_191 : memref<10000x128xf32, #tpu.memory_space<vmem_shared>>) offsets(%arg8 : memref<80xi32, #tpu.memory_space<vmem>>) semaphore(%run_scoped3A : memref<!tpu.dma_semaphore, #tpu.memory_space<semaphore_mem>>) {add = true}
        %dma_wait3A_192 = arith.constant 0 : i32
        %dma_wait3A_193 = arith.constant 0 : i32
        %dma_wait3A_194 = tpu.memref_slice %arg12[%dma_wait3A_192, %dma_wait3A_193] : memref<10000x128xf32, #tpu.memory_space<vmem_shared>> -> memref<10000x128xf32, #tpu.memory_space<vmem_shared>>
        tpu.wait_indirect_dma semaphore(%run_scoped3A : memref<!tpu.dma_semaphore, #tpu.memory_space<semaphore_mem>>) src(%arg10 : memref<80x128xf32, #tpu.memory_space<vmem>>) dst(%dma_wait3A_194 : memref<10000x128xf32, #tpu.memory_space<vmem_shared>>)
        tpu.yield
      }) : () -> ()
      %mul3A_167 = arith.constant 80 : i32
      %mul3A_168 = arith.muli %add3A_141, %mul3A_167 : i32
      %add3A_169 = arith.addi %mul3A_2, %mul3A_168 : i32
      %dma_start3A_170 = tpu.memref_slice %arg4[%add3A_169] : memref<320000xi32, #tpu.memory_space<hbm>> -> memref<80xi32, #tpu.memory_space<hbm>>
      %dma_start3A_171 = tpu.memref_slice %arg4[%add3A_169] : memref<320000xi32, #tpu.memory_space<hbm>> -> memref<80xi32, #tpu.memory_space<hbm>>
      tpu.enqueue_dma source(%dma_start3A_171 : memref<80xi32, #tpu.memory_space<hbm>>) target(%arg8 : memref<80xi32, #tpu.memory_space<vmem>>) target_semaphore(%arg15 : memref<!tpu.dma_semaphore, #tpu.memory_space<semaphore_mem>>)
      %mul3A_172 = arith.constant 80 : i32
      %mul3A_173 = arith.muli %add3A_141, %mul3A_172 : i32
      %dma_start3A_174 = tpu.memref_slice %arg7[%mul3A_173] : memref<10000xi32, #tpu.memory_space<vmem>> -> memref<80xi32, #tpu.memory_space<vmem>>
      %dma_start3A_175 = arith.constant 0 : i32
      %dma_start3A_176 = arith.constant 0 : i32
      %dma_start3A_177 = tpu.memref_slice %arg2[%dma_start3A_175, %dma_start3A_176] : memref<10000x128xf32, #tpu.memory_space<hbm>> -> memref<10000x128xf32, #tpu.memory_space<hbm>>
      tpu.enqueue_indirect_dma source(%dma_start3A_177 : memref<10000x128xf32, #tpu.memory_space<hbm>>) target(%arg10 : memref<80x128xf32, #tpu.memory_space<vmem>>) offsets(%dma_start3A_174 : memref<80xi32, #tpu.memory_space<vmem>>) semaphore(%arg13 : memref<!tpu.dma_semaphore, #tpu.memory_space<semaphore_mem>>)
      %mul3A_178 = arith.constant 80 : i32
      %mul3A_179 = arith.muli %add3A_137, %mul3A_178 : i32
      %add3A_180 = arith.addi %mul3A_2, %mul3A_179 : i32
      %dma_wait3A_181 = tpu.memref_slice %arg4[%add3A_180] : memref<320000xi32, #tpu.memory_space<hbm>> -> memref<80xi32, #tpu.memory_space<hbm>>
      %dma_wait3A_182 = tpu.memref_slice %arg4[%add3A_180] : memref<320000xi32, #tpu.memory_space<hbm>> -> memref<80xi32, #tpu.memory_space<hbm>>
      tpu.wait_dma2 semaphore(%arg16 : memref<!tpu.dma_semaphore, #tpu.memory_space<semaphore_mem>>) src(%dma_wait3A_182 : memref<80xi32, #tpu.memory_space<hbm>>) dst(%arg9 : memref<80xi32, #tpu.memory_space<vmem>>)
      %mul3A_183 = arith.constant 80 : i32
      %mul3A_184 = arith.muli %add3A_137, %mul3A_183 : i32
      %dma_wait3A_185 = tpu.memref_slice %arg7[%mul3A_184] : memref<10000xi32, #tpu.memory_space<vmem>> -> memref<80xi32, #tpu.memory_space<vmem>>
      %dma_wait3A_186 = arith.constant 0 : i32
      %dma_wait3A_187 = arith.constant 0 : i32
      %dma_wait3A_188 = tpu.memref_slice %arg2[%dma_wait3A_186, %dma_wait3A_187] : memref<10000x128xf32, #tpu.memory_space<hbm>> -> memref<10000x128xf32, #tpu.memory_space<hbm>>
      tpu.wait_indirect_dma semaphore(%arg14 : memref<!tpu.dma_semaphore, #tpu.memory_space<semaphore_mem>>) src(%dma_wait3A_188 : memref<10000x128xf32, #tpu.memory_space<hbm>>) dst(%arg11 : memref<80x128xf32, #tpu.memory_space<vmem>>)
      "tpu.region"() ({
        %run_scoped3A = tpu.sem_alloc : memref<!tpu.dma_semaphore, #tpu.memory_space<semaphore_mem>>
        %dma_start3A_189 = arith.constant 0 : i32
        %dma_start3A_190 = arith.constant 0 : i32
        %dma_start3A_191 = tpu.memref_slice %arg12[%dma_start3A_189, %dma_start3A_190] : memref<10000x128xf32, #tpu.memory_space<vmem_shared>> -> memref<10000x128xf32, #tpu.memory_space<vmem_shared>>
        tpu.enqueue_indirect_dma source(%arg11 : memref<80x128xf32, #tpu.memory_space<vmem>>) target(%dma_start3A_191 : memref<10000x128xf32, #tpu.memory_space<vmem_shared>>) offsets(%arg9 : memref<80xi32, #tpu.memory_space<vmem>>) semaphore(%run_scoped3A : memref<!tpu.dma_semaphore, #tpu.memory_space<semaphore_mem>>) {add = true}
        %dma_wait3A_192 = arith.constant 0 : i32
        %dma_wait3A_193 = arith.constant 0 : i32
        %dma_wait3A_194 = tpu.memref_slice %arg12[%dma_wait3A_192, %dma_wait3A_193] : memref<10000x128xf32, #tpu.memory_space<vmem_shared>> -> memref<10000x128xf32, #tpu.memory_space<vmem_shared>>
        tpu.wait_indirect_dma semaphore(%run_scoped3A : memref<!tpu.dma_semaphore, #tpu.memory_space<semaphore_mem>>) src(%arg11 : memref<80x128xf32, #tpu.memory_space<vmem>>) dst(%dma_wait3A_194 : memref<10000x128xf32, #tpu.memory_space<vmem_shared>>)
        tpu.yield
      }) : () -> ()
    }
    %scan3A_67 = arith.constant 62 : i32
    %add3A_68 = arith.constant 9920 : i32
    %add3A_69 = arith.addi %mul3A_2, %add3A_68 : i32
    %dma_wait3A = tpu.memref_slice %arg4[%add3A_69] : memref<320000xi32, #tpu.memory_space<hbm>> -> memref<80xi32, #tpu.memory_space<hbm>>
    %dma_wait3A_70 = tpu.memref_slice %arg4[%add3A_69] : memref<320000xi32, #tpu.memory_space<hbm>> -> memref<80xi32, #tpu.memory_space<hbm>>
    tpu.wait_dma2 semaphore(%arg15 : memref<!tpu.dma_semaphore, #tpu.memory_space<semaphore_mem>>) src(%dma_wait3A_70 : memref<80xi32, #tpu.memory_space<hbm>>) dst(%arg8 : memref<80xi32, #tpu.memory_space<vmem>>)
    %dma_wait3A_71 = arith.constant 9920 : i32
    %dma_wait3A_72 = tpu.memref_slice %arg7[%dma_wait3A_71] : memref<10000xi32, #tpu.memory_space<vmem>> -> memref<80xi32, #tpu.memory_space<vmem>>
    %dma_wait3A_73 = arith.constant 0 : i32
    %dma_wait3A_74 = arith.constant 0 : i32
    %dma_wait3A_75 = tpu.memref_slice %arg2[%dma_wait3A_73, %dma_wait3A_74] : memref<10000x128xf32, #tpu.memory_space<hbm>> -> memref<10000x128xf32, #tpu.memory_space<hbm>>
    tpu.wait_indirect_dma semaphore(%arg13 : memref<!tpu.dma_semaphore, #tpu.memory_space<semaphore_mem>>) src(%dma_wait3A_75 : memref<10000x128xf32, #tpu.memory_space<hbm>>) dst(%arg10 : memref<80x128xf32, #tpu.memory_space<vmem>>)
    "tpu.region"() ({
      %run_scoped3A = tpu.sem_alloc : memref<!tpu.dma_semaphore, #tpu.memory_space<semaphore_mem>>
      %dma_start3A_133 = arith.constant 0 : i32
      %dma_start3A_134 = arith.constant 0 : i32
      %dma_start3A_135 = tpu.memref_slice %arg12[%dma_start3A_133, %dma_start3A_134] : memref<10000x128xf32, #tpu.memory_space<vmem_shared>> -> memref<10000x128xf32, #tpu.memory_space<vmem_shared>>
      tpu.enqueue_indirect_dma source(%arg10 : memref<80x128xf32, #tpu.memory_space<vmem>>) target(%dma_start3A_135 : memref<10000x128xf32, #tpu.memory_space<vmem_shared>>) offsets(%arg8 : memref<80xi32, #tpu.memory_space<vmem>>) semaphore(%run_scoped3A : memref<!tpu.dma_semaphore, #tpu.memory_space<semaphore_mem>>) {add = true}
      %dma_wait3A_136 = arith.constant 0 : i32
      %dma_wait3A_137 = arith.constant 0 : i32
      %dma_wait3A_138 = tpu.memref_slice %arg12[%dma_wait3A_136, %dma_wait3A_137] : memref<10000x128xf32, #tpu.memory_space<vmem_shared>> -> memref<10000x128xf32, #tpu.memory_space<vmem_shared>>
      tpu.wait_indirect_dma semaphore(%run_scoped3A : memref<!tpu.dma_semaphore, #tpu.memory_space<semaphore_mem>>) src(%arg10 : memref<80x128xf32, #tpu.memory_space<vmem>>) dst(%dma_wait3A_138 : memref<10000x128xf32, #tpu.memory_space<vmem_shared>>)
      tpu.yield
    }) : () -> ()
    %barrier3A_76 = arith.constant 0 : index
    tpu.barrier barrier_id(%barrier3A_76)
    %add3A_77 = arith.constant 0 : i32
    %add3A_78 = arith.addi %arg1, %add3A_77 : i32
    %lt3A_79 = arith.constant 125 : i32
    %lt3A_80 = arith.cmpi slt, %add3A_78, %lt3A_79 : i32
    %convert_element_type3A_81 = arith.extui %lt3A_80 : i1 to i32
    %cond3A_82 = arith.constant 0 : i32
    %cond3A_83 = arith.cmpi ne, %convert_element_type3A_81, %cond3A_82 : i32
    scf.if %cond3A_83 {
      %mul3A_133 = arith.constant 80 : i32
      %mul3A_134 = arith.muli %add3A_78, %mul3A_133 : i32
      %mul3A_135 = arith.constant 80 : i32
      %mul3A_136 = arith.muli %add3A_78, %mul3A_135 : i32
      "tpu.region"() ({
        %run_scoped3A = tpu.sem_alloc : memref<!tpu.dma_semaphore, #tpu.memory_space<semaphore_mem>>
        %dma_start3A_137 = arith.constant 0 : i32
        %dma_start3A_138 = tpu.memref_slice %arg6[%arg0, %mul3A_136, %dma_start3A_137] : memref<2x10000x128xf32, #tpu.memory_space<hbm>> -> memref<1x80x128xf32, #tpu.memory_space<hbm>>
        %dma_start3A_139 = tpu.memref_squeeze %dma_start3A_138 : memref<1x80x128xf32, #tpu.memory_space<hbm>> -> memref<80x128xf32, #tpu.memory_space<hbm>>
        %dma_start3A_140 = arith.constant 0 : i32
        %dma_start3A_141 = tpu.memref_slice %arg12[%mul3A_134, %dma_start3A_140] : memref<10000x128xf32, #tpu.memory_space<vmem_shared>> -> memref<80x128xf32, #tpu.memory_space<vmem_shared>>
        tpu.enqueue_dma source(%dma_start3A_141 : memref<80x128xf32, #tpu.memory_space<vmem_shared>>) target(%dma_start3A_139 : memref<80x128xf32, #tpu.memory_space<hbm>>) target_semaphore(%run_scoped3A : memref<!tpu.dma_semaphore, #tpu.memory_space<semaphore_mem>>)
        %dma_wait3A_142 = arith.constant 0 : i32
        %dma_wait3A_143 = tpu.memref_slice %arg6[%arg0, %mul3A_136, %dma_wait3A_142] : memref<2x10000x128xf32, #tpu.memory_space<hbm>> -> memref<1x80x128xf32, #tpu.memory_space<hbm>>
        %dma_wait3A_144 = tpu.memref_squeeze %dma_wait3A_143 : memref<1x80x128xf32, #tpu.memory_space<hbm>> -> memref<80x128xf32, #tpu.memory_space<hbm>>
        %dma_wait3A_145 = arith.constant 0 : i32
        %dma_wait3A_146 = tpu.memref_slice %arg12[%mul3A_134, %dma_wait3A_145] : memref<10000x128xf32, #tpu.memory_space<vmem_shared>> -> memref<80x128xf32, #tpu.memory_space<vmem_shared>>
        tpu.wait_dma2 semaphore(%run_scoped3A : memref<!tpu.dma_semaphore, #tpu.memory_space<semaphore_mem>>) src(%dma_wait3A_146 : memref<80x128xf32, #tpu.memory_space<vmem_shared>>) dst(%dma_wait3A_144 : memref<80x128xf32, #tpu.memory_space<hbm>>)
        tpu.yield
      }) : () -> ()
    } else {
    }
    %add3A_84 = arith.constant 16 : i32
    %add3A_85 = arith.addi %arg1, %add3A_84 : i32
    %lt3A_86 = arith.constant 125 : i32
    %lt3A_87 = arith.cmpi slt, %add3A_85, %lt3A_86 : i32
    %convert_element_type3A_88 = arith.extui %lt3A_87 : i1 to i32
    %cond3A_89 = arith.constant 0 : i32
    %cond3A_90 = arith.cmpi ne, %convert_element_type3A_88, %cond3A_89 : i32
    scf.if %cond3A_90 {
      %mul3A_133 = arith.constant 80 : i32
      %mul3A_134 = arith.muli %add3A_85, %mul3A_133 : i32
      %mul3A_135 = arith.constant 80 : i32
      %mul3A_136 = arith.muli %add3A_85, %mul3A_135 : i32
      "tpu.region"() ({
        %run_scoped3A = tpu.sem_alloc : memref<!tpu.dma_semaphore, #tpu.memory_space<semaphore_mem>>
        %dma_start3A_137 = arith.constant 0 : i32
        %dma_start3A_138 = tpu.memref_slice %arg6[%arg0, %mul3A_136, %dma_start3A_137] : memref<2x10000x128xf32, #tpu.memory_space<hbm>> -> memref<1x80x128xf32, #tpu.memory_space<hbm>>
        %dma_start3A_139 = tpu.memref_squeeze %dma_start3A_138 : memref<1x80x128xf32, #tpu.memory_space<hbm>> -> memref<80x128xf32, #tpu.memory_space<hbm>>
        %dma_start3A_140 = arith.constant 0 : i32
        %dma_start3A_141 = tpu.memref_slice %arg12[%mul3A_134, %dma_start3A_140] : memref<10000x128xf32, #tpu.memory_space<vmem_shared>> -> memref<80x128xf32, #tpu.memory_space<vmem_shared>>
        tpu.enqueue_dma source(%dma_start3A_141 : memref<80x128xf32, #tpu.memory_space<vmem_shared>>) target(%dma_start3A_139 : memref<80x128xf32, #tpu.memory_space<hbm>>) target_semaphore(%run_scoped3A : memref<!tpu.dma_semaphore, #tpu.memory_space<semaphore_mem>>)
        %dma_wait3A_142 = arith.constant 0 : i32
        %dma_wait3A_143 = tpu.memref_slice %arg6[%arg0, %mul3A_136, %dma_wait3A_142] : memref<2x10000x128xf32, #tpu.memory_space<hbm>> -> memref<1x80x128xf32, #tpu.memory_space<hbm>>
        %dma_wait3A_144 = tpu.memref_squeeze %dma_wait3A_143 : memref<1x80x128xf32, #tpu.memory_space<hbm>> -> memref<80x128xf32, #tpu.memory_space<hbm>>
        %dma_wait3A_145 = arith.constant 0 : i32
        %dma_wait3A_146 = tpu.memref_slice %arg12[%mul3A_134, %dma_wait3A_145] : memref<10000x128xf32, #tpu.memory_space<vmem_shared>> -> memref<80x128xf32, #tpu.memory_space<vmem_shared>>
        tpu.wait_dma2 semaphore(%run_scoped3A : memref<!tpu.dma_semaphore, #tpu.memory_space<semaphore_mem>>) src(%dma_wait3A_146 : memref<80x128xf32, #tpu.memory_space<vmem_shared>>) dst(%dma_wait3A_144 : memref<80x128xf32, #tpu.memory_space<hbm>>)
        tpu.yield
      }) : () -> ()
    } else {
    }
    %add3A_91 = arith.constant 32 : i32
    %add3A_92 = arith.addi %arg1, %add3A_91 : i32
    %lt3A_93 = arith.constant 125 : i32
    %lt3A_94 = arith.cmpi slt, %add3A_92, %lt3A_93 : i32
    %convert_element_type3A_95 = arith.extui %lt3A_94 : i1 to i32
    %cond3A_96 = arith.constant 0 : i32
    %cond3A_97 = arith.cmpi ne, %convert_element_type3A_95, %cond3A_96 : i32
    scf.if %cond3A_97 {
      %mul3A_133 = arith.constant 80 : i32
      %mul3A_134 = arith.muli %add3A_92, %mul3A_133 : i32
      %mul3A_135 = arith.constant 80 : i32
      %mul3A_136 = arith.muli %add3A_92, %mul3A_135 : i32
      "tpu.region"() ({
        %run_scoped3A = tpu.sem_alloc : memref<!tpu.dma_semaphore, #tpu.memory_space<semaphore_mem>>
        %dma_start3A_137 = arith.constant 0 : i32
        %dma_start3A_138 = tpu.memref_slice %arg6[%arg0, %mul3A_136, %dma_start3A_137] : memref<2x10000x128xf32, #tpu.memory_space<hbm>> -> memref<1x80x128xf32, #tpu.memory_space<hbm>>
        %dma_start3A_139 = tpu.memref_squeeze %dma_start3A_138 : memref<1x80x128xf32, #tpu.memory_space<hbm>> -> memref<80x128xf32, #tpu.memory_space<hbm>>
        %dma_start3A_140 = arith.constant 0 : i32
        %dma_start3A_141 = tpu.memref_slice %arg12[%mul3A_134, %dma_start3A_140] : memref<10000x128xf32, #tpu.memory_space<vmem_shared>> -> memref<80x128xf32, #tpu.memory_space<vmem_shared>>
        tpu.enqueue_dma source(%dma_start3A_141 : memref<80x128xf32, #tpu.memory_space<vmem_shared>>) target(%dma_start3A_139 : memref<80x128xf32, #tpu.memory_space<hbm>>) target_semaphore(%run_scoped3A : memref<!tpu.dma_semaphore, #tpu.memory_space<semaphore_mem>>)
        %dma_wait3A_142 = arith.constant 0 : i32
        %dma_wait3A_143 = tpu.memref_slice %arg6[%arg0, %mul3A_136, %dma_wait3A_142] : memref<2x10000x128xf32, #tpu.memory_space<hbm>> -> memref<1x80x128xf32, #tpu.memory_space<hbm>>
        %dma_wait3A_144 = tpu.memref_squeeze %dma_wait3A_143 : memref<1x80x128xf32, #tpu.memory_space<hbm>> -> memref<80x128xf32, #tpu.memory_space<hbm>>
        %dma_wait3A_145 = arith.constant 0 : i32
        %dma_wait3A_146 = tpu.memref_slice %arg12[%mul3A_134, %dma_wait3A_145] : memref<10000x128xf32, #tpu.memory_space<vmem_shared>> -> memref<80x128xf32, #tpu.memory_space<vmem_shared>>
        tpu.wait_dma2 semaphore(%run_scoped3A : memref<!tpu.dma_semaphore, #tpu.memory_space<semaphore_mem>>) src(%dma_wait3A_146 : memref<80x128xf32, #tpu.memory_space<vmem_shared>>) dst(%dma_wait3A_144 : memref<80x128xf32, #tpu.memory_space<hbm>>)
        tpu.yield
      }) : () -> ()
    } else {
    }
    %add3A_98 = arith.constant 48 : i32
    %add3A_99 = arith.addi %arg1, %add3A_98 : i32
    %lt3A_100 = arith.constant 125 : i32
    %lt3A_101 = arith.cmpi slt, %add3A_99, %lt3A_100 : i32
    %convert_element_type3A_102 = arith.extui %lt3A_101 : i1 to i32
    %cond3A_103 = arith.constant 0 : i32
    %cond3A_104 = arith.cmpi ne, %convert_element_type3A_102, %cond3A_103 : i32
    scf.if %cond3A_104 {
      %mul3A_133 = arith.constant 80 : i32
      %mul3A_134 = arith.muli %add3A_99, %mul3A_133 : i32
      %mul3A_135 = arith.constant 80 : i32
      %mul3A_136 = arith.muli %add3A_99, %mul3A_135 : i32
      "tpu.region"() ({
        %run_scoped3A = tpu.sem_alloc : memref<!tpu.dma_semaphore, #tpu.memory_space<semaphore_mem>>
        %dma_start3A_137 = arith.constant 0 : i32
        %dma_start3A_138 = tpu.memref_slice %arg6[%arg0, %mul3A_136, %dma_start3A_137] : memref<2x10000x128xf32, #tpu.memory_space<hbm>> -> memref<1x80x128xf32, #tpu.memory_space<hbm>>
        %dma_start3A_139 = tpu.memref_squeeze %dma_start3A_138 : memref<1x80x128xf32, #tpu.memory_space<hbm>> -> memref<80x128xf32, #tpu.memory_space<hbm>>
        %dma_start3A_140 = arith.constant 0 : i32
        %dma_start3A_141 = tpu.memref_slice %arg12[%mul3A_134, %dma_start3A_140] : memref<10000x128xf32, #tpu.memory_space<vmem_shared>> -> memref<80x128xf32, #tpu.memory_space<vmem_shared>>
        tpu.enqueue_dma source(%dma_start3A_141 : memref<80x128xf32, #tpu.memory_space<vmem_shared>>) target(%dma_start3A_139 : memref<80x128xf32, #tpu.memory_space<hbm>>) target_semaphore(%run_scoped3A : memref<!tpu.dma_semaphore, #tpu.memory_space<semaphore_mem>>)
        %dma_wait3A_142 = arith.constant 0 : i32
        %dma_wait3A_143 = tpu.memref_slice %arg6[%arg0, %mul3A_136, %dma_wait3A_142] : memref<2x10000x128xf32, #tpu.memory_space<hbm>> -> memref<1x80x128xf32, #tpu.memory_space<hbm>>
        %dma_wait3A_144 = tpu.memref_squeeze %dma_wait3A_143 : memref<1x80x128xf32, #tpu.memory_space<hbm>> -> memref<80x128xf32, #tpu.memory_space<hbm>>
        %dma_wait3A_145 = arith.constant 0 : i32
        %dma_wait3A_146 = tpu.memref_slice %arg12[%mul3A_134, %dma_wait3A_145] : memref<10000x128xf32, #tpu.memory_space<vmem_shared>> -> memref<80x128xf32, #tpu.memory_space<vmem_shared>>
        tpu.wait_dma2 semaphore(%run_scoped3A : memref<!tpu.dma_semaphore, #tpu.memory_space<semaphore_mem>>) src(%dma_wait3A_146 : memref<80x128xf32, #tpu.memory_space<vmem_shared>>) dst(%dma_wait3A_144 : memref<80x128xf32, #tpu.memory_space<hbm>>)
        tpu.yield
      }) : () -> ()
    } else {
    }
    %add3A_105 = arith.constant 64 : i32
    %add3A_106 = arith.addi %arg1, %add3A_105 : i32
    %lt3A_107 = arith.constant 125 : i32
    %lt3A_108 = arith.cmpi slt, %add3A_106, %lt3A_107 : i32
    %convert_element_type3A_109 = arith.extui %lt3A_108 : i1 to i32
    %cond3A_110 = arith.constant 0 : i32
    %cond3A_111 = arith.cmpi ne, %convert_element_type3A_109, %cond3A_110 : i32
    scf.if %cond3A_111 {
      %mul3A_133 = arith.constant 80 : i32
      %mul3A_134 = arith.muli %add3A_106, %mul3A_133 : i32
      %mul3A_135 = arith.constant 80 : i32
      %mul3A_136 = arith.muli %add3A_106, %mul3A_135 : i32
      "tpu.region"() ({
        %run_scoped3A = tpu.sem_alloc : memref<!tpu.dma_semaphore, #tpu.memory_space<semaphore_mem>>
        %dma_start3A_137 = arith.constant 0 : i32
        %dma_start3A_138 = tpu.memref_slice %arg6[%arg0, %mul3A_136, %dma_start3A_137] : memref<2x10000x128xf32, #tpu.memory_space<hbm>> -> memref<1x80x128xf32, #tpu.memory_space<hbm>>
        %dma_start3A_139 = tpu.memref_squeeze %dma_start3A_138 : memref<1x80x128xf32, #tpu.memory_space<hbm>> -> memref<80x128xf32, #tpu.memory_space<hbm>>
        %dma_start3A_140 = arith.constant 0 : i32
        %dma_start3A_141 = tpu.memref_slice %arg12[%mul3A_134, %dma_start3A_140] : memref<10000x128xf32, #tpu.memory_space<vmem_shared>> -> memref<80x128xf32, #tpu.memory_space<vmem_shared>>
        tpu.enqueue_dma source(%dma_start3A_141 : memref<80x128xf32, #tpu.memory_space<vmem_shared>>) target(%dma_start3A_139 : memref<80x128xf32, #tpu.memory_space<hbm>>) target_semaphore(%run_scoped3A : memref<!tpu.dma_semaphore, #tpu.memory_space<semaphore_mem>>)
        %dma_wait3A_142 = arith.constant 0 : i32
        %dma_wait3A_143 = tpu.memref_slice %arg6[%arg0, %mul3A_136, %dma_wait3A_142] : memref<2x10000x128xf32, #tpu.memory_space<hbm>> -> memref<1x80x128xf32, #tpu.memory_space<hbm>>
        %dma_wait3A_144 = tpu.memref_squeeze %dma_wait3A_143 : memref<1x80x128xf32, #tpu.memory_space<hbm>> -> memref<80x128xf32, #tpu.memory_space<hbm>>
        %dma_wait3A_145 = arith.constant 0 : i32
        %dma_wait3A_146 = tpu.memref_slice %arg12[%mul3A_134, %dma_wait3A_145] : memref<10000x128xf32, #tpu.memory_space<vmem_shared>> -> memref<80x128xf32, #tpu.memory_space<vmem_shared>>
        tpu.wait_dma2 semaphore(%run_scoped3A : memref<!tpu.dma_semaphore, #tpu.memory_space<semaphore_mem>>) src(%dma_wait3A_146 : memref<80x128xf32, #tpu.memory_space<vmem_shared>>) dst(%dma_wait3A_144 : memref<80x128xf32, #tpu.memory_space<hbm>>)
        tpu.yield
      }) : () -> ()
    } else {
    }
    %add3A_112 = arith.constant 80 : i32
    %add3A_113 = arith.addi %arg1, %add3A_112 : i32
    %lt3A_114 = arith.constant 125 : i32
    %lt3A_115 = arith.cmpi slt, %add3A_113, %lt3A_114 : i32
    %convert_element_type3A_116 = arith.extui %lt3A_115 : i1 to i32
    %cond3A_117 = arith.constant 0 : i32
    %cond3A_118 = arith.cmpi ne, %convert_element_type3A_116, %cond3A_117 : i32
    scf.if %cond3A_118 {
      %mul3A_133 = arith.constant 80 : i32
      %mul3A_134 = arith.muli %add3A_113, %mul3A_133 : i32
      %mul3A_135 = arith.constant 80 : i32
      %mul3A_136 = arith.muli %add3A_113, %mul3A_135 : i32
      "tpu.region"() ({
        %run_scoped3A = tpu.sem_alloc : memref<!tpu.dma_semaphore, #tpu.memory_space<semaphore_mem>>
        %dma_start3A_137 = arith.constant 0 : i32
        %dma_start3A_138 = tpu.memref_slice %arg6[%arg0, %mul3A_136, %dma_start3A_137] : memref<2x10000x128xf32, #tpu.memory_space<hbm>> -> memref<1x80x128xf32, #tpu.memory_space<hbm>>
        %dma_start3A_139 = tpu.memref_squeeze %dma_start3A_138 : memref<1x80x128xf32, #tpu.memory_space<hbm>> -> memref<80x128xf32, #tpu.memory_space<hbm>>
        %dma_start3A_140 = arith.constant 0 : i32
        %dma_start3A_141 = tpu.memref_slice %arg12[%mul3A_134, %dma_start3A_140] : memref<10000x128xf32, #tpu.memory_space<vmem_shared>> -> memref<80x128xf32, #tpu.memory_space<vmem_shared>>
        tpu.enqueue_dma source(%dma_start3A_141 : memref<80x128xf32, #tpu.memory_space<vmem_shared>>) target(%dma_start3A_139 : memref<80x128xf32, #tpu.memory_space<hbm>>) target_semaphore(%run_scoped3A : memref<!tpu.dma_semaphore, #tpu.memory_space<semaphore_mem>>)
        %dma_wait3A_142 = arith.constant 0 : i32
        %dma_wait3A_143 = tpu.memref_slice %arg6[%arg0, %mul3A_136, %dma_wait3A_142] : memref<2x10000x128xf32, #tpu.memory_space<hbm>> -> memref<1x80x128xf32, #tpu.memory_space<hbm>>
        %dma_wait3A_144 = tpu.memref_squeeze %dma_wait3A_143 : memref<1x80x128xf32, #tpu.memory_space<hbm>> -> memref<80x128xf32, #tpu.memory_space<hbm>>
        %dma_wait3A_145 = arith.constant 0 : i32
        %dma_wait3A_146 = tpu.memref_slice %arg12[%mul3A_134, %dma_wait3A_145] : memref<10000x128xf32, #tpu.memory_space<vmem_shared>> -> memref<80x128xf32, #tpu.memory_space<vmem_shared>>
        tpu.wait_dma2 semaphore(%run_scoped3A : memref<!tpu.dma_semaphore, #tpu.memory_space<semaphore_mem>>) src(%dma_wait3A_146 : memref<80x128xf32, #tpu.memory_space<vmem_shared>>) dst(%dma_wait3A_144 : memref<80x128xf32, #tpu.memory_space<hbm>>)
        tpu.yield
      }) : () -> ()
    } else {
    }
    %add3A_119 = arith.constant 96 : i32
    %add3A_120 = arith.addi %arg1, %add3A_119 : i32
    %lt3A_121 = arith.constant 125 : i32
    %lt3A_122 = arith.cmpi slt, %add3A_120, %lt3A_121 : i32
    %convert_element_type3A_123 = arith.extui %lt3A_122 : i1 to i32
    %cond3A_124 = arith.constant 0 : i32
    %cond3A_125 = arith.cmpi ne, %convert_element_type3A_123, %cond3A_124 : i32
    scf.if %cond3A_125 {
      %mul3A_133 = arith.constant 80 : i32
      %mul3A_134 = arith.muli %add3A_120, %mul3A_133 : i32
      %mul3A_135 = arith.constant 80 : i32
      %mul3A_136 = arith.muli %add3A_120, %mul3A_135 : i32
      "tpu.region"() ({
        %run_scoped3A = tpu.sem_alloc : memref<!tpu.dma_semaphore, #tpu.memory_space<semaphore_mem>>
        %dma_start3A_137 = arith.constant 0 : i32
        %dma_start3A_138 = tpu.memref_slice %arg6[%arg0, %mul3A_136, %dma_start3A_137] : memref<2x10000x128xf32, #tpu.memory_space<hbm>> -> memref<1x80x128xf32, #tpu.memory_space<hbm>>
        %dma_start3A_139 = tpu.memref_squeeze %dma_start3A_138 : memref<1x80x128xf32, #tpu.memory_space<hbm>> -> memref<80x128xf32, #tpu.memory_space<hbm>>
        %dma_start3A_140 = arith.constant 0 : i32
        %dma_start3A_141 = tpu.memref_slice %arg12[%mul3A_134, %dma_start3A_140] : memref<10000x128xf32, #tpu.memory_space<vmem_shared>> -> memref<80x128xf32, #tpu.memory_space<vmem_shared>>
        tpu.enqueue_dma source(%dma_start3A_141 : memref<80x128xf32, #tpu.memory_space<vmem_shared>>) target(%dma_start3A_139 : memref<80x128xf32, #tpu.memory_space<hbm>>) target_semaphore(%run_scoped3A : memref<!tpu.dma_semaphore, #tpu.memory_space<semaphore_mem>>)
        %dma_wait3A_142 = arith.constant 0 : i32
        %dma_wait3A_143 = tpu.memref_slice %arg6[%arg0, %mul3A_136, %dma_wait3A_142] : memref<2x10000x128xf32, #tpu.memory_space<hbm>> -> memref<1x80x128xf32, #tpu.memory_space<hbm>>
        %dma_wait3A_144 = tpu.memref_squeeze %dma_wait3A_143 : memref<1x80x128xf32, #tpu.memory_space<hbm>> -> memref<80x128xf32, #tpu.memory_space<hbm>>
        %dma_wait3A_145 = arith.constant 0 : i32
        %dma_wait3A_146 = tpu.memref_slice %arg12[%mul3A_134, %dma_wait3A_145] : memref<10000x128xf32, #tpu.memory_space<vmem_shared>> -> memref<80x128xf32, #tpu.memory_space<vmem_shared>>
        tpu.wait_dma2 semaphore(%run_scoped3A : memref<!tpu.dma_semaphore, #tpu.memory_space<semaphore_mem>>) src(%dma_wait3A_146 : memref<80x128xf32, #tpu.memory_space<vmem_shared>>) dst(%dma_wait3A_144 : memref<80x128xf32, #tpu.memory_space<hbm>>)
        tpu.yield
      }) : () -> ()
    } else {
    }
    %add3A_126 = arith.constant 112 : i32
    %add3A_127 = arith.addi %arg1, %add3A_126 : i32
    %lt3A_128 = arith.constant 125 : i32
    %lt3A_129 = arith.cmpi slt, %add3A_127, %lt3A_128 : i32
    %convert_element_type3A_130 = arith.extui %lt3A_129 : i1 to i32
    %cond3A_131 = arith.constant 0 : i32
    %cond3A_132 = arith.cmpi ne, %convert_element_type3A_130, %cond3A_131 : i32
    scf.if %cond3A_132 {
      %mul3A_133 = arith.constant 80 : i32
      %mul3A_134 = arith.muli %add3A_127, %mul3A_133 : i32
      %mul3A_135 = arith.constant 80 : i32
      %mul3A_136 = arith.muli %add3A_127, %mul3A_135 : i32
      "tpu.region"() ({
        %run_scoped3A = tpu.sem_alloc : memref<!tpu.dma_semaphore, #tpu.memory_space<semaphore_mem>>
        %dma_start3A_137 = arith.constant 0 : i32
        %dma_start3A_138 = tpu.memref_slice %arg6[%arg0, %mul3A_136, %dma_start3A_137] : memref<2x10000x128xf32, #tpu.memory_space<hbm>> -> memref<1x80x128xf32, #tpu.memory_space<hbm>>
        %dma_start3A_139 = tpu.memref_squeeze %dma_start3A_138 : memref<1x80x128xf32, #tpu.memory_space<hbm>> -> memref<80x128xf32, #tpu.memory_space<hbm>>
        %dma_start3A_140 = arith.constant 0 : i32
        %dma_start3A_141 = tpu.memref_slice %arg12[%mul3A_134, %dma_start3A_140] : memref<10000x128xf32, #tpu.memory_space<vmem_shared>> -> memref<80x128xf32, #tpu.memory_space<vmem_shared>>
        tpu.enqueue_dma source(%dma_start3A_141 : memref<80x128xf32, #tpu.memory_space<vmem_shared>>) target(%dma_start3A_139 : memref<80x128xf32, #tpu.memory_space<hbm>>) target_semaphore(%run_scoped3A : memref<!tpu.dma_semaphore, #tpu.memory_space<semaphore_mem>>)
        %dma_wait3A_142 = arith.constant 0 : i32
        %dma_wait3A_143 = tpu.memref_slice %arg6[%arg0, %mul3A_136, %dma_wait3A_142] : memref<2x10000x128xf32, #tpu.memory_space<hbm>> -> memref<1x80x128xf32, #tpu.memory_space<hbm>>
        %dma_wait3A_144 = tpu.memref_squeeze %dma_wait3A_143 : memref<1x80x128xf32, #tpu.memory_space<hbm>> -> memref<80x128xf32, #tpu.memory_space<hbm>>
        %dma_wait3A_145 = arith.constant 0 : i32
        %dma_wait3A_146 = tpu.memref_slice %arg12[%mul3A_134, %dma_wait3A_145] : memref<10000x128xf32, #tpu.memory_space<vmem_shared>> -> memref<80x128xf32, #tpu.memory_space<vmem_shared>>
        tpu.wait_dma2 semaphore(%run_scoped3A : memref<!tpu.dma_semaphore, #tpu.memory_space<semaphore_mem>>) src(%dma_wait3A_146 : memref<80x128xf32, #tpu.memory_space<vmem_shared>>) dst(%dma_wait3A_144 : memref<80x128xf32, #tpu.memory_space<hbm>>)
        tpu.yield
      }) : () -> ()
    } else {
    }
    return
  }
}

#map = affine_map<(d0, d1) -> (0, 0)>
#map1 = affine_map<(d0, d1) -> (0)>
#map2 = affine_map<(d0, d1) -> (0, 0, 0)>
module attributes {stable_mosaic.version = 14 : i64} {
  func.func @scat(%arg0: i32, %arg1: i32, %arg2: memref<10000x128xf32, #tpu.memory_space<hbm>>, %arg3: memref<320000xi32, #tpu.memory_space<hbm>>, %arg4: memref<320000xi32, #tpu.memory_space<hbm>>, %arg5: memref<10000x128xf32, #tpu.memory_space<hbm>>, %arg6: memref<2x10000x128xf32, #tpu.memory_space<hbm>>, %arg7: memref<10000xi32, #tpu.memory_space<vmem>>, %arg8: memref<80xi32, #tpu.memory_space<vmem>>, %arg9: memref<80xi32, #tpu.memory_space<vmem>>, %arg10: memref<80x128xf32, #tpu.memory_space<vmem>>, %arg11: memref<80x128xf32, #tpu.memory_space<vmem>>, %arg12: memref<10000x128xf32, #tpu.memory_space<vmem_shared>>, %arg13: memref<!tpu.dma_semaphore, #tpu.memory_space<semaphore_mem>>, %arg14: memref<!tpu.dma_semaphore, #tpu.memory_space<semaphore_mem>>, %arg15: memref<!tpu.dma_semaphore, #tpu.memory_space<semaphore_mem>>, %arg16: memref<!tpu.dma_semaphore, #tpu.memory_space<semaphore_mem>>) attributes {dimension_semantics = [#tpu.dimension_semantics<core_parallel>, #tpu.dimension_semantics<subcore_parallel>], iteration_bounds = array<i64: 2, 16>, scalar_prefetch = 0 : i64, scratch_operands = 10 : i64, tpu.core_type = #tpu.core_type<sc_vector_subcore>, window_params = [{transform_indices = #map}, {transform_indices = #map1}, {transform_indices = #map1}, {transform_indices = #map}, {transform_indices = #map2}]} {
    %mul3A = arith.constant 2 : i32
    %mul3A_0 = arith.muli %arg1, %mul3A : i32
    %add3A = arith.addi %mul3A_0, %arg0 : i32
    %mul3A_1 = arith.constant 10000 : i32
    %mul3A_2 = arith.muli %add3A, %mul3A_1 : i32
    "tpu.region"() ({
      %run_scoped3A = tpu.sem_alloc : memref<!tpu.dma_semaphore, #tpu.memory_space<semaphore_mem>>
      %dma_start3A_133 = tpu.memref_slice %arg3[%mul3A_2] : memref<320000xi32, #tpu.memory_space<hbm>> -> memref<10000xi32, #tpu.memory_space<hbm>>
      %dma_start3A_134 = tpu.memref_slice %arg3[%mul3A_2] : memref<320000xi32, #tpu.memory_space<hbm>> -> memref<10000xi32, #tpu.memory_space<hbm>>
      tpu.enqueue_dma source(%dma_start3A_134 : memref<10000xi32, #tpu.memory_space<hbm>>) target(%arg7 : memref<10000xi32, #tpu.memory_space<vmem>>) target_semaphore(%run_scoped3A : memref<!tpu.dma_semaphore, #tpu.memory_space<semaphore_mem>>)
      %dma_wait3A_135 = tpu.memref_slice %arg3[%mul3A_2] : memref<320000xi32, #tpu.memory_space<hbm>> -> memref<10000xi32, #tpu.memory_space<hbm>>
      %dma_wait3A_136 = tpu.memref_slice %arg3[%mul3A_2] : memref<320000xi32, #tpu.memory_space<hbm>> -> memref<10000xi32, #tpu.memory_space<hbm>>
      tpu.wait_dma2 semaphore(%run_scoped3A : memref<!tpu.dma_semaphore, #tpu.memory_space<semaphore_mem>>) src(%dma_wait3A_136 : memref<10000xi32, #tpu.memory_space<hbm>>) dst(%arg7 : memref<10000xi32, #tpu.memory_space<vmem>>)
      tpu.yield
    }) : () -> ()
    %add3A_3 = arith.constant 0 : i32
    %add3A_4 = arith.addi %mul3A_2, %add3A_3 : i32
    %dma_start3A = tpu.memref_slice %arg4[%add3A_4] : memref<320000xi32, #tpu.memory_space<hbm>> -> memref<80xi32, #tpu.memory_space<hbm>>
    %dma_start3A_5 = tpu.memref_slice %arg4[%add3A_4] : memref<320000xi32, #tpu.memory_space<hbm>> -> memref<80xi32, #tpu.memory_space<hbm>>
    tpu.enqueue_dma source(%dma_start3A_5 : memref<80xi32, #tpu.memory_space<hbm>>) target(%arg8 : memref<80xi32, #tpu.memory_space<vmem>>) target_semaphore(%arg15 : memref<!tpu.dma_semaphore, #tpu.memory_space<semaphore_mem>>)
    %dma_start3A_6 = arith.constant 0 : i32
    %dma_start3A_7 = tpu.memref_slice %arg7[%dma_start3A_6] : memref<10000xi32, #tpu.memory_space<vmem>> -> memref<80xi32, #tpu.memory_space<vmem>>
    %dma_start3A_8 = arith.constant 0 : i32
    %dma_start3A_9 = arith.constant 0 : i32
    %dma_start3A_10 = tpu.memref_slice %arg2[%dma_start3A_8, %dma_start3A_9] : memref<10000x128xf32, #tpu.memory_space<hbm>> -> memref<10000x128xf32, #tpu.memory_space<hbm>>
    tpu.enqueue_indirect_dma source(%dma_start3A_10 : memref<10000x128xf32, #tpu.memory_space<hbm>>) target(%arg10 : memref<80x128xf32, #tpu.memory_space<vmem>>) offsets(%dma_start3A_7 : memref<80xi32, #tpu.memory_space<vmem>>) semaphore(%arg13 : memref<!tpu.dma_semaphore, #tpu.memory_space<semaphore_mem>>)
    %add3A_11 = arith.constant 0 : i32
    %add3A_12 = arith.addi %arg1, %add3A_11 : i32
    %lt3A = arith.constant 125 : i32
    %lt3A_13 = arith.cmpi slt, %add3A_12, %lt3A : i32
    %convert_element_type3A = arith.extui %lt3A_13 : i1 to i32
    %cond3A = arith.constant 0 : i32
    %cond3A_14 = arith.cmpi ne, %convert_element_type3A, %cond3A : i32
    scf.if %cond3A_14 {
      %mul3A_133 = arith.constant 80 : i32
      %mul3A_134 = arith.muli %add3A_12, %mul3A_133 : i32
      %mul3A_135 = arith.constant 80 : i32
      %mul3A_136 = arith.muli %add3A_12, %mul3A_135 : i32
      "tpu.region"() ({
        %run_scoped3A = tpu.sem_alloc : memref<!tpu.dma_semaphore, #tpu.memory_space<semaphore_mem>>
        %dma_start3A_137 = arith.constant 0 : i32
        %dma_start3A_138 = tpu.memref_slice %arg12[%mul3A_136, %dma_start3A_137] : memref<10000x128xf32, #tpu.memory_space<vmem_shared>> -> memref<80x128xf32, #tpu.memory_space<vmem_shared>>
        %dma_start3A_139 = arith.constant 0 : i32
        %dma_start3A_140 = tpu.memref_slice %arg5[%mul3A_134, %dma_start3A_139] : memref<10000x128xf32, #tpu.memory_space<hbm>> -> memref<80x128xf32, #tpu.memory_space<hbm>>
        tpu.enqueue_dma source(%dma_start3A_140 : memref<80x128xf32, #tpu.memory_space<hbm>>) target(%dma_start3A_138 : memref<80x128xf32, #tpu.memory_space<vmem_shared>>) target_semaphore(%run_scoped3A : memref<!tpu.dma_semaphore, #tpu.memory_space<semaphore_mem>>)
        %dma_wait3A_141 = arith.constant 0 : i32
        %dma_wait3A_142 = tpu.memref_slice %arg12[%mul3A_136, %dma_wait3A_141] : memref<10000x128xf32, #tpu.memory_space<vmem_shared>> -> memref<80x128xf32, #tpu.memory_space<vmem_shared>>
        %dma_wait3A_143 = arith.constant 0 : i32
        %dma_wait3A_144 = tpu.memref_slice %arg5[%mul3A_134, %dma_wait3A_143] : memref<10000x128xf32, #tpu.memory_space<hbm>> -> memref<80x128xf32, #tpu.memory_space<hbm>>
        tpu.wait_dma2 semaphore(%run_scoped3A : memref<!tpu.dma_semaphore, #tpu.memory_space<semaphore_mem>>) src(%dma_wait3A_144 : memref<80x128xf32, #tpu.memory_space<hbm>>) dst(%dma_wait3A_142 : memref<80x128xf32, #tpu.memory_space<vmem_shared>>)
        tpu.yield
      }) : () -> ()
    } else {
    }
    %add3A_15 = arith.constant 16 : i32
    %add3A_16 = arith.addi %arg1, %add3A_15 : i32
    %lt3A_17 = arith.constant 125 : i32
    %lt3A_18 = arith.cmpi slt, %add3A_16, %lt3A_17 : i32
    %convert_element_type3A_19 = arith.extui %lt3A_18 : i1 to i32
    %cond3A_20 = arith.constant 0 : i32
    %cond3A_21 = arith.cmpi ne, %convert_element_type3A_19, %cond3A_20 : i32
    scf.if %cond3A_21 {
      %mul3A_133 = arith.constant 80 : i32
      %mul3A_134 = arith.muli %add3A_16, %mul3A_133 : i32
      %mul3A_135 = arith.constant 80 : i32
      %mul3A_136 = arith.muli %add3A_16, %mul3A_135 : i32
      "tpu.region"() ({
        %run_scoped3A = tpu.sem_alloc : memref<!tpu.dma_semaphore, #tpu.memory_space<semaphore_mem>>
        %dma_start3A_137 = arith.constant 0 : i32
        %dma_start3A_138 = tpu.memref_slice %arg12[%mul3A_136, %dma_start3A_137] : memref<10000x128xf32, #tpu.memory_space<vmem_shared>> -> memref<80x128xf32, #tpu.memory_space<vmem_shared>>
        %dma_start3A_139 = arith.constant 0 : i32
        %dma_start3A_140 = tpu.memref_slice %arg5[%mul3A_134, %dma_start3A_139] : memref<10000x128xf32, #tpu.memory_space<hbm>> -> memref<80x128xf32, #tpu.memory_space<hbm>>
        tpu.enqueue_dma source(%dma_start3A_140 : memref<80x128xf32, #tpu.memory_space<hbm>>) target(%dma_start3A_138 : memref<80x128xf32, #tpu.memory_space<vmem_shared>>) target_semaphore(%run_scoped3A : memref<!tpu.dma_semaphore, #tpu.memory_space<semaphore_mem>>)
        %dma_wait3A_141 = arith.constant 0 : i32
        %dma_wait3A_142 = tpu.memref_slice %arg12[%mul3A_136, %dma_wait3A_141] : memref<10000x128xf32, #tpu.memory_space<vmem_shared>> -> memref<80x128xf32, #tpu.memory_space<vmem_shared>>
        %dma_wait3A_143 = arith.constant 0 : i32
        %dma_wait3A_144 = tpu.memref_slice %arg5[%mul3A_134, %dma_wait3A_143] : memref<10000x128xf32, #tpu.memory_space<hbm>> -> memref<80x128xf32, #tpu.memory_space<hbm>>
        tpu.wait_dma2 semaphore(%run_scoped3A : memref<!tpu.dma_semaphore, #tpu.memory_space<semaphore_mem>>) src(%dma_wait3A_144 : memref<80x128xf32, #tpu.memory_space<hbm>>) dst(%dma_wait3A_142 : memref<80x128xf32, #tpu.memory_space<vmem_shared>>)
        tpu.yield
      }) : () -> ()
    } else {
    }
    %add3A_22 = arith.constant 32 : i32
    %add3A_23 = arith.addi %arg1, %add3A_22 : i32
    %lt3A_24 = arith.constant 125 : i32
    %lt3A_25 = arith.cmpi slt, %add3A_23, %lt3A_24 : i32
    %convert_element_type3A_26 = arith.extui %lt3A_25 : i1 to i32
    %cond3A_27 = arith.constant 0 : i32
    %cond3A_28 = arith.cmpi ne, %convert_element_type3A_26, %cond3A_27 : i32
    scf.if %cond3A_28 {
      %mul3A_133 = arith.constant 80 : i32
      %mul3A_134 = arith.muli %add3A_23, %mul3A_133 : i32
      %mul3A_135 = arith.constant 80 : i32
      %mul3A_136 = arith.muli %add3A_23, %mul3A_135 : i32
      "tpu.region"() ({
        %run_scoped3A = tpu.sem_alloc : memref<!tpu.dma_semaphore, #tpu.memory_space<semaphore_mem>>
        %dma_start3A_137 = arith.constant 0 : i32
        %dma_start3A_138 = tpu.memref_slice %arg12[%mul3A_136, %dma_start3A_137] : memref<10000x128xf32, #tpu.memory_space<vmem_shared>> -> memref<80x128xf32, #tpu.memory_space<vmem_shared>>
        %dma_start3A_139 = arith.constant 0 : i32
        %dma_start3A_140 = tpu.memref_slice %arg5[%mul3A_134, %dma_start3A_139] : memref<10000x128xf32, #tpu.memory_space<hbm>> -> memref<80x128xf32, #tpu.memory_space<hbm>>
        tpu.enqueue_dma source(%dma_start3A_140 : memref<80x128xf32, #tpu.memory_space<hbm>>) target(%dma_start3A_138 : memref<80x128xf32, #tpu.memory_space<vmem_shared>>) target_semaphore(%run_scoped3A : memref<!tpu.dma_semaphore, #tpu.memory_space<semaphore_mem>>)
        %dma_wait3A_141 = arith.constant 0 : i32
        %dma_wait3A_142 = tpu.memref_slice %arg12[%mul3A_136, %dma_wait3A_141] : memref<10000x128xf32, #tpu.memory_space<vmem_shared>> -> memref<80x128xf32, #tpu.memory_space<vmem_shared>>
        %dma_wait3A_143 = arith.constant 0 : i32
        %dma_wait3A_144 = tpu.memref_slice %arg5[%mul3A_134, %dma_wait3A_143] : memref<10000x128xf32, #tpu.memory_space<hbm>> -> memref<80x128xf32, #tpu.memory_space<hbm>>
        tpu.wait_dma2 semaphore(%run_scoped3A : memref<!tpu.dma_semaphore, #tpu.memory_space<semaphore_mem>>) src(%dma_wait3A_144 : memref<80x128xf32, #tpu.memory_space<hbm>>) dst(%dma_wait3A_142 : memref<80x128xf32, #tpu.memory_space<vmem_shared>>)
        tpu.yield
      }) : () -> ()
    } else {
    }
    %add3A_29 = arith.constant 48 : i32
    %add3A_30 = arith.addi %arg1, %add3A_29 : i32
    %lt3A_31 = arith.constant 125 : i32
    %lt3A_32 = arith.cmpi slt, %add3A_30, %lt3A_31 : i32
    %convert_element_type3A_33 = arith.extui %lt3A_32 : i1 to i32
    %cond3A_34 = arith.constant 0 : i32
    %cond3A_35 = arith.cmpi ne, %convert_element_type3A_33, %cond3A_34 : i32
    scf.if %cond3A_35 {
      %mul3A_133 = arith.constant 80 : i32
      %mul3A_134 = arith.muli %add3A_30, %mul3A_133 : i32
      %mul3A_135 = arith.constant 80 : i32
      %mul3A_136 = arith.muli %add3A_30, %mul3A_135 : i32
      "tpu.region"() ({
        %run_scoped3A = tpu.sem_alloc : memref<!tpu.dma_semaphore, #tpu.memory_space<semaphore_mem>>
        %dma_start3A_137 = arith.constant 0 : i32
        %dma_start3A_138 = tpu.memref_slice %arg12[%mul3A_136, %dma_start3A_137] : memref<10000x128xf32, #tpu.memory_space<vmem_shared>> -> memref<80x128xf32, #tpu.memory_space<vmem_shared>>
        %dma_start3A_139 = arith.constant 0 : i32
        %dma_start3A_140 = tpu.memref_slice %arg5[%mul3A_134, %dma_start3A_139] : memref<10000x128xf32, #tpu.memory_space<hbm>> -> memref<80x128xf32, #tpu.memory_space<hbm>>
        tpu.enqueue_dma source(%dma_start3A_140 : memref<80x128xf32, #tpu.memory_space<hbm>>) target(%dma_start3A_138 : memref<80x128xf32, #tpu.memory_space<vmem_shared>>) target_semaphore(%run_scoped3A : memref<!tpu.dma_semaphore, #tpu.memory_space<semaphore_mem>>)
        %dma_wait3A_141 = arith.constant 0 : i32
        %dma_wait3A_142 = tpu.memref_slice %arg12[%mul3A_136, %dma_wait3A_141] : memref<10000x128xf32, #tpu.memory_space<vmem_shared>> -> memref<80x128xf32, #tpu.memory_space<vmem_shared>>
        %dma_wait3A_143 = arith.constant 0 : i32
        %dma_wait3A_144 = tpu.memref_slice %arg5[%mul3A_134, %dma_wait3A_143] : memref<10000x128xf32, #tpu.memory_space<hbm>> -> memref<80x128xf32, #tpu.memory_space<hbm>>
        tpu.wait_dma2 semaphore(%run_scoped3A : memref<!tpu.dma_semaphore, #tpu.memory_space<semaphore_mem>>) src(%dma_wait3A_144 : memref<80x128xf32, #tpu.memory_space<hbm>>) dst(%dma_wait3A_142 : memref<80x128xf32, #tpu.memory_space<vmem_shared>>)
        tpu.yield
      }) : () -> ()
    } else {
    }
    %add3A_36 = arith.constant 64 : i32
    %add3A_37 = arith.addi %arg1, %add3A_36 : i32
    %lt3A_38 = arith.constant 125 : i32
    %lt3A_39 = arith.cmpi slt, %add3A_37, %lt3A_38 : i32
    %convert_element_type3A_40 = arith.extui %lt3A_39 : i1 to i32
    %cond3A_41 = arith.constant 0 : i32
    %cond3A_42 = arith.cmpi ne, %convert_element_type3A_40, %cond3A_41 : i32
    scf.if %cond3A_42 {
      %mul3A_133 = arith.constant 80 : i32
      %mul3A_134 = arith.muli %add3A_37, %mul3A_133 : i32
      %mul3A_135 = arith.constant 80 : i32
      %mul3A_136 = arith.muli %add3A_37, %mul3A_135 : i32
      "tpu.region"() ({
        %run_scoped3A = tpu.sem_alloc : memref<!tpu.dma_semaphore, #tpu.memory_space<semaphore_mem>>
        %dma_start3A_137 = arith.constant 0 : i32
        %dma_start3A_138 = tpu.memref_slice %arg12[%mul3A_136, %dma_start3A_137] : memref<10000x128xf32, #tpu.memory_space<vmem_shared>> -> memref<80x128xf32, #tpu.memory_space<vmem_shared>>
        %dma_start3A_139 = arith.constant 0 : i32
        %dma_start3A_140 = tpu.memref_slice %arg5[%mul3A_134, %dma_start3A_139] : memref<10000x128xf32, #tpu.memory_space<hbm>> -> memref<80x128xf32, #tpu.memory_space<hbm>>
        tpu.enqueue_dma source(%dma_start3A_140 : memref<80x128xf32, #tpu.memory_space<hbm>>) target(%dma_start3A_138 : memref<80x128xf32, #tpu.memory_space<vmem_shared>>) target_semaphore(%run_scoped3A : memref<!tpu.dma_semaphore, #tpu.memory_space<semaphore_mem>>)
        %dma_wait3A_141 = arith.constant 0 : i32
        %dma_wait3A_142 = tpu.memref_slice %arg12[%mul3A_136, %dma_wait3A_141] : memref<10000x128xf32, #tpu.memory_space<vmem_shared>> -> memref<80x128xf32, #tpu.memory_space<vmem_shared>>
        %dma_wait3A_143 = arith.constant 0 : i32
        %dma_wait3A_144 = tpu.memref_slice %arg5[%mul3A_134, %dma_wait3A_143] : memref<10000x128xf32, #tpu.memory_space<hbm>> -> memref<80x128xf32, #tpu.memory_space<hbm>>
        tpu.wait_dma2 semaphore(%run_scoped3A : memref<!tpu.dma_semaphore, #tpu.memory_space<semaphore_mem>>) src(%dma_wait3A_144 : memref<80x128xf32, #tpu.memory_space<hbm>>) dst(%dma_wait3A_142 : memref<80x128xf32, #tpu.memory_space<vmem_shared>>)
        tpu.yield
      }) : () -> ()
    } else {
    }
    %add3A_43 = arith.constant 80 : i32
    %add3A_44 = arith.addi %arg1, %add3A_43 : i32
    %lt3A_45 = arith.constant 125 : i32
    %lt3A_46 = arith.cmpi slt, %add3A_44, %lt3A_45 : i32
    %convert_element_type3A_47 = arith.extui %lt3A_46 : i1 to i32
    %cond3A_48 = arith.constant 0 : i32
    %cond3A_49 = arith.cmpi ne, %convert_element_type3A_47, %cond3A_48 : i32
    scf.if %cond3A_49 {
      %mul3A_133 = arith.constant 80 : i32
      %mul3A_134 = arith.muli %add3A_44, %mul3A_133 : i32
      %mul3A_135 = arith.constant 80 : i32
      %mul3A_136 = arith.muli %add3A_44, %mul3A_135 : i32
      "tpu.region"() ({
        %run_scoped3A = tpu.sem_alloc : memref<!tpu.dma_semaphore, #tpu.memory_space<semaphore_mem>>
        %dma_start3A_137 = arith.constant 0 : i32
        %dma_start3A_138 = tpu.memref_slice %arg12[%mul3A_136, %dma_start3A_137] : memref<10000x128xf32, #tpu.memory_space<vmem_shared>> -> memref<80x128xf32, #tpu.memory_space<vmem_shared>>
        %dma_start3A_139 = arith.constant 0 : i32
        %dma_start3A_140 = tpu.memref_slice %arg5[%mul3A_134, %dma_start3A_139] : memref<10000x128xf32, #tpu.memory_space<hbm>> -> memref<80x128xf32, #tpu.memory_space<hbm>>
        tpu.enqueue_dma source(%dma_start3A_140 : memref<80x128xf32, #tpu.memory_space<hbm>>) target(%dma_start3A_138 : memref<80x128xf32, #tpu.memory_space<vmem_shared>>) target_semaphore(%run_scoped3A : memref<!tpu.dma_semaphore, #tpu.memory_space<semaphore_mem>>)
        %dma_wait3A_141 = arith.constant 0 : i32
        %dma_wait3A_142 = tpu.memref_slice %arg12[%mul3A_136, %dma_wait3A_141] : memref<10000x128xf32, #tpu.memory_space<vmem_shared>> -> memref<80x128xf32, #tpu.memory_space<vmem_shared>>
        %dma_wait3A_143 = arith.constant 0 : i32
        %dma_wait3A_144 = tpu.memref_slice %arg5[%mul3A_134, %dma_wait3A_143] : memref<10000x128xf32, #tpu.memory_space<hbm>> -> memref<80x128xf32, #tpu.memory_space<hbm>>
        tpu.wait_dma2 semaphore(%run_scoped3A : memref<!tpu.dma_semaphore, #tpu.memory_space<semaphore_mem>>) src(%dma_wait3A_144 : memref<80x128xf32, #tpu.memory_space<hbm>>) dst(%dma_wait3A_142 : memref<80x128xf32, #tpu.memory_space<vmem_shared>>)
        tpu.yield
      }) : () -> ()
    } else {
    }
    %add3A_50 = arith.constant 96 : i32
    %add3A_51 = arith.addi %arg1, %add3A_50 : i32
    %lt3A_52 = arith.constant 125 : i32
    %lt3A_53 = arith.cmpi slt, %add3A_51, %lt3A_52 : i32
    %convert_element_type3A_54 = arith.extui %lt3A_53 : i1 to i32
    %cond3A_55 = arith.constant 0 : i32
    %cond3A_56 = arith.cmpi ne, %convert_element_type3A_54, %cond3A_55 : i32
    scf.if %cond3A_56 {
      %mul3A_133 = arith.constant 80 : i32
      %mul3A_134 = arith.muli %add3A_51, %mul3A_133 : i32
      %mul3A_135 = arith.constant 80 : i32
      %mul3A_136 = arith.muli %add3A_51, %mul3A_135 : i32
      "tpu.region"() ({
        %run_scoped3A = tpu.sem_alloc : memref<!tpu.dma_semaphore, #tpu.memory_space<semaphore_mem>>
        %dma_start3A_137 = arith.constant 0 : i32
        %dma_start3A_138 = tpu.memref_slice %arg12[%mul3A_136, %dma_start3A_137] : memref<10000x128xf32, #tpu.memory_space<vmem_shared>> -> memref<80x128xf32, #tpu.memory_space<vmem_shared>>
        %dma_start3A_139 = arith.constant 0 : i32
        %dma_start3A_140 = tpu.memref_slice %arg5[%mul3A_134, %dma_start3A_139] : memref<10000x128xf32, #tpu.memory_space<hbm>> -> memref<80x128xf32, #tpu.memory_space<hbm>>
        tpu.enqueue_dma source(%dma_start3A_140 : memref<80x128xf32, #tpu.memory_space<hbm>>) target(%dma_start3A_138 : memref<80x128xf32, #tpu.memory_space<vmem_shared>>) target_semaphore(%run_scoped3A : memref<!tpu.dma_semaphore, #tpu.memory_space<semaphore_mem>>)
        %dma_wait3A_141 = arith.constant 0 : i32
        %dma_wait3A_142 = tpu.memref_slice %arg12[%mul3A_136, %dma_wait3A_141] : memref<10000x128xf32, #tpu.memory_space<vmem_shared>> -> memref<80x128xf32, #tpu.memory_space<vmem_shared>>
        %dma_wait3A_143 = arith.constant 0 : i32
        %dma_wait3A_144 = tpu.memref_slice %arg5[%mul3A_134, %dma_wait3A_143] : memref<10000x128xf32, #tpu.memory_space<hbm>> -> memref<80x128xf32, #tpu.memory_space<hbm>>
        tpu.wait_dma2 semaphore(%run_scoped3A : memref<!tpu.dma_semaphore, #tpu.memory_space<semaphore_mem>>) src(%dma_wait3A_144 : memref<80x128xf32, #tpu.memory_space<hbm>>) dst(%dma_wait3A_142 : memref<80x128xf32, #tpu.memory_space<vmem_shared>>)
        tpu.yield
      }) : () -> ()
    } else {
    }
    %add3A_57 = arith.constant 112 : i32
    %add3A_58 = arith.addi %arg1, %add3A_57 : i32
    %lt3A_59 = arith.constant 125 : i32
    %lt3A_60 = arith.cmpi slt, %add3A_58, %lt3A_59 : i32
    %convert_element_type3A_61 = arith.extui %lt3A_60 : i1 to i32
    %cond3A_62 = arith.constant 0 : i32
    %cond3A_63 = arith.cmpi ne, %convert_element_type3A_61, %cond3A_62 : i32
    scf.if %cond3A_63 {
      %mul3A_133 = arith.constant 80 : i32
      %mul3A_134 = arith.muli %add3A_58, %mul3A_133 : i32
      %mul3A_135 = arith.constant 80 : i32
      %mul3A_136 = arith.muli %add3A_58, %mul3A_135 : i32
      "tpu.region"() ({
        %run_scoped3A = tpu.sem_alloc : memref<!tpu.dma_semaphore, #tpu.memory_space<semaphore_mem>>
        %dma_start3A_137 = arith.constant 0 : i32
        %dma_start3A_138 = tpu.memref_slice %arg12[%mul3A_136, %dma_start3A_137] : memref<10000x128xf32, #tpu.memory_space<vmem_shared>> -> memref<80x128xf32, #tpu.memory_space<vmem_shared>>
        %dma_start3A_139 = arith.constant 0 : i32
        %dma_start3A_140 = tpu.memref_slice %arg5[%mul3A_134, %dma_start3A_139] : memref<10000x128xf32, #tpu.memory_space<hbm>> -> memref<80x128xf32, #tpu.memory_space<hbm>>
        tpu.enqueue_dma source(%dma_start3A_140 : memref<80x128xf32, #tpu.memory_space<hbm>>) target(%dma_start3A_138 : memref<80x128xf32, #tpu.memory_space<vmem_shared>>) target_semaphore(%run_scoped3A : memref<!tpu.dma_semaphore, #tpu.memory_space<semaphore_mem>>)
        %dma_wait3A_141 = arith.constant 0 : i32
        %dma_wait3A_142 = tpu.memref_slice %arg12[%mul3A_136, %dma_wait3A_141] : memref<10000x128xf32, #tpu.memory_space<vmem_shared>> -> memref<80x128xf32, #tpu.memory_space<vmem_shared>>
        %dma_wait3A_143 = arith.constant 0 : i32
        %dma_wait3A_144 = tpu.memref_slice %arg5[%mul3A_134, %dma_wait3A_143] : memref<10000x128xf32, #tpu.memory_space<hbm>> -> memref<80x128xf32, #tpu.memory_space<hbm>>
        tpu.wait_dma2 semaphore(%run_scoped3A : memref<!tpu.dma_semaphore, #tpu.memory_space<semaphore_mem>>) src(%dma_wait3A_144 : memref<80x128xf32, #tpu.memory_space<hbm>>) dst(%dma_wait3A_142 : memref<80x128xf32, #tpu.memory_space<vmem_shared>>)
        tpu.yield
      }) : () -> ()
    } else {
    }
    %barrier3A = arith.constant 0 : index
    tpu.barrier barrier_id(%barrier3A)
    %scan3A = arith.constant 0 : i32
    %scan3A_64 = arith.constant 62 : i32
    %scan3A_65 = arith.addi %scan3A, %scan3A_64 : i32
    %scan3A_66 = arith.constant 1 : i32
    scf.for %scan3A_133 = %scan3A to %scan3A_65 step %scan3A_66  : i32 {
      %mul3A_134 = arith.constant 2 : i32
      %mul3A_135 = arith.muli %mul3A_134, %scan3A_133 : i32
      %add3A_136 = arith.constant 1 : i32
      %add3A_137 = arith.addi %mul3A_135, %add3A_136 : i32
      %mul3A_138 = arith.constant 2 : i32
      %mul3A_139 = arith.muli %mul3A_138, %scan3A_133 : i32
      %add3A_140 = arith.constant 2 : i32
      %add3A_141 = arith.addi %mul3A_139, %add3A_140 : i32
      %mul3A_142 = arith.constant 80 : i32
      %mul3A_143 = arith.muli %add3A_137, %mul3A_142 : i32
      %add3A_144 = arith.addi %mul3A_2, %mul3A_143 : i32
      %dma_start3A_145 = tpu.memref_slice %arg4[%add3A_144] : memref<320000xi32, #tpu.memory_space<hbm>> -> memref<80xi32, #tpu.memory_space<hbm>>
      %dma_start3A_146 = tpu.memref_slice %arg4[%add3A_144] : memref<320000xi32, #tpu.memory_space<hbm>> -> memref<80xi32, #tpu.memory_space<hbm>>
      tpu.enqueue_dma source(%dma_start3A_146 : memref<80xi32, #tpu.memory_space<hbm>>) target(%arg9 : memref<80xi32, #tpu.memory_space<vmem>>) target_semaphore(%arg16 : memref<!tpu.dma_semaphore, #tpu.memory_space<semaphore_mem>>)
      %mul3A_147 = arith.constant 80 : i32
      %mul3A_148 = arith.muli %add3A_137, %mul3A_147 : i32
      %dma_start3A_149 = tpu.memref_slice %arg7[%mul3A_148] : memref<10000xi32, #tpu.memory_space<vmem>> -> memref<80xi32, #tpu.memory_space<vmem>>
      %dma_start3A_150 = arith.constant 0 : i32
      %dma_start3A_151 = arith.constant 0 : i32
      %dma_start3A_152 = tpu.memref_slice %arg2[%dma_start3A_150, %dma_start3A_151] : memref<10000x128xf32, #tpu.memory_space<hbm>> -> memref<10000x128xf32, #tpu.memory_space<hbm>>
      tpu.enqueue_indirect_dma source(%dma_start3A_152 : memref<10000x128xf32, #tpu.memory_space<hbm>>) target(%arg11 : memref<80x128xf32, #tpu.memory_space<vmem>>) offsets(%dma_start3A_149 : memref<80xi32, #tpu.memory_space<vmem>>) semaphore(%arg14 : memref<!tpu.dma_semaphore, #tpu.memory_space<semaphore_mem>>)
      %sub3A = arith.constant 1 : i32
      %sub3A_153 = arith.subi %add3A_137, %sub3A : i32
      %mul3A_154 = arith.constant 80 : i32
      %mul3A_155 = arith.muli %sub3A_153, %mul3A_154 : i32
      %add3A_156 = arith.addi %mul3A_2, %mul3A_155 : i32
      %dma_wait3A_157 = tpu.memref_slice %arg4[%add3A_156] : memref<320000xi32, #tpu.memory_space<hbm>> -> memref<80xi32, #tpu.memory_space<hbm>>
      %dma_wait3A_158 = tpu.memref_slice %arg4[%add3A_156] : memref<320000xi32, #tpu.memory_space<hbm>> -> memref<80xi32, #tpu.memory_space<hbm>>
      tpu.wait_dma2 semaphore(%arg15 : memref<!tpu.dma_semaphore, #tpu.memory_space<semaphore_mem>>) src(%dma_wait3A_158 : memref<80xi32, #tpu.memory_space<hbm>>) dst(%arg8 : memref<80xi32, #tpu.memory_space<vmem>>)
      %sub3A_159 = arith.constant 1 : i32
      %sub3A_160 = arith.subi %add3A_137, %sub3A_159 : i32
      %mul3A_161 = arith.constant 80 : i32
      %mul3A_162 = arith.muli %sub3A_160, %mul3A_161 : i32
      %dma_wait3A_163 = tpu.memref_slice %arg7[%mul3A_162] : memref<10000xi32, #tpu.memory_space<vmem>> -> memref<80xi32, #tpu.memory_space<vmem>>
      %dma_wait3A_164 = arith.constant 0 : i32
      %dma_wait3A_165 = arith.constant 0 : i32
      %dma_wait3A_166 = tpu.memref_slice %arg2[%dma_wait3A_164, %dma_wait3A_165] : memref<10000x128xf32, #tpu.memory_space<hbm>> -> memref<10000x128xf32, #tpu.memory_space<hbm>>
      tpu.wait_indirect_dma semaphore(%arg13 : memref<!tpu.dma_semaphore, #tpu.memory_space<semaphore_mem>>) src(%dma_wait3A_166 : memref<10000x128xf32, #tpu.memory_space<hbm>>) dst(%arg10 : memref<80x128xf32, #tpu.memory_space<vmem>>)
      "tpu.region"() ({
        %run_scoped3A = tpu.sem_alloc : memref<!tpu.dma_semaphore, #tpu.memory_space<semaphore_mem>>
        %dma_start3A_189 = arith.constant 0 : i32
        %dma_start3A_190 = arith.constant 0 : i32
        %dma_start3A_191 = tpu.memref_slice %arg12[%dma_start3A_189, %dma_start3A_190] : memref<10000x128xf32, #tpu.memory_space<vmem_shared>> -> memref<10000x128xf32, #tpu.memory_space<vmem_shared>>
        tpu.enqueue_indirect_dma source(%arg10 : memref<80x128xf32, #tpu.memory_space<vmem>>) target(%dma_start3A_191 : memref<10000x128xf32, #tpu.memory_space<vmem_shared>>) offsets(%arg8 : memref<80xi32, #tpu.memory_space<vmem>>) semaphore(%run_scoped3A : memref<!tpu.dma_semaphore, #tpu.memory_space<semaphore_mem>>) {add = true}
        %dma_wait3A_192 = arith.constant 0 : i32
        %dma_wait3A_193 = arith.constant 0 : i32
        %dma_wait3A_194 = tpu.memref_slice %arg12[%dma_wait3A_192, %dma_wait3A_193] : memref<10000x128xf32, #tpu.memory_space<vmem_shared>> -> memref<10000x128xf32, #tpu.memory_space<vmem_shared>>
        tpu.wait_indirect_dma semaphore(%run_scoped3A : memref<!tpu.dma_semaphore, #tpu.memory_space<semaphore_mem>>) src(%arg10 : memref<80x128xf32, #tpu.memory_space<vmem>>) dst(%dma_wait3A_194 : memref<10000x128xf32, #tpu.memory_space<vmem_shared>>)
        tpu.yield
      }) : () -> ()
      %mul3A_167 = arith.constant 80 : i32
      %mul3A_168 = arith.muli %add3A_141, %mul3A_167 : i32
      %add3A_169 = arith.addi %mul3A_2, %mul3A_168 : i32
      %dma_start3A_170 = tpu.memref_slice %arg4[%add3A_169] : memref<320000xi32, #tpu.memory_space<hbm>> -> memref<80xi32, #tpu.memory_space<hbm>>
      %dma_start3A_171 = tpu.memref_slice %arg4[%add3A_169] : memref<320000xi32, #tpu.memory_space<hbm>> -> memref<80xi32, #tpu.memory_space<hbm>>
      tpu.enqueue_dma source(%dma_start3A_171 : memref<80xi32, #tpu.memory_space<hbm>>) target(%arg8 : memref<80xi32, #tpu.memory_space<vmem>>) target_semaphore(%arg15 : memref<!tpu.dma_semaphore, #tpu.memory_space<semaphore_mem>>)
      %mul3A_172 = arith.constant 80 : i32
      %mul3A_173 = arith.muli %add3A_141, %mul3A_172 : i32
      %dma_start3A_174 = tpu.memref_slice %arg7[%mul3A_173] : memref<10000xi32, #tpu.memory_space<vmem>> -> memref<80xi32, #tpu.memory_space<vmem>>
      %dma_start3A_175 = arith.constant 0 : i32
      %dma_start3A_176 = arith.constant 0 : i32
      %dma_start3A_177 = tpu.memref_slice %arg2[%dma_start3A_175, %dma_start3A_176] : memref<10000x128xf32, #tpu.memory_space<hbm>> -> memref<10000x128xf32, #tpu.memory_space<hbm>>
      tpu.enqueue_indirect_dma source(%dma_start3A_177 : memref<10000x128xf32, #tpu.memory_space<hbm>>) target(%arg10 : memref<80x128xf32, #tpu.memory_space<vmem>>) offsets(%dma_start3A_174 : memref<80xi32, #tpu.memory_space<vmem>>) semaphore(%arg13 : memref<!tpu.dma_semaphore, #tpu.memory_space<semaphore_mem>>)
      %mul3A_178 = arith.constant 80 : i32
      %mul3A_179 = arith.muli %add3A_137, %mul3A_178 : i32
      %add3A_180 = arith.addi %mul3A_2, %mul3A_179 : i32
      %dma_wait3A_181 = tpu.memref_slice %arg4[%add3A_180] : memref<320000xi32, #tpu.memory_space<hbm>> -> memref<80xi32, #tpu.memory_space<hbm>>
      %dma_wait3A_182 = tpu.memref_slice %arg4[%add3A_180] : memref<320000xi32, #tpu.memory_space<hbm>> -> memref<80xi32, #tpu.memory_space<hbm>>
      tpu.wait_dma2 semaphore(%arg16 : memref<!tpu.dma_semaphore, #tpu.memory_space<semaphore_mem>>) src(%dma_wait3A_182 : memref<80xi32, #tpu.memory_space<hbm>>) dst(%arg9 : memref<80xi32, #tpu.memory_space<vmem>>)
      %mul3A_183 = arith.constant 80 : i32
      %mul3A_184 = arith.muli %add3A_137, %mul3A_183 : i32
      %dma_wait3A_185 = tpu.memref_slice %arg7[%mul3A_184] : memref<10000xi32, #tpu.memory_space<vmem>> -> memref<80xi32, #tpu.memory_space<vmem>>
      %dma_wait3A_186 = arith.constant 0 : i32
      %dma_wait3A_187 = arith.constant 0 : i32
      %dma_wait3A_188 = tpu.memref_slice %arg2[%dma_wait3A_186, %dma_wait3A_187] : memref<10000x128xf32, #tpu.memory_space<hbm>> -> memref<10000x128xf32, #tpu.memory_space<hbm>>
      tpu.wait_indirect_dma semaphore(%arg14 : memref<!tpu.dma_semaphore, #tpu.memory_space<semaphore_mem>>) src(%dma_wait3A_188 : memref<10000x128xf32, #tpu.memory_space<hbm>>) dst(%arg11 : memref<80x128xf32, #tpu.memory_space<vmem>>)
      "tpu.region"() ({
        %run_scoped3A = tpu.sem_alloc : memref<!tpu.dma_semaphore, #tpu.memory_space<semaphore_mem>>
        %dma_start3A_189 = arith.constant 0 : i32
        %dma_start3A_190 = arith.constant 0 : i32
        %dma_start3A_191 = tpu.memref_slice %arg12[%dma_start3A_189, %dma_start3A_190] : memref<10000x128xf32, #tpu.memory_space<vmem_shared>> -> memref<10000x128xf32, #tpu.memory_space<vmem_shared>>
        tpu.enqueue_indirect_dma source(%arg11 : memref<80x128xf32, #tpu.memory_space<vmem>>) target(%dma_start3A_191 : memref<10000x128xf32, #tpu.memory_space<vmem_shared>>) offsets(%arg9 : memref<80xi32, #tpu.memory_space<vmem>>) semaphore(%run_scoped3A : memref<!tpu.dma_semaphore, #tpu.memory_space<semaphore_mem>>) {add = true}
        %dma_wait3A_192 = arith.constant 0 : i32
        %dma_wait3A_193 = arith.constant 0 : i32
        %dma_wait3A_194 = tpu.memref_slice %arg12[%dma_wait3A_192, %dma_wait3A_193] : memref<10000x128xf32, #tpu.memory_space<vmem_shared>> -> memref<10000x128xf32, #tpu.memory_space<vmem_shared>>
        tpu.wait_indirect_dma semaphore(%run_scoped3A : memref<!tpu.dma_semaphore, #tpu.memory_space<semaphore_mem>>) src(%arg11 : memref<80x128xf32, #tpu.memory_space<vmem>>) dst(%dma_wait3A_194 : memref<10000x128xf32, #tpu.memory_space<vmem_shared>>)
        tpu.yield
      }) : () -> ()
    }
    %scan3A_67 = arith.constant 62 : i32
    %add3A_68 = arith.constant 9920 : i32
    %add3A_69 = arith.addi %mul3A_2, %add3A_68 : i32
    %dma_wait3A = tpu.memref_slice %arg4[%add3A_69] : memref<320000xi32, #tpu.memory_space<hbm>> -> memref<80xi32, #tpu.memory_space<hbm>>
    %dma_wait3A_70 = tpu.memref_slice %arg4[%add3A_69] : memref<320000xi32, #tpu.memory_space<hbm>> -> memref<80xi32, #tpu.memory_space<hbm>>
    tpu.wait_dma2 semaphore(%arg15 : memref<!tpu.dma_semaphore, #tpu.memory_space<semaphore_mem>>) src(%dma_wait3A_70 : memref<80xi32, #tpu.memory_space<hbm>>) dst(%arg8 : memref<80xi32, #tpu.memory_space<vmem>>)
    %dma_wait3A_71 = arith.constant 9920 : i32
    %dma_wait3A_72 = tpu.memref_slice %arg7[%dma_wait3A_71] : memref<10000xi32, #tpu.memory_space<vmem>> -> memref<80xi32, #tpu.memory_space<vmem>>
    %dma_wait3A_73 = arith.constant 0 : i32
    %dma_wait3A_74 = arith.constant 0 : i32
    %dma_wait3A_75 = tpu.memref_slice %arg2[%dma_wait3A_73, %dma_wait3A_74] : memref<10000x128xf32, #tpu.memory_space<hbm>> -> memref<10000x128xf32, #tpu.memory_space<hbm>>
    tpu.wait_indirect_dma semaphore(%arg13 : memref<!tpu.dma_semaphore, #tpu.memory_space<semaphore_mem>>) src(%dma_wait3A_75 : memref<10000x128xf32, #tpu.memory_space<hbm>>) dst(%arg10 : memref<80x128xf32, #tpu.memory_space<vmem>>)
    "tpu.region"() ({
      %run_scoped3A = tpu.sem_alloc : memref<!tpu.dma_semaphore, #tpu.memory_space<semaphore_mem>>
      %dma_start3A_133 = arith.constant 0 : i32
      %dma_start3A_134 = arith.constant 0 : i32
      %dma_start3A_135 = tpu.memref_slice %arg12[%dma_start3A_133, %dma_start3A_134] : memref<10000x128xf32, #tpu.memory_space<vmem_shared>> -> memref<10000x128xf32, #tpu.memory_space<vmem_shared>>
      tpu.enqueue_indirect_dma source(%arg10 : memref<80x128xf32, #tpu.memory_space<vmem>>) target(%dma_start3A_135 : memref<10000x128xf32, #tpu.memory_space<vmem_shared>>) offsets(%arg8 : memref<80xi32, #tpu.memory_space<vmem>>) semaphore(%run_scoped3A : memref<!tpu.dma_semaphore, #tpu.memory_space<semaphore_mem>>) {add = true}
      %dma_wait3A_136 = arith.constant 0 : i32
      %dma_wait3A_137 = arith.constant 0 : i32
      %dma_wait3A_138 = tpu.memref_slice %arg12[%dma_wait3A_136, %dma_wait3A_137] : memref<10000x128xf32, #tpu.memory_space<vmem_shared>> -> memref<10000x128xf32, #tpu.memory_space<vmem_shared>>
      tpu.wait_indirect_dma semaphore(%run_scoped3A : memref<!tpu.dma_semaphore, #tpu.memory_space<semaphore_mem>>) src(%arg10 : memref<80x128xf32, #tpu.memory_space<vmem>>) dst(%dma_wait3A_138 : memref<10000x128xf32, #tpu.memory_space<vmem_shared>>)
      tpu.yield
    }) : () -> ()
    %barrier3A_76 = arith.constant 0 : index
    tpu.barrier barrier_id(%barrier3A_76)
    %add3A_77 = arith.constant 0 : i32
    %add3A_78 = arith.addi %arg1, %add3A_77 : i32
    %lt3A_79 = arith.constant 125 : i32
    %lt3A_80 = arith.cmpi slt, %add3A_78, %lt3A_79 : i32
    %convert_element_type3A_81 = arith.extui %lt3A_80 : i1 to i32
    %cond3A_82 = arith.constant 0 : i32
    %cond3A_83 = arith.cmpi ne, %convert_element_type3A_81, %cond3A_82 : i32
    scf.if %cond3A_83 {
      %mul3A_133 = arith.constant 80 : i32
      %mul3A_134 = arith.muli %add3A_78, %mul3A_133 : i32
      %mul3A_135 = arith.constant 80 : i32
      %mul3A_136 = arith.muli %add3A_78, %mul3A_135 : i32
      "tpu.region"() ({
        %run_scoped3A = tpu.sem_alloc : memref<!tpu.dma_semaphore, #tpu.memory_space<semaphore_mem>>
        %dma_start3A_137 = arith.constant 0 : i32
        %dma_start3A_138 = tpu.memref_slice %arg6[%arg0, %mul3A_136, %dma_start3A_137] : memref<2x10000x128xf32, #tpu.memory_space<hbm>> -> memref<1x80x128xf32, #tpu.memory_space<hbm>>
        %dma_start3A_139 = tpu.memref_squeeze %dma_start3A_138 : memref<1x80x128xf32, #tpu.memory_space<hbm>> -> memref<80x128xf32, #tpu.memory_space<hbm>>
        %dma_start3A_140 = arith.constant 0 : i32
        %dma_start3A_141 = tpu.memref_slice %arg12[%mul3A_134, %dma_start3A_140] : memref<10000x128xf32, #tpu.memory_space<vmem_shared>> -> memref<80x128xf32, #tpu.memory_space<vmem_shared>>
        tpu.enqueue_dma source(%dma_start3A_141 : memref<80x128xf32, #tpu.memory_space<vmem_shared>>) target(%dma_start3A_139 : memref<80x128xf32, #tpu.memory_space<hbm>>) target_semaphore(%run_scoped3A : memref<!tpu.dma_semaphore, #tpu.memory_space<semaphore_mem>>)
        %dma_wait3A_142 = arith.constant 0 : i32
        %dma_wait3A_143 = tpu.memref_slice %arg6[%arg0, %mul3A_136, %dma_wait3A_142] : memref<2x10000x128xf32, #tpu.memory_space<hbm>> -> memref<1x80x128xf32, #tpu.memory_space<hbm>>
        %dma_wait3A_144 = tpu.memref_squeeze %dma_wait3A_143 : memref<1x80x128xf32, #tpu.memory_space<hbm>> -> memref<80x128xf32, #tpu.memory_space<hbm>>
        %dma_wait3A_145 = arith.constant 0 : i32
        %dma_wait3A_146 = tpu.memref_slice %arg12[%mul3A_134, %dma_wait3A_145] : memref<10000x128xf32, #tpu.memory_space<vmem_shared>> -> memref<80x128xf32, #tpu.memory_space<vmem_shared>>
        tpu.wait_dma2 semaphore(%run_scoped3A : memref<!tpu.dma_semaphore, #tpu.memory_space<semaphore_mem>>) src(%dma_wait3A_146 : memref<80x128xf32, #tpu.memory_space<vmem_shared>>) dst(%dma_wait3A_144 : memref<80x128xf32, #tpu.memory_space<hbm>>)
        tpu.yield
      }) : () -> ()
    } else {
    }
    %add3A_84 = arith.constant 16 : i32
    %add3A_85 = arith.addi %arg1, %add3A_84 : i32
    %lt3A_86 = arith.constant 125 : i32
    %lt3A_87 = arith.cmpi slt, %add3A_85, %lt3A_86 : i32
    %convert_element_type3A_88 = arith.extui %lt3A_87 : i1 to i32
    %cond3A_89 = arith.constant 0 : i32
    %cond3A_90 = arith.cmpi ne, %convert_element_type3A_88, %cond3A_89 : i32
    scf.if %cond3A_90 {
      %mul3A_133 = arith.constant 80 : i32
      %mul3A_134 = arith.muli %add3A_85, %mul3A_133 : i32
      %mul3A_135 = arith.constant 80 : i32
      %mul3A_136 = arith.muli %add3A_85, %mul3A_135 : i32
      "tpu.region"() ({
        %run_scoped3A = tpu.sem_alloc : memref<!tpu.dma_semaphore, #tpu.memory_space<semaphore_mem>>
        %dma_start3A_137 = arith.constant 0 : i32
        %dma_start3A_138 = tpu.memref_slice %arg6[%arg0, %mul3A_136, %dma_start3A_137] : memref<2x10000x128xf32, #tpu.memory_space<hbm>> -> memref<1x80x128xf32, #tpu.memory_space<hbm>>
        %dma_start3A_139 = tpu.memref_squeeze %dma_start3A_138 : memref<1x80x128xf32, #tpu.memory_space<hbm>> -> memref<80x128xf32, #tpu.memory_space<hbm>>
        %dma_start3A_140 = arith.constant 0 : i32
        %dma_start3A_141 = tpu.memref_slice %arg12[%mul3A_134, %dma_start3A_140] : memref<10000x128xf32, #tpu.memory_space<vmem_shared>> -> memref<80x128xf32, #tpu.memory_space<vmem_shared>>
        tpu.enqueue_dma source(%dma_start3A_141 : memref<80x128xf32, #tpu.memory_space<vmem_shared>>) target(%dma_start3A_139 : memref<80x128xf32, #tpu.memory_space<hbm>>) target_semaphore(%run_scoped3A : memref<!tpu.dma_semaphore, #tpu.memory_space<semaphore_mem>>)
        %dma_wait3A_142 = arith.constant 0 : i32
        %dma_wait3A_143 = tpu.memref_slice %arg6[%arg0, %mul3A_136, %dma_wait3A_142] : memref<2x10000x128xf32, #tpu.memory_space<hbm>> -> memref<1x80x128xf32, #tpu.memory_space<hbm>>
        %dma_wait3A_144 = tpu.memref_squeeze %dma_wait3A_143 : memref<1x80x128xf32, #tpu.memory_space<hbm>> -> memref<80x128xf32, #tpu.memory_space<hbm>>
        %dma_wait3A_145 = arith.constant 0 : i32
        %dma_wait3A_146 = tpu.memref_slice %arg12[%mul3A_134, %dma_wait3A_145] : memref<10000x128xf32, #tpu.memory_space<vmem_shared>> -> memref<80x128xf32, #tpu.memory_space<vmem_shared>>
        tpu.wait_dma2 semaphore(%run_scoped3A : memref<!tpu.dma_semaphore, #tpu.memory_space<semaphore_mem>>) src(%dma_wait3A_146 : memref<80x128xf32, #tpu.memory_space<vmem_shared>>) dst(%dma_wait3A_144 : memref<80x128xf32, #tpu.memory_space<hbm>>)
        tpu.yield
      }) : () -> ()
    } else {
    }
    %add3A_91 = arith.constant 32 : i32
    %add3A_92 = arith.addi %arg1, %add3A_91 : i32
    %lt3A_93 = arith.constant 125 : i32
    %lt3A_94 = arith.cmpi slt, %add3A_92, %lt3A_93 : i32
    %convert_element_type3A_95 = arith.extui %lt3A_94 : i1 to i32
    %cond3A_96 = arith.constant 0 : i32
    %cond3A_97 = arith.cmpi ne, %convert_element_type3A_95, %cond3A_96 : i32
    scf.if %cond3A_97 {
      %mul3A_133 = arith.constant 80 : i32
      %mul3A_134 = arith.muli %add3A_92, %mul3A_133 : i32
      %mul3A_135 = arith.constant 80 : i32
      %mul3A_136 = arith.muli %add3A_92, %mul3A_135 : i32
      "tpu.region"() ({
        %run_scoped3A = tpu.sem_alloc : memref<!tpu.dma_semaphore, #tpu.memory_space<semaphore_mem>>
        %dma_start3A_137 = arith.constant 0 : i32
        %dma_start3A_138 = tpu.memref_slice %arg6[%arg0, %mul3A_136, %dma_start3A_137] : memref<2x10000x128xf32, #tpu.memory_space<hbm>> -> memref<1x80x128xf32, #tpu.memory_space<hbm>>
        %dma_start3A_139 = tpu.memref_squeeze %dma_start3A_138 : memref<1x80x128xf32, #tpu.memory_space<hbm>> -> memref<80x128xf32, #tpu.memory_space<hbm>>
        %dma_start3A_140 = arith.constant 0 : i32
        %dma_start3A_141 = tpu.memref_slice %arg12[%mul3A_134, %dma_start3A_140] : memref<10000x128xf32, #tpu.memory_space<vmem_shared>> -> memref<80x128xf32, #tpu.memory_space<vmem_shared>>
        tpu.enqueue_dma source(%dma_start3A_141 : memref<80x128xf32, #tpu.memory_space<vmem_shared>>) target(%dma_start3A_139 : memref<80x128xf32, #tpu.memory_space<hbm>>) target_semaphore(%run_scoped3A : memref<!tpu.dma_semaphore, #tpu.memory_space<semaphore_mem>>)
        %dma_wait3A_142 = arith.constant 0 : i32
        %dma_wait3A_143 = tpu.memref_slice %arg6[%arg0, %mul3A_136, %dma_wait3A_142] : memref<2x10000x128xf32, #tpu.memory_space<hbm>> -> memref<1x80x128xf32, #tpu.memory_space<hbm>>
        %dma_wait3A_144 = tpu.memref_squeeze %dma_wait3A_143 : memref<1x80x128xf32, #tpu.memory_space<hbm>> -> memref<80x128xf32, #tpu.memory_space<hbm>>
        %dma_wait3A_145 = arith.constant 0 : i32
        %dma_wait3A_146 = tpu.memref_slice %arg12[%mul3A_134, %dma_wait3A_145] : memref<10000x128xf32, #tpu.memory_space<vmem_shared>> -> memref<80x128xf32, #tpu.memory_space<vmem_shared>>
        tpu.wait_dma2 semaphore(%run_scoped3A : memref<!tpu.dma_semaphore, #tpu.memory_space<semaphore_mem>>) src(%dma_wait3A_146 : memref<80x128xf32, #tpu.memory_space<vmem_shared>>) dst(%dma_wait3A_144 : memref<80x128xf32, #tpu.memory_space<hbm>>)
        tpu.yield
      }) : () -> ()
    } else {
    }
    %add3A_98 = arith.constant 48 : i32
    %add3A_99 = arith.addi %arg1, %add3A_98 : i32
    %lt3A_100 = arith.constant 125 : i32
    %lt3A_101 = arith.cmpi slt, %add3A_99, %lt3A_100 : i32
    %convert_element_type3A_102 = arith.extui %lt3A_101 : i1 to i32
    %cond3A_103 = arith.constant 0 : i32
    %cond3A_104 = arith.cmpi ne, %convert_element_type3A_102, %cond3A_103 : i32
    scf.if %cond3A_104 {
      %mul3A_133 = arith.constant 80 : i32
      %mul3A_134 = arith.muli %add3A_99, %mul3A_133 : i32
      %mul3A_135 = arith.constant 80 : i32
      %mul3A_136 = arith.muli %add3A_99, %mul3A_135 : i32
      "tpu.region"() ({
        %run_scoped3A = tpu.sem_alloc : memref<!tpu.dma_semaphore, #tpu.memory_space<semaphore_mem>>
        %dma_start3A_137 = arith.constant 0 : i32
        %dma_start3A_138 = tpu.memref_slice %arg6[%arg0, %mul3A_136, %dma_start3A_137] : memref<2x10000x128xf32, #tpu.memory_space<hbm>> -> memref<1x80x128xf32, #tpu.memory_space<hbm>>
        %dma_start3A_139 = tpu.memref_squeeze %dma_start3A_138 : memref<1x80x128xf32, #tpu.memory_space<hbm>> -> memref<80x128xf32, #tpu.memory_space<hbm>>
        %dma_start3A_140 = arith.constant 0 : i32
        %dma_start3A_141 = tpu.memref_slice %arg12[%mul3A_134, %dma_start3A_140] : memref<10000x128xf32, #tpu.memory_space<vmem_shared>> -> memref<80x128xf32, #tpu.memory_space<vmem_shared>>
        tpu.enqueue_dma source(%dma_start3A_141 : memref<80x128xf32, #tpu.memory_space<vmem_shared>>) target(%dma_start3A_139 : memref<80x128xf32, #tpu.memory_space<hbm>>) target_semaphore(%run_scoped3A : memref<!tpu.dma_semaphore, #tpu.memory_space<semaphore_mem>>)
        %dma_wait3A_142 = arith.constant 0 : i32
        %dma_wait3A_143 = tpu.memref_slice %arg6[%arg0, %mul3A_136, %dma_wait3A_142] : memref<2x10000x128xf32, #tpu.memory_space<hbm>> -> memref<1x80x128xf32, #tpu.memory_space<hbm>>
        %dma_wait3A_144 = tpu.memref_squeeze %dma_wait3A_143 : memref<1x80x128xf32, #tpu.memory_space<hbm>> -> memref<80x128xf32, #tpu.memory_space<hbm>>
        %dma_wait3A_145 = arith.constant 0 : i32
        %dma_wait3A_146 = tpu.memref_slice %arg12[%mul3A_134, %dma_wait3A_145] : memref<10000x128xf32, #tpu.memory_space<vmem_shared>> -> memref<80x128xf32, #tpu.memory_space<vmem_shared>>
        tpu.wait_dma2 semaphore(%run_scoped3A : memref<!tpu.dma_semaphore, #tpu.memory_space<semaphore_mem>>) src(%dma_wait3A_146 : memref<80x128xf32, #tpu.memory_space<vmem_shared>>) dst(%dma_wait3A_144 : memref<80x128xf32, #tpu.memory_space<hbm>>)
        tpu.yield
      }) : () -> ()
    } else {
    }
    %add3A_105 = arith.constant 64 : i32
    %add3A_106 = arith.addi %arg1, %add3A_105 : i32
    %lt3A_107 = arith.constant 125 : i32
    %lt3A_108 = arith.cmpi slt, %add3A_106, %lt3A_107 : i32
    %convert_element_type3A_109 = arith.extui %lt3A_108 : i1 to i32
    %cond3A_110 = arith.constant 0 : i32
    %cond3A_111 = arith.cmpi ne, %convert_element_type3A_109, %cond3A_110 : i32
    scf.if %cond3A_111 {
      %mul3A_133 = arith.constant 80 : i32
      %mul3A_134 = arith.muli %add3A_106, %mul3A_133 : i32
      %mul3A_135 = arith.constant 80 : i32
      %mul3A_136 = arith.muli %add3A_106, %mul3A_135 : i32
      "tpu.region"() ({
        %run_scoped3A = tpu.sem_alloc : memref<!tpu.dma_semaphore, #tpu.memory_space<semaphore_mem>>
        %dma_start3A_137 = arith.constant 0 : i32
        %dma_start3A_138 = tpu.memref_slice %arg6[%arg0, %mul3A_136, %dma_start3A_137] : memref<2x10000x128xf32, #tpu.memory_space<hbm>> -> memref<1x80x128xf32, #tpu.memory_space<hbm>>
        %dma_start3A_139 = tpu.memref_squeeze %dma_start3A_138 : memref<1x80x128xf32, #tpu.memory_space<hbm>> -> memref<80x128xf32, #tpu.memory_space<hbm>>
        %dma_start3A_140 = arith.constant 0 : i32
        %dma_start3A_141 = tpu.memref_slice %arg12[%mul3A_134, %dma_start3A_140] : memref<10000x128xf32, #tpu.memory_space<vmem_shared>> -> memref<80x128xf32, #tpu.memory_space<vmem_shared>>
        tpu.enqueue_dma source(%dma_start3A_141 : memref<80x128xf32, #tpu.memory_space<vmem_shared>>) target(%dma_start3A_139 : memref<80x128xf32, #tpu.memory_space<hbm>>) target_semaphore(%run_scoped3A : memref<!tpu.dma_semaphore, #tpu.memory_space<semaphore_mem>>)
        %dma_wait3A_142 = arith.constant 0 : i32
        %dma_wait3A_143 = tpu.memref_slice %arg6[%arg0, %mul3A_136, %dma_wait3A_142] : memref<2x10000x128xf32, #tpu.memory_space<hbm>> -> memref<1x80x128xf32, #tpu.memory_space<hbm>>
        %dma_wait3A_144 = tpu.memref_squeeze %dma_wait3A_143 : memref<1x80x128xf32, #tpu.memory_space<hbm>> -> memref<80x128xf32, #tpu.memory_space<hbm>>
        %dma_wait3A_145 = arith.constant 0 : i32
        %dma_wait3A_146 = tpu.memref_slice %arg12[%mul3A_134, %dma_wait3A_145] : memref<10000x128xf32, #tpu.memory_space<vmem_shared>> -> memref<80x128xf32, #tpu.memory_space<vmem_shared>>
        tpu.wait_dma2 semaphore(%run_scoped3A : memref<!tpu.dma_semaphore, #tpu.memory_space<semaphore_mem>>) src(%dma_wait3A_146 : memref<80x128xf32, #tpu.memory_space<vmem_shared>>) dst(%dma_wait3A_144 : memref<80x128xf32, #tpu.memory_space<hbm>>)
        tpu.yield
      }) : () -> ()
    } else {
    }
    %add3A_112 = arith.constant 80 : i32
    %add3A_113 = arith.addi %arg1, %add3A_112 : i32
    %lt3A_114 = arith.constant 125 : i32
    %lt3A_115 = arith.cmpi slt, %add3A_113, %lt3A_114 : i32
    %convert_element_type3A_116 = arith.extui %lt3A_115 : i1 to i32
    %cond3A_117 = arith.constant 0 : i32
    %cond3A_118 = arith.cmpi ne, %convert_element_type3A_116, %cond3A_117 : i32
    scf.if %cond3A_118 {
      %mul3A_133 = arith.constant 80 : i32
      %mul3A_134 = arith.muli %add3A_113, %mul3A_133 : i32
      %mul3A_135 = arith.constant 80 : i32
      %mul3A_136 = arith.muli %add3A_113, %mul3A_135 : i32
      "tpu.region"() ({
        %run_scoped3A = tpu.sem_alloc : memref<!tpu.dma_semaphore, #tpu.memory_space<semaphore_mem>>
        %dma_start3A_137 = arith.constant 0 : i32
        %dma_start3A_138 = tpu.memref_slice %arg6[%arg0, %mul3A_136, %dma_start3A_137] : memref<2x10000x128xf32, #tpu.memory_space<hbm>> -> memref<1x80x128xf32, #tpu.memory_space<hbm>>
        %dma_start3A_139 = tpu.memref_squeeze %dma_start3A_138 : memref<1x80x128xf32, #tpu.memory_space<hbm>> -> memref<80x128xf32, #tpu.memory_space<hbm>>
        %dma_start3A_140 = arith.constant 0 : i32
        %dma_start3A_141 = tpu.memref_slice %arg12[%mul3A_134, %dma_start3A_140] : memref<10000x128xf32, #tpu.memory_space<vmem_shared>> -> memref<80x128xf32, #tpu.memory_space<vmem_shared>>
        tpu.enqueue_dma source(%dma_start3A_141 : memref<80x128xf32, #tpu.memory_space<vmem_shared>>) target(%dma_start3A_139 : memref<80x128xf32, #tpu.memory_space<hbm>>) target_semaphore(%run_scoped3A : memref<!tpu.dma_semaphore, #tpu.memory_space<semaphore_mem>>)
        %dma_wait3A_142 = arith.constant 0 : i32
        %dma_wait3A_143 = tpu.memref_slice %arg6[%arg0, %mul3A_136, %dma_wait3A_142] : memref<2x10000x128xf32, #tpu.memory_space<hbm>> -> memref<1x80x128xf32, #tpu.memory_space<hbm>>
        %dma_wait3A_144 = tpu.memref_squeeze %dma_wait3A_143 : memref<1x80x128xf32, #tpu.memory_space<hbm>> -> memref<80x128xf32, #tpu.memory_space<hbm>>
        %dma_wait3A_145 = arith.constant 0 : i32
        %dma_wait3A_146 = tpu.memref_slice %arg12[%mul3A_134, %dma_wait3A_145] : memref<10000x128xf32, #tpu.memory_space<vmem_shared>> -> memref<80x128xf32, #tpu.memory_space<vmem_shared>>
        tpu.wait_dma2 semaphore(%run_scoped3A : memref<!tpu.dma_semaphore, #tpu.memory_space<semaphore_mem>>) src(%dma_wait3A_146 : memref<80x128xf32, #tpu.memory_space<vmem_shared>>) dst(%dma_wait3A_144 : memref<80x128xf32, #tpu.memory_space<hbm>>)
        tpu.yield
      }) : () -> ()
    } else {
    }
    %add3A_119 = arith.constant 96 : i32
    %add3A_120 = arith.addi %arg1, %add3A_119 : i32
    %lt3A_121 = arith.constant 125 : i32
    %lt3A_122 = arith.cmpi slt, %add3A_120, %lt3A_121 : i32
    %convert_element_type3A_123 = arith.extui %lt3A_122 : i1 to i32
    %cond3A_124 = arith.constant 0 : i32
    %cond3A_125 = arith.cmpi ne, %convert_element_type3A_123, %cond3A_124 : i32
    scf.if %cond3A_125 {
      %mul3A_133 = arith.constant 80 : i32
      %mul3A_134 = arith.muli %add3A_120, %mul3A_133 : i32
      %mul3A_135 = arith.constant 80 : i32
      %mul3A_136 = arith.muli %add3A_120, %mul3A_135 : i32
      "tpu.region"() ({
        %run_scoped3A = tpu.sem_alloc : memref<!tpu.dma_semaphore, #tpu.memory_space<semaphore_mem>>
        %dma_start3A_137 = arith.constant 0 : i32
        %dma_start3A_138 = tpu.memref_slice %arg6[%arg0, %mul3A_136, %dma_start3A_137] : memref<2x10000x128xf32, #tpu.memory_space<hbm>> -> memref<1x80x128xf32, #tpu.memory_space<hbm>>
        %dma_start3A_139 = tpu.memref_squeeze %dma_start3A_138 : memref<1x80x128xf32, #tpu.memory_space<hbm>> -> memref<80x128xf32, #tpu.memory_space<hbm>>
        %dma_start3A_140 = arith.constant 0 : i32
        %dma_start3A_141 = tpu.memref_slice %arg12[%mul3A_134, %dma_start3A_140] : memref<10000x128xf32, #tpu.memory_space<vmem_shared>> -> memref<80x128xf32, #tpu.memory_space<vmem_shared>>
        tpu.enqueue_dma source(%dma_start3A_141 : memref<80x128xf32, #tpu.memory_space<vmem_shared>>) target(%dma_start3A_139 : memref<80x128xf32, #tpu.memory_space<hbm>>) target_semaphore(%run_scoped3A : memref<!tpu.dma_semaphore, #tpu.memory_space<semaphore_mem>>)
        %dma_wait3A_142 = arith.constant 0 : i32
        %dma_wait3A_143 = tpu.memref_slice %arg6[%arg0, %mul3A_136, %dma_wait3A_142] : memref<2x10000x128xf32, #tpu.memory_space<hbm>> -> memref<1x80x128xf32, #tpu.memory_space<hbm>>
        %dma_wait3A_144 = tpu.memref_squeeze %dma_wait3A_143 : memref<1x80x128xf32, #tpu.memory_space<hbm>> -> memref<80x128xf32, #tpu.memory_space<hbm>>
        %dma_wait3A_145 = arith.constant 0 : i32
        %dma_wait3A_146 = tpu.memref_slice %arg12[%mul3A_134, %dma_wait3A_145] : memref<10000x128xf32, #tpu.memory_space<vmem_shared>> -> memref<80x128xf32, #tpu.memory_space<vmem_shared>>
        tpu.wait_dma2 semaphore(%run_scoped3A : memref<!tpu.dma_semaphore, #tpu.memory_space<semaphore_mem>>) src(%dma_wait3A_146 : memref<80x128xf32, #tpu.memory_space<vmem_shared>>) dst(%dma_wait3A_144 : memref<80x128xf32, #tpu.memory_space<hbm>>)
        tpu.yield
      }) : () -> ()
    } else {
    }
    %add3A_126 = arith.constant 112 : i32
    %add3A_127 = arith.addi %arg1, %add3A_126 : i32
    %lt3A_128 = arith.constant 125 : i32
    %lt3A_129 = arith.cmpi slt, %add3A_127, %lt3A_128 : i32
    %convert_element_type3A_130 = arith.extui %lt3A_129 : i1 to i32
    %cond3A_131 = arith.constant 0 : i32
    %cond3A_132 = arith.cmpi ne, %convert_element_type3A_130, %cond3A_131 : i32
    scf.if %cond3A_132 {
      %mul3A_133 = arith.constant 80 : i32
      %mul3A_134 = arith.muli %add3A_127, %mul3A_133 : i32
      %mul3A_135 = arith.constant 80 : i32
      %mul3A_136 = arith.muli %add3A_127, %mul3A_135 : i32
      "tpu.region"() ({
        %run_scoped3A = tpu.sem_alloc : memref<!tpu.dma_semaphore, #tpu.memory_space<semaphore_mem>>
        %dma_start3A_137 = arith.constant 0 : i32
        %dma_start3A_138 = tpu.memref_slice %arg6[%arg0, %mul3A_136, %dma_start3A_137] : memref<2x10000x128xf32, #tpu.memory_space<hbm>> -> memref<1x80x128xf32, #tpu.memory_space<hbm>>
        %dma_start3A_139 = tpu.memref_squeeze %dma_start3A_138 : memref<1x80x128xf32, #tpu.memory_space<hbm>> -> memref<80x128xf32, #tpu.memory_space<hbm>>
        %dma_start3A_140 = arith.constant 0 : i32
        %dma_start3A_141 = tpu.memref_slice %arg12[%mul3A_134, %dma_start3A_140] : memref<10000x128xf32, #tpu.memory_space<vmem_shared>> -> memref<80x128xf32, #tpu.memory_space<vmem_shared>>
        tpu.enqueue_dma source(%dma_start3A_141 : memref<80x128xf32, #tpu.memory_space<vmem_shared>>) target(%dma_start3A_139 : memref<80x128xf32, #tpu.memory_space<hbm>>) target_semaphore(%run_scoped3A : memref<!tpu.dma_semaphore, #tpu.memory_space<semaphore_mem>>)
        %dma_wait3A_142 = arith.constant 0 : i32
        %dma_wait3A_143 = tpu.memref_slice %arg6[%arg0, %mul3A_136, %dma_wait3A_142] : memref<2x10000x128xf32, #tpu.memory_space<hbm>> -> memref<1x80x128xf32, #tpu.memory_space<hbm>>
        %dma_wait3A_144 = tpu.memref_squeeze %dma_wait3A_143 : memref<1x80x128xf32, #tpu.memory_space<hbm>> -> memref<80x128xf32, #tpu.memory_space<hbm>>
        %dma_wait3A_145 = arith.constant 0 : i32
        %dma_wait3A_146 = tpu.memref_slice %arg12[%mul3A_134, %dma_wait3A_145] : memref<10000x128xf32, #tpu.memory_space<vmem_shared>> -> memref<80x128xf32, #tpu.memory_space<vmem_shared>>
        tpu.wait_dma2 semaphore(%run_scoped3A : memref<!tpu.dma_semaphore, #tpu.memory_space<semaphore_mem>>) src(%dma_wait3A_146 : memref<80x128xf32, #tpu.memory_space<vmem_shared>>) dst(%dma_wait3A_144 : memref<80x128xf32, #tpu.memory_space<hbm>>)
        tpu.yield
      }) : () -> ()
    } else {
    }
    return
  }
}

module attributes {stable_mosaic.version = 14 : i64} {
  func.func @_k1_body(%arg0: i32, %arg1: memref<1000x128xf32, #tpu.memory_space<vmem>>, %arg2: memref<128x128xf32, #tpu.memory_space<vmem>>, %arg3: memref<1000x128xf32, #tpu.memory_space<vmem>>, %arg4: memref<1000x128xf32, #tpu.memory_space<vmem>>, %arg5: memref<1000x128xf32, #tpu.memory_space<vmem>>, %arg6: memref<1000x128xf32, #tpu.memory_space<vmem>>) attributes {dimension_semantics = [#tpu.dimension_semantics<arbitrary>], iteration_bounds = array<i64: 10>, scalar_prefetch = 0 : i64, scratch_operands = 0 : i64, tpu.core_type = #tpu.core_type<tc>, window_params = [{transform_indices = @transform_0, window_bounds = array<i64: 1000, 128>}, {pipeline_mode = #tpu.pipeline_mode<synchronous>, transform_indices = @transform_1, window_bounds = array<i64: 128, 128>}, {transform_indices = @transform_2, window_bounds = array<i64: 1000, 128>}, {transform_indices = @transform_3, window_bounds = array<i64: 1000, 128>}, {transform_indices = @transform_4, window_bounds = array<i64: 1000, 128>}, {transform_indices = @transform_5, window_bounds = array<i64: 1000, 128>}]} {
    %get3A = arith.constant 0 : index
    %get3A_0 = arith.constant 0 : index
    %get3A_1 = vector.load %arg3[%get3A, %get3A_0] : memref<1000x128xf32, #tpu.memory_space<vmem>>, vector<1000x128xf32>
    %slice3A = vector.extract_strided_slice %get3A_1 {offsets = [0, 0], sizes = [1000, 1], strides = [1, 1]} : vector<1000x128xf32> to vector<1000x1xf32>
    %add3A = arith.constant 1.000000e+00 : f32
    %add3A_2 = vector.broadcast %add3A : f32 to vector<1000x1xf32>
    %add3A_3 = arith.addf %add3A_2, %slice3A : vector<1000x1xf32>
    %get3A_4 = arith.constant 0 : index
    %get3A_5 = arith.constant 0 : index
    %get3A_6 = vector.load %arg4[%get3A_4, %get3A_5] : memref<1000x128xf32, #tpu.memory_space<vmem>>, vector<1000x128xf32>
    %slice3A_7 = vector.extract_strided_slice %get3A_6 {offsets = [0, 0], sizes = [1000, 1], strides = [1, 1]} : vector<1000x128xf32> to vector<1000x1xf32>
    %add3A_8 = arith.addf %add3A_3, %slice3A_7 : vector<1000x1xf32>
    %rsqrt3A = math.rsqrt %add3A_8 : vector<1000x1xf32>
    %get3A_9 = arith.constant 0 : index
    %get3A_10 = arith.constant 0 : index
    %get3A_11 = vector.load %arg1[%get3A_9, %get3A_10] : memref<1000x128xf32, #tpu.memory_space<vmem>>, vector<1000x128xf32>
    %get3A_12 = arith.constant 0 : index
    %get3A_13 = arith.constant 0 : index
    %get3A_14 = vector.load %arg2[%get3A_12, %get3A_13] : memref<128x128xf32, #tpu.memory_space<vmem>>, vector<128x128xf32>
    %dot_general3A = arith.constant dense<0.000000e+00> : vector<1000x128xf32>
    %dot_general3A_15 = tpu.matmul %get3A_11, %get3A_14, %dot_general3A {dimension_numbers = #tpu.dot_dimension_numbers<[1], [0], [0], [1], [0, 0, 1, 1], [], []>, transpose_lhs_hint = false} : vector<1000x128xf32>, vector<128x128xf32>, vector<1000x128xf32> -> vector<1000x128xf32>
    %mul3A = vector.broadcast %rsqrt3A : vector<1000x1xf32> to vector<1000x128xf32>
    %mul3A_16 = arith.mulf %dot_general3A_15, %mul3A : vector<1000x128xf32>
    %swap3A = arith.constant 0 : index
    %swap3A_17 = arith.constant 0 : index
    %swap3A_18 = vector.load %arg5[%swap3A, %swap3A_17] : memref<1000x128xf32, #tpu.memory_space<vmem>>, vector<1000x128xf32>
    tpu.vector_store %arg5[%swap3A, %swap3A_17], %mul3A_16 {strides = array<i32>} : memref<1000x128xf32, #tpu.memory_space<vmem>>, vector<1000x128xf32>,
    %broadcast_in_dim3A = vector.shape_cast %rsqrt3A : vector<1000x1xf32> to vector<1000x1xf32>
    %broadcast_in_dim3A_19 = vector.broadcast %broadcast_in_dim3A : vector<1000x1xf32> to vector<1000x128xf32>
    %swap3A_20 = arith.constant 0 : index
    %swap3A_21 = arith.constant 0 : index
    %swap3A_22 = vector.load %arg6[%swap3A_20, %swap3A_21] : memref<1000x128xf32, #tpu.memory_space<vmem>>, vector<1000x128xf32>
    tpu.vector_store %arg6[%swap3A_20, %swap3A_21], %broadcast_in_dim3A_19 {strides = array<i32>} : memref<1000x128xf32, #tpu.memory_space<vmem>>, vector<1000x128xf32>,
    return
  }
  func.func @transform_0(%arg0: i32) -> (i32, i32) {
    %c0_i32 = arith.constant 0 : i32
    %c0_i32_0 = arith.constant 0 : i32
    return %arg0, %c0_i32 : i32, i32
  }
  func.func @transform_1(%arg0: i32) -> (i32, i32) {
    %c0_i32 = arith.constant 0 : i32
    %c0_i32_0 = arith.constant 0 : i32
    %c0_i32_1 = arith.constant 0 : i32
    return %c0_i32, %c0_i32_0 : i32, i32
  }
  func.func @transform_2(%arg0: i32) -> (i32, i32) {
    %c0_i32 = arith.constant 0 : i32
    %c0_i32_0 = arith.constant 0 : i32
    return %arg0, %c0_i32 : i32, i32
  }
  func.func @transform_3(%arg0: i32) -> (i32, i32) {
    %c0_i32 = arith.constant 0 : i32
    %c0_i32_0 = arith.constant 0 : i32
    return %arg0, %c0_i32 : i32, i32
  }
  func.func @transform_4(%arg0: i32) -> (i32, i32) {
    %c0_i32 = arith.constant 0 : i32
    %c0_i32_0 = arith.constant 0 : i32
    return %arg0, %c0_i32 : i32, i32
  }
  func.func @transform_5(%arg0: i32) -> (i32, i32) {
    %c0_i32 = arith.constant 0 : i32
    %c0_i32_0 = arith.constant 0 : i32
    return %arg0, %c0_i32 : i32, i32
  }
}

module attributes {stable_mosaic.version = 14 : i64} {
  func.func @_k23_body(%arg0: i32, %arg1: memref<2x1000x128xf32, #tpu.memory_space<vmem>>, %arg2: memref<1000x128xf32, #tpu.memory_space<vmem>>, %arg3: memref<1000x128xf32, #tpu.memory_space<vmem>>, %arg4: memref<1x128xf32, #tpu.memory_space<vmem>>, %arg5: memref<1x128xf32, #tpu.memory_space<vmem>>, %arg6: memref<1x128xf32, #tpu.memory_space<vmem>>, %arg7: memref<128x128xf32, #tpu.memory_space<vmem>>, %arg8: memref<1000x128xf32, #tpu.memory_space<vmem>>) attributes {dimension_semantics = [#tpu.dimension_semantics<arbitrary>], iteration_bounds = array<i64: 10>, scalar_prefetch = 0 : i64, scratch_operands = 0 : i64, tpu.core_type = #tpu.core_type<tc>, window_params = [{transform_indices = @transform_0, window_bounds = array<i64: 2, 1000, 128>}, {transform_indices = @transform_1, window_bounds = array<i64: 1000, 128>}, {transform_indices = @transform_2, window_bounds = array<i64: 1000, 128>}, {pipeline_mode = #tpu.pipeline_mode<synchronous>, transform_indices = @transform_3, window_bounds = array<i64: 1, 128>}, {pipeline_mode = #tpu.pipeline_mode<synchronous>, transform_indices = @transform_4, window_bounds = array<i64: 1, 128>}, {pipeline_mode = #tpu.pipeline_mode<synchronous>, transform_indices = @transform_5, window_bounds = array<i64: 1, 128>}, {pipeline_mode = #tpu.pipeline_mode<synchronous>, transform_indices = @transform_6, window_bounds = array<i64: 128, 128>}, {transform_indices = @transform_7, window_bounds = array<i64: 1000, 128>}]} {
    %get3A = arith.constant 0 : index
    %get3A_0 = arith.constant 0 : index
    %get3A_1 = arith.constant 0 : index
    %get3A_2 = vector.load %arg1[%get3A, %get3A_0, %get3A_1] : memref<2x1000x128xf32, #tpu.memory_space<vmem>>, vector<2x1000x128xf32>
    %slice3A = vector.extract_strided_slice %get3A_2 {offsets = [0, 0, 0], sizes = [1, 1000, 128], strides = [1, 1, 1]} : vector<2x1000x128xf32> to vector<1x1000x128xf32>
    %squeeze3A = vector.shape_cast %slice3A : vector<1x1000x128xf32> to vector<1000x128xf32>
    %slice3A_3 = vector.extract_strided_slice %get3A_2 {offsets = [1, 0, 0], sizes = [1, 1000, 128], strides = [1, 1, 1]} : vector<2x1000x128xf32> to vector<1x1000x128xf32>
    %squeeze3A_4 = vector.shape_cast %slice3A_3 : vector<1x1000x128xf32> to vector<1000x128xf32>
    %add3A = arith.addf %squeeze3A, %squeeze3A_4 : vector<1000x128xf32>
    %get3A_5 = arith.constant 0 : index
    %get3A_6 = arith.constant 0 : index
    %get3A_7 = vector.load %arg2[%get3A_5, %get3A_6] : memref<1000x128xf32, #tpu.memory_space<vmem>>, vector<1000x128xf32>
    %add3A_8 = arith.addf %add3A, %get3A_7 : vector<1000x128xf32>
    %get3A_9 = arith.constant 0 : index
    %get3A_10 = arith.constant 0 : index
    %get3A_11 = vector.load %arg3[%get3A_9, %get3A_10] : memref<1000x128xf32, #tpu.memory_space<vmem>>, vector<1000x128xf32>
    %mul3A = arith.mulf %get3A_11, %add3A_8 : vector<1000x128xf32>
    %get3A_12 = arith.constant 0 : index
    %get3A_13 = arith.constant 0 : index
    %get3A_14 = vector.load %arg4[%get3A_12, %get3A_13] : memref<1x128xf32, #tpu.memory_space<vmem>>, vector<1x128xf32>
    %add3A_15 = vector.broadcast %get3A_14 : vector<1x128xf32> to vector<1000x128xf32>
    %add3A_16 = arith.addf %mul3A, %add3A_15 : vector<1000x128xf32>
    %get3A_17 = arith.constant 0 : index
    %get3A_18 = arith.constant 0 : index
    %get3A_19 = vector.load %arg5[%get3A_17, %get3A_18] : memref<1x128xf32, #tpu.memory_space<vmem>>, vector<1x128xf32>
    %mul3A_20 = vector.broadcast %get3A_19 : vector<1x128xf32> to vector<1000x128xf32>
    %mul3A_21 = arith.mulf %mul3A_20, %add3A_16 : vector<1000x128xf32>
    %div3A = arith.constant 1.00000501 : f32
    %div3A_22 = vector.broadcast %div3A : f32 to vector<1000x128xf32>
    %div3A_23 = arith.divf %mul3A_21, %div3A_22 : vector<1000x128xf32>
    %get3A_24 = arith.constant 0 : index
    %get3A_25 = arith.constant 0 : index
    %get3A_26 = vector.load %arg6[%get3A_24, %get3A_25] : memref<1x128xf32, #tpu.memory_space<vmem>>, vector<1x128xf32>
    %add3A_27 = vector.broadcast %get3A_26 : vector<1x128xf32> to vector<1000x128xf32>
    %add3A_28 = arith.addf %div3A_23, %add3A_27 : vector<1000x128xf32>
    %max3A = arith.constant 0.000000e+00 : f32
    %max3A_29 = vector.broadcast %max3A : f32 to vector<1000x128xf32>
    %max3A_30 = arith.maximumf %add3A_28, %max3A_29 : vector<1000x128xf32>
    %get3A_31 = arith.constant 0 : index
    %get3A_32 = arith.constant 0 : index
    %get3A_33 = vector.load %arg7[%get3A_31, %get3A_32] : memref<128x128xf32, #tpu.memory_space<vmem>>, vector<128x128xf32>
    %dot_general3A = arith.constant dense<0.000000e+00> : vector<1000x128xf32>
    %dot_general3A_34 = tpu.matmul %max3A_30, %get3A_33, %dot_general3A {dimension_numbers = #tpu.dot_dimension_numbers<[1], [0], [0], [1], [0, 0, 1, 1], [], []>, transpose_lhs_hint = false} : vector<1000x128xf32>, vector<128x128xf32>, vector<1000x128xf32> -> vector<1000x128xf32>
    %mul3A_35 = arith.mulf %get3A_11, %dot_general3A_34 : vector<1000x128xf32>
    %swap3A = arith.constant 0 : index
    %swap3A_36 = arith.constant 0 : index
    %swap3A_37 = vector.load %arg8[%swap3A, %swap3A_36] : memref<1000x128xf32, #tpu.memory_space<vmem>>, vector<1000x128xf32>
    tpu.vector_store %arg8[%swap3A, %swap3A_36], %mul3A_35 {strides = array<i32>} : memref<1000x128xf32, #tpu.memory_space<vmem>>, vector<1000x128xf32>,
    return
  }
  func.func @transform_0(%arg0: i32) -> (i32, i32, i32) {
    %c0_i32 = arith.constant 0 : i32
    %c0_i32_0 = arith.constant 0 : i32
    %c0_i32_1 = arith.constant 0 : i32
    return %c0_i32, %arg0, %c0_i32_0 : i32, i32, i32
  }
  func.func @transform_1(%arg0: i32) -> (i32, i32) {
    %c0_i32 = arith.constant 0 : i32
    %c0_i32_0 = arith.constant 0 : i32
    return %arg0, %c0_i32 : i32, i32
  }
  func.func @transform_2(%arg0: i32) -> (i32, i32) {
    %c0_i32 = arith.constant 0 : i32
    %c0_i32_0 = arith.constant 0 : i32
    return %arg0, %c0_i32 : i32, i32
  }
  func.func @transform_3(%arg0: i32) -> (i32, i32) {
    %c0_i32 = arith.constant 0 : i32
    %c0_i32_0 = arith.constant 0 : i32
    %c0_i32_1 = arith.constant 0 : i32
    return %c0_i32, %c0_i32_0 : i32, i32
  }
  func.func @transform_4(%arg0: i32) -> (i32, i32) {
    %c0_i32 = arith.constant 0 : i32
    %c0_i32_0 = arith.constant 0 : i32
    %c0_i32_1 = arith.constant 0 : i32
    return %c0_i32, %c0_i32_0 : i32, i32
  }
  func.func @transform_5(%arg0: i32) -> (i32, i32) {
    %c0_i32 = arith.constant 0 : i32
    %c0_i32_0 = arith.constant 0 : i32
    %c0_i32_1 = arith.constant 0 : i32
    return %c0_i32, %c0_i32_0 : i32, i32
  }
  func.func @transform_6(%arg0: i32) -> (i32, i32) {
    %c0_i32 = arith.constant 0 : i32
    %c0_i32_0 = arith.constant 0 : i32
    %c0_i32_1 = arith.constant 0 : i32
    return %c0_i32, %c0_i32_0 : i32, i32
  }
  func.func @transform_7(%arg0: i32) -> (i32, i32) {
    %c0_i32 = arith.constant 0 : i32
    %c0_i32_0 = arith.constant 0 : i32
    return %arg0, %c0_i32 : i32, i32
  }
}

module attributes {stable_mosaic.version = 14 : i64} {
  func.func @_k4_body(%arg0: i32, %arg1: memref<1x1x1000xi32, #tpu.memory_space<vmem>>, %arg2: memref<2x1000x128xf32, #tpu.memory_space<vmem>>, %arg3: memref<1000x128xf32, #tpu.memory_space<vmem>>, %arg4: memref<1000x128xf32, #tpu.memory_space<vmem>>, %arg5: memref<1x128xf32, #tpu.memory_space<vmem>>, %arg6: memref<1x128xf32, #tpu.memory_space<vmem>>, %arg7: memref<1x128xf32, #tpu.memory_space<vmem>>, %arg8: memref<128x64xf32, #tpu.memory_space<vmem>>, %arg9: memref<1x64xf32, #tpu.memory_space<vmem>>, %arg10: memref<1x64xf32, #tpu.memory_space<vmem>>, %arg11: memref<1x64xf32, #tpu.memory_space<vmem>>, %arg12: memref<64x1xf32, #tpu.memory_space<vmem>>, %arg13: memref<1x128xf32, #tpu.memory_space<vmem>>, %arg14: memref<128x1xf32, #tpu.memory_space<vmem>>, %arg15: memref<128x128xf32, #tpu.memory_space<vmem>>, %arg16: memref<128x128xf32, #tpu.memory_space<vmem>>) attributes {dimension_semantics = [#tpu.dimension_semantics<arbitrary>], iteration_bounds = array<i64: 10>, scalar_prefetch = 0 : i64, scratch_operands = 2 : i64, tpu.core_type = #tpu.core_type<tc>, window_params = [{transform_indices = @transform_0, window_bounds = array<i64: 1, 1, 1000>}, {transform_indices = @transform_1, window_bounds = array<i64: 2, 1000, 128>}, {transform_indices = @transform_2, window_bounds = array<i64: 1000, 128>}, {transform_indices = @transform_3, window_bounds = array<i64: 1000, 128>}, {pipeline_mode = #tpu.pipeline_mode<synchronous>, transform_indices = @transform_4, window_bounds = array<i64: 1, 128>}, {pipeline_mode = #tpu.pipeline_mode<synchronous>, transform_indices = @transform_5, window_bounds = array<i64: 1, 128>}, {pipeline_mode = #tpu.pipeline_mode<synchronous>, transform_indices = @transform_6, window_bounds = array<i64: 1, 128>}, {pipeline_mode = #tpu.pipeline_mode<synchronous>, transform_indices = @transform_7, window_bounds = array<i64: 128, 64>}, {pipeline_mode = #tpu.pipeline_mode<synchronous>, transform_indices = @transform_8, window_bounds = array<i64: 1, 64>}, {pipeline_mode = #tpu.pipeline_mode<synchronous>, transform_indices = @transform_9, window_bounds = array<i64: 1, 64>}, {pipeline_mode = #tpu.pipeline_mode<synchronous>, transform_indices = @transform_10, window_bounds = array<i64: 1, 64>}, {pipeline_mode = #tpu.pipeline_mode<synchronous>, transform_indices = @transform_11, window_bounds = array<i64: 64, 1>}, {pipeline_mode = #tpu.pipeline_mode<synchronous>, transform_indices = @transform_12, window_bounds = array<i64: 1, 128>}, {pipeline_mode = #tpu.pipeline_mode<synchronous>, transform_indices = @transform_13, window_bounds = array<i64: 128, 1>}]} {
    %eq3A = arith.constant 0 : i32
    %eq3A_0 = arith.cmpi eq, %arg0, %eq3A : i32
    %convert_element_type3A = arith.extui %eq3A_0 : i1 to i32
    %cond3A = arith.constant 0 : i32
    %cond3A_1 = arith.cmpi ne, %convert_element_type3A, %cond3A : i32
    scf.if %cond3A_1 {
      %broadcast_in_dim3A_65 = arith.constant 0.000000e+00 : f32
      %broadcast_in_dim3A_66 = vector.broadcast %broadcast_in_dim3A_65 : f32 to vector<128x128xf32>
      %swap3A_67 = arith.constant 0 : index
      %swap3A_68 = arith.constant 0 : index
      %swap3A_69 = vector.load %arg15[%swap3A_67, %swap3A_68] : memref<128x128xf32, #tpu.memory_space<vmem>>, vector<128x128xf32>
      tpu.vector_store %arg15[%swap3A_67, %swap3A_68], %broadcast_in_dim3A_66 {strides = array<i32>} : memref<128x128xf32, #tpu.memory_space<vmem>>, vector<128x128xf32>,
      %broadcast_in_dim3A_70 = arith.constant 0.000000e+00 : f32
      %broadcast_in_dim3A_71 = vector.broadcast %broadcast_in_dim3A_70 : f32 to vector<128x128xf32>
      %swap3A_72 = arith.constant 0 : index
      %swap3A_73 = arith.constant 0 : index
      %swap3A_74 = vector.load %arg16[%swap3A_72, %swap3A_73] : memref<128x128xf32, #tpu.memory_space<vmem>>, vector<128x128xf32>
      tpu.vector_store %arg16[%swap3A_72, %swap3A_73], %broadcast_in_dim3A_71 {strides = array<i32>} : memref<128x128xf32, #tpu.memory_space<vmem>>, vector<128x128xf32>,
    } else {
    }
    %get3A = arith.constant 0 : index
    %get3A_2 = arith.constant 0 : index
    %get3A_3 = arith.constant 0 : index
    %get3A_4 = vector.load %arg2[%get3A, %get3A_2, %get3A_3] : memref<2x1000x128xf32, #tpu.memory_space<vmem>>, vector<2x1000x128xf32>
    %slice3A = vector.extract_strided_slice %get3A_4 {offsets = [0, 0, 0], sizes = [1, 1000, 128], strides = [1, 1, 1]} : vector<2x1000x128xf32> to vector<1x1000x128xf32>
    %squeeze3A = vector.shape_cast %slice3A : vector<1x1000x128xf32> to vector<1000x128xf32>
    %slice3A_5 = vector.extract_strided_slice %get3A_4 {offsets = [1, 0, 0], sizes = [1, 1000, 128], strides = [1, 1, 1]} : vector<2x1000x128xf32> to vector<1x1000x128xf32>
    %squeeze3A_6 = vector.shape_cast %slice3A_5 : vector<1x1000x128xf32> to vector<1000x128xf32>
    %add3A = arith.addf %squeeze3A, %squeeze3A_6 : vector<1000x128xf32>
    %get3A_7 = arith.constant 0 : index
    %get3A_8 = arith.constant 0 : index
    %get3A_9 = vector.load %arg3[%get3A_7, %get3A_8] : memref<1000x128xf32, #tpu.memory_space<vmem>>, vector<1000x128xf32>
    %add3A_10 = arith.addf %add3A, %get3A_9 : vector<1000x128xf32>
    %get3A_11 = arith.constant 0 : index
    %get3A_12 = arith.constant 0 : index
    %get3A_13 = vector.load %arg4[%get3A_11, %get3A_12] : memref<1000x128xf32, #tpu.memory_space<vmem>>, vector<1000x128xf32>
    %mul3A = arith.mulf %get3A_13, %add3A_10 : vector<1000x128xf32>
    %get3A_14 = arith.constant 0 : index
    %get3A_15 = arith.constant 0 : index
    %get3A_16 = vector.load %arg5[%get3A_14, %get3A_15] : memref<1x128xf32, #tpu.memory_space<vmem>>, vector<1x128xf32>
    %add3A_17 = vector.broadcast %get3A_16 : vector<1x128xf32> to vector<1000x128xf32>
    %add3A_18 = arith.addf %mul3A, %add3A_17 : vector<1000x128xf32>
    %get3A_19 = arith.constant 0 : index
    %get3A_20 = arith.constant 0 : index
    %get3A_21 = vector.load %arg6[%get3A_19, %get3A_20] : memref<1x128xf32, #tpu.memory_space<vmem>>, vector<1x128xf32>
    %mul3A_22 = vector.broadcast %get3A_21 : vector<1x128xf32> to vector<1000x128xf32>
    %mul3A_23 = arith.mulf %mul3A_22, %add3A_18 : vector<1000x128xf32>
    %div3A = arith.constant 1.00000501 : f32
    %div3A_24 = vector.broadcast %div3A : f32 to vector<1000x128xf32>
    %div3A_25 = arith.divf %mul3A_23, %div3A_24 : vector<1000x128xf32>
    %get3A_26 = arith.constant 0 : index
    %get3A_27 = arith.constant 0 : index
    %get3A_28 = vector.load %arg7[%get3A_26, %get3A_27] : memref<1x128xf32, #tpu.memory_space<vmem>>, vector<1x128xf32>
    %add3A_29 = vector.broadcast %get3A_28 : vector<1x128xf32> to vector<1000x128xf32>
    %add3A_30 = arith.addf %div3A_25, %add3A_29 : vector<1000x128xf32>
    %max3A = arith.constant 0.000000e+00 : f32
    %max3A_31 = vector.broadcast %max3A : f32 to vector<1000x128xf32>
    %max3A_32 = arith.maximumf %add3A_30, %max3A_31 : vector<1000x128xf32>
    %iota3A = tpu.iota {dimensions = array<i32: 0>} : vector<128x1000xi32>
    %get3A_33 = arith.constant 0 : index
    %get3A_34 = arith.constant 0 : index
    %get3A_35 = arith.constant 0 : index
    %get3A_36 = vector.load %arg1[%get3A_33, %get3A_34, %get3A_35] : memref<1x1x1000xi32, #tpu.memory_space<vmem>>, vector<1x1x1000xi32>
    %squeeze3A_37 = vector.shape_cast %get3A_36 : vector<1x1x1000xi32> to vector<1x1000xi32>
    %broadcast_in_dim3A = vector.shape_cast %squeeze3A_37 : vector<1x1000xi32> to vector<1x1000xi32>
    %broadcast_in_dim3A_38 = vector.broadcast %broadcast_in_dim3A : vector<1x1000xi32> to vector<128x1000xi32>
    %eq3A_39 = arith.cmpi eq, %iota3A, %broadcast_in_dim3A_38 : vector<128x1000xi32>
    %convert_element_type3A_40 = arith.extui %eq3A_39 : vector<128x1000xi1> to vector<128x1000xi32>
    %convert_element_type3A_41 = arith.sitofp %convert_element_type3A_40 : vector<128x1000xi32> to vector<128x1000xf32>
    %get3A_42 = arith.constant 0 : index
    %get3A_43 = arith.constant 0 : index
    %get3A_44 = vector.load %arg15[%get3A_42, %get3A_43] : memref<128x128xf32, #tpu.memory_space<vmem>>, vector<128x128xf32>
    %dot_general3A = arith.constant dense<0.000000e+00> : vector<128x128xf32>
    %dot_general3A_45 = tpu.matmul %convert_element_type3A_41, %max3A_32, %dot_general3A {dimension_numbers = #tpu.dot_dimension_numbers<[1], [0], [0], [1], [0, 0, 1, 1], [], []>, precision = #tpu.contract_precision<fp32>, transpose_lhs_hint = false} : vector<128x1000xf32>, vector<1000x128xf32>, vector<128x128xf32> -> vector<128x128xf32>
    %add3A_46 = arith.addf %get3A_44, %dot_general3A_45 : vector<128x128xf32>
    %swap3A = arith.constant 0 : index
    %swap3A_47 = arith.constant 0 : index
    %swap3A_48 = vector.load %arg15[%swap3A, %swap3A_47] : memref<128x128xf32, #tpu.memory_space<vmem>>, vector<128x128xf32>
    tpu.vector_store %arg15[%swap3A, %swap3A_47], %add3A_46 {strides = array<i32>} : memref<128x128xf32, #tpu.memory_space<vmem>>, vector<128x128xf32>,
    %get3A_49 = arith.constant 0 : index
    %get3A_50 = arith.constant 0 : index
    %get3A_51 = vector.load %arg16[%get3A_49, %get3A_50] : memref<128x128xf32, #tpu.memory_space<vmem>>, vector<128x128xf32>
    %reduce_sum3A = arith.constant dense<0.000000e+00> : vector<128xf32>
    %reduce_sum3A_52 = vector.multi_reduction <add>, %convert_element_type3A_41, %reduce_sum3A [1] : vector<128x1000xf32> to vector<128xf32>
    %broadcast_in_dim3A_53 = vector.shape_cast %reduce_sum3A_52 : vector<128xf32> to vector<128x1xf32>
    %broadcast_in_dim3A_54 = vector.shape_cast %broadcast_in_dim3A_53 : vector<128x1xf32> to vector<128x1xf32>
    %broadcast_in_dim3A_55 = vector.broadcast %broadcast_in_dim3A_54 : vector<128x1xf32> to vector<128x128xf32>
    %add3A_56 = arith.addf %get3A_51, %broadcast_in_dim3A_55 : vector<128x128xf32>
    %swap3A_57 = arith.constant 0 : index
    %swap3A_58 = arith.constant 0 : index
    %swap3A_59 = vector.load %arg16[%swap3A_57, %swap3A_58] : memref<128x128xf32, #tpu.memory_space<vmem>>, vector<128x128xf32>
    tpu.vector_store %arg16[%swap3A_57, %swap3A_58], %add3A_56 {strides = array<i32>} : memref<128x128xf32, #tpu.memory_space<vmem>>, vector<128x128xf32>,
    %eq3A_60 = arith.constant 9 : i32
    %eq3A_61 = arith.cmpi eq, %arg0, %eq3A_60 : i32
    %convert_element_type3A_62 = arith.extui %eq3A_61 : i1 to i32
    %cond3A_63 = arith.constant 0 : i32
    %cond3A_64 = arith.cmpi ne, %convert_element_type3A_62, %cond3A_63 : i32
    scf.if %cond3A_64 {
      %get3A_65 = arith.constant 0 : index
      %get3A_66 = arith.constant 0 : index
      %get3A_67 = vector.load %arg15[%get3A_65, %get3A_66] : memref<128x128xf32, #tpu.memory_space<vmem>>, vector<128x128xf32>
      %get3A_68 = arith.constant 0 : index
      %get3A_69 = arith.constant 0 : index
      %get3A_70 = vector.load %arg16[%get3A_68, %get3A_69] : memref<128x128xf32, #tpu.memory_space<vmem>>, vector<128x128xf32>
      %max3A_71 = arith.constant 1.000000e+00 : f32
      %max3A_72 = vector.broadcast %max3A_71 : f32 to vector<128x128xf32>
      %max3A_73 = arith.maximumf %get3A_70, %max3A_72 : vector<128x128xf32>
      %div3A_74 = arith.divf %get3A_67, %max3A_73 : vector<128x128xf32>
      %get3A_75 = arith.constant 0 : index
      %get3A_76 = arith.constant 0 : index
      %get3A_77 = vector.load %arg8[%get3A_75, %get3A_76] : memref<128x64xf32, #tpu.memory_space<vmem>>, vector<128x64xf32>
      %dot_general3A_78 = arith.constant dense<0.000000e+00> : vector<128x64xf32>
      %dot_general3A_79 = tpu.matmul %div3A_74, %get3A_77, %dot_general3A_78 {dimension_numbers = #tpu.dot_dimension_numbers<[1], [0], [0], [1], [0, 0, 1, 1], [], []>, transpose_lhs_hint = false} : vector<128x128xf32>, vector<128x64xf32>, vector<128x64xf32> -> vector<128x64xf32>
      %get3A_80 = arith.constant 0 : index
      %get3A_81 = arith.constant 0 : index
      %get3A_82 = vector.load %arg9[%get3A_80, %get3A_81] : memref<1x64xf32, #tpu.memory_space<vmem>>, vector<1x64xf32>
      %add3A_83 = vector.broadcast %get3A_82 : vector<1x64xf32> to vector<128x64xf32>
      %add3A_84 = arith.addf %dot_general3A_79, %add3A_83 : vector<128x64xf32>
      %get3A_85 = arith.constant 0 : index
      %get3A_86 = arith.constant 0 : index
      %get3A_87 = vector.load %arg10[%get3A_85, %get3A_86] : memref<1x64xf32, #tpu.memory_space<vmem>>, vector<1x64xf32>
      %mul3A_88 = vector.broadcast %get3A_87 : vector<1x64xf32> to vector<128x64xf32>
      %mul3A_89 = arith.mulf %mul3A_88, %add3A_84 : vector<128x64xf32>
      %div3A_90 = arith.constant 1.00000501 : f32
      %div3A_91 = vector.broadcast %div3A_90 : f32 to vector<128x64xf32>
      %div3A_92 = arith.divf %mul3A_89, %div3A_91 : vector<128x64xf32>
      %get3A_93 = arith.constant 0 : index
      %get3A_94 = arith.constant 0 : index
      %get3A_95 = vector.load %arg11[%get3A_93, %get3A_94] : memref<1x64xf32, #tpu.memory_space<vmem>>, vector<1x64xf32>
      %add3A_96 = vector.broadcast %get3A_95 : vector<1x64xf32> to vector<128x64xf32>
      %add3A_97 = arith.addf %div3A_92, %add3A_96 : vector<128x64xf32>
      %max3A_98 = arith.constant 0.000000e+00 : f32
      %max3A_99 = vector.broadcast %max3A_98 : f32 to vector<128x64xf32>
      %max3A_100 = arith.maximumf %add3A_97, %max3A_99 : vector<128x64xf32>
      %get3A_101 = arith.constant 0 : index
      %get3A_102 = arith.constant 0 : index
      %get3A_103 = vector.load %arg12[%get3A_101, %get3A_102] : memref<64x1xf32, #tpu.memory_space<vmem>>, vector<64x1xf32>
      %dot_general3A_104 = arith.constant dense<0.000000e+00> : vector<128x1xf32>
      %dot_general3A_105 = tpu.matmul %max3A_100, %get3A_103, %dot_general3A_104 {dimension_numbers = #tpu.dot_dimension_numbers<[1], [0], [0], [1], [0, 0, 1, 1], [], []>, transpose_lhs_hint = false} : vector<128x64xf32>, vector<64x1xf32>, vector<128x1xf32> -> vector<128x1xf32>
      %get3A_106 = arith.constant 0 : index
      %get3A_107 = arith.constant 0 : index
      %get3A_108 = vector.load %arg13[%get3A_106, %get3A_107] : memref<1x128xf32, #tpu.memory_space<vmem>>, vector<1x128xf32>
      %slice3A_109 = vector.extract_strided_slice %get3A_108 {offsets = [0, 0], sizes = [1, 1], strides = [1, 1]} : vector<1x128xf32> to vector<1x1xf32>
      %add3A_110 = vector.broadcast %slice3A_109 : vector<1x1xf32> to vector<128x1xf32>
      %add3A_111 = arith.addf %dot_general3A_105, %add3A_110 : vector<128x1xf32>
      %swap3A_112 = arith.constant 0 : index
      %swap3A_113 = arith.constant 0 : index
      %swap3A_114 = vector.load %arg14[%swap3A_112, %swap3A_113] : memref<128x1xf32, #tpu.memory_space<vmem>>, vector<128x1xf32>
      tpu.vector_store %arg14[%swap3A_112, %swap3A_113], %add3A_111 {strides = array<i32>} : memref<128x1xf32, #tpu.memory_space<vmem>>, vector<128x1xf32>,
    } else {
    }
    return
  }
  func.func @transform_0(%arg0: i32) -> (i32, i32, i32) {
    %c0_i32 = arith.constant 0 : i32
    %c0_i32_0 = arith.constant 0 : i32
    %c0_i32_1 = arith.constant 0 : i32
    return %arg0, %c0_i32, %c0_i32_0 : i32, i32, i32
  }
  func.func @transform_1(%arg0: i32) -> (i32, i32, i32) {
    %c0_i32 = arith.constant 0 : i32
    %c0_i32_0 = arith.constant 0 : i32
    %c0_i32_1 = arith.constant 0 : i32
    return %c0_i32, %arg0, %c0_i32_0 : i32, i32, i32
  }
  func.func @transform_2(%arg0: i32) -> (i32, i32) {
    %c0_i32 = arith.constant 0 : i32
    %c0_i32_0 = arith.constant 0 : i32
    return %arg0, %c0_i32 : i32, i32
  }
  func.func @transform_3(%arg0: i32) -> (i32, i32) {
    %c0_i32 = arith.constant 0 : i32
    %c0_i32_0 = arith.constant 0 : i32
    return %arg0, %c0_i32 : i32, i32
  }
  func.func @transform_4(%arg0: i32) -> (i32, i32) {
    %c0_i32 = arith.constant 0 : i32
    %c0_i32_0 = arith.constant 0 : i32
    %c0_i32_1 = arith.constant 0 : i32
    return %c0_i32, %c0_i32_0 : i32, i32
  }
  func.func @transform_5(%arg0: i32) -> (i32, i32) {
    %c0_i32 = arith.constant 0 : i32
    %c0_i32_0 = arith.constant 0 : i32
    %c0_i32_1 = arith.constant 0 : i32
    return %c0_i32, %c0_i32_0 : i32, i32
  }
  func.func @transform_6(%arg0: i32) -> (i32, i32) {
    %c0_i32 = arith.constant 0 : i32
    %c0_i32_0 = arith.constant 0 : i32
    %c0_i32_1 = arith.constant 0 : i32
    return %c0_i32, %c0_i32_0 : i32, i32
  }
  func.func @transform_7(%arg0: i32) -> (i32, i32) {
    %c0_i32 = arith.constant 0 : i32
    %c0_i32_0 = arith.constant 0 : i32
    %c0_i32_1 = arith.constant 0 : i32
    return %c0_i32, %c0_i32_0 : i32, i32
  }
  func.func @transform_8(%arg0: i32) -> (i32, i32) {
    %c0_i32 = arith.constant 0 : i32
    %c0_i32_0 = arith.constant 0 : i32
    %c0_i32_1 = arith.constant 0 : i32
    return %c0_i32, %c0_i32_0 : i32, i32
  }
  func.func @transform_9(%arg0: i32) -> (i32, i32) {
    %c0_i32 = arith.constant 0 : i32
    %c0_i32_0 = arith.constant 0 : i32
    %c0_i32_1 = arith.constant 0 : i32
    return %c0_i32, %c0_i32_0 : i32, i32
  }
  func.func @transform_10(%arg0: i32) -> (i32, i32) {
    %c0_i32 = arith.constant 0 : i32
    %c0_i32_0 = arith.constant 0 : i32
    %c0_i32_1 = arith.constant 0 : i32
    return %c0_i32, %c0_i32_0 : i32, i32
  }
  func.func @transform_11(%arg0: i32) -> (i32, i32) {
    %c0_i32 = arith.constant 0 : i32
    %c0_i32_0 = arith.constant 0 : i32
    %c0_i32_1 = arith.constant 0 : i32
    return %c0_i32, %c0_i32_0 : i32, i32
  }
  func.func @transform_12(%arg0: i32) -> (i32, i32) {
    %c0_i32 = arith.constant 0 : i32
    %c0_i32_0 = arith.constant 0 : i32
    %c0_i32_1 = arith.constant 0 : i32
    return %c0_i32, %c0_i32_0 : i32, i32
  }
  func.func @transform_13(%arg0: i32) -> (i32, i32) {
    %c0_i32 = arith.constant 0 : i32
    %c0_i32_0 = arith.constant 0 : i32
    %c0_i32_1 = arith.constant 0 : i32
    return %c0_i32, %c0_i32_0 : i32, i32
  }
}

</mosaic_0001>

<sc_bundles>
// kernel: kernel.10.cloned.1.call-start
scs
__scs_entry_jumppad:
0x0: {  	(pc) =	sbr.rel $0x88, $3  }
0x1: {  	(tag) =	ssettag $0x0;
	lr =	simm.s32 $0x1  }
0x2: {  	[smem:$0x3F8C] =	sst lr;
	_ =	strace $0xD0000000  }
0x3: {  	_ = 	snop  }
0x4: {  	_ = 	snop  }
0x5: {  	_ = 	snop  }
0x6: {  	_ = 	snop  }
0x7: {  	_ = 	snop  }
__scs_overlays_trampoline_lowered:
0x8: {  	[smem:$0x3F9B] =	sst s0  }
0x9: {  	[smem:$0x3F9C] =	sst s1  }
0xa: {  	[smem:$0x3F9D] =	sst s2  }
0xb: {  	[smem:$0x3F9E] =	sst s3  }
0xc: {  	[smem:$0x3F9F] =	sst s4  }
0xd: {  	[smem:$0x3FA0] =	sst s5  }
0xe: {  	[smem:$0x3FA1] =	sst s6  }
0xf: {  	[smem:$0x3FA2] =	sst s7  }
0x10: {  	[smem:$0x3FA3] =	sst s8  }
0x11: {  	[smem:$0x3FA4] =	sst s9;
	s0 =	simm.s32 @!p0 $0x0  }
0x12: {  	s1 =	sld [smem:$0x3F8A];
	s0 =	simm.s32 @p0 $0x1  }
0x13: {  	[smem:$0x3FA5] =	sst s0;
	s0 =	simm.s32 @!p1 $0x0  }
0x14: {  	s2 =	sld [smem:$0x3F89];
	s0 =	simm.s32 @p1 $0x1  }
0x15: {  	[smem:$0x3FA6] =	sst s0;
	s0 =	simm.s32 @!p2 $0x0  }
0x16: {  	s3 =	sld [smem:$0x3FDB];
	s0 =	simm.s32 @p2 $0x1  }
0x17: {  	s4 =	simm.s32 $0x1BF5;
	[smem:$0x3FA8] =	sst s0  }
0x18: {  	s0 =	sld [smem:$0x3F8B];
	_ =	swait.ge [sflag:s4], $0x0  }
0x19: {  	s7 =	sld [smem:$0x3F8C]  }
0x1a: {  	s8 =	sadd.s32 $0xFFFFE003, lr  }
0x1b: {  	s9 =	sadd.s32 $0xFFFFFEF7, lr;
	s5 =	simm.s32 $0xFFFFFFFF;
	p2 =	slt.u32 s8, $0xFFFFF086  }
0x1c: {  	p1 =	slt.u32 s9, $0xF7A;
	s5 =	simm.s32 @!p2 $0x0  }
0x1d: {  	s5 =	simm.s32 @p1 $0x1;
	p0 =	seq.s32 s7, s2  }
0x1e: {  	s7 =	smul.u32 @!p0 $0xF7A, s2;
	p2 =	seq.s32 @!p0 s5, $0x0  }
0x1f: {  	s9 =	smul.u32 $0xF7A, s1;
	s8 =	simm.s32 @!p0 $0x1BF5;
	p2 =	por !p2, p0  }
0x20: {  	[sflag:s8] =	ssyncset.s32 @!p0 $0xFFFFF086;
	s6 =	sadd.s32 @!p0 s3, s7;
	s7 =	simm.s32 @!p0 $0x108  }
0x21: {  	s3 =	sadd.s32 s3, s9;
	s6 =	sadd.s32 @!p0 $0x88, s6;
	s7 =	simm.s32 @p2 $0x1082  }
0x22: {  	[simem:s7], [sflag:s8] =	dma.local @!p0 [hbm:s6], $0xF7A  }
0x23: {  	s9 =	sor.u32 $0xD0000000, s2;
	s6 =	simm.s32 $0x108;
	_ =	swait.ge @!p0 [sflag:s8], $0x0  }
0x24: {  	s3 =	sadd.s32 $0x88, s3;
	s6 =	simm.s32 @!p1 $0x1082;
	[sflag:s4] =	ssyncset.s32 $0xFFFFF086  }
0x25: {  	[simem:s6], [sflag:s4] =	dma.local [hbm:s3], $0xF7A  }
0x26: {  	[smem:$0x3F8C] =	sst s1;
	(tag) =	ssettag s2;
	_ =	strace s9  }
0x27: {  	s1 =	sld [smem:$0x3F9C]  }
0x28: {  	s2 =	sld [smem:$0x3F9D]  }
0x29: {  	s4 =	sld [smem:$0x3F9F]  }
0x2a: {  	p0 =	seq.s32 s5, $0x0;
	s5 =	sld [smem:$0x3FA0]  }
0x2b: {  	s6 =	sld [smem:$0x3FA1]  }
0x2c: {  	s7 =	sld [smem:$0x3FA2]  }
0x2d: {  	s3 =	simm.s32 $0x108;
	s8 =	sld [smem:$0x3FA3]  }
0x2e: {  	s3 =	simm.s32 @!p0 $0x1082;
	s9 =	sld [smem:$0x3FA4]  }
0x2f: {  	lr =	sadd.s32 s0, s3;
	s0 =	sld [smem:$0x3F9B]  }
0x30: {  	s3 =	sld [smem:$0x3F9E]  }
0x31: {  	[smem:$0x3FA7] =	sst s10  }
0x32: {  	s10 =	sld [smem:$0x3FA5];
	_ =	sdelay $0x3  }
0x33: {  	p0 =	seq.s32 s10, $0x1;
	s10 =	sld [smem:$0x3FA7];
	_ =	sdelay $0x3  }
0x34: {  	[smem:$0x3FA7] =	sst s10  }
0x35: {  	s10 =	sld [smem:$0x3FA6];
	_ =	sdelay $0x3  }
0x36: {  	p1 =	seq.s32 s10, $0x1;
	s10 =	sld [smem:$0x3FA7];
	_ =	sdelay $0x3  }
0x37: {  	[smem:$0x3FA7] =	sst s10  }
0x38: {  	s10 =	sld [smem:$0x3FA8]  }
0x39: {  	_ = 	snop;
	(pc) =	sbr.ind lr, $3  }
0x3a: {  	_ = 	snop  }
0x3b: {  	_ = 	snop  }
0x3c: {  	p2 =	seq.s32 s10, $0x1;
	s10 =	sld [smem:$0x3FA7]  }
0x3d: {  	_ =	shalt  }
0x3e: {  	_ =	shalt  }
0x3f: {  	_ =	shalt  }
0x40: {  	_ =	shalt  }
0x41: {  	_ =	shalt  }
0x42: {  	_ =	shalt  }
0x43: {  	_ =	shalt  }
0x44: {  	_ =	shalt  }
0x45: {  	_ =	shalt  }
0x46: {  	_ =	shalt  }
0x47: {  	_ =	shalt  }
0x48: {  	_ =	shalt  }
0x49: {  	_ =	shalt  }
0x4a: {  	_ =	shalt  }
0x4b: {  	_ =	shalt  }
0x4c: {  	_ =	shalt  }
0x4d: {  	_ =	shalt  }
0x4e: {  	_ =	shalt  }
0x4f: {  	_ =	shalt  }
0x50: {  	_ =	shalt  }
0x51: {  	_ =	shalt  }
0x52: {  	_ =	shalt  }
0x53: {  	_ =	shalt  }
0x54: {  	_ =	shalt  }
0x55: {  	_ =	shalt  }
0x56: {  	_ =	shalt  }
0x57: {  	_ =	shalt  }
0x58: {  	_ =	shalt  }
0x59: {  	_ =	shalt  }
0x5a: {  	_ =	shalt  }
0x5b: {  	_ =	shalt  }
0x5c: {  	_ =	shalt  }
0x5d: {  	_ =	shalt  }
0x5e: {  	_ =	shalt  }
0x5f: {  	_ =	shalt  }
0x60: {  	_ =	shalt  }
0x61: {  	_ =	shalt  }
0x62: {  	_ =	shalt  }
0x63: {  	_ =	shalt  }
0x64: {  	_ =	shalt  }
0x65: {  	_ =	shalt  }
0x66: {  	_ =	shalt  }
0x67: {  	_ =	shalt  }
0x68: {  	_ =	shalt  }
0x69: {  	_ =	shalt  }
0x6a: {  	_ =	shalt  }
0x6b: {  	_ =	shalt  }
0x6c: {  	_ =	shalt  }
0x6d: {  	_ =	shalt  }
0x6e: {  	_ =	shalt  }
0x6f: {  	_ =	shalt  }
0x70: {  	_ =	shalt  }
0x71: {  	_ =	shalt  }
0x72: {  	_ =	shalt  }
0x73: {  	_ =	shalt  }
0x74: {  	_ =	shalt  }
0x75: {  	_ =	shalt  }
0x76: {  	_ =	shalt  }
0x77: {  	_ =	shalt  }
0x78: {  	_ =	shalt  }
0x79: {  	_ =	shalt  }
0x7a: {  	_ =	shalt  }
0x7b: {  	_ =	shalt  }
0x7c: {  	_ =	shalt  }
0x7d: {  	_ =	shalt  }
0x7e: {  	_ =	shalt  }
0x7f: {  	_ =	shalt  }
0x80: {  	_ =	shalt  }
0x81: {  	_ =	shalt  }
0x82: {  	_ =	shalt  }
0x83: {  	_ =	shalt  }
0x84: {  	_ =	shalt  }
0x85: {  	_ =	shalt  }
0x86: {  	_ =	shalt  }
0x87: {  	_ =	shalt  }
.Lfunc_end0:
.L_simem_size_0:
called_computation_lowered:
.L_overlay_start_0:
0x88: {  	s2 =	sld [smem:$0x3FD9]  }
0x89: {  	s3 =	sld [smem:$0x3FFE];
	_ =	sdelay $0x1  }
0x8a: {  	s1 =	srdreg.scid  }
0x8b: {  	s0 =	sand.u32 $0x1, s1  }
0x8c: {  	s16 =	sshll.u32 s0, $0xA;
	s2 =	sadd.s32 s3, s2  }
0x8d: {  	s2 =	sadd.s32 s2, s16  }
0x8e: {  	[smem:$0x3FB3] =	sst s2  }
0x8f: {  	_ = 	snop  }
0x90: {  	(tm) =	ssettm $0x1  }
0x91: {  	s17 =	sld [smem:$0x3FFB];
	_ =	sdelay $0x3  }
0x92: {  	_ =	strace s17  }
0x93: {  	s2 =	sld [smem:$0x3FFC];
	_ =	sdelay $0x3  }
0x94: {  	_ =	strace s2  }
0x95: {  	s2 =	sld [smem:$0x3FFD];
	_ =	sdelay $0x3  }
0x96: {  	_ =	strace s2  }
0x97: {  	_ =	strace $0x8FFFFFFF  }
0x98: {  	s18 =	sld [smem:$0x3FDB];
	_ =	sdelay $0x1  }
0x99: {  	s19 =	simm.s32 $_scs_section_size  }
0x9a: {  	s4 =	simm.s32 $_size__tile_overlayer_lowered;
	s5 =	simm.s32 $_tile_overlayer_lowered  }
0x9b: {  	s22 =	simm.s32 $0x1BFF;
	s21 =	sshll.u32 s5, $0x1;
	s2 =	sadd.s32 s19, s18  }
0x9c: {  	s6 =	simm.s32 $0x0;
	s20 =	sshll.u32 s4, $0x1;
	s4 =	sadd.s32 s21, s2  }
0x9d: {  	[timem:s6], [sflag:s22] =	dma.local [hbm:s4], s20  }
0x9e: {  	_ =	swait.ge [sflag:s22], s20  }
0x9f: {  	s3 =	ssub.s32 $0x0, s20;
	[sflag:s22] =	ssyncset.done $0x0  }
0xa0: {  	[sflag:s22] =	ssyncadd.s32 s3;
	_ =	sdelay $0x1  }
0xa1: {  	s23 =	simm.s32 $0x1B8B  }
0xa2: {  	_ =	swait.ge [sflag:s23], $0x1  }
0xa3: {  	[sflag:s23] =	ssyncset.done $0x0  }
0xa4: {  	s25 =	simm.s32 $0x1B8E;
	s24 =	sld [smem:$0x3FFE];
	[sflag:s23] =	ssyncadd.s32 $0xFFFFFFFF  }
0xa5: {  	s26 =	simm.s32 $execute0_lowered;
	[smem:$0x3FD2] =	sst s25  }
0xa6: {  	s4 =	sshll.u32 s26, $0x1;
	_ =	strace $0x80000046;
	[dreg:$0x1] =	wrdreg $0xFFFFFFFF  }
0xa7: {  	s28 =	simm.s32 $_size_execute0_lowered;
	s2 =	sadd.s32 s2, s4;
	[dreg:$0x0] =	wrdreg $0x0  }
0xa8: {  	s4 =	sshll.u32 s28, $0x1;
	[dreg:$0x2] =	wrdreg s2  }
0xa9: {  	[dreg:$0x3] =	wrdreg s4  }
0xaa: {  	[dreg:$0x4] =	wrdreg $0xC0  }
0xab: {  	_ =	task [dreg:s6], $0x5FFFF  }
0xac: {  	[dreg:$0x1] =	wrdreg $0xFFFFFFFF  }
0xad: {  	[dreg:$0x0] =	wrdreg $0x60  }
0xae: {  	[dreg:$0x2] =	wrdreg s24  }
0xaf: {  	[dreg:$0x3] =	wrdreg $0x29000  }
0xb0: {  	[dreg:$0x4] =	wrdreg $0x9  }
0xb1: {  	_ =	task.clear_ibuf [dreg:s6], $0x5FFFF;
	_ =	strace $0x90000046  }
0xb2: {  	s29 =	simm.s32 $0x9;
	_ =	strace $0x80000048  }
0xb3: {  	_ =	swait.ge [sflag:s29], $0x1  }
0xb4: {  	[sflag:s29] =	ssyncadd.s32 $0xFFFFFFFF  }
0xb5: {  	_ =	strace $0x90000048  }
0xb6: {  	_ =	sfence  }
0xb7: {  	s30 =	sld [smem:$0x0];
	_ =	sdelay $0x2  }
0xb8: {  	s31 =	sshll.u32 s1, $0xD;
	s1 =	sshrl.u32 s1, $0x2  }
0xb9: {  	s3 =	sand.u32 $0x4000, s31;
	s1 =	sadd.s32 s1, s30  }
0xba: {  	s0 =	sor.u32 s3, s0;
	s1 =	sshll.u32 s1, $0x11  }
0xbb: {  	s0 =	sor.u32 s1, s0  }
0xbc: {  	s0 =	sadd.s32 $0x8F2B, s0  }
0xbd: {  	[sflag:s0] =	ssyncadd.remote.s32 $0x1  }
0xbe: {  	_ =	sfence.sel $0xFFFF  }
0xbf: {  	[dreg:$0x0] =	wrdreg $0xFFFFFFFF;
	(pc) =	sbr.abs _section_cstart, $3  }
0xc0: {  	[dreg:$0x1] =	wrdreg $0xFFFFFFFF  }
0xc1: {  	_ =	task.clear_ibuf [dreg:s6], $0x2FFFF;
	_ =	strace $0x9FFFFFFF  }
0xc2: {  	(tm) =	ssettm $0x7FFFFFFF  }
0xc3: {  	_ =	shalt  }
tec
execute0_lowered:
.L_overlay_start_1:
0x0: {  	(tag) =	ssettag $0x1  }
0x1: {  	s22 =	stileid.u32  }
0x2: {  	s8 =	smul.u32 $0x500, s22  }
0x3: {  	s7 =	sor.u32 $0x10, s22;
	s21 =	smul.u32 $0x2800, s22  }
0x4: {  	s6 =	sor.u32 $0x20, s22;
	s9 =	smul.u32 $0x500, s7  }
0x5: {  	s5 =	sor.u32 $0x30, s22;
	s10 =	smul.u32 $0x500, s6  }
0x6: {  	s4 =	sor.u32 $0x40, s22;
	s11 =	smul.u32 $0x500, s5  }
0x7: {  	s3 =	sor.u32 $0x50, s22;
	s12 =	smul.u32 $0x500, s4  }
0x8: {  	s1 =	sor.u32 $0x60, s22;
	s13 =	smul.u32 $0x500, s3  }
0x9: {  	s0 =	srdreg.scid;
	s2 =	sor.u32 $0x70, s22;
	s14 =	smul.u32 $0x500, s1  }
0xa: {  	s15 =	sand.u32 $0x1, s0;
	s16 =	smul.u32 $0x500, s2  }
0xb: {  	s17 =	rddreg [dreg:$0x0];
	s18 =	smul.u32 $0x138800, s15  }
0xc: {  	s19 =	sadd.s32 $0x18200, s17;
	s0 =	ssub.s32 $0x2, s15;
	s26 =	smul.u32 $0x2800, s6  }
0xd: {  	s6 =	smul.u32 $0xA000, s6;
	s20 =	sshrl.u32 s0, $0x1;
	s8 =	sadd.s32 s19, s8  }
0xe: {  	s0 =	ssub.s32 s0, s20;
	[dreg:$0x3] =	wrdreg s8;
	s8 =	smul.u32 $0x2800, s7  }
0xf: {  	s9 =	sadd.s32 s19, s9;
	s25 =	sadd.s32 s19, s10;
	s11 =	sadd.s32 s19, s11  }
0x10: {  	s12 =	sadd.s32 s19, s12;
	s10 =	smul.u32 $0x2800, s5;
	s13 =	sadd.s32 s19, s13  }
0x11: {  	s14 =	sadd.s32 s19, s14;
	s20 =	smul.u32 $0x2800, s4;
	[dreg:$0x4] =	wrdreg s9  }
0x12: {  	s23 =	sadd.s32 s19, s16;
	s19 =	smul.u32 $0x2800, s1;
	[dreg:$0x5] =	wrdreg s25  }
0x13: {  	p0 =	sgt.u32 s22, $0xC;
	s7 =	smul.u32 $0xA000, s7;
	[dreg:$0x6] =	wrdreg s11  }
0x14: {  	s24 =	sadd.s32 s21, s18;
	s5 =	smul.u32 $0xA000, s5;
	[dreg:$0x7] =	wrdreg s12  }
0x15: {  	s26 =	sadd.s32 s18, s26;
	s4 =	smul.u32 $0xA000, s4;
	[dreg:$0x8] =	wrdreg s13  }
0x16: {  	s6 =	sshrl.u32 s6, $0x2;
	s1 =	smul.u32 $0xA000, s1;
	[dreg:$0x9] =	wrdreg s14  }
0x17: {  	[dreg:$0xa] =	wrdreg s23;
	s25 =	smul.u32 $0x2800, s3;
	s9 =	simm.s32 $0x0  }
0x18: {  	s23 =	sshll.u32 s22, $0x1;
	s12 =	sshrl.u32 s24, $0x3;
	s24 =	sadd.s32 $0x3FA00, s17  }
0x19: {  	s26 =	sshrl.u32 s26, $0x3;
	s3 =	smul.u32 $0xA000, s3;
	s8 =	sadd.s32 s18, s8  }
0x1a: {  	s10 =	sadd.s32 s18, s10;
	s11 =	sadd.s32 s18, s20;
	s20 =	smul.u32 $0x2800, s2  }
0x1b: {  	s21 =	sadd.s32 s18, s19;
	[smem:$0x7FF] =	sst s9;
	s12 =	sadd.s32 s24, s12  }
0x1c: {  	s19 =	smul.u32 $0x4E20, s22;
	s7 =	sshrl.u32 s7, $0x2;
	s5 =	sshrl.u32 s5, $0x2  }
0x1d: {  	s4 =	sshrl.u32 s4, $0x2;
	s2 =	smul.u32 $0xA000, s2;
	s1 =	sshrl.u32 s1, $0x2  }
0x1e: {  	s13 =	sadd.s32 s18, s25;
	[dreg:$0xb] =	wrdreg s12;
	s8 =	sshrl.u32 s8, $0x3  }
0x1f: {  	s10 =	sshrl.u32 s10, $0x3;
	s11 =	sshrl.u32 s11, $0x3;
	s3 =	sshrl.u32 s3, $0x2  }
0x20: {  	s16 =	sadd.s32 s18, s20;
	s18 =	sor.u32 s15, s23;
	s8 =	sadd.s32 s24, s8  }
0x21: {  	s10 =	sadd.s32 s24, s10;
	s12 =	sshrl.u32 s13, $0x3;
	s15 =	smul.u32 $0x2710, s15  }
0x22: {  	s13 =	sshrl.u32 s21, $0x3;
	s23 =	smul.u32 $0xA000, s22;
	[dreg:$0xc] =	wrdreg s8  }
0x23: {  	s20 =	sadd.s32 $0xE400, s17;
	s2 =	sshrl.u32 s2, $0x2;
	[dreg:$0xe] =	wrdreg s10  }
0x24: {  	s25 =	smul.u32 $0x2710, s18;
	s8 =	sadd.s32 s24, s26;
	s18 =	rddreg [dreg:$0x1]  }
0x25: {  	s14 =	sadd.s32 s24, s13;
	s16 =	sshrl.u32 s16, $0x3;
	[dreg:$0xd] =	wrdreg s8  }
0x26: {  	s8 =	sadd.s32 s24, s11;
	[dreg:$0x11] =	wrdreg s14;
	s10 =	sadd.s32 s24, s16  }
0x27: {  	s7 =	sadd.s32 s7, s18;
	s6 =	sadd.s32 s6, s18;
	s5 =	sadd.s32 s5, s18  }
0x28: {  	s28 =	sadd.s32 s4, s18;
	s29 =	sadd.s32 s3, s18;
	[dreg:$0xf] =	wrdreg s8  }
0x29: {  	s8 =	sadd.s32 s24, s12;
	[dreg:$0x12] =	wrdreg s10;
	s24 =	sadd.s32 $0x3F400, s17  }
0x2a: {  	s25 =	sshrl.u32 s25, $0x3;
	s10 =	sshrl.u32 s23, $0x2;
	[dreg:$0x10] =	wrdreg s8  }
0x2b: {  	s11 =	sadd.s32 s20, s25;
	_ =	strace $0x80000047;
	[dreg:$0x13] =	wrdreg s24  }
0x2c: {  	s30 =	sadd.s32 s1, s18;
	s10 =	sadd.s32 s10, s18;
	[dreg:$0x14] =	wrdreg s11  }
0x2d: {  	s31 =	sadd.s32 s2, s18;
	s2 =	simm.s32 $0x100;
	[dreg:$0x15] =	wrdreg s10  }
0x2e: {  	s3 =	simm.s32 $0x3;
	s4 =	simm.s32 $0x80;
	[dreg:$0x16] =	wrdreg s7  }
0x2f: {  	s17 =	smax.u32 s0, $0x1;
	s8 =	sadd.s32 s15, s19;
	[dreg:$0x17] =	wrdreg s6  }
0x30: {  	[dreg:$0x18] =	wrdreg s5;
	s26 =	sadd.s32 $0x50, s8;
	s0 =	sadd.s32 $0xA0, s8  }
0x31: {  	s5 =	simm.s32 $0x1;
	s6 =	simm.s32 $0x50;
	s1 =	sshrl.u32 s26, $0x3  }
0x32: {  	s7 =	simm.s32 $0x2;
	s8 =	simm.s32 $0x0;
	s1 =	sadd.s32 s1, s20  }
.LBB2_1:
0x33: {  	s10 =	rddreg [dreg:$0x13]  }
0x34: {  	[tilespmem:s2], [sflag:$0x3] =	stream.linear.gather [hbm4b:s10+s9], $0x2800, $0x38;
	[tilespmem:$0x16180] =	vst v63  }
0x35: {  	s21 =	stileid.u32;
	_ =	swait.ge [sflag:s3], $0x2800  }
0x36: {  	s10 =	sshll.u32 s21, $0x6;
	s19 =	rddreg [dreg:$0x14]  }
0x37: {  	s10 =	sor.u32 $0x1C03, s10;
	[sflag:s3] =	ssyncset.done $0x0;
	s11 =	rddreg [dreg:$0x15]  }
0x38: {  	s12 =	rddreg [dreg:$0x3];
	[sflag:s3] =	ssyncadd.s32 $0xFFFFD800;
	s11 =	sshrl.u32 s11, $0x3  }
0x39: {  	[tilespmem:s9], [sflag:$0x1] =	stream.linear.gather [hbm4b:s19+s9], $0x50, $0x38;
	[tilespmem:$0x16180] =	vst v63  }
0x3a: {  	[spmem:s11], [sflag:s10] =	dma.local [hbm:s12], $0x500  }
0x3b: {  	_ =	swait.ge [sflag:s3], $0x500  }
0x3c: {  	[sflag:s3] =	ssyncset.done $0x0;
	s22 =	rddreg [dreg:$0x16]  }
0x3d: {  	s13 =	rddreg [dreg:$0x4];
	[sflag:s3] =	ssyncadd.s32 $0xFFFFFB00;
	s12 =	sshrl.u32 s22, $0x3  }
0x3e: {  	[spmem:s12], [sflag:s10] =	dma.local [hbm:s13], $0x500  }
0x3f: {  	_ =	swait.ge [sflag:s3], $0x500  }
0x40: {  	[sflag:s3] =	ssyncset.done $0x0;
	s23 =	rddreg [dreg:$0x17]  }
0x41: {  	s14 =	rddreg [dreg:$0x5];
	[sflag:s3] =	ssyncadd.s32 $0xFFFFFB00;
	s13 =	sshrl.u32 s23, $0x3  }
0x42: {  	[spmem:s13], [sflag:s10] =	dma.local [hbm:s14], $0x500  }
0x43: {  	_ =	swait.ge [sflag:s3], $0x500  }
0x44: {  	[sflag:s3] =	ssyncset.done $0x0;
	s24 =	rddreg [dreg:$0x18]  }
0x45: {  	s15 =	rddreg [dreg:$0x6];
	[sflag:s3] =	ssyncadd.s32 $0xFFFFFB00;
	s14 =	sshrl.u32 s24, $0x3  }
0x46: {  	[spmem:s14], [sflag:s10] =	dma.local [hbm:s15], $0x500  }
0x47: {  	_ =	swait.ge [sflag:s3], $0x500  }
0x48: {  	[sflag:s3] =	ssyncset.done $0x0  }
0x49: {  	s15 =	sshrl.u32 s28, $0x3;
	s16 =	rddreg [dreg:$0x7];
	[sflag:s3] =	ssyncadd.s32 $0xFFFFFB00  }
0x4a: {  	[spmem:s15], [sflag:s10] =	dma.local [hbm:s16], $0x500  }
0x4b: {  	_ =	swait.ge [sflag:s3], $0x500  }
0x4c: {  	[sflag:s3] =	ssyncset.done $0x0  }
0x4d: {  	s16 =	sshrl.u32 s29, $0x3;
	s19 =	rddreg [dreg:$0x8];
	[sflag:s3] =	ssyncadd.s32 $0xFFFFFB00  }
0x4e: {  	[spmem:s16], [sflag:s10] =	dma.local [hbm:s19], $0x500  }
0x4f: {  	_ =	swait.ge [sflag:s3], $0x500  }
0x50: {  	[sflag:s3] =	ssyncset.done $0x0  }
0x51: {  	s19 =	sshrl.u32 s30, $0x3;
	s21 =	rddreg [dreg:$0x9];
	[sflag:s3] =	ssyncadd.s32 $0xFFFFFB00  }
0x52: {  	[spmem:s19], [sflag:s10] =	dma.local [hbm:s21], $0x500  }
0x53: {  	_ =	swait.ge [sflag:s3], $0x500  }
0x54: {  	[sflag:s3] =	ssyncset.done $0x0  }
0x55: {  	s21 =	sshrl.u32 @!p0 s31, $0x3;
	s22 =	rddreg [dreg:$0xa];
	[sflag:s3] =	ssyncadd.s32 $0xFFFFFB00  }
0x56: {  	[spmem:s21], [sflag:s10] =	dma.local @!p0 [hbm:s22], $0x500  }
0x57: {  	s22 =	simm.s32 @!p0 $0x3  }
0x58: {  	_ =	swait.ge @!p0 [sflag:s22], $0x500  }
0x59: {  	[sflag:s22] =	ssyncset.done @!p0 $0x0  }
0x5a: {  	[sflag:s22] =	ssyncadd.s32 @!p0 $0xFFFFFB00  }
0x5b: {  	s25 =	sadd.s32 $0x0, s1;
	[bflag:$0x0] =	sbarrier.arrive $0xFFFF  }
0x5c: {  	[tilespmem:s4], [sflag:$0x2] =	stream.linear.gather [hbm4b:s25+s9], $0x50, $0x38;
	[tilespmem:$0x16180] =	vst v63  }
0x5d: {  	_ =	swait.ge [sflag:s5], $0x50  }
0x5e: {  	[sflag:s5] =	ssyncset.done $0x0  }
0x5f: {  	[sflag:s5] =	ssyncadd.s32 $0xFFFFFFB0  }
0x60: {  	[spmem:s18] =	stream.indirect.scatter.add.f32 [tilespmem:s2], [sflag:$0x3], $0x80, s9, s6, $0xb8;
	[tilespmem:$0x16180] =	vst v63  }
0x61: {  	_ =	swait.ge [sflag:s3], $0x2800  }
0x62: {  	s26 =	sshrl.u32 s0, $0x3;
	[sflag:s3] =	ssyncset.done $0x0  }
0x63: {  	s22 =	sadd.s32 s20, s26;
	[sflag:s3] =	ssyncadd.s32 $0xFFFFD800  }
0x64: {  	[tilespmem:s9], [sflag:$0x1] =	stream.linear.gather [hbm4b:s22+s9], $0x50, $0x38;
	[tilespmem:$0x16180] =	vst v63  }
0x65: {  	_ =	swait.ge [sflag:s7], $0x50  }
0x66: {  	[sflag:s7] =	ssyncset.done $0x0  }
0x67: {  	[sflag:s7] =	ssyncadd.s32 $0xFFFFFFB0  }
0x68: {  	[spmem:s18] =	stream.indirect.scatter.add.f32 [tilespmem:s2], [sflag:$0x3], $0x80, s4, s6, $0xb8;
	[tilespmem:$0x16180] =	vst v63  }
0x69: {  	s23 =	simm.s32 $0x14;
	_ =	swait.ge [sflag:s3], $0x2800  }
0x6a: {  	s24 =	simm.s32 $0x28;
	s22 =	sadd.s32 $0xA0, s0;
	[sflag:s3] =	ssyncset.done $0x0  }
.LBB2_2:
0x6b: {  	s25 =	sadd.s32 s23, s1  }
0x6c: {  	[sflag:s3] =	ssyncadd.s32 $0xFFFFD800;
	s23 =	smov.u32 s24;
	s26 =	sadd.s32 $0x14, s24  }
0x6d: {  	[tilespmem:s4], [sflag:$0x2] =	stream.linear.gather [hbm4b:s25+s9], $0x50, $0x38;
	[tilespmem:$0x16180] =	vst v63  }
0x6e: {  	p1 =	sne.s32 s24, $0x4C4;
	_ =	swait.ge [sflag:s5], $0x50  }
0x6f: {  	[sflag:s5] =	ssyncset.done $0x0  }
0x70: {  	[sflag:s5] =	ssyncadd.s32 $0xFFFFFFB0  }
0x71: {  	[spmem:s18] =	stream.indirect.scatter.add.f32 [tilespmem:s2], [sflag:$0x3], $0x80, s9, s6, $0xb8;
	[tilespmem:$0x16180] =	vst v63  }
0x72: {  	_ =	swait.ge [sflag:s3], $0x2800  }
0x73: {  	s24 =	sshrl.u32 s22, $0x3;
	[sflag:s3] =	ssyncset.done $0x0  }
0x74: {  	s24 =	sadd.s32 s20, s24;
	[sflag:s3] =	ssyncadd.s32 $0xFFFFD800  }
0x75: {  	[tilespmem:s9], [sflag:$0x1] =	stream.linear.gather [hbm4b:s24+s9], $0x50, $0x38;
	[tilespmem:$0x16180] =	vst v63  }
0x76: {  	_ =	swait.ge [sflag:s7], $0x50  }
.Ltmp0:
0x77: {  	[sflag:s7] =	ssyncset.done $0x0;
	(pc) =	sbr.rel @p1 .LBB2_2-.Ltmp0, $4  }
0x78: {  	[sflag:s7] =	ssyncadd.s32 $0xFFFFFFB0  }
0x79: {  	[spmem:s18] =	stream.indirect.scatter.add.f32 [tilespmem:s2], [sflag:$0x3], $0x80, s4, s6, $0xb8;
	[tilespmem:$0x16180] =	vst v63  }
0x7a: {  	_ =	swait.ge [sflag:s3], $0x2800  }
0x7b: {  	s22 =	sadd.s32 $0xA0, s22;
	s24 =	smov.u32 s26;
	[sflag:s3] =	ssyncset.done $0x0  }
0x7c: {  	s23 =	sadd.s32 s23, s1;
	[sflag:s3] =	ssyncadd.s32 $0xFFFFD800  }
0x7d: {  	[tilespmem:s4], [sflag:$0x2] =	stream.linear.gather [hbm4b:s23+s9], $0x50, $0x38;
	[tilespmem:$0x16180] =	vst v63  }
0x7e: {  	_ =	swait.ge [sflag:s5], $0x50  }
0x7f: {  	[sflag:s5] =	ssyncset.done $0x0  }
0x80: {  	[sflag:s5] =	ssyncadd.s32 $0xFFFFFFB0  }
0x81: {  	[spmem:s18] =	stream.indirect.scatter.add.f32 [tilespmem:s2], [sflag:$0x3], $0x80, s9, s6, $0xb8;
	[tilespmem:$0x16180] =	vst v63  }
0x82: {  	_ =	swait.ge [sflag:s3], $0x2800  }
0x83: {  	s22 =	sshrl.u32 s22, $0x3;
	[sflag:s3] =	ssyncset.done $0x0  }
0x84: {  	s22 =	sadd.s32 s20, s22;
	[sflag:s3] =	ssyncadd.s32 $0xFFFFD800  }
0x85: {  	[tilespmem:s9], [sflag:$0x1] =	stream.linear.gather [hbm4b:s22+s9], $0x50, $0x38;
	[tilespmem:$0x16180] =	vst v63  }
0x86: {  	_ =	swait.ge [sflag:s7], $0x50  }
0x87: {  	[sflag:s7] =	ssyncset.done $0x0  }
0x88: {  	[sflag:s7] =	ssyncadd.s32 $0xFFFFFFB0  }
0x89: {  	[spmem:s18] =	stream.indirect.scatter.add.f32 [tilespmem:s2], [sflag:$0x3], $0x80, s4, s6, $0xb8;
	[tilespmem:$0x16180] =	vst v63  }
0x8a: {  	_ =	swait.ge [sflag:s3], $0x2800  }
0x8b: {  	[sflag:s3] =	ssyncset.done $0x0  }
0x8c: {  	[sflag:s3] =	ssyncadd.s32 $0xFFFFD800  }
0x8d: {  	_ =	swait.ge [sflag:s5], $0x50  }
0x8e: {  	[sflag:s5] =	ssyncset.done $0x0  }
0x8f: {  	[sflag:s5] =	ssyncadd.s32 $0xFFFFFFB0  }
0x90: {  	[spmem:s18] =	stream.indirect.scatter.add.f32 [tilespmem:s2], [sflag:$0x3], $0x80, s9, s6, $0xb8;
	[tilespmem:$0x16180] =	vst v63  }
0x91: {  	_ =	swait.ge [sflag:s3], $0x2800  }
0x92: {  	[sflag:s3] =	ssyncset.done $0x0  }
0x93: {  	[sflag:s3] =	ssyncadd.s32 $0xFFFFD800  }
0x94: {  	[bflag:$0x0] =	sbarrier.arrive $0xFFFF  }
0x95: {  	s25 =	rddreg [dreg:$0xb]  }
0x96: {  	[hbm:s25], [sflag:s10] =	dma.local [spmem:s11], $0x500  }
0x97: {  	_ =	swait.ge [sflag:s3], $0x500  }
0x98: {  	[sflag:s3] =	ssyncset.done $0x0  }
0x99: {  	s26 =	rddreg [dreg:$0xc];
	[sflag:s3] =	ssyncadd.s32 $0xFFFFFB00  }
0x9a: {  	[hbm:s26], [sflag:s10] =	dma.local [spmem:s12], $0x500  }
0x9b: {  	_ =	swait.ge [sflag:s3], $0x500  }
0x9c: {  	[sflag:s3] =	ssyncset.done $0x0  }
0x9d: {  	s22 =	rddreg [dreg:$0xd];
	[sflag:s3] =	ssyncadd.s32 $0xFFFFFB00  }
0x9e: {  	[hbm:s22], [sflag:s10] =	dma.local [spmem:s13], $0x500  }
0x9f: {  	_ =	swait.ge [sflag:s3], $0x500  }
0xa0: {  	[sflag:s3] =	ssyncset.done $0x0  }
0xa1: {  	s23 =	rddreg [dreg:$0xe];
	[sflag:s3] =	ssyncadd.s32 $0xFFFFFB00  }
0xa2: {  	[hbm:s23], [sflag:s10] =	dma.local [spmem:s14], $0x500  }
0xa3: {  	_ =	swait.ge [sflag:s3], $0x500  }
0xa4: {  	[sflag:s3] =	ssyncset.done $0x0  }
0xa5: {  	s24 =	rddreg [dreg:$0xf];
	[sflag:s3] =	ssyncadd.s32 $0xFFFFFB00  }
0xa6: {  	[hbm:s24], [sflag:s10] =	dma.local [spmem:s15], $0x500  }
0xa7: {  	_ =	swait.ge [sflag:s3], $0x500  }
0xa8: {  	[sflag:s3] =	ssyncset.done $0x0  }
0xa9: {  	s25 =	rddreg [dreg:$0x10];
	[sflag:s3] =	ssyncadd.s32 $0xFFFFFB00  }
0xaa: {  	[hbm:s25], [sflag:s10] =	dma.local [spmem:s16], $0x500  }
0xab: {  	_ =	swait.ge [sflag:s3], $0x500  }
0xac: {  	[sflag:s3] =	ssyncset.done $0x0  }
0xad: {  	s26 =	rddreg [dreg:$0x11];
	[sflag:s3] =	ssyncadd.s32 $0xFFFFFB00  }
0xae: {  	[hbm:s26], [sflag:s10] =	dma.local [spmem:s19], $0x500  }
0xaf: {  	_ =	swait.ge [sflag:s3], $0x500  }
0xb0: {  	s8 =	sadd.s32 $0x1, s8;
	[sflag:s3] =	ssyncset.done $0x0  }
0xb1: {  	p1 =	sne.s32 s8, s17;
	s11 =	rddreg [dreg:$0x12];
	[sflag:s3] =	ssyncadd.s32 $0xFFFFFB00  }
0xb2: {  	[hbm:s11], [sflag:s10] =	dma.local @!p0 [spmem:s21], $0x500  }
.Ltmp1:
0xb3: {  	_ = 	snop;
	(pc) =	sbr.rel @p1 .LBB2_1-.Ltmp1, $4  }
0xb4: {  	s10 =	simm.s32 @!p0 $0x3  }
0xb5: {  	_ =	swait.ge @!p0 [sflag:s10], $0x500  }
0xb6: {  	[sflag:s10] =	ssyncset.done @!p0 $0x0  }
0xb7: {  	[sflag:s10] =	ssyncadd.s32 @!p0 $0xFFFFFB00  }
0xb8: {  	_ =	sfence.sel $0x180000  }
0xb9: {  	[bflag:$0x0] =	sbarrier.arrive $0xFFFF  }
0xba: {  	_ =	strace $0x90000047  }
0xbb: {  	s0 =	stileid.u32;
	[bflag:$0x2] =	sbarrier.arrive $0xFFFF  }
0xbc: {  	p0 =	sne.s32 s0, $0x0;
	s0 =	rddreg [dreg:$0x2]  }
0xbd: {  	s0 =	sadd.s32 @!p0 $0x100000, s0  }
0xbe: {  	[sflag:s0] =	ssyncadd.tile.s32 @!p0 $0x1;
	_ =	shalt  }
.Lfunc_end2:
_tile_overlayer_lowered:
.L_overlay_start_2:
0xbf: {  	(tag) =	ssettag $0x2  }
0xc0: {  	s0 =	rddreg [dreg:$0x0];
	s2 =	stileid.u32  }
0xc1: {  	s1 =	rddreg [dreg:$0x1];
	p0 =	sne.s32 s2, $0x0  }
0xc2: {  	s3 =	rddreg [dreg:$0x2];
	[bflag:$0x3] =	sbarrier.arrive $0xFFFF;
	s2 =	simm.s32 @!p0 $0x1C03  }
0xc3: {  	[timem:s3], [sflag:s2] =	dma.local @!p0 [hbm:s0], s1  }
0xc4: {  	s0 =	simm.s32 @!p0 $0x3  }
0xc5: {  	_ =	swait.ge @!p0 [sflag:s0], s1  }
0xc6: {  	s1 =	ssub.s32 @!p0 $0x0, s1;
	[sflag:s0] =	ssyncset.done @!p0 $0x0  }
0xc7: {  	[sflag:s0] =	ssyncadd.s32 @!p0 s1  }
0xc8: {  	[bflag:$0x3] =	sbarrier.arrive $0xFFFF  }
0xc9: {  	_ =	shalt  }

// kernel: kernel.13.cloned.1.call-start
scs
__scs_entry_jumppad:
0x0: {  	(pc) =	sbr.rel $0x88, $3  }
0x1: {  	(tag) =	ssettag $0x0;
	lr =	simm.s32 $0x1  }
0x2: {  	[smem:$0x3F8C] =	sst lr;
	_ =	strace $0xD0000000  }
0x3: {  	_ = 	snop  }
0x4: {  	_ = 	snop  }
0x5: {  	_ = 	snop  }
0x6: {  	_ = 	snop  }
0x7: {  	_ = 	snop  }
__scs_overlays_trampoline_lowered:
0x8: {  	[smem:$0x3F9B] =	sst s0  }
0x9: {  	[smem:$0x3F9C] =	sst s1  }
0xa: {  	[smem:$0x3F9D] =	sst s2  }
0xb: {  	[smem:$0x3F9E] =	sst s3  }
0xc: {  	[smem:$0x3F9F] =	sst s4  }
0xd: {  	[smem:$0x3FA0] =	sst s5  }
0xe: {  	[smem:$0x3FA1] =	sst s6  }
0xf: {  	[smem:$0x3FA2] =	sst s7  }
0x10: {  	[smem:$0x3FA3] =	sst s8  }
0x11: {  	[smem:$0x3FA4] =	sst s9;
	s0 =	simm.s32 @!p0 $0x0  }
0x12: {  	s1 =	sld [smem:$0x3F8A];
	s0 =	simm.s32 @p0 $0x1  }
0x13: {  	[smem:$0x3FA5] =	sst s0;
	s0 =	simm.s32 @!p1 $0x0  }
0x14: {  	s2 =	sld [smem:$0x3F89];
	s0 =	simm.s32 @p1 $0x1  }
0x15: {  	[smem:$0x3FA6] =	sst s0;
	s0 =	simm.s32 @!p2 $0x0  }
0x16: {  	s3 =	sld [smem:$0x3FDB];
	s0 =	simm.s32 @p2 $0x1  }
0x17: {  	s4 =	simm.s32 $0x1BF5;
	[smem:$0x3FA8] =	sst s0  }
0x18: {  	s0 =	sld [smem:$0x3F8B];
	_ =	swait.ge [sflag:s4], $0x0  }
0x19: {  	s7 =	sld [smem:$0x3F8C]  }
0x1a: {  	s8 =	sadd.s32 $0xFFFFE003, lr  }
0x1b: {  	s9 =	sadd.s32 $0xFFFFFEF7, lr;
	s5 =	simm.s32 $0xFFFFFFFF;
	p2 =	slt.u32 s8, $0xFFFFF086  }
0x1c: {  	p1 =	slt.u32 s9, $0xF7A;
	s5 =	simm.s32 @!p2 $0x0  }
0x1d: {  	s5 =	simm.s32 @p1 $0x1;
	p0 =	seq.s32 s7, s2  }
0x1e: {  	s7 =	smul.u32 @!p0 $0xF7A, s2;
	p2 =	seq.s32 @!p0 s5, $0x0  }
0x1f: {  	s9 =	smul.u32 $0xF7A, s1;
	s8 =	simm.s32 @!p0 $0x1BF5;
	p2 =	por !p2, p0  }
0x20: {  	[sflag:s8] =	ssyncset.s32 @!p0 $0xFFFFF086;
	s6 =	sadd.s32 @!p0 s3, s7;
	s7 =	simm.s32 @!p0 $0x108  }
0x21: {  	s3 =	sadd.s32 s3, s9;
	s6 =	sadd.s32 @!p0 $0x88, s6;
	s7 =	simm.s32 @p2 $0x1082  }
0x22: {  	[simem:s7], [sflag:s8] =	dma.local @!p0 [hbm:s6], $0xF7A  }
0x23: {  	s9 =	sor.u32 $0xD0000000, s2;
	s6 =	simm.s32 $0x108;
	_ =	swait.ge @!p0 [sflag:s8], $0x0  }
0x24: {  	s3 =	sadd.s32 $0x88, s3;
	s6 =	simm.s32 @!p1 $0x1082;
	[sflag:s4] =	ssyncset.s32 $0xFFFFF086  }
0x25: {  	[simem:s6], [sflag:s4] =	dma.local [hbm:s3], $0xF7A  }
0x26: {  	[smem:$0x3F8C] =	sst s1;
	(tag) =	ssettag s2;
	_ =	strace s9  }
0x27: {  	s1 =	sld [smem:$0x3F9C]  }
0x28: {  	s2 =	sld [smem:$0x3F9D]  }
0x29: {  	s4 =	sld [smem:$0x3F9F]  }
0x2a: {  	p0 =	seq.s32 s5, $0x0;
	s5 =	sld [smem:$0x3FA0]  }
0x2b: {  	s6 =	sld [smem:$0x3FA1]  }
0x2c: {  	s7 =	sld [smem:$0x3FA2]  }
0x2d: {  	s3 =	simm.s32 $0x108;
	s8 =	sld [smem:$0x3FA3]  }
0x2e: {  	s3 =	simm.s32 @!p0 $0x1082;
	s9 =	sld [smem:$0x3FA4]  }
0x2f: {  	lr =	sadd.s32 s0, s3;
	s0 =	sld [smem:$0x3F9B]  }
0x30: {  	s3 =	sld [smem:$0x3F9E]  }
0x31: {  	[smem:$0x3FA7] =	sst s10  }
0x32: {  	s10 =	sld [smem:$0x3FA5];
	_ =	sdelay $0x3  }
0x33: {  	p0 =	seq.s32 s10, $0x1;
	s10 =	sld [smem:$0x3FA7];
	_ =	sdelay $0x3  }
0x34: {  	[smem:$0x3FA7] =	sst s10  }
0x35: {  	s10 =	sld [smem:$0x3FA6];
	_ =	sdelay $0x3  }
0x36: {  	p1 =	seq.s32 s10, $0x1;
	s10 =	sld [smem:$0x3FA7];
	_ =	sdelay $0x3  }
0x37: {  	[smem:$0x3FA7] =	sst s10  }
0x38: {  	s10 =	sld [smem:$0x3FA8]  }
0x39: {  	_ = 	snop;
	(pc) =	sbr.ind lr, $3  }
0x3a: {  	_ = 	snop  }
0x3b: {  	_ = 	snop  }
0x3c: {  	p2 =	seq.s32 s10, $0x1;
	s10 =	sld [smem:$0x3FA7]  }
0x3d: {  	_ =	shalt  }
0x3e: {  	_ =	shalt  }
0x3f: {  	_ =	shalt  }
0x40: {  	_ =	shalt  }
0x41: {  	_ =	shalt  }
0x42: {  	_ =	shalt  }
0x43: {  	_ =	shalt  }
0x44: {  	_ =	shalt  }
0x45: {  	_ =	shalt  }
0x46: {  	_ =	shalt  }
0x47: {  	_ =	shalt  }
0x48: {  	_ =	shalt  }
0x49: {  	_ =	shalt  }
0x4a: {  	_ =	shalt  }
0x4b: {  	_ =	shalt  }
0x4c: {  	_ =	shalt  }
0x4d: {  	_ =	shalt  }
0x4e: {  	_ =	shalt  }
0x4f: {  	_ =	shalt  }
0x50: {  	_ =	shalt  }
0x51: {  	_ =	shalt  }
0x52: {  	_ =	shalt  }
0x53: {  	_ =	shalt  }
0x54: {  	_ =	shalt  }
0x55: {  	_ =	shalt  }
0x56: {  	_ =	shalt  }
0x57: {  	_ =	shalt  }
0x58: {  	_ =	shalt  }
0x59: {  	_ =	shalt  }
0x5a: {  	_ =	shalt  }
0x5b: {  	_ =	shalt  }
0x5c: {  	_ =	shalt  }
0x5d: {  	_ =	shalt  }
0x5e: {  	_ =	shalt  }
0x5f: {  	_ =	shalt  }
0x60: {  	_ =	shalt  }
0x61: {  	_ =	shalt  }
0x62: {  	_ =	shalt  }
0x63: {  	_ =	shalt  }
0x64: {  	_ =	shalt  }
0x65: {  	_ =	shalt  }
0x66: {  	_ =	shalt  }
0x67: {  	_ =	shalt  }
0x68: {  	_ =	shalt  }
0x69: {  	_ =	shalt  }
0x6a: {  	_ =	shalt  }
0x6b: {  	_ =	shalt  }
0x6c: {  	_ =	shalt  }
0x6d: {  	_ =	shalt  }
0x6e: {  	_ =	shalt  }
0x6f: {  	_ =	shalt  }
0x70: {  	_ =	shalt  }
0x71: {  	_ =	shalt  }
0x72: {  	_ =	shalt  }
0x73: {  	_ =	shalt  }
0x74: {  	_ =	shalt  }
0x75: {  	_ =	shalt  }
0x76: {  	_ =	shalt  }
0x77: {  	_ =	shalt  }
0x78: {  	_ =	shalt  }
0x79: {  	_ =	shalt  }
0x7a: {  	_ =	shalt  }
0x7b: {  	_ =	shalt  }
0x7c: {  	_ =	shalt  }
0x7d: {  	_ =	shalt  }
0x7e: {  	_ =	shalt  }
0x7f: {  	_ =	shalt  }
0x80: {  	_ =	shalt  }
0x81: {  	_ =	shalt  }
0x82: {  	_ =	shalt  }
0x83: {  	_ =	shalt  }
0x84: {  	_ =	shalt  }
0x85: {  	_ =	shalt  }
0x86: {  	_ =	shalt  }
0x87: {  	_ =	shalt  }
.Lfunc_end0:
.L_simem_size_0:
called_computation.1_lowered:
.L_overlay_start_0:
0x88: {  	s2 =	sld [smem:$0x3FD9]  }
0x89: {  	s3 =	sld [smem:$0x3FFE];
	_ =	sdelay $0x1  }
0x8a: {  	s1 =	srdreg.scid  }
0x8b: {  	s0 =	sand.u32 $0x1, s1  }
0x8c: {  	s16 =	sshll.u32 s0, $0xA;
	s2 =	sadd.s32 s3, s2  }
0x8d: {  	s2 =	sadd.s32 s2, s16  }
0x8e: {  	[smem:$0x3FB3] =	sst s2  }
0x8f: {  	_ = 	snop  }
0x90: {  	(tm) =	ssettm $0x1  }
0x91: {  	s17 =	sld [smem:$0x3FFB];
	_ =	sdelay $0x3  }
0x92: {  	_ =	strace s17  }
0x93: {  	s2 =	sld [smem:$0x3FFC];
	_ =	sdelay $0x3  }
0x94: {  	_ =	strace s2  }
0x95: {  	s2 =	sld [smem:$0x3FFD];
	_ =	sdelay $0x3  }
0x96: {  	_ =	strace s2  }
0x97: {  	_ =	strace $0x8FFFFFFF  }
0x98: {  	s18 =	sld [smem:$0x3FDB];
	_ =	sdelay $0x1  }
0x99: {  	s19 =	simm.s32 $_scs_section_size  }
0x9a: {  	s4 =	simm.s32 $_size__tile_overlayer_lowered;
	s5 =	simm.s32 $_tile_overlayer_lowered  }
0x9b: {  	s22 =	simm.s32 $0x1BFF;
	s21 =	sshll.u32 s5, $0x1;
	s2 =	sadd.s32 s19, s18  }
0x9c: {  	s6 =	simm.s32 $0x0;
	s20 =	sshll.u32 s4, $0x1;
	s4 =	sadd.s32 s21, s2  }
0x9d: {  	[timem:s6], [sflag:s22] =	dma.local [hbm:s4], s20  }
0x9e: {  	_ =	swait.ge [sflag:s22], s20  }
0x9f: {  	s3 =	ssub.s32 $0x0, s20;
	[sflag:s22] =	ssyncset.done $0x0  }
0xa0: {  	[sflag:s22] =	ssyncadd.s32 s3;
	_ =	sdelay $0x1  }
0xa1: {  	s23 =	simm.s32 $0x1B8B  }
0xa2: {  	_ =	swait.ge [sflag:s23], $0x1  }
0xa3: {  	[sflag:s23] =	ssyncset.done $0x0  }
0xa4: {  	s25 =	simm.s32 $0x1B8E;
	s24 =	sld [smem:$0x3FFE];
	[sflag:s23] =	ssyncadd.s32 $0xFFFFFFFF  }
0xa5: {  	s26 =	simm.s32 $execute0_lowered;
	[smem:$0x3FD2] =	sst s25  }
0xa6: {  	s4 =	sshll.u32 s26, $0x1;
	_ =	strace $0x80000049;
	[dreg:$0x1] =	wrdreg $0xFFFFFFFF  }
0xa7: {  	s28 =	simm.s32 $_size_execute0_lowered;
	s2 =	sadd.s32 s2, s4;
	[dreg:$0x0] =	wrdreg $0x0  }
0xa8: {  	s4 =	sshll.u32 s28, $0x1;
	[dreg:$0x2] =	wrdreg s2  }
0xa9: {  	[dreg:$0x3] =	wrdreg s4  }
0xaa: {  	[dreg:$0x4] =	wrdreg $0xC0  }
0xab: {  	_ =	task [dreg:s6], $0x5FFFF  }
0xac: {  	[dreg:$0x1] =	wrdreg $0xFFFFFFFF  }
0xad: {  	[dreg:$0x0] =	wrdreg $0x60  }
0xae: {  	[dreg:$0x2] =	wrdreg s24  }
0xaf: {  	[dreg:$0x3] =	wrdreg $0x78800  }
0xb0: {  	[dreg:$0x4] =	wrdreg $0x9  }
0xb1: {  	_ =	task.clear_ibuf [dreg:s6], $0x5FFFF;
	_ =	strace $0x90000049  }
0xb2: {  	s29 =	simm.s32 $0x9;
	_ =	strace $0x8000004B  }
0xb3: {  	_ =	swait.ge [sflag:s29], $0x1  }
0xb4: {  	[sflag:s29] =	ssyncadd.s32 $0xFFFFFFFF  }
0xb5: {  	_ =	strace $0x9000004B  }
0xb6: {  	_ =	sfence  }
0xb7: {  	s30 =	sld [smem:$0x0];
	_ =	sdelay $0x2  }
0xb8: {  	s31 =	sshll.u32 s1, $0xD;
	s1 =	sshrl.u32 s1, $0x2  }
0xb9: {  	s3 =	sand.u32 $0x4000, s31;
	s1 =	sadd.s32 s1, s30  }
0xba: {  	s0 =	sor.u32 s3, s0;
	s1 =	sshll.u32 s1, $0x11  }
0xbb: {  	s0 =	sor.u32 s1, s0  }
0xbc: {  	s0 =	sadd.s32 $0x8F2B, s0  }
0xbd: {  	[sflag:s0] =	ssyncadd.remote.s32 $0x1  }
0xbe: {  	_ =	sfence.sel $0xFFFF  }
0xbf: {  	[dreg:$0x0] =	wrdreg $0xFFFFFFFF;
	(pc) =	sbr.abs _section_cstart, $3  }
0xc0: {  	[dreg:$0x1] =	wrdreg $0xFFFFFFFF  }
0xc1: {  	_ =	task.clear_ibuf [dreg:s6], $0x2FFFF;
	_ =	strace $0x9FFFFFFF  }
0xc2: {  	(tm) =	ssettm $0x7FFFFFFF  }
0xc3: {  	_ =	shalt  }
tec
execute0_lowered:
.L_overlay_start_1:
0x0: {  	(tag) =	ssettag $0x1  }
0x1: {  	s22 =	stileid.u32  }
0x2: {  	s9 =	smul.u32 $0x500, s22  }
0x3: {  	s7 =	sor.u32 $0x10, s22;
	s21 =	smul.u32 $0x2800, s22  }
0x4: {  	s6 =	sor.u32 $0x20, s22;
	s10 =	smul.u32 $0x500, s7  }
0x5: {  	s5 =	sor.u32 $0x30, s22;
	s11 =	smul.u32 $0x500, s6  }
0x6: {  	s4 =	sor.u32 $0x40, s22;
	s12 =	smul.u32 $0x500, s5  }
0x7: {  	s3 =	sor.u32 $0x50, s22;
	s13 =	smul.u32 $0x500, s4  }
0x8: {  	s1 =	sor.u32 $0x60, s22;
	s14 =	smul.u32 $0x500, s3  }
0x9: {  	s0 =	srdreg.scid;
	s2 =	sor.u32 $0x70, s22;
	s15 =	smul.u32 $0x500, s1  }
0xa: {  	s16 =	sand.u32 $0x1, s0;
	s17 =	smul.u32 $0x500, s2  }
0xb: {  	s18 =	smul.u32 $0x138800, s16  }
0xc: {  	s24 =	smul.u32 $0x2800, s6  }
0xd: {  	s28 =	smul.u32 $0x2800, s5  }
0xe: {  	s8 =	rddreg [dreg:$0x0];
	s31 =	smul.u32 $0x2800, s4  }
0xf: {  	s19 =	sadd.s32 $0x18200, s8;
	s0 =	ssub.s32 $0x2, s16;
	s6 =	smul.u32 $0xA000, s6  }
0x10: {  	p0 =	sgt.u32 s22, $0xC;
	s5 =	smul.u32 $0xA000, s5;
	s20 =	sshrl.u32 s0, $0x1  }
0x11: {  	s4 =	smul.u32 $0xA000, s4;
	s9 =	sadd.s32 s19, s9;
	s0 =	ssub.s32 s0, s20  }
0x12: {  	[dreg:$0x3] =	wrdreg s9;
	s20 =	smul.u32 $0x2800, s7;
	s10 =	sadd.s32 s19, s10  }
0x13: {  	s23 =	sadd.s32 s19, s11;
	s25 =	sadd.s32 s19, s12;
	s26 =	sadd.s32 s19, s13  }
0x14: {  	s29 =	sadd.s32 s19, s14;
	s30 =	sadd.s32 s19, s15;
	s14 =	sadd.s32 s19, s17  }
0x15: {  	s15 =	sadd.s32 s21, s18;
	s19 =	smul.u32 $0x2800, s3;
	[dreg:$0x4] =	wrdreg s10  }
0x16: {  	s21 =	smul.u32 $0x2800, s1;
	s11 =	sadd.s32 s18, s28;
	[dreg:$0x5] =	wrdreg s23  }
0x17: {  	s12 =	sadd.s32 s18, s31;
	s9 =	simm.s32 $0x0;
	[dreg:$0x6] =	wrdreg s25  }
0x18: {  	s7 =	smul.u32 $0xA000, s7;
	s6 =	sshrl.u32 s6, $0x2;
	[dreg:$0x7] =	wrdreg s26  }
0x19: {  	s3 =	smul.u32 $0xA000, s3;
	s5 =	sshrl.u32 s5, $0x2;
	[dreg:$0x8] =	wrdreg s29  }
0x1a: {  	s1 =	smul.u32 $0xA000, s1;
	s4 =	sshrl.u32 s4, $0x2;
	[dreg:$0x9] =	wrdreg s30  }
0x1b: {  	[dreg:$0xa] =	wrdreg s14;
	s10 =	sadd.s32 s18, s24;
	s23 =	smul.u32 $0x2800, s2  }
0x1c: {  	[smem:$0x7FF] =	sst s9;
	s25 =	sshll.u32 s22, $0x1;
	s13 =	sshrl.u32 s15, $0x3  }
0x1d: {  	s26 =	sadd.s32 $0x66600, s8;
	s31 =	sshrl.u32 s12, $0x3;
	s12 =	smul.u32 $0x2710, s16  }
0x1e: {  	s11 =	sshrl.u32 s11, $0x3;
	s2 =	smul.u32 $0xA000, s2;
	s0 =	smax.u32 s0, $0x1  }
0x1f: {  	s20 =	sadd.s32 s18, s20;
	s14 =	sadd.s32 s18, s19;
	s24 =	sadd.s32 s18, s21  }
0x20: {  	s13 =	sadd.s32 s26, s13;
	s10 =	sshrl.u32 s10, $0x3;
	s30 =	sadd.s32 s26, s11  }
0x21: {  	s21 =	sadd.s32 $0xE400, s8;
	s7 =	sshrl.u32 s7, $0x2;
	s3 =	sshrl.u32 s3, $0x2  }
0x22: {  	s17 =	sadd.s32 s18, s23;
	s18 =	sor.u32 s16, s25;
	[dreg:$0xb] =	wrdreg s13  }
0x23: {  	s29 =	sshrl.u32 s20, $0x3;
	s10 =	sadd.s32 s26, s10;
	[dreg:$0xe] =	wrdreg s30  }
0x24: {  	s11 =	sshrl.u32 s14, $0x3;
	s23 =	smul.u32 $0xA000, s22;
	[dreg:$0xd] =	wrdreg s10  }
0x25: {  	s28 =	smul.u32 $0x2710, s18;
	s13 =	sadd.s32 s26, s29;
	s18 =	rddreg [dreg:$0x1]  }
0x26: {  	s10 =	sadd.s32 s26, s31;
	s15 =	sshrl.u32 s17, $0x3;
	[dreg:$0xc] =	wrdreg s13  }
0x27: {  	[dreg:$0xf] =	wrdreg s10;
	s10 =	sadd.s32 s26, s11;
	s13 =	sshrl.u32 s24, $0x3  }
0x28: {  	[dreg:$0x10] =	wrdreg s10;
	s10 =	sadd.s32 s26, s13;
	s17 =	sshrl.u32 s28, $0x3  }
0x29: {  	[dreg:$0x11] =	wrdreg s10;
	s10 =	sadd.s32 s26, s15;
	s19 =	sadd.s32 s17, s8  }
0x2a: {  	s25 =	sadd.s32 s21, s17;
	[dreg:$0x12] =	wrdreg s10;
	s24 =	sadd.s32 $0x4600, s19  }
0x2b: {  	s26 =	sshrl.u32 s23, $0x2;
	_ =	strace $0x8000004A;
	[dreg:$0x13] =	wrdreg s24  }
0x2c: {  	s20 =	sadd.s32 $0x3F400, s8;
	s8 =	sadd.s32 s26, s18;
	[dreg:$0x14] =	wrdreg s25  }
0x2d: {  	s1 =	sshrl.u32 s1, $0x2;
	s7 =	sadd.s32 s7, s18;
	[dreg:$0x15] =	wrdreg s8  }
0x2e: {  	s14 =	smul.u32 $0x4E20, s22;
	s6 =	sadd.s32 s6, s18;
	[dreg:$0x16] =	wrdreg s7  }
0x2f: {  	s2 =	sshrl.u32 s2, $0x2;
	s5 =	sadd.s32 s5, s18;
	[dreg:$0x17] =	wrdreg s6  }
0x30: {  	s16 =	sadd.s32 s12, s14;
	s4 =	sadd.s32 s4, s18;
	[dreg:$0x18] =	wrdreg s5  }
0x31: {  	s3 =	sadd.s32 s3, s18;
	s1 =	sadd.s32 s1, s18;
	[dreg:$0x19] =	wrdreg s4  }
0x32: {  	s29 =	sadd.s32 s2, s18;
	s11 =	simm.s32 $0x1;
	[dreg:$0x1a] =	wrdreg s3  }
0x33: {  	s12 =	simm.s32 $0x4;
	s14 =	simm.s32 $0x0;
	[dreg:$0x1b] =	wrdreg s1  }
0x34: {  	s28 =	sadd.s32 $0x50, s16;
	s31 =	sadd.s32 $0xA0, s16;
	[dreg:$0x1c] =	wrdreg s29  }
0x35: {  	s13 =	simm.s32 $0x2;
	s30 =	sshrl.u32 s28, $0x3;
	[dreg:$0x1d] =	wrdreg s0  }
0x36: {  	s2 =	sadd.s32 s30, s21;
	s10 =	simm.s32 $0x3;
	[dreg:$0x1e] =	wrdreg s31  }
0x37: {  	s3 =	simm.s32 $0x5;
	s4 =	simm.s32 $0x2780;
	s5 =	simm.s32 $0x50  }
0x38: {  	s6 =	simm.s32 $0x2880;
	s7 =	simm.s32 $0x2800;
	s8 =	simm.s32 $0x5080  }
.LBB2_1:
0x39: {  	s0 =	rddreg [dreg:$0x13]  }
0x3a: {  	[tilespmem:s9], [sflag:$0x5] =	stream.linear.gather [hbm4b:s0+s9], $0x2710, $0x38;
	[tilespmem:$0x1B100] =	vst v63  }
0x3b: {  	_ =	swait.ge [sflag:s3], $0x2710  }
0x3c: {  	s26 =	stileid.u32;
	[sflag:s3] =	ssyncset.done $0x0;
	s25 =	rddreg [dreg:$0x14]  }
0x3d: {  	s15 =	sshll.u32 s26, $0x6;
	s1 =	rddreg [dreg:$0x15];
	[sflag:s3] =	ssyncadd.s32 $0xFFFFD8F0  }
0x3e: {  	[tilespmem:s4], [sflag:$0x3] =	stream.linear.gather [hbm4b:s25+s9], $0x50, $0x38;
	[tilespmem:$0x1B100] =	vst v63  }
0x3f: {  	s15 =	sor.u32 $0x1C05, s15;
	s16 =	rddreg [dreg:$0x3];
	s17 =	sshrl.u32 s1, $0x3  }
0x40: {  	[tilespmem:s6], [sflag:$0x1] =	stream.indirect.gather [hbm4b:s20+s5], $0x80, s9, s5, $0xb8;
	[tilespmem:$0x1B100] =	vst v63  }
0x41: {  	[spmem:s17], [sflag:s15] =	dma.local [hbm:s16], $0x500  }
0x42: {  	_ =	swait.ge [sflag:s3], $0x500  }
0x43: {  	[sflag:s3] =	ssyncset.done $0x0;
	s19 =	rddreg [dreg:$0x16]  }
0x44: {  	s22 =	rddreg [dreg:$0x4];
	[sflag:s3] =	ssyncadd.s32 $0xFFFFFB00;
	s19 =	sshrl.u32 s19, $0x3  }
0x45: {  	[spmem:s19], [sflag:s15] =	dma.local [hbm:s22], $0x500  }
0x46: {  	_ =	swait.ge [sflag:s3], $0x500  }
0x47: {  	[sflag:s3] =	ssyncset.done $0x0;
	s23 =	rddreg [dreg:$0x17]  }
0x48: {  	s24 =	rddreg [dreg:$0x5];
	[sflag:s3] =	ssyncadd.s32 $0xFFFFFB00;
	s22 =	sshrl.u32 s23, $0x3  }
0x49: {  	[spmem:s22], [sflag:s15] =	dma.local [hbm:s24], $0x500  }
0x4a: {  	_ =	swait.ge [sflag:s3], $0x500  }
0x4b: {  	[sflag:s3] =	ssyncset.done $0x0;
	s25 =	rddreg [dreg:$0x18]  }
0x4c: {  	s26 =	rddreg [dreg:$0x6];
	[sflag:s3] =	ssyncadd.s32 $0xFFFFFB00;
	s23 =	sshrl.u32 s25, $0x3  }
0x4d: {  	[spmem:s23], [sflag:s15] =	dma.local [hbm:s26], $0x500  }
0x4e: {  	_ =	swait.ge [sflag:s3], $0x500  }
0x4f: {  	[sflag:s3] =	ssyncset.done $0x0;
	s1 =	rddreg [dreg:$0x19]  }
0x50: {  	s16 =	rddreg [dreg:$0x7];
	[sflag:s3] =	ssyncadd.s32 $0xFFFFFB00;
	s24 =	sshrl.u32 s1, $0x3  }
0x51: {  	[spmem:s24], [sflag:s15] =	dma.local [hbm:s16], $0x500  }
0x52: {  	_ =	swait.ge [sflag:s3], $0x500  }
0x53: {  	[sflag:s3] =	ssyncset.done $0x0;
	s25 =	rddreg [dreg:$0x1a]  }
0x54: {  	s26 =	rddreg [dreg:$0x8];
	[sflag:s3] =	ssyncadd.s32 $0xFFFFFB00;
	s25 =	sshrl.u32 s25, $0x3  }
0x55: {  	[spmem:s25], [sflag:s15] =	dma.local [hbm:s26], $0x500  }
0x56: {  	_ =	swait.ge [sflag:s3], $0x500  }
0x57: {  	[sflag:s3] =	ssyncset.done $0x0;
	s1 =	rddreg [dreg:$0x1b]  }
0x58: {  	s16 =	rddreg [dreg:$0x9];
	[sflag:s3] =	ssyncadd.s32 $0xFFFFFB00;
	s26 =	sshrl.u32 s1, $0x3  }
0x59: {  	[spmem:s26], [sflag:s15] =	dma.local [hbm:s16], $0x500  }
0x5a: {  	_ =	swait.ge [sflag:s3], $0x500  }
0x5b: {  	s16 =	simm.s32 @!p0 $0x5;
	[sflag:s3] =	ssyncset.done $0x0;
	s0 =	rddreg [dreg:$0x1c]  }
0x5c: {  	[sflag:s3] =	ssyncadd.s32 $0xFFFFFB00;
	s28 =	sshrl.u32 @!p0 s0, $0x3;
	s0 =	rddreg [dreg:$0xa]  }
0x5d: {  	[spmem:s28], [sflag:s15] =	dma.local @!p0 [hbm:s0], $0x500  }
0x5e: {  	_ =	swait.ge @!p0 [sflag:s16], $0x500  }
0x5f: {  	[sflag:s16] =	ssyncset.done @!p0 $0x0  }
0x60: {  	[sflag:s16] =	ssyncadd.s32 @!p0 $0xFFFFFB00  }
0x61: {  	s1 =	sadd.s32 $0x0, s2;
	[bflag:$0x0] =	sbarrier.arrive $0xFFFF  }
0x62: {  	[tilespmem:s7], [sflag:$0x4] =	stream.linear.gather [hbm4b:s1+s9], $0x50, $0x38;
	[tilespmem:$0x1B100] =	vst v63  }
0x63: {  	s0 =	simm.s32 $0x50  }
0x64: {  	[tilespmem:s8], [sflag:$0x2] =	stream.indirect.gather [hbm4b:s20+s5], $0x80, s0, s5, $0xb8;
	[tilespmem:$0x1B100] =	vst v63  }
0x65: {  	_ =	swait.ge [sflag:s10], $0x50  }
0x66: {  	[sflag:s10] =	ssyncset.done $0x0  }
0x67: {  	[sflag:s10] =	ssyncadd.s32 $0xFFFFFFB0  }
0x68: {  	_ =	swait.ge [sflag:s11], $0x2800  }
0x69: {  	[sflag:s11] =	ssyncset.done $0x0  }
0x6a: {  	[sflag:s11] =	ssyncadd.s32 $0xFFFFD800  }
0x6b: {  	[spmem:s18] =	stream.indirect.scatter.add.f32 [tilespmem:s6], [sflag:$0x5], $0x80, s4, s5, $0xb8;
	[tilespmem:$0x1B100] =	vst v63  }
0x6c: {  	_ =	swait.ge [sflag:s3], $0x2800  }
0x6d: {  	s0 =	rddreg [dreg:$0x1e]  }
0x6e: {  	[sflag:s3] =	ssyncset.done $0x0;
	s1 =	sshrl.u32 s0, $0x3  }
0x6f: {  	[sflag:s3] =	ssyncadd.s32 $0xFFFFD800;
	s16 =	sadd.s32 s21, s1  }
0x70: {  	[tilespmem:s4], [sflag:$0x3] =	stream.linear.gather [hbm4b:s16+s9], $0x50, $0x38;
	[tilespmem:$0x1B100] =	vst v63  }
0x71: {  	s1 =	simm.s32 $0xA0  }
0x72: {  	[tilespmem:s6], [sflag:$0x1] =	stream.indirect.gather [hbm4b:s20+s5], $0x80, s1, s5, $0xb8;
	[tilespmem:$0x1B100] =	vst v63  }
0x73: {  	_ =	swait.ge [sflag:s12], $0x50  }
0x74: {  	[sflag:s12] =	ssyncset.done $0x0  }
0x75: {  	[sflag:s12] =	ssyncadd.s32 $0xFFFFFFB0  }
0x76: {  	_ =	swait.ge [sflag:s13], $0x2800  }
0x77: {  	[sflag:s13] =	ssyncset.done $0x0  }
0x78: {  	[sflag:s13] =	ssyncadd.s32 $0xFFFFD800  }
0x79: {  	[spmem:s18] =	stream.indirect.scatter.add.f32 [tilespmem:s8], [sflag:$0x5], $0x80, s7, s5, $0xb8;
	[tilespmem:$0x1B100] =	vst v63  }
0x7a: {  	s31 =	simm.s32 $0x14;
	s29 =	simm.s32 $0x140;
	_ =	swait.ge [sflag:s3], $0x2800  }
0x7b: {  	s30 =	sadd.s32 $0xA0, s0;
	s16 =	simm.s32 $0x28;
	[sflag:s3] =	ssyncset.done $0x0  }
.LBB2_2:
0x7c: {  	s0 =	sadd.s32 s31, s2  }
0x7d: {  	[sflag:s3] =	ssyncadd.s32 $0xFFFFD800;
	s31 =	smov.u32 s16;
	s1 =	sadd.s32 $0x14, s16  }
0x7e: {  	[tilespmem:s7], [sflag:$0x4] =	stream.linear.gather [hbm4b:s0+s9], $0x50, $0x38;
	[tilespmem:$0x1B100] =	vst v63  }
0x7f: {  	p1 =	sne.s32 s16, $0x4C4;
	s0 =	sadd.s32 $0xFFFFFFB0, s29  }
0x80: {  	[tilespmem:s8], [sflag:$0x2] =	stream.indirect.gather [hbm4b:s20+s5], $0x80, s0, s5, $0xb8;
	[tilespmem:$0x1B100] =	vst v63  }
0x81: {  	_ =	swait.ge [sflag:s10], $0x50  }
0x82: {  	[sflag:s10] =	ssyncset.done $0x0  }
0x83: {  	[sflag:s10] =	ssyncadd.s32 $0xFFFFFFB0  }
0x84: {  	_ =	swait.ge [sflag:s11], $0x2800  }
0x85: {  	[sflag:s11] =	ssyncset.done $0x0  }
0x86: {  	[sflag:s11] =	ssyncadd.s32 $0xFFFFD800  }
0x87: {  	[spmem:s18] =	stream.indirect.scatter.add.f32 [tilespmem:s6], [sflag:$0x5], $0x80, s4, s5, $0xb8;
	[tilespmem:$0x1B100] =	vst v63  }
0x88: {  	_ =	swait.ge [sflag:s3], $0x2800  }
0x89: {  	s0 =	sshrl.u32 s30, $0x3;
	[sflag:s3] =	ssyncset.done $0x0  }
0x8a: {  	s0 =	sadd.s32 s21, s0;
	[sflag:s3] =	ssyncadd.s32 $0xFFFFD800  }
0x8b: {  	[tilespmem:s4], [sflag:$0x3] =	stream.linear.gather [hbm4b:s0+s9], $0x50, $0x38;
	[tilespmem:$0x1B100] =	vst v63  }
0x8c: {  	_ = 	snop  }
0x8d: {  	[tilespmem:s6], [sflag:$0x1] =	stream.indirect.gather [hbm4b:s20+s5], $0x80, s29, s5, $0xb8;
	[tilespmem:$0x1B100] =	vst v63  }
0x8e: {  	_ =	swait.ge [sflag:s12], $0x50  }
0x8f: {  	[sflag:s12] =	ssyncset.done $0x0  }
0x90: {  	[sflag:s12] =	ssyncadd.s32 $0xFFFFFFB0  }
0x91: {  	_ =	swait.ge [sflag:s13], $0x2800  }
.Ltmp0:
0x92: {  	[sflag:s13] =	ssyncset.done $0x0;
	(pc) =	sbr.rel @p1 .LBB2_2-.Ltmp0, $4  }
0x93: {  	[sflag:s13] =	ssyncadd.s32 $0xFFFFD800  }
0x94: {  	[spmem:s18] =	stream.indirect.scatter.add.f32 [tilespmem:s8], [sflag:$0x5], $0x80, s7, s5, $0xb8;
	[tilespmem:$0x1B100] =	vst v63  }
0x95: {  	s16 =	smov.u32 s1;
	_ =	swait.ge [sflag:s3], $0x2800  }
0x96: {  	s30 =	sadd.s32 $0xA0, s30;
	s29 =	sadd.s32 $0xA0, s29;
	[sflag:s3] =	ssyncset.done $0x0  }
0x97: {  	s0 =	sadd.s32 s31, s2;
	[sflag:s3] =	ssyncadd.s32 $0xFFFFD800  }
0x98: {  	[tilespmem:s7], [sflag:$0x4] =	stream.linear.gather [hbm4b:s0+s9], $0x50, $0x38;
	[tilespmem:$0x1B100] =	vst v63  }
0x99: {  	s31 =	sadd.s32 $0xFFFFFFB0, s29  }
0x9a: {  	[tilespmem:s8], [sflag:$0x2] =	stream.indirect.gather [hbm4b:s20+s5], $0x80, s31, s5, $0xb8;
	[tilespmem:$0x1B100] =	vst v63  }
0x9b: {  	_ =	swait.ge [sflag:s10], $0x50  }
0x9c: {  	[sflag:s10] =	ssyncset.done $0x0  }
0x9d: {  	[sflag:s10] =	ssyncadd.s32 $0xFFFFFFB0  }
0x9e: {  	_ =	swait.ge [sflag:s11], $0x2800  }
0x9f: {  	[sflag:s11] =	ssyncset.done $0x0  }
0xa0: {  	[sflag:s11] =	ssyncadd.s32 $0xFFFFD800  }
0xa1: {  	[spmem:s18] =	stream.indirect.scatter.add.f32 [tilespmem:s6], [sflag:$0x5], $0x80, s4, s5, $0xb8;
	[tilespmem:$0x1B100] =	vst v63  }
0xa2: {  	_ =	swait.ge [sflag:s3], $0x2800  }
0xa3: {  	s1 =	sshrl.u32 s30, $0x3;
	[sflag:s3] =	ssyncset.done $0x0  }
0xa4: {  	s0 =	sadd.s32 s21, s1;
	[sflag:s3] =	ssyncadd.s32 $0xFFFFD800  }
0xa5: {  	[tilespmem:s4], [sflag:$0x3] =	stream.linear.gather [hbm4b:s0+s9], $0x50, $0x38;
	[tilespmem:$0x1B100] =	vst v63  }
0xa6: {  	_ = 	snop  }
0xa7: {  	[tilespmem:s6], [sflag:$0x1] =	stream.indirect.gather [hbm4b:s20+s5], $0x80, s29, s5, $0xb8;
	[tilespmem:$0x1B100] =	vst v63  }
0xa8: {  	_ =	swait.ge [sflag:s12], $0x50  }
0xa9: {  	[sflag:s12] =	ssyncset.done $0x0  }
0xaa: {  	[sflag:s12] =	ssyncadd.s32 $0xFFFFFFB0  }
0xab: {  	_ =	swait.ge [sflag:s13], $0x2800  }
0xac: {  	[sflag:s13] =	ssyncset.done $0x0  }
0xad: {  	[sflag:s13] =	ssyncadd.s32 $0xFFFFD800  }
0xae: {  	[spmem:s18] =	stream.indirect.scatter.add.f32 [tilespmem:s8], [sflag:$0x5], $0x80, s7, s5, $0xb8;
	[tilespmem:$0x1B100] =	vst v63  }
0xaf: {  	_ =	swait.ge [sflag:s3], $0x2800  }
0xb0: {  	[sflag:s3] =	ssyncset.done $0x0  }
0xb1: {  	[sflag:s3] =	ssyncadd.s32 $0xFFFFD800  }
0xb2: {  	_ =	swait.ge [sflag:s10], $0x50  }
0xb3: {  	[sflag:s10] =	ssyncset.done $0x0  }
0xb4: {  	[sflag:s10] =	ssyncadd.s32 $0xFFFFFFB0  }
0xb5: {  	_ =	swait.ge [sflag:s11], $0x2800  }
0xb6: {  	[sflag:s11] =	ssyncset.done $0x0  }
0xb7: {  	[sflag:s11] =	ssyncadd.s32 $0xFFFFD800  }
0xb8: {  	[spmem:s18] =	stream.indirect.scatter.add.f32 [tilespmem:s6], [sflag:$0x5], $0x80, s4, s5, $0xb8;
	[tilespmem:$0x1B100] =	vst v63  }
0xb9: {  	_ =	swait.ge [sflag:s3], $0x2800  }
0xba: {  	[sflag:s3] =	ssyncset.done $0x0  }
0xbb: {  	[sflag:s3] =	ssyncadd.s32 $0xFFFFD800  }
0xbc: {  	[bflag:$0x0] =	sbarrier.arrive $0xFFFF  }
0xbd: {  	s16 =	rddreg [dreg:$0xb]  }
0xbe: {  	[hbm:s16], [sflag:s15] =	dma.local [spmem:s17], $0x500  }
0xbf: {  	_ =	swait.ge [sflag:s3], $0x500  }
0xc0: {  	[sflag:s3] =	ssyncset.done $0x0  }
0xc1: {  	s17 =	rddreg [dreg:$0xc];
	[sflag:s3] =	ssyncadd.s32 $0xFFFFFB00  }
0xc2: {  	[hbm:s17], [sflag:s15] =	dma.local [spmem:s19], $0x500  }
0xc3: {  	_ =	swait.ge [sflag:s3], $0x500  }
0xc4: {  	[sflag:s3] =	ssyncset.done $0x0  }
0xc5: {  	s19 =	rddreg [dreg:$0xd];
	[sflag:s3] =	ssyncadd.s32 $0xFFFFFB00  }
0xc6: {  	[hbm:s19], [sflag:s15] =	dma.local [spmem:s22], $0x500  }
0xc7: {  	_ =	swait.ge [sflag:s3], $0x500  }
0xc8: {  	[sflag:s3] =	ssyncset.done $0x0  }
0xc9: {  	s22 =	rddreg [dreg:$0xe];
	[sflag:s3] =	ssyncadd.s32 $0xFFFFFB00  }
0xca: {  	[hbm:s22], [sflag:s15] =	dma.local [spmem:s23], $0x500  }
0xcb: {  	_ =	swait.ge [sflag:s3], $0x500  }
0xcc: {  	[sflag:s3] =	ssyncset.done $0x0  }
0xcd: {  	s29 =	rddreg [dreg:$0xf];
	[sflag:s3] =	ssyncadd.s32 $0xFFFFFB00  }
0xce: {  	[hbm:s29], [sflag:s15] =	dma.local [spmem:s24], $0x500  }
0xcf: {  	_ =	swait.ge [sflag:s3], $0x500  }
0xd0: {  	[sflag:s3] =	ssyncset.done $0x0  }
0xd1: {  	s30 =	rddreg [dreg:$0x10];
	[sflag:s3] =	ssyncadd.s32 $0xFFFFFB00  }
0xd2: {  	[hbm:s30], [sflag:s15] =	dma.local [spmem:s25], $0x500  }
0xd3: {  	_ =	swait.ge [sflag:s3], $0x500  }
0xd4: {  	[sflag:s3] =	ssyncset.done $0x0  }
0xd5: {  	s31 =	rddreg [dreg:$0x11];
	[sflag:s3] =	ssyncadd.s32 $0xFFFFFB00  }
0xd6: {  	[hbm:s31], [sflag:s15] =	dma.local [spmem:s26], $0x500  }
0xd7: {  	_ =	swait.ge [sflag:s3], $0x500  }
0xd8: {  	[sflag:s3] =	ssyncset.done $0x0  }
0xd9: {  	s0 =	rddreg [dreg:$0x12];
	[sflag:s3] =	ssyncadd.s32 $0xFFFFFB00  }
0xda: {  	[hbm:s0], [sflag:s15] =	dma.local @!p0 [spmem:s28], $0x500  }
0xdb: {  	s0 =	simm.s32 @!p0 $0x5  }
0xdc: {  	_ =	swait.ge @!p0 [sflag:s0], $0x500  }
0xdd: {  	s14 =	sadd.s32 $0x1, s14;
	s1 =	rddreg [dreg:$0x1d]  }
0xde: {  	p1 =	sne.s32 s14, s1  }
.Ltmp1:
0xdf: {  	_ = 	snop;
	(pc) =	sbr.rel @p1 .LBB2_1-.Ltmp1, $3  }
0xe0: {  	_ =	sdelay $0x1  }
0xe1: {  	[sflag:s0] =	ssyncset.done @!p0 $0x0  }
0xe2: {  	[sflag:s0] =	ssyncadd.s32 @!p0 $0xFFFFFB00  }
0xe3: {  	_ =	sfence.sel $0x180000  }
0xe4: {  	[bflag:$0x0] =	sbarrier.arrive $0xFFFF  }
0xe5: {  	_ =	strace $0x9000004A  }
0xe6: {  	s0 =	stileid.u32;
	[bflag:$0x2] =	sbarrier.arrive $0xFFFF  }
0xe7: {  	p0 =	sne.s32 s0, $0x0;
	s0 =	rddreg [dreg:$0x2]  }
0xe8: {  	s0 =	sadd.s32 @!p0 $0x100000, s0  }
0xe9: {  	[sflag:s0] =	ssyncadd.tile.s32 @!p0 $0x1;
	_ =	shalt  }
.Lfunc_end2:
_tile_overlayer_lowered:
.L_overlay_start_2:
0xea: {  	(tag) =	ssettag $0x2  }
0xeb: {  	s0 =	rddreg [dreg:$0x0];
	s2 =	stileid.u32  }
0xec: {  	s1 =	rddreg [dreg:$0x1];
	p0 =	sne.s32 s2, $0x0  }
0xed: {  	s3 =	rddreg [dreg:$0x2];
	[bflag:$0x3] =	sbarrier.arrive $0xFFFF;
	s2 =	simm.s32 @!p0 $0x1C05  }
0xee: {  	[timem:s3], [sflag:s2] =	dma.local @!p0 [hbm:s0], s1  }
0xef: {  	s0 =	simm.s32 @!p0 $0x5  }
0xf0: {  	_ =	swait.ge @!p0 [sflag:s0], s1  }
0xf1: {  	s1 =	ssub.s32 @!p0 $0x0, s1;
	[sflag:s0] =	ssyncset.done @!p0 $0x0  }
0xf2: {  	[sflag:s0] =	ssyncadd.s32 @!p0 s1  }
0xf3: {  	[bflag:$0x3] =	sbarrier.arrive $0xFFFF  }
0xf4: {  	_ =	shalt  }

// kernel: kernel.16.cloned.1.call-start
scs
__scs_entry_jumppad:
0x0: {  	(pc) =	sbr.rel $0x88, $3  }
0x1: {  	(tag) =	ssettag $0x0;
	lr =	simm.s32 $0x1  }
0x2: {  	[smem:$0x3F8C] =	sst lr;
	_ =	strace $0xD0000000  }
0x3: {  	_ = 	snop  }
0x4: {  	_ = 	snop  }
0x5: {  	_ = 	snop  }
0x6: {  	_ = 	snop  }
0x7: {  	_ = 	snop  }
__scs_overlays_trampoline_lowered:
0x8: {  	[smem:$0x3F9B] =	sst s0  }
0x9: {  	[smem:$0x3F9C] =	sst s1  }
0xa: {  	[smem:$0x3F9D] =	sst s2  }
0xb: {  	[smem:$0x3F9E] =	sst s3  }
0xc: {  	[smem:$0x3F9F] =	sst s4  }
0xd: {  	[smem:$0x3FA0] =	sst s5  }
0xe: {  	[smem:$0x3FA1] =	sst s6  }
0xf: {  	[smem:$0x3FA2] =	sst s7  }
0x10: {  	[smem:$0x3FA3] =	sst s8  }
0x11: {  	[smem:$0x3FA4] =	sst s9;
	s0 =	simm.s32 @!p0 $0x0  }
0x12: {  	s1 =	sld [smem:$0x3F8A];
	s0 =	simm.s32 @p0 $0x1  }
0x13: {  	[smem:$0x3FA5] =	sst s0;
	s0 =	simm.s32 @!p1 $0x0  }
0x14: {  	s2 =	sld [smem:$0x3F89];
	s0 =	simm.s32 @p1 $0x1  }
0x15: {  	[smem:$0x3FA6] =	sst s0;
	s0 =	simm.s32 @!p2 $0x0  }
0x16: {  	s3 =	sld [smem:$0x3FDB];
	s0 =	simm.s32 @p2 $0x1  }
0x17: {  	s4 =	simm.s32 $0x1BF5;
	[smem:$0x3FA8] =	sst s0  }
0x18: {  	s0 =	sld [smem:$0x3F8B];
	_ =	swait.ge [sflag:s4], $0x0  }
0x19: {  	s7 =	sld [smem:$0x3F8C]  }
0x1a: {  	s8 =	sadd.s32 $0xFFFFE003, lr  }
0x1b: {  	s9 =	sadd.s32 $0xFFFFFEF7, lr;
	s5 =	simm.s32 $0xFFFFFFFF;
	p2 =	slt.u32 s8, $0xFFFFF086  }
0x1c: {  	p1 =	slt.u32 s9, $0xF7A;
	s5 =	simm.s32 @!p2 $0x0  }
0x1d: {  	s5 =	simm.s32 @p1 $0x1;
	p0 =	seq.s32 s7, s2  }
0x1e: {  	s7 =	smul.u32 @!p0 $0xF7A, s2;
	p2 =	seq.s32 @!p0 s5, $0x0  }
0x1f: {  	s9 =	smul.u32 $0xF7A, s1;
	s8 =	simm.s32 @!p0 $0x1BF5;
	p2 =	por !p2, p0  }
0x20: {  	[sflag:s8] =	ssyncset.s32 @!p0 $0xFFFFF086;
	s6 =	sadd.s32 @!p0 s3, s7;
	s7 =	simm.s32 @!p0 $0x108  }
0x21: {  	s3 =	sadd.s32 s3, s9;
	s6 =	sadd.s32 @!p0 $0x88, s6;
	s7 =	simm.s32 @p2 $0x1082  }
0x22: {  	[simem:s7], [sflag:s8] =	dma.local @!p0 [hbm:s6], $0xF7A  }
0x23: {  	s9 =	sor.u32 $0xD0000000, s2;
	s6 =	simm.s32 $0x108;
	_ =	swait.ge @!p0 [sflag:s8], $0x0  }
0x24: {  	s3 =	sadd.s32 $0x88, s3;
	s6 =	simm.s32 @!p1 $0x1082;
	[sflag:s4] =	ssyncset.s32 $0xFFFFF086  }
0x25: {  	[simem:s6], [sflag:s4] =	dma.local [hbm:s3], $0xF7A  }
0x26: {  	[smem:$0x3F8C] =	sst s1;
	(tag) =	ssettag s2;
	_ =	strace s9  }
0x27: {  	s1 =	sld [smem:$0x3F9C]  }
0x28: {  	s2 =	sld [smem:$0x3F9D]  }
0x29: {  	s4 =	sld [smem:$0x3F9F]  }
0x2a: {  	p0 =	seq.s32 s5, $0x0;
	s5 =	sld [smem:$0x3FA0]  }
0x2b: {  	s6 =	sld [smem:$0x3FA1]  }
0x2c: {  	s7 =	sld [smem:$0x3FA2]  }
0x2d: {  	s3 =	simm.s32 $0x108;
	s8 =	sld [smem:$0x3FA3]  }
0x2e: {  	s3 =	simm.s32 @!p0 $0x1082;
	s9 =	sld [smem:$0x3FA4]  }
0x2f: {  	lr =	sadd.s32 s0, s3;
	s0 =	sld [smem:$0x3F9B]  }
0x30: {  	s3 =	sld [smem:$0x3F9E]  }
0x31: {  	[smem:$0x3FA7] =	sst s10  }
0x32: {  	s10 =	sld [smem:$0x3FA5];
	_ =	sdelay $0x3  }
0x33: {  	p0 =	seq.s32 s10, $0x1;
	s10 =	sld [smem:$0x3FA7];
	_ =	sdelay $0x3  }
0x34: {  	[smem:$0x3FA7] =	sst s10  }
0x35: {  	s10 =	sld [smem:$0x3FA6];
	_ =	sdelay $0x3  }
0x36: {  	p1 =	seq.s32 s10, $0x1;
	s10 =	sld [smem:$0x3FA7];
	_ =	sdelay $0x3  }
0x37: {  	[smem:$0x3FA7] =	sst s10  }
0x38: {  	s10 =	sld [smem:$0x3FA8]  }
0x39: {  	_ = 	snop;
	(pc) =	sbr.ind lr, $3  }
0x3a: {  	_ = 	snop  }
0x3b: {  	_ = 	snop  }
0x3c: {  	p2 =	seq.s32 s10, $0x1;
	s10 =	sld [smem:$0x3FA7]  }
0x3d: {  	_ =	shalt  }
0x3e: {  	_ =	shalt  }
0x3f: {  	_ =	shalt  }
0x40: {  	_ =	shalt  }
0x41: {  	_ =	shalt  }
0x42: {  	_ =	shalt  }
0x43: {  	_ =	shalt  }
0x44: {  	_ =	shalt  }
0x45: {  	_ =	shalt  }
0x46: {  	_ =	shalt  }
0x47: {  	_ =	shalt  }
0x48: {  	_ =	shalt  }
0x49: {  	_ =	shalt  }
0x4a: {  	_ =	shalt  }
0x4b: {  	_ =	shalt  }
0x4c: {  	_ =	shalt  }
0x4d: {  	_ =	shalt  }
0x4e: {  	_ =	shalt  }
0x4f: {  	_ =	shalt  }
0x50: {  	_ =	shalt  }
0x51: {  	_ =	shalt  }
0x52: {  	_ =	shalt  }
0x53: {  	_ =	shalt  }
0x54: {  	_ =	shalt  }
0x55: {  	_ =	shalt  }
0x56: {  	_ =	shalt  }
0x57: {  	_ =	shalt  }
0x58: {  	_ =	shalt  }
0x59: {  	_ =	shalt  }
0x5a: {  	_ =	shalt  }
0x5b: {  	_ =	shalt  }
0x5c: {  	_ =	shalt  }
0x5d: {  	_ =	shalt  }
0x5e: {  	_ =	shalt  }
0x5f: {  	_ =	shalt  }
0x60: {  	_ =	shalt  }
0x61: {  	_ =	shalt  }
0x62: {  	_ =	shalt  }
0x63: {  	_ =	shalt  }
0x64: {  	_ =	shalt  }
0x65: {  	_ =	shalt  }
0x66: {  	_ =	shalt  }
0x67: {  	_ =	shalt  }
0x68: {  	_ =	shalt  }
0x69: {  	_ =	shalt  }
0x6a: {  	_ =	shalt  }
0x6b: {  	_ =	shalt  }
0x6c: {  	_ =	shalt  }
0x6d: {  	_ =	shalt  }
0x6e: {  	_ =	shalt  }
0x6f: {  	_ =	shalt  }
0x70: {  	_ =	shalt  }
0x71: {  	_ =	shalt  }
0x72: {  	_ =	shalt  }
0x73: {  	_ =	shalt  }
0x74: {  	_ =	shalt  }
0x75: {  	_ =	shalt  }
0x76: {  	_ =	shalt  }
0x77: {  	_ =	shalt  }
0x78: {  	_ =	shalt  }
0x79: {  	_ =	shalt  }
0x7a: {  	_ =	shalt  }
0x7b: {  	_ =	shalt  }
0x7c: {  	_ =	shalt  }
0x7d: {  	_ =	shalt  }
0x7e: {  	_ =	shalt  }
0x7f: {  	_ =	shalt  }
0x80: {  	_ =	shalt  }
0x81: {  	_ =	shalt  }
0x82: {  	_ =	shalt  }
0x83: {  	_ =	shalt  }
0x84: {  	_ =	shalt  }
0x85: {  	_ =	shalt  }
0x86: {  	_ =	shalt  }
0x87: {  	_ =	shalt  }
.Lfunc_end0:
.L_simem_size_0:
called_computation.2_lowered:
.L_overlay_start_0:
0x88: {  	s2 =	sld [smem:$0x3FD9]  }
0x89: {  	s3 =	sld [smem:$0x3FFE];
	_ =	sdelay $0x1  }
0x8a: {  	s1 =	srdreg.scid  }
0x8b: {  	s0 =	sand.u32 $0x1, s1  }
0x8c: {  	s16 =	sshll.u32 s0, $0xA;
	s2 =	sadd.s32 s3, s2  }
0x8d: {  	s2 =	sadd.s32 s2, s16  }
0x8e: {  	[smem:$0x3FB3] =	sst s2  }
0x8f: {  	_ = 	snop  }
0x90: {  	(tm) =	ssettm $0x1  }
0x91: {  	s17 =	sld [smem:$0x3FFB];
	_ =	sdelay $0x3  }
0x92: {  	_ =	strace s17  }
0x93: {  	s2 =	sld [smem:$0x3FFC];
	_ =	sdelay $0x3  }
0x94: {  	_ =	strace s2  }
0x95: {  	s2 =	sld [smem:$0x3FFD];
	_ =	sdelay $0x3  }
0x96: {  	_ =	strace s2  }
0x97: {  	_ =	strace $0x8FFFFFFF  }
0x98: {  	s18 =	sld [smem:$0x3FDB];
	_ =	sdelay $0x1  }
0x99: {  	s19 =	simm.s32 $_scs_section_size  }
0x9a: {  	s4 =	simm.s32 $_size__tile_overlayer_lowered;
	s5 =	simm.s32 $_tile_overlayer_lowered  }
0x9b: {  	s22 =	simm.s32 $0x1BFF;
	s21 =	sshll.u32 s5, $0x1;
	s2 =	sadd.s32 s19, s18  }
0x9c: {  	s6 =	simm.s32 $0x0;
	s20 =	sshll.u32 s4, $0x1;
	s4 =	sadd.s32 s21, s2  }
0x9d: {  	[timem:s6], [sflag:s22] =	dma.local [hbm:s4], s20  }
0x9e: {  	_ =	swait.ge [sflag:s22], s20  }
0x9f: {  	s3 =	ssub.s32 $0x0, s20;
	[sflag:s22] =	ssyncset.done $0x0  }
0xa0: {  	[sflag:s22] =	ssyncadd.s32 s3;
	_ =	sdelay $0x1  }
0xa1: {  	s23 =	simm.s32 $0x1B8B  }
0xa2: {  	_ =	swait.ge [sflag:s23], $0x1  }
0xa3: {  	[sflag:s23] =	ssyncset.done $0x0  }
0xa4: {  	s25 =	simm.s32 $0x1B8E;
	s24 =	sld [smem:$0x3FFE];
	[sflag:s23] =	ssyncadd.s32 $0xFFFFFFFF  }
0xa5: {  	s26 =	simm.s32 $execute0_lowered;
	[smem:$0x3FD2] =	sst s25  }
0xa6: {  	s4 =	sshll.u32 s26, $0x1;
	_ =	strace $0x8000004C;
	[dreg:$0x1] =	wrdreg $0xFFFFFFFF  }
0xa7: {  	s28 =	simm.s32 $_size_execute0_lowered;
	s2 =	sadd.s32 s2, s4;
	[dreg:$0x0] =	wrdreg $0x0  }
0xa8: {  	s4 =	sshll.u32 s28, $0x1;
	[dreg:$0x2] =	wrdreg s2  }
0xa9: {  	[dreg:$0x3] =	wrdreg s4  }
0xaa: {  	[dreg:$0x4] =	wrdreg $0xC0  }
0xab: {  	_ =	task [dreg:s6], $0x5FFFF  }
0xac: {  	[dreg:$0x1] =	wrdreg $0xFFFFFFFF  }
0xad: {  	[dreg:$0x0] =	wrdreg $0x60  }
0xae: {  	[dreg:$0x2] =	wrdreg s24  }
0xaf: {  	[dreg:$0x3] =	wrdreg $0x78800  }
0xb0: {  	[dreg:$0x4] =	wrdreg $0x9  }
0xb1: {  	_ =	task.clear_ibuf [dreg:s6], $0x5FFFF;
	_ =	strace $0x9000004C  }
0xb2: {  	s29 =	simm.s32 $0x9;
	_ =	strace $0x8000004E  }
0xb3: {  	_ =	swait.ge [sflag:s29], $0x1  }
0xb4: {  	[sflag:s29] =	ssyncadd.s32 $0xFFFFFFFF  }
0xb5: {  	_ =	strace $0x9000004E  }
0xb6: {  	_ =	sfence  }
0xb7: {  	s30 =	sld [smem:$0x0];
	_ =	sdelay $0x2  }
0xb8: {  	s31 =	sshll.u32 s1, $0xD;
	s1 =	sshrl.u32 s1, $0x2  }
0xb9: {  	s3 =	sand.u32 $0x4000, s31;
	s1 =	sadd.s32 s1, s30  }
0xba: {  	s0 =	sor.u32 s3, s0;
	s1 =	sshll.u32 s1, $0x11  }
0xbb: {  	s0 =	sor.u32 s1, s0  }
0xbc: {  	s0 =	sadd.s32 $0x8F2B, s0  }
0xbd: {  	[sflag:s0] =	ssyncadd.remote.s32 $0x1  }
0xbe: {  	_ =	sfence.sel $0xFFFF  }
0xbf: {  	[dreg:$0x0] =	wrdreg $0xFFFFFFFF;
	(pc) =	sbr.abs _section_cstart, $3  }
0xc0: {  	[dreg:$0x1] =	wrdreg $0xFFFFFFFF  }
0xc1: {  	_ =	task.clear_ibuf [dreg:s6], $0x2FFFF;
	_ =	strace $0x9FFFFFFF  }
0xc2: {  	(tm) =	ssettm $0x7FFFFFFF  }
0xc3: {  	_ =	shalt  }
tec
execute0_lowered:
.L_overlay_start_1:
0x0: {  	(tag) =	ssettag $0x1  }
0x1: {  	s22 =	stileid.u32  }
0x2: {  	s9 =	smul.u32 $0x500, s22  }
0x3: {  	s7 =	sor.u32 $0x10, s22;
	s21 =	smul.u32 $0x2800, s22  }
0x4: {  	s6 =	sor.u32 $0x20, s22;
	s10 =	smul.u32 $0x500, s7  }
0x5: {  	s5 =	sor.u32 $0x30, s22;
	s11 =	smul.u32 $0x500, s6  }
0x6: {  	s4 =	sor.u32 $0x40, s22;
	s12 =	smul.u32 $0x500, s5  }
0x7: {  	s3 =	sor.u32 $0x50, s22;
	s13 =	smul.u32 $0x500, s4  }
0x8: {  	s1 =	sor.u32 $0x60, s22;
	s14 =	smul.u32 $0x500, s3  }
0x9: {  	s0 =	srdreg.scid;
	s2 =	sor.u32 $0x70, s22;
	s15 =	smul.u32 $0x500, s1  }
0xa: {  	s16 =	sand.u32 $0x1, s0;
	s17 =	smul.u32 $0x500, s2  }
0xb: {  	s18 =	smul.u32 $0x138800, s16  }
0xc: {  	s24 =	smul.u32 $0x2800, s6  }
0xd: {  	s28 =	smul.u32 $0x2800, s5  }
0xe: {  	s8 =	rddreg [dreg:$0x0];
	s31 =	smul.u32 $0x2800, s4  }
0xf: {  	s19 =	sadd.s32 $0x18200, s8;
	s0 =	ssub.s32 $0x2, s16;
	s6 =	smul.u32 $0xA000, s6  }
0x10: {  	p0 =	sgt.u32 s22, $0xC;
	s5 =	smul.u32 $0xA000, s5;
	s20 =	sshrl.u32 s0, $0x1  }
0x11: {  	s4 =	smul.u32 $0xA000, s4;
	s9 =	sadd.s32 s19, s9;
	s0 =	ssub.s32 s0, s20  }
0x12: {  	[dreg:$0x3] =	wrdreg s9;
	s20 =	smul.u32 $0x2800, s7;
	s10 =	sadd.s32 s19, s10  }
0x13: {  	s23 =	sadd.s32 s19, s11;
	s25 =	sadd.s32 s19, s12;
	s26 =	sadd.s32 s19, s13  }
0x14: {  	s29 =	sadd.s32 s19, s14;
	s30 =	sadd.s32 s19, s15;
	s14 =	sadd.s32 s19, s17  }
0x15: {  	s15 =	sadd.s32 s21, s18;
	s19 =	smul.u32 $0x2800, s3;
	[dreg:$0x4] =	wrdreg s10  }
0x16: {  	s21 =	smul.u32 $0x2800, s1;
	s11 =	sadd.s32 s18, s28;
	[dreg:$0x5] =	wrdreg s23  }
0x17: {  	s12 =	sadd.s32 s18, s31;
	s9 =	simm.s32 $0x0;
	[dreg:$0x6] =	wrdreg s25  }
0x18: {  	s7 =	smul.u32 $0xA000, s7;
	s6 =	sshrl.u32 s6, $0x2;
	[dreg:$0x7] =	wrdreg s26  }
0x19: {  	s3 =	smul.u32 $0xA000, s3;
	s5 =	sshrl.u32 s5, $0x2;
	[dreg:$0x8] =	wrdreg s29  }
0x1a: {  	s1 =	smul.u32 $0xA000, s1;
	s4 =	sshrl.u32 s4, $0x2;
	[dreg:$0x9] =	wrdreg s30  }
0x1b: {  	[dreg:$0xa] =	wrdreg s14;
	s10 =	sadd.s32 s18, s24;
	s23 =	smul.u32 $0x2800, s2  }
0x1c: {  	[smem:$0x7FF] =	sst s9;
	s25 =	sshll.u32 s22, $0x1;
	s13 =	sshrl.u32 s15, $0x3  }
0x1d: {  	s26 =	sadd.s32 $0x66600, s8;
	s31 =	sshrl.u32 s12, $0x3;
	s12 =	smul.u32 $0x2710, s16  }
0x1e: {  	s11 =	sshrl.u32 s11, $0x3;
	s2 =	smul.u32 $0xA000, s2;
	s0 =	smax.u32 s0, $0x1  }
0x1f: {  	s20 =	sadd.s32 s18, s20;
	s14 =	sadd.s32 s18, s19;
	s24 =	sadd.s32 s18, s21  }
0x20: {  	s13 =	sadd.s32 s26, s13;
	s10 =	sshrl.u32 s10, $0x3;
	s30 =	sadd.s32 s26, s11  }
0x21: {  	s21 =	sadd.s32 $0xE400, s8;
	s7 =	sshrl.u32 s7, $0x2;
	s3 =	sshrl.u32 s3, $0x2  }
0x22: {  	s17 =	sadd.s32 s18, s23;
	s18 =	sor.u32 s16, s25;
	[dreg:$0xb] =	wrdreg s13  }
0x23: {  	s29 =	sshrl.u32 s20, $0x3;
	s10 =	sadd.s32 s26, s10;
	[dreg:$0xe] =	wrdreg s30  }
0x24: {  	s11 =	sshrl.u32 s14, $0x3;
	s23 =	smul.u32 $0xA000, s22;
	[dreg:$0xd] =	wrdreg s10  }
0x25: {  	s28 =	smul.u32 $0x2710, s18;
	s13 =	sadd.s32 s26, s29;
	s18 =	rddreg [dreg:$0x1]  }
0x26: {  	s10 =	sadd.s32 s26, s31;
	s15 =	sshrl.u32 s17, $0x3;
	[dreg:$0xc] =	wrdreg s13  }
0x27: {  	[dreg:$0xf] =	wrdreg s10;
	s10 =	sadd.s32 s26, s11;
	s13 =	sshrl.u32 s24, $0x3  }
0x28: {  	[dreg:$0x10] =	wrdreg s10;
	s10 =	sadd.s32 s26, s13;
	s17 =	sshrl.u32 s28, $0x3  }
0x29: {  	[dreg:$0x11] =	wrdreg s10;
	s10 =	sadd.s32 s26, s15;
	s19 =	sadd.s32 s17, s8  }
0x2a: {  	s25 =	sadd.s32 s21, s17;
	[dreg:$0x12] =	wrdreg s10;
	s24 =	sadd.s32 $0x4600, s19  }
0x2b: {  	s26 =	sshrl.u32 s23, $0x2;
	_ =	strace $0x8000004D;
	[dreg:$0x13] =	wrdreg s24  }
0x2c: {  	s20 =	sadd.s32 $0x3F400, s8;
	s8 =	sadd.s32 s26, s18;
	[dreg:$0x14] =	wrdreg s25  }
0x2d: {  	s1 =	sshrl.u32 s1, $0x2;
	s7 =	sadd.s32 s7, s18;
	[dreg:$0x15] =	wrdreg s8  }
0x2e: {  	s14 =	smul.u32 $0x4E20, s22;
	s6 =	sadd.s32 s6, s18;
	[dreg:$0x16] =	wrdreg s7  }
0x2f: {  	s2 =	sshrl.u32 s2, $0x2;
	s5 =	sadd.s32 s5, s18;
	[dreg:$0x17] =	wrdreg s6  }
0x30: {  	s16 =	sadd.s32 s12, s14;
	s4 =	sadd.s32 s4, s18;
	[dreg:$0x18] =	wrdreg s5  }
0x31: {  	s3 =	sadd.s32 s3, s18;
	s1 =	sadd.s32 s1, s18;
	[dreg:$0x19] =	wrdreg s4  }
0x32: {  	s29 =	sadd.s32 s2, s18;
	s11 =	simm.s32 $0x1;
	[dreg:$0x1a] =	wrdreg s3  }
0x33: {  	s12 =	simm.s32 $0x4;
	s14 =	simm.s32 $0x0;
	[dreg:$0x1b] =	wrdreg s1  }
0x34: {  	s28 =	sadd.s32 $0x50, s16;
	s31 =	sadd.s32 $0xA0, s16;
	[dreg:$0x1c] =	wrdreg s29  }
0x35: {  	s13 =	simm.s32 $0x2;
	s30 =	sshrl.u32 s28, $0x3;
	[dreg:$0x1d] =	wrdreg s0  }
0x36: {  	s2 =	sadd.s32 s30, s21;
	s10 =	simm.s32 $0x3;
	[dreg:$0x1e] =	wrdreg s31  }
0x37: {  	s3 =	simm.s32 $0x5;
	s4 =	simm.s32 $0x2780;
	s5 =	simm.s32 $0x50  }
0x38: {  	s6 =	simm.s32 $0x2880;
	s7 =	simm.s32 $0x2800;
	s8 =	simm.s32 $0x5080  }
.LBB2_1:
0x39: {  	s0 =	rddreg [dreg:$0x13]  }
0x3a: {  	[tilespmem:s9], [sflag:$0x5] =	stream.linear.gather [hbm4b:s0+s9], $0x2710, $0x38;
	[tilespmem:$0x1B100] =	vst v63  }
0x3b: {  	_ =	swait.ge [sflag:s3], $0x2710  }
0x3c: {  	s26 =	stileid.u32;
	[sflag:s3] =	ssyncset.done $0x0;
	s25 =	rddreg [dreg:$0x14]  }
0x3d: {  	s15 =	sshll.u32 s26, $0x6;
	s1 =	rddreg [dreg:$0x15];
	[sflag:s3] =	ssyncadd.s32 $0xFFFFD8F0  }
0x3e: {  	[tilespmem:s4], [sflag:$0x3] =	stream.linear.gather [hbm4b:s25+s9], $0x50, $0x38;
	[tilespmem:$0x1B100] =	vst v63  }
0x3f: {  	s15 =	sor.u32 $0x1C05, s15;
	s16 =	rddreg [dreg:$0x3];
	s17 =	sshrl.u32 s1, $0x3  }
0x40: {  	[tilespmem:s6], [sflag:$0x1] =	stream.indirect.gather [hbm4b:s20+s5], $0x80, s9, s5, $0xb8;
	[tilespmem:$0x1B100] =	vst v63  }
0x41: {  	[spmem:s17], [sflag:s15] =	dma.local [hbm:s16], $0x500  }
0x42: {  	_ =	swait.ge [sflag:s3], $0x500  }
0x43: {  	[sflag:s3] =	ssyncset.done $0x0;
	s19 =	rddreg [dreg:$0x16]  }
0x44: {  	s22 =	rddreg [dreg:$0x4];
	[sflag:s3] =	ssyncadd.s32 $0xFFFFFB00;
	s19 =	sshrl.u32 s19, $0x3  }
0x45: {  	[spmem:s19], [sflag:s15] =	dma.local [hbm:s22], $0x500  }
0x46: {  	_ =	swait.ge [sflag:s3], $0x500  }
0x47: {  	[sflag:s3] =	ssyncset.done $0x0;
	s23 =	rddreg [dreg:$0x17]  }
0x48: {  	s24 =	rddreg [dreg:$0x5];
	[sflag:s3] =	ssyncadd.s32 $0xFFFFFB00;
	s22 =	sshrl.u32 s23, $0x3  }
0x49: {  	[spmem:s22], [sflag:s15] =	dma.local [hbm:s24], $0x500  }
0x4a: {  	_ =	swait.ge [sflag:s3], $0x500  }
0x4b: {  	[sflag:s3] =	ssyncset.done $0x0;
	s25 =	rddreg [dreg:$0x18]  }
0x4c: {  	s26 =	rddreg [dreg:$0x6];
	[sflag:s3] =	ssyncadd.s32 $0xFFFFFB00;
	s23 =	sshrl.u32 s25, $0x3  }
0x4d: {  	[spmem:s23], [sflag:s15] =	dma.local [hbm:s26], $0x500  }
0x4e: {  	_ =	swait.ge [sflag:s3], $0x500  }
0x4f: {  	[sflag:s3] =	ssyncset.done $0x0;
	s1 =	rddreg [dreg:$0x19]  }
0x50: {  	s16 =	rddreg [dreg:$0x7];
	[sflag:s3] =	ssyncadd.s32 $0xFFFFFB00;
	s24 =	sshrl.u32 s1, $0x3  }
0x51: {  	[spmem:s24], [sflag:s15] =	dma.local [hbm:s16], $0x500  }
0x52: {  	_ =	swait.ge [sflag:s3], $0x500  }
0x53: {  	[sflag:s3] =	ssyncset.done $0x0;
	s25 =	rddreg [dreg:$0x1a]  }
0x54: {  	s26 =	rddreg [dreg:$0x8];
	[sflag:s3] =	ssyncadd.s32 $0xFFFFFB00;
	s25 =	sshrl.u32 s25, $0x3  }
0x55: {  	[spmem:s25], [sflag:s15] =	dma.local [hbm:s26], $0x500  }
0x56: {  	_ =	swait.ge [sflag:s3], $0x500  }
0x57: {  	[sflag:s3] =	ssyncset.done $0x0;
	s1 =	rddreg [dreg:$0x1b]  }
0x58: {  	s16 =	rddreg [dreg:$0x9];
	[sflag:s3] =	ssyncadd.s32 $0xFFFFFB00;
	s26 =	sshrl.u32 s1, $0x3  }
0x59: {  	[spmem:s26], [sflag:s15] =	dma.local [hbm:s16], $0x500  }
0x5a: {  	_ =	swait.ge [sflag:s3], $0x500  }
0x5b: {  	s16 =	simm.s32 @!p0 $0x5;
	[sflag:s3] =	ssyncset.done $0x0;
	s0 =	rddreg [dreg:$0x1c]  }
0x5c: {  	[sflag:s3] =	ssyncadd.s32 $0xFFFFFB00;
	s28 =	sshrl.u32 @!p0 s0, $0x3;
	s0 =	rddreg [dreg:$0xa]  }
0x5d: {  	[spmem:s28], [sflag:s15] =	dma.local @!p0 [hbm:s0], $0x500  }
0x5e: {  	_ =	swait.ge @!p0 [sflag:s16], $0x500  }
0x5f: {  	[sflag:s16] =	ssyncset.done @!p0 $0x0  }
0x60: {  	[sflag:s16] =	ssyncadd.s32 @!p0 $0xFFFFFB00  }
0x61: {  	s1 =	sadd.s32 $0x0, s2;
	[bflag:$0x0] =	sbarrier.arrive $0xFFFF  }
0x62: {  	[tilespmem:s7], [sflag:$0x4] =	stream.linear.gather [hbm4b:s1+s9], $0x50, $0x38;
	[tilespmem:$0x1B100] =	vst v63  }
0x63: {  	s0 =	simm.s32 $0x50  }
0x64: {  	[tilespmem:s8], [sflag:$0x2] =	stream.indirect.gather [hbm4b:s20+s5], $0x80, s0, s5, $0xb8;
	[tilespmem:$0x1B100] =	vst v63  }
0x65: {  	_ =	swait.ge [sflag:s10], $0x50  }
0x66: {  	[sflag:s10] =	ssyncset.done $0x0  }
0x67: {  	[sflag:s10] =	ssyncadd.s32 $0xFFFFFFB0  }
0x68: {  	_ =	swait.ge [sflag:s11], $0x2800  }
0x69: {  	[sflag:s11] =	ssyncset.done $0x0  }
0x6a: {  	[sflag:s11] =	ssyncadd.s32 $0xFFFFD800  }
0x6b: {  	[spmem:s18] =	stream.indirect.scatter.add.f32 [tilespmem:s6], [sflag:$0x5], $0x80, s4, s5, $0xb8;
	[tilespmem:$0x1B100] =	vst v63  }
0x6c: {  	_ =	swait.ge [sflag:s3], $0x2800  }
0x6d: {  	s0 =	rddreg [dreg:$0x1e]  }
0x6e: {  	[sflag:s3] =	ssyncset.done $0x0;
	s1 =	sshrl.u32 s0, $0x3  }
0x6f: {  	[sflag:s3] =	ssyncadd.s32 $0xFFFFD800;
	s16 =	sadd.s32 s21, s1  }
0x70: {  	[tilespmem:s4], [sflag:$0x3] =	stream.linear.gather [hbm4b:s16+s9], $0x50, $0x38;
	[tilespmem:$0x1B100] =	vst v63  }
0x71: {  	s1 =	simm.s32 $0xA0  }
0x72: {  	[tilespmem:s6], [sflag:$0x1] =	stream.indirect.gather [hbm4b:s20+s5], $0x80, s1, s5, $0xb8;
	[tilespmem:$0x1B100] =	vst v63  }
0x73: {  	_ =	swait.ge [sflag:s12], $0x50  }
0x74: {  	[sflag:s12] =	ssyncset.done $0x0  }
0x75: {  	[sflag:s12] =	ssyncadd.s32 $0xFFFFFFB0  }
0x76: {  	_ =	swait.ge [sflag:s13], $0x2800  }
0x77: {  	[sflag:s13] =	ssyncset.done $0x0  }
0x78: {  	[sflag:s13] =	ssyncadd.s32 $0xFFFFD800  }
0x79: {  	[spmem:s18] =	stream.indirect.scatter.add.f32 [tilespmem:s8], [sflag:$0x5], $0x80, s7, s5, $0xb8;
	[tilespmem:$0x1B100] =	vst v63  }
0x7a: {  	s31 =	simm.s32 $0x14;
	s29 =	simm.s32 $0x140;
	_ =	swait.ge [sflag:s3], $0x2800  }
0x7b: {  	s30 =	sadd.s32 $0xA0, s0;
	s16 =	simm.s32 $0x28;
	[sflag:s3] =	ssyncset.done $0x0  }
.LBB2_2:
0x7c: {  	s0 =	sadd.s32 s31, s2  }
0x7d: {  	[sflag:s3] =	ssyncadd.s32 $0xFFFFD800;
	s31 =	smov.u32 s16;
	s1 =	sadd.s32 $0x14, s16  }
0x7e: {  	[tilespmem:s7], [sflag:$0x4] =	stream.linear.gather [hbm4b:s0+s9], $0x50, $0x38;
	[tilespmem:$0x1B100] =	vst v63  }
0x7f: {  	p1 =	sne.s32 s16, $0x4C4;
	s0 =	sadd.s32 $0xFFFFFFB0, s29  }
0x80: {  	[tilespmem:s8], [sflag:$0x2] =	stream.indirect.gather [hbm4b:s20+s5], $0x80, s0, s5, $0xb8;
	[tilespmem:$0x1B100] =	vst v63  }
0x81: {  	_ =	swait.ge [sflag:s10], $0x50  }
0x82: {  	[sflag:s10] =	ssyncset.done $0x0  }
0x83: {  	[sflag:s10] =	ssyncadd.s32 $0xFFFFFFB0  }
0x84: {  	_ =	swait.ge [sflag:s11], $0x2800  }
0x85: {  	[sflag:s11] =	ssyncset.done $0x0  }
0x86: {  	[sflag:s11] =	ssyncadd.s32 $0xFFFFD800  }
0x87: {  	[spmem:s18] =	stream.indirect.scatter.add.f32 [tilespmem:s6], [sflag:$0x5], $0x80, s4, s5, $0xb8;
	[tilespmem:$0x1B100] =	vst v63  }
0x88: {  	_ =	swait.ge [sflag:s3], $0x2800  }
0x89: {  	s0 =	sshrl.u32 s30, $0x3;
	[sflag:s3] =	ssyncset.done $0x0  }
0x8a: {  	s0 =	sadd.s32 s21, s0;
	[sflag:s3] =	ssyncadd.s32 $0xFFFFD800  }
0x8b: {  	[tilespmem:s4], [sflag:$0x3] =	stream.linear.gather [hbm4b:s0+s9], $0x50, $0x38;
	[tilespmem:$0x1B100] =	vst v63  }
0x8c: {  	_ = 	snop  }
0x8d: {  	[tilespmem:s6], [sflag:$0x1] =	stream.indirect.gather [hbm4b:s20+s5], $0x80, s29, s5, $0xb8;
	[tilespmem:$0x1B100] =	vst v63  }
0x8e: {  	_ =	swait.ge [sflag:s12], $0x50  }
0x8f: {  	[sflag:s12] =	ssyncset.done $0x0  }
0x90: {  	[sflag:s12] =	ssyncadd.s32 $0xFFFFFFB0  }
0x91: {  	_ =	swait.ge [sflag:s13], $0x2800  }
.Ltmp0:
0x92: {  	[sflag:s13] =	ssyncset.done $0x0;
	(pc) =	sbr.rel @p1 .LBB2_2-.Ltmp0, $4  }
0x93: {  	[sflag:s13] =	ssyncadd.s32 $0xFFFFD800  }
0x94: {  	[spmem:s18] =	stream.indirect.scatter.add.f32 [tilespmem:s8], [sflag:$0x5], $0x80, s7, s5, $0xb8;
	[tilespmem:$0x1B100] =	vst v63  }
0x95: {  	s16 =	smov.u32 s1;
	_ =	swait.ge [sflag:s3], $0x2800  }
0x96: {  	s30 =	sadd.s32 $0xA0, s30;
	s29 =	sadd.s32 $0xA0, s29;
	[sflag:s3] =	ssyncset.done $0x0  }
0x97: {  	s0 =	sadd.s32 s31, s2;
	[sflag:s3] =	ssyncadd.s32 $0xFFFFD800  }
0x98: {  	[tilespmem:s7], [sflag:$0x4] =	stream.linear.gather [hbm4b:s0+s9], $0x50, $0x38;
	[tilespmem:$0x1B100] =	vst v63  }
0x99: {  	s31 =	sadd.s32 $0xFFFFFFB0, s29  }
0x9a: {  	[tilespmem:s8], [sflag:$0x2] =	stream.indirect.gather [hbm4b:s20+s5], $0x80, s31, s5, $0xb8;
	[tilespmem:$0x1B100] =	vst v63  }
0x9b: {  	_ =	swait.ge [sflag:s10], $0x50  }
0x9c: {  	[sflag:s10] =	ssyncset.done $0x0  }
0x9d: {  	[sflag:s10] =	ssyncadd.s32 $0xFFFFFFB0  }
0x9e: {  	_ =	swait.ge [sflag:s11], $0x2800  }
0x9f: {  	[sflag:s11] =	ssyncset.done $0x0  }
0xa0: {  	[sflag:s11] =	ssyncadd.s32 $0xFFFFD800  }
0xa1: {  	[spmem:s18] =	stream.indirect.scatter.add.f32 [tilespmem:s6], [sflag:$0x5], $0x80, s4, s5, $0xb8;
	[tilespmem:$0x1B100] =	vst v63  }
0xa2: {  	_ =	swait.ge [sflag:s3], $0x2800  }
0xa3: {  	s1 =	sshrl.u32 s30, $0x3;
	[sflag:s3] =	ssyncset.done $0x0  }
0xa4: {  	s0 =	sadd.s32 s21, s1;
	[sflag:s3] =	ssyncadd.s32 $0xFFFFD800  }
0xa5: {  	[tilespmem:s4], [sflag:$0x3] =	stream.linear.gather [hbm4b:s0+s9], $0x50, $0x38;
	[tilespmem:$0x1B100] =	vst v63  }
0xa6: {  	_ = 	snop  }
0xa7: {  	[tilespmem:s6], [sflag:$0x1] =	stream.indirect.gather [hbm4b:s20+s5], $0x80, s29, s5, $0xb8;
	[tilespmem:$0x1B100] =	vst v63  }
0xa8: {  	_ =	swait.ge [sflag:s12], $0x50  }
0xa9: {  	[sflag:s12] =	ssyncset.done $0x0  }
0xaa: {  	[sflag:s12] =	ssyncadd.s32 $0xFFFFFFB0  }
0xab: {  	_ =	swait.ge [sflag:s13], $0x2800  }
0xac: {  	[sflag:s13] =	ssyncset.done $0x0  }
0xad: {  	[sflag:s13] =	ssyncadd.s32 $0xFFFFD800  }
0xae: {  	[spmem:s18] =	stream.indirect.scatter.add.f32 [tilespmem:s8], [sflag:$0x5], $0x80, s7, s5, $0xb8;
	[tilespmem:$0x1B100] =	vst v63  }
0xaf: {  	_ =	swait.ge [sflag:s3], $0x2800  }
0xb0: {  	[sflag:s3] =	ssyncset.done $0x0  }
0xb1: {  	[sflag:s3] =	ssyncadd.s32 $0xFFFFD800  }
0xb2: {  	_ =	swait.ge [sflag:s10], $0x50  }
0xb3: {  	[sflag:s10] =	ssyncset.done $0x0  }
0xb4: {  	[sflag:s10] =	ssyncadd.s32 $0xFFFFFFB0  }
0xb5: {  	_ =	swait.ge [sflag:s11], $0x2800  }
0xb6: {  	[sflag:s11] =	ssyncset.done $0x0  }
0xb7: {  	[sflag:s11] =	ssyncadd.s32 $0xFFFFD800  }
0xb8: {  	[spmem:s18] =	stream.indirect.scatter.add.f32 [tilespmem:s6], [sflag:$0x5], $0x80, s4, s5, $0xb8;
	[tilespmem:$0x1B100] =	vst v63  }
0xb9: {  	_ =	swait.ge [sflag:s3], $0x2800  }
0xba: {  	[sflag:s3] =	ssyncset.done $0x0  }
0xbb: {  	[sflag:s3] =	ssyncadd.s32 $0xFFFFD800  }
0xbc: {  	[bflag:$0x0] =	sbarrier.arrive $0xFFFF  }
0xbd: {  	s16 =	rddreg [dreg:$0xb]  }
0xbe: {  	[hbm:s16], [sflag:s15] =	dma.local [spmem:s17], $0x500  }
0xbf: {  	_ =	swait.ge [sflag:s3], $0x500  }
0xc0: {  	[sflag:s3] =	ssyncset.done $0x0  }
0xc1: {  	s17 =	rddreg [dreg:$0xc];
	[sflag:s3] =	ssyncadd.s32 $0xFFFFFB00  }
0xc2: {  	[hbm:s17], [sflag:s15] =	dma.local [spmem:s19], $0x500  }
0xc3: {  	_ =	swait.ge [sflag:s3], $0x500  }
0xc4: {  	[sflag:s3] =	ssyncset.done $0x0  }
0xc5: {  	s19 =	rddreg [dreg:$0xd];
	[sflag:s3] =	ssyncadd.s32 $0xFFFFFB00  }
0xc6: {  	[hbm:s19], [sflag:s15] =	dma.local [spmem:s22], $0x500  }
0xc7: {  	_ =	swait.ge [sflag:s3], $0x500  }
0xc8: {  	[sflag:s3] =	ssyncset.done $0x0  }
0xc9: {  	s22 =	rddreg [dreg:$0xe];
	[sflag:s3] =	ssyncadd.s32 $0xFFFFFB00  }
0xca: {  	[hbm:s22], [sflag:s15] =	dma.local [spmem:s23], $0x500  }
0xcb: {  	_ =	swait.ge [sflag:s3], $0x500  }
0xcc: {  	[sflag:s3] =	ssyncset.done $0x0  }
0xcd: {  	s29 =	rddreg [dreg:$0xf];
	[sflag:s3] =	ssyncadd.s32 $0xFFFFFB00  }
0xce: {  	[hbm:s29], [sflag:s15] =	dma.local [spmem:s24], $0x500  }
0xcf: {  	_ =	swait.ge [sflag:s3], $0x500  }
0xd0: {  	[sflag:s3] =	ssyncset.done $0x0  }
0xd1: {  	s30 =	rddreg [dreg:$0x10];
	[sflag:s3] =	ssyncadd.s32 $0xFFFFFB00  }
0xd2: {  	[hbm:s30], [sflag:s15] =	dma.local [spmem:s25], $0x500  }
0xd3: {  	_ =	swait.ge [sflag:s3], $0x500  }
0xd4: {  	[sflag:s3] =	ssyncset.done $0x0  }
0xd5: {  	s31 =	rddreg [dreg:$0x11];
	[sflag:s3] =	ssyncadd.s32 $0xFFFFFB00  }
0xd6: {  	[hbm:s31], [sflag:s15] =	dma.local [spmem:s26], $0x500  }
0xd7: {  	_ =	swait.ge [sflag:s3], $0x500  }
0xd8: {  	[sflag:s3] =	ssyncset.done $0x0  }
0xd9: {  	s0 =	rddreg [dreg:$0x12];
	[sflag:s3] =	ssyncadd.s32 $0xFFFFFB00  }
0xda: {  	[hbm:s0], [sflag:s15] =	dma.local @!p0 [spmem:s28], $0x500  }
0xdb: {  	s0 =	simm.s32 @!p0 $0x5  }
0xdc: {  	_ =	swait.ge @!p0 [sflag:s0], $0x500  }
0xdd: {  	s14 =	sadd.s32 $0x1, s14;
	s1 =	rddreg [dreg:$0x1d]  }
0xde: {  	p1 =	sne.s32 s14, s1  }
.Ltmp1:
0xdf: {  	_ = 	snop;
	(pc) =	sbr.rel @p1 .LBB2_1-.Ltmp1, $3  }
0xe0: {  	_ =	sdelay $0x1  }
0xe1: {  	[sflag:s0] =	ssyncset.done @!p0 $0x0  }
0xe2: {  	[sflag:s0] =	ssyncadd.s32 @!p0 $0xFFFFFB00  }
0xe3: {  	_ =	sfence.sel $0x180000  }
0xe4: {  	[bflag:$0x0] =	sbarrier.arrive $0xFFFF  }
0xe5: {  	_ =	strace $0x9000004D  }
0xe6: {  	s0 =	stileid.u32;
	[bflag:$0x2] =	sbarrier.arrive $0xFFFF  }
0xe7: {  	p0 =	sne.s32 s0, $0x0;
	s0 =	rddreg [dreg:$0x2]  }
0xe8: {  	s0 =	sadd.s32 @!p0 $0x100000, s0  }
0xe9: {  	[sflag:s0] =	ssyncadd.tile.s32 @!p0 $0x1;
	_ =	shalt  }
.Lfunc_end2:
_tile_overlayer_lowered:
.L_overlay_start_2:
0xea: {  	(tag) =	ssettag $0x2  }
0xeb: {  	s0 =	rddreg [dreg:$0x0];
	s2 =	stileid.u32  }
0xec: {  	s1 =	rddreg [dreg:$0x1];
	p0 =	sne.s32 s2, $0x0  }
0xed: {  	s3 =	rddreg [dreg:$0x2];
	[bflag:$0x3] =	sbarrier.arrive $0xFFFF;
	s2 =	simm.s32 @!p0 $0x1C05  }
0xee: {  	[timem:s3], [sflag:s2] =	dma.local @!p0 [hbm:s0], s1  }
0xef: {  	s0 =	simm.s32 @!p0 $0x5  }
0xf0: {  	_ =	swait.ge @!p0 [sflag:s0], s1  }
0xf1: {  	s1 =	ssub.s32 @!p0 $0x0, s1;
	[sflag:s0] =	ssyncset.done @!p0 $0x0  }
0xf2: {  	[sflag:s0] =	ssyncadd.s32 @!p0 s1  }
0xf3: {  	[bflag:$0x3] =	sbarrier.arrive $0xFFFF  }
0xf4: {  	_ =	shalt  }

// kernel: kernel.19.cloned.1.call-start
scs
__scs_entry_jumppad:
0x0: {  	(pc) =	sbr.rel $0x88, $3  }
0x1: {  	(tag) =	ssettag $0x0;
	lr =	simm.s32 $0x1  }
0x2: {  	[smem:$0x3F8C] =	sst lr;
	_ =	strace $0xD0000000  }
0x3: {  	_ = 	snop  }
0x4: {  	_ = 	snop  }
0x5: {  	_ = 	snop  }
0x6: {  	_ = 	snop  }
0x7: {  	_ = 	snop  }
__scs_overlays_trampoline_lowered:
0x8: {  	[smem:$0x3F9B] =	sst s0  }
0x9: {  	[smem:$0x3F9C] =	sst s1  }
0xa: {  	[smem:$0x3F9D] =	sst s2  }
0xb: {  	[smem:$0x3F9E] =	sst s3  }
0xc: {  	[smem:$0x3F9F] =	sst s4  }
0xd: {  	[smem:$0x3FA0] =	sst s5  }
0xe: {  	[smem:$0x3FA1] =	sst s6  }
0xf: {  	[smem:$0x3FA2] =	sst s7  }
0x10: {  	[smem:$0x3FA3] =	sst s8  }
0x11: {  	[smem:$0x3FA4] =	sst s9;
	s0 =	simm.s32 @!p0 $0x0  }
0x12: {  	s1 =	sld [smem:$0x3F8A];
	s0 =	simm.s32 @p0 $0x1  }
0x13: {  	[smem:$0x3FA5] =	sst s0;
	s0 =	simm.s32 @!p1 $0x0  }
0x14: {  	s2 =	sld [smem:$0x3F89];
	s0 =	simm.s32 @p1 $0x1  }
0x15: {  	[smem:$0x3FA6] =	sst s0;
	s0 =	simm.s32 @!p2 $0x0  }
0x16: {  	s3 =	sld [smem:$0x3FDB];
	s0 =	simm.s32 @p2 $0x1  }
0x17: {  	s4 =	simm.s32 $0x1BF5;
	[smem:$0x3FA8] =	sst s0  }
0x18: {  	s0 =	sld [smem:$0x3F8B];
	_ =	swait.ge [sflag:s4], $0x0  }
0x19: {  	s7 =	sld [smem:$0x3F8C]  }
0x1a: {  	s8 =	sadd.s32 $0xFFFFE003, lr  }
0x1b: {  	s9 =	sadd.s32 $0xFFFFFEF7, lr;
	s5 =	simm.s32 $0xFFFFFFFF;
	p2 =	slt.u32 s8, $0xFFFFF086  }
0x1c: {  	p1 =	slt.u32 s9, $0xF7A;
	s5 =	simm.s32 @!p2 $0x0  }
0x1d: {  	s5 =	simm.s32 @p1 $0x1;
	p0 =	seq.s32 s7, s2  }
0x1e: {  	s7 =	smul.u32 @!p0 $0xF7A, s2;
	p2 =	seq.s32 @!p0 s5, $0x0  }
0x1f: {  	s9 =	smul.u32 $0xF7A, s1;
	s8 =	simm.s32 @!p0 $0x1BF5;
	p2 =	por !p2, p0  }
0x20: {  	[sflag:s8] =	ssyncset.s32 @!p0 $0xFFFFF086;
	s6 =	sadd.s32 @!p0 s3, s7;
	s7 =	simm.s32 @!p0 $0x108  }
0x21: {  	s3 =	sadd.s32 s3, s9;
	s6 =	sadd.s32 @!p0 $0x88, s6;
	s7 =	simm.s32 @p2 $0x1082  }
0x22: {  	[simem:s7], [sflag:s8] =	dma.local @!p0 [hbm:s6], $0xF7A  }
0x23: {  	s9 =	sor.u32 $0xD0000000, s2;
	s6 =	simm.s32 $0x108;
	_ =	swait.ge @!p0 [sflag:s8], $0x0  }
0x24: {  	s3 =	sadd.s32 $0x88, s3;
	s6 =	simm.s32 @!p1 $0x1082;
	[sflag:s4] =	ssyncset.s32 $0xFFFFF086  }
0x25: {  	[simem:s6], [sflag:s4] =	dma.local [hbm:s3], $0xF7A  }
0x26: {  	[smem:$0x3F8C] =	sst s1;
	(tag) =	ssettag s2;
	_ =	strace s9  }
0x27: {  	s1 =	sld [smem:$0x3F9C]  }
0x28: {  	s2 =	sld [smem:$0x3F9D]  }
0x29: {  	s4 =	sld [smem:$0x3F9F]  }
0x2a: {  	p0 =	seq.s32 s5, $0x0;
	s5 =	sld [smem:$0x3FA0]  }
0x2b: {  	s6 =	sld [smem:$0x3FA1]  }
0x2c: {  	s7 =	sld [smem:$0x3FA2]  }
0x2d: {  	s3 =	simm.s32 $0x108;
	s8 =	sld [smem:$0x3FA3]  }
0x2e: {  	s3 =	simm.s32 @!p0 $0x1082;
	s9 =	sld [smem:$0x3FA4]  }
0x2f: {  	lr =	sadd.s32 s0, s3;
	s0 =	sld [smem:$0x3F9B]  }
0x30: {  	s3 =	sld [smem:$0x3F9E]  }
0x31: {  	[smem:$0x3FA7] =	sst s10  }
0x32: {  	s10 =	sld [smem:$0x3FA5];
	_ =	sdelay $0x3  }
0x33: {  	p0 =	seq.s32 s10, $0x1;
	s10 =	sld [smem:$0x3FA7];
	_ =	sdelay $0x3  }
0x34: {  	[smem:$0x3FA7] =	sst s10  }
0x35: {  	s10 =	sld [smem:$0x3FA6];
	_ =	sdelay $0x3  }
0x36: {  	p1 =	seq.s32 s10, $0x1;
	s10 =	sld [smem:$0x3FA7];
	_ =	sdelay $0x3  }
0x37: {  	[smem:$0x3FA7] =	sst s10  }
0x38: {  	s10 =	sld [smem:$0x3FA8]  }
0x39: {  	_ = 	snop;
	(pc) =	sbr.ind lr, $3  }
0x3a: {  	_ = 	snop  }
0x3b: {  	_ = 	snop  }
0x3c: {  	p2 =	seq.s32 s10, $0x1;
	s10 =	sld [smem:$0x3FA7]  }
0x3d: {  	_ =	shalt  }
0x3e: {  	_ =	shalt  }
0x3f: {  	_ =	shalt  }
0x40: {  	_ =	shalt  }
0x41: {  	_ =	shalt  }
0x42: {  	_ =	shalt  }
0x43: {  	_ =	shalt  }
0x44: {  	_ =	shalt  }
0x45: {  	_ =	shalt  }
0x46: {  	_ =	shalt  }
0x47: {  	_ =	shalt  }
0x48: {  	_ =	shalt  }
0x49: {  	_ =	shalt  }
0x4a: {  	_ =	shalt  }
0x4b: {  	_ =	shalt  }
0x4c: {  	_ =	shalt  }
0x4d: {  	_ =	shalt  }
0x4e: {  	_ =	shalt  }
0x4f: {  	_ =	shalt  }
0x50: {  	_ =	shalt  }
0x51: {  	_ =	shalt  }
0x52: {  	_ =	shalt  }
0x53: {  	_ =	shalt  }
0x54: {  	_ =	shalt  }
0x55: {  	_ =	shalt  }
0x56: {  	_ =	shalt  }
0x57: {  	_ =	shalt  }
0x58: {  	_ =	shalt  }
0x59: {  	_ =	shalt  }
0x5a: {  	_ =	shalt  }
0x5b: {  	_ =	shalt  }
0x5c: {  	_ =	shalt  }
0x5d: {  	_ =	shalt  }
0x5e: {  	_ =	shalt  }
0x5f: {  	_ =	shalt  }
0x60: {  	_ =	shalt  }
0x61: {  	_ =	shalt  }
0x62: {  	_ =	shalt  }
0x63: {  	_ =	shalt  }
0x64: {  	_ =	shalt  }
0x65: {  	_ =	shalt  }
0x66: {  	_ =	shalt  }
0x67: {  	_ =	shalt  }
0x68: {  	_ =	shalt  }
0x69: {  	_ =	shalt  }
0x6a: {  	_ =	shalt  }
0x6b: {  	_ =	shalt  }
0x6c: {  	_ =	shalt  }
0x6d: {  	_ =	shalt  }
0x6e: {  	_ =	shalt  }
0x6f: {  	_ =	shalt  }
0x70: {  	_ =	shalt  }
0x71: {  	_ =	shalt  }
0x72: {  	_ =	shalt  }
0x73: {  	_ =	shalt  }
0x74: {  	_ =	shalt  }
0x75: {  	_ =	shalt  }
0x76: {  	_ =	shalt  }
0x77: {  	_ =	shalt  }
0x78: {  	_ =	shalt  }
0x79: {  	_ =	shalt  }
0x7a: {  	_ =	shalt  }
0x7b: {  	_ =	shalt  }
0x7c: {  	_ =	shalt  }
0x7d: {  	_ =	shalt  }
0x7e: {  	_ =	shalt  }
0x7f: {  	_ =	shalt  }
0x80: {  	_ =	shalt  }
0x81: {  	_ =	shalt  }
0x82: {  	_ =	shalt  }
0x83: {  	_ =	shalt  }
0x84: {  	_ =	shalt  }
0x85: {  	_ =	shalt  }
0x86: {  	_ =	shalt  }
0x87: {  	_ =	shalt  }
.Lfunc_end0:
.L_simem_size_0:
called_computation.3_lowered:
.L_overlay_start_0:
0x88: {  	s2 =	sld [smem:$0x3FD9]  }
0x89: {  	s3 =	sld [smem:$0x3FFE];
	_ =	sdelay $0x1  }
0x8a: {  	s1 =	srdreg.scid  }
0x8b: {  	s0 =	sand.u32 $0x1, s1  }
0x8c: {  	s16 =	sshll.u32 s0, $0xA;
	s2 =	sadd.s32 s3, s2  }
0x8d: {  	s2 =	sadd.s32 s2, s16  }
0x8e: {  	[smem:$0x3FB3] =	sst s2  }
0x8f: {  	_ = 	snop  }
0x90: {  	(tm) =	ssettm $0x1  }
0x91: {  	s17 =	sld [smem:$0x3FFB];
	_ =	sdelay $0x3  }
0x92: {  	_ =	strace s17  }
0x93: {  	s2 =	sld [smem:$0x3FFC];
	_ =	sdelay $0x3  }
0x94: {  	_ =	strace s2  }
0x95: {  	s2 =	sld [smem:$0x3FFD];
	_ =	sdelay $0x3  }
0x96: {  	_ =	strace s2  }
0x97: {  	_ =	strace $0x8FFFFFFF  }
0x98: {  	s18 =	sld [smem:$0x3FDB];
	_ =	sdelay $0x1  }
0x99: {  	s19 =	simm.s32 $_scs_section_size  }
0x9a: {  	s4 =	simm.s32 $_size__tile_overlayer_lowered;
	s5 =	simm.s32 $_tile_overlayer_lowered  }
0x9b: {  	s22 =	simm.s32 $0x1BFF;
	s21 =	sshll.u32 s5, $0x1;
	s2 =	sadd.s32 s19, s18  }
0x9c: {  	s6 =	simm.s32 $0x0;
	s20 =	sshll.u32 s4, $0x1;
	s4 =	sadd.s32 s21, s2  }
0x9d: {  	[timem:s6], [sflag:s22] =	dma.local [hbm:s4], s20  }
0x9e: {  	_ =	swait.ge [sflag:s22], s20  }
0x9f: {  	s3 =	ssub.s32 $0x0, s20;
	[sflag:s22] =	ssyncset.done $0x0  }
0xa0: {  	[sflag:s22] =	ssyncadd.s32 s3;
	_ =	sdelay $0x1  }
0xa1: {  	s23 =	simm.s32 $0x1B8B  }
0xa2: {  	_ =	swait.ge [sflag:s23], $0x1  }
0xa3: {  	[sflag:s23] =	ssyncset.done $0x0  }
0xa4: {  	s25 =	simm.s32 $0x1B8E;
	s24 =	sld [smem:$0x3FFE];
	[sflag:s23] =	ssyncadd.s32 $0xFFFFFFFF  }
0xa5: {  	s26 =	simm.s32 $execute0_lowered;
	[smem:$0x3FD2] =	sst s25  }
0xa6: {  	s4 =	sshll.u32 s26, $0x1;
	_ =	strace $0x8000004F;
	[dreg:$0x1] =	wrdreg $0xFFFFFFFF  }
0xa7: {  	s28 =	simm.s32 $_size_execute0_lowered;
	s2 =	sadd.s32 s2, s4;
	[dreg:$0x0] =	wrdreg $0x0  }
0xa8: {  	s4 =	sshll.u32 s28, $0x1;
	[dreg:$0x2] =	wrdreg s2  }
0xa9: {  	[dreg:$0x3] =	wrdreg s4  }
0xaa: {  	[dreg:$0x4] =	wrdreg $0xC0  }
0xab: {  	_ =	task [dreg:s6], $0x5FFFF  }
0xac: {  	[dreg:$0x1] =	wrdreg $0xFFFFFFFF  }
0xad: {  	[dreg:$0x0] =	wrdreg $0x60  }
0xae: {  	[dreg:$0x2] =	wrdreg s24  }
0xaf: {  	[dreg:$0x3] =	wrdreg $0x78800  }
0xb0: {  	[dreg:$0x4] =	wrdreg $0x9  }
0xb1: {  	_ =	task.clear_ibuf [dreg:s6], $0x5FFFF;
	_ =	strace $0x9000004F  }
0xb2: {  	s29 =	simm.s32 $0x9;
	_ =	strace $0x80000051  }
0xb3: {  	_ =	swait.ge [sflag:s29], $0x1  }
0xb4: {  	[sflag:s29] =	ssyncadd.s32 $0xFFFFFFFF  }
0xb5: {  	_ =	strace $0x90000051  }
0xb6: {  	_ =	sfence  }
0xb7: {  	s30 =	sld [smem:$0x0];
	_ =	sdelay $0x2  }
0xb8: {  	s31 =	sshll.u32 s1, $0xD;
	s1 =	sshrl.u32 s1, $0x2  }
0xb9: {  	s3 =	sand.u32 $0x4000, s31;
	s1 =	sadd.s32 s1, s30  }
0xba: {  	s0 =	sor.u32 s3, s0;
	s1 =	sshll.u32 s1, $0x11  }
0xbb: {  	s0 =	sor.u32 s1, s0  }
0xbc: {  	s0 =	sadd.s32 $0x8F2B, s0  }
0xbd: {  	[sflag:s0] =	ssyncadd.remote.s32 $0x1  }
0xbe: {  	_ =	sfence.sel $0xFFFF  }
0xbf: {  	[dreg:$0x0] =	wrdreg $0xFFFFFFFF;
	(pc) =	sbr.abs _section_cstart, $3  }
0xc0: {  	[dreg:$0x1] =	wrdreg $0xFFFFFFFF  }
0xc1: {  	_ =	task.clear_ibuf [dreg:s6], $0x2FFFF;
	_ =	strace $0x9FFFFFFF  }
0xc2: {  	(tm) =	ssettm $0x7FFFFFFF  }
0xc3: {  	_ =	shalt  }
tec
execute0_lowered:
.L_overlay_start_1:
0x0: {  	(tag) =	ssettag $0x1  }
0x1: {  	s22 =	stileid.u32  }
0x2: {  	s9 =	smul.u32 $0x500, s22  }
0x3: {  	s7 =	sor.u32 $0x10, s22;
	s21 =	smul.u32 $0x2800, s22  }
0x4: {  	s6 =	sor.u32 $0x20, s22;
	s10 =	smul.u32 $0x500, s7  }
0x5: {  	s5 =	sor.u32 $0x30, s22;
	s11 =	smul.u32 $0x500, s6  }
0x6: {  	s4 =	sor.u32 $0x40, s22;
	s12 =	smul.u32 $0x500, s5  }
0x7: {  	s3 =	sor.u32 $0x50, s22;
	s13 =	smul.u32 $0x500, s4  }
0x8: {  	s1 =	sor.u32 $0x60, s22;
	s14 =	smul.u32 $0x500, s3  }
0x9: {  	s0 =	srdreg.scid;
	s2 =	sor.u32 $0x70, s22;
	s15 =	smul.u32 $0x500, s1  }
0xa: {  	s16 =	sand.u32 $0x1, s0;
	s17 =	smul.u32 $0x500, s2  }
0xb: {  	s18 =	smul.u32 $0x138800, s16  }
0xc: {  	s24 =	smul.u32 $0x2800, s6  }
0xd: {  	s28 =	smul.u32 $0x2800, s5  }
0xe: {  	s8 =	rddreg [dreg:$0x0];
	s31 =	smul.u32 $0x2800, s4  }
0xf: {  	s19 =	sadd.s32 $0x18200, s8;
	s0 =	ssub.s32 $0x2, s16;
	s6 =	smul.u32 $0xA000, s6  }
0x10: {  	p0 =	sgt.u32 s22, $0xC;
	s5 =	smul.u32 $0xA000, s5;
	s20 =	sshrl.u32 s0, $0x1  }
0x11: {  	s4 =	smul.u32 $0xA000, s4;
	s9 =	sadd.s32 s19, s9;
	s0 =	ssub.s32 s0, s20  }
0x12: {  	[dreg:$0x3] =	wrdreg s9;
	s20 =	smul.u32 $0x2800, s7;
	s10 =	sadd.s32 s19, s10  }
0x13: {  	s23 =	sadd.s32 s19, s11;
	s25 =	sadd.s32 s19, s12;
	s26 =	sadd.s32 s19, s13  }
0x14: {  	s29 =	sadd.s32 s19, s14;
	s30 =	sadd.s32 s19, s15;
	s14 =	sadd.s32 s19, s17  }
0x15: {  	s15 =	sadd.s32 s21, s18;
	s19 =	smul.u32 $0x2800, s3;
	[dreg:$0x4] =	wrdreg s10  }
0x16: {  	s21 =	smul.u32 $0x2800, s1;
	s11 =	sadd.s32 s18, s28;
	[dreg:$0x5] =	wrdreg s23  }
0x17: {  	s12 =	sadd.s32 s18, s31;
	s9 =	simm.s32 $0x0;
	[dreg:$0x6] =	wrdreg s25  }
0x18: {  	s7 =	smul.u32 $0xA000, s7;
	s6 =	sshrl.u32 s6, $0x2;
	[dreg:$0x7] =	wrdreg s26  }
0x19: {  	s3 =	smul.u32 $0xA000, s3;
	s5 =	sshrl.u32 s5, $0x2;
	[dreg:$0x8] =	wrdreg s29  }
0x1a: {  	s1 =	smul.u32 $0xA000, s1;
	s4 =	sshrl.u32 s4, $0x2;
	[dreg:$0x9] =	wrdreg s30  }
0x1b: {  	[dreg:$0xa] =	wrdreg s14;
	s10 =	sadd.s32 s18, s24;
	s23 =	smul.u32 $0x2800, s2  }
0x1c: {  	[smem:$0x7FF] =	sst s9;
	s25 =	sshll.u32 s22, $0x1;
	s13 =	sshrl.u32 s15, $0x3  }
0x1d: {  	s26 =	sadd.s32 $0x66600, s8;
	s31 =	sshrl.u32 s12, $0x3;
	s12 =	smul.u32 $0x2710, s16  }
0x1e: {  	s11 =	sshrl.u32 s11, $0x3;
	s2 =	smul.u32 $0xA000, s2;
	s0 =	smax.u32 s0, $0x1  }
0x1f: {  	s20 =	sadd.s32 s18, s20;
	s14 =	sadd.s32 s18, s19;
	s24 =	sadd.s32 s18, s21  }
0x20: {  	s13 =	sadd.s32 s26, s13;
	s10 =	sshrl.u32 s10, $0x3;
	s30 =	sadd.s32 s26, s11  }
0x21: {  	s21 =	sadd.s32 $0xE400, s8;
	s7 =	sshrl.u32 s7, $0x2;
	s3 =	sshrl.u32 s3, $0x2  }
0x22: {  	s17 =	sadd.s32 s18, s23;
	s18 =	sor.u32 s16, s25;
	[dreg:$0xb] =	wrdreg s13  }
0x23: {  	s29 =	sshrl.u32 s20, $0x3;
	s10 =	sadd.s32 s26, s10;
	[dreg:$0xe] =	wrdreg s30  }
0x24: {  	s11 =	sshrl.u32 s14, $0x3;
	s23 =	smul.u32 $0xA000, s22;
	[dreg:$0xd] =	wrdreg s10  }
0x25: {  	s28 =	smul.u32 $0x2710, s18;
	s13 =	sadd.s32 s26, s29;
	s18 =	rddreg [dreg:$0x1]  }
0x26: {  	s10 =	sadd.s32 s26, s31;
	s15 =	sshrl.u32 s17, $0x3;
	[dreg:$0xc] =	wrdreg s13  }
0x27: {  	[dreg:$0xf] =	wrdreg s10;
	s10 =	sadd.s32 s26, s11;
	s13 =	sshrl.u32 s24, $0x3  }
0x28: {  	[dreg:$0x10] =	wrdreg s10;
	s10 =	sadd.s32 s26, s13;
	s17 =	sshrl.u32 s28, $0x3  }
0x29: {  	[dreg:$0x11] =	wrdreg s10;
	s10 =	sadd.s32 s26, s15;
	s19 =	sadd.s32 s17, s8  }
0x2a: {  	s25 =	sadd.s32 s21, s17;
	[dreg:$0x12] =	wrdreg s10;
	s24 =	sadd.s32 $0x4600, s19  }
0x2b: {  	s26 =	sshrl.u32 s23, $0x2;
	_ =	strace $0x80000050;
	[dreg:$0x13] =	wrdreg s24  }
0x2c: {  	s20 =	sadd.s32 $0x3F400, s8;
	s8 =	sadd.s32 s26, s18;
	[dreg:$0x14] =	wrdreg s25  }
0x2d: {  	s1 =	sshrl.u32 s1, $0x2;
	s7 =	sadd.s32 s7, s18;
	[dreg:$0x15] =	wrdreg s8  }
0x2e: {  	s14 =	smul.u32 $0x4E20, s22;
	s6 =	sadd.s32 s6, s18;
	[dreg:$0x16] =	wrdreg s7  }
0x2f: {  	s2 =	sshrl.u32 s2, $0x2;
	s5 =	sadd.s32 s5, s18;
	[dreg:$0x17] =	wrdreg s6  }
0x30: {  	s16 =	sadd.s32 s12, s14;
	s4 =	sadd.s32 s4, s18;
	[dreg:$0x18] =	wrdreg s5  }
0x31: {  	s3 =	sadd.s32 s3, s18;
	s1 =	sadd.s32 s1, s18;
	[dreg:$0x19] =	wrdreg s4  }
0x32: {  	s29 =	sadd.s32 s2, s18;
	s11 =	simm.s32 $0x1;
	[dreg:$0x1a] =	wrdreg s3  }
0x33: {  	s12 =	simm.s32 $0x4;
	s14 =	simm.s32 $0x0;
	[dreg:$0x1b] =	wrdreg s1  }
0x34: {  	s28 =	sadd.s32 $0x50, s16;
	s31 =	sadd.s32 $0xA0, s16;
	[dreg:$0x1c] =	wrdreg s29  }
0x35: {  	s13 =	simm.s32 $0x2;
	s30 =	sshrl.u32 s28, $0x3;
	[dreg:$0x1d] =	wrdreg s0  }
0x36: {  	s2 =	sadd.s32 s30, s21;
	s10 =	simm.s32 $0x3;
	[dreg:$0x1e] =	wrdreg s31  }
0x37: {  	s3 =	simm.s32 $0x5;
	s4 =	simm.s32 $0x2780;
	s5 =	simm.s32 $0x50  }
0x38: {  	s6 =	simm.s32 $0x2880;
	s7 =	simm.s32 $0x2800;
	s8 =	simm.s32 $0x5080  }
.LBB2_1:
0x39: {  	s0 =	rddreg [dreg:$0x13]  }
0x3a: {  	[tilespmem:s9], [sflag:$0x5] =	stream.linear.gather [hbm4b:s0+s9], $0x2710, $0x38;
	[tilespmem:$0x1B100] =	vst v63  }
0x3b: {  	_ =	swait.ge [sflag:s3], $0x2710  }
0x3c: {  	s26 =	stileid.u32;
	[sflag:s3] =	ssyncset.done $0x0;
	s25 =	rddreg [dreg:$0x14]  }
0x3d: {  	s15 =	sshll.u32 s26, $0x6;
	s1 =	rddreg [dreg:$0x15];
	[sflag:s3] =	ssyncadd.s32 $0xFFFFD8F0  }
0x3e: {  	[tilespmem:s4], [sflag:$0x3] =	stream.linear.gather [hbm4b:s25+s9], $0x50, $0x38;
	[tilespmem:$0x1B100] =	vst v63  }
0x3f: {  	s15 =	sor.u32 $0x1C05, s15;
	s16 =	rddreg [dreg:$0x3];
	s17 =	sshrl.u32 s1, $0x3  }
0x40: {  	[tilespmem:s6], [sflag:$0x1] =	stream.indirect.gather [hbm4b:s20+s5], $0x80, s9, s5, $0xb8;
	[tilespmem:$0x1B100] =	vst v63  }
0x41: {  	[spmem:s17], [sflag:s15] =	dma.local [hbm:s16], $0x500  }
0x42: {  	_ =	swait.ge [sflag:s3], $0x500  }
0x43: {  	[sflag:s3] =	ssyncset.done $0x0;
	s19 =	rddreg [dreg:$0x16]  }
0x44: {  	s22 =	rddreg [dreg:$0x4];
	[sflag:s3] =	ssyncadd.s32 $0xFFFFFB00;
	s19 =	sshrl.u32 s19, $0x3  }
0x45: {  	[spmem:s19], [sflag:s15] =	dma.local [hbm:s22], $0x500  }
0x46: {  	_ =	swait.ge [sflag:s3], $0x500  }
0x47: {  	[sflag:s3] =	ssyncset.done $0x0;
	s23 =	rddreg [dreg:$0x17]  }
0x48: {  	s24 =	rddreg [dreg:$0x5];
	[sflag:s3] =	ssyncadd.s32 $0xFFFFFB00;
	s22 =	sshrl.u32 s23, $0x3  }
0x49: {  	[spmem:s22], [sflag:s15] =	dma.local [hbm:s24], $0x500  }
0x4a: {  	_ =	swait.ge [sflag:s3], $0x500  }
0x4b: {  	[sflag:s3] =	ssyncset.done $0x0;
	s25 =	rddreg [dreg:$0x18]  }
0x4c: {  	s26 =	rddreg [dreg:$0x6];
	[sflag:s3] =	ssyncadd.s32 $0xFFFFFB00;
	s23 =	sshrl.u32 s25, $0x3  }
0x4d: {  	[spmem:s23], [sflag:s15] =	dma.local [hbm:s26], $0x500  }
0x4e: {  	_ =	swait.ge [sflag:s3], $0x500  }
0x4f: {  	[sflag:s3] =	ssyncset.done $0x0;
	s1 =	rddreg [dreg:$0x19]  }
0x50: {  	s16 =	rddreg [dreg:$0x7];
	[sflag:s3] =	ssyncadd.s32 $0xFFFFFB00;
	s24 =	sshrl.u32 s1, $0x3  }
0x51: {  	[spmem:s24], [sflag:s15] =	dma.local [hbm:s16], $0x500  }
0x52: {  	_ =	swait.ge [sflag:s3], $0x500  }
0x53: {  	[sflag:s3] =	ssyncset.done $0x0;
	s25 =	rddreg [dreg:$0x1a]  }
0x54: {  	s26 =	rddreg [dreg:$0x8];
	[sflag:s3] =	ssyncadd.s32 $0xFFFFFB00;
	s25 =	sshrl.u32 s25, $0x3  }
0x55: {  	[spmem:s25], [sflag:s15] =	dma.local [hbm:s26], $0x500  }
0x56: {  	_ =	swait.ge [sflag:s3], $0x500  }
0x57: {  	[sflag:s3] =	ssyncset.done $0x0;
	s1 =	rddreg [dreg:$0x1b]  }
0x58: {  	s16 =	rddreg [dreg:$0x9];
	[sflag:s3] =	ssyncadd.s32 $0xFFFFFB00;
	s26 =	sshrl.u32 s1, $0x3  }
0x59: {  	[spmem:s26], [sflag:s15] =	dma.local [hbm:s16], $0x500  }
0x5a: {  	_ =	swait.ge [sflag:s3], $0x500  }
0x5b: {  	s16 =	simm.s32 @!p0 $0x5;
	[sflag:s3] =	ssyncset.done $0x0;
	s0 =	rddreg [dreg:$0x1c]  }
0x5c: {  	[sflag:s3] =	ssyncadd.s32 $0xFFFFFB00;
	s28 =	sshrl.u32 @!p0 s0, $0x3;
	s0 =	rddreg [dreg:$0xa]  }
0x5d: {  	[spmem:s28], [sflag:s15] =	dma.local @!p0 [hbm:s0], $0x500  }
0x5e: {  	_ =	swait.ge @!p0 [sflag:s16], $0x500  }
0x5f: {  	[sflag:s16] =	ssyncset.done @!p0 $0x0  }
0x60: {  	[sflag:s16] =	ssyncadd.s32 @!p0 $0xFFFFFB00  }
0x61: {  	s1 =	sadd.s32 $0x0, s2;
	[bflag:$0x0] =	sbarrier.arrive $0xFFFF  }
0x62: {  	[tilespmem:s7], [sflag:$0x4] =	stream.linear.gather [hbm4b:s1+s9], $0x50, $0x38;
	[tilespmem:$0x1B100] =	vst v63  }
0x63: {  	s0 =	simm.s32 $0x50  }
0x64: {  	[tilespmem:s8], [sflag:$0x2] =	stream.indirect.gather [hbm4b:s20+s5], $0x80, s0, s5, $0xb8;
	[tilespmem:$0x1B100] =	vst v63  }
0x65: {  	_ =	swait.ge [sflag:s10], $0x50  }
0x66: {  	[sflag:s10] =	ssyncset.done $0x0  }
0x67: {  	[sflag:s10] =	ssyncadd.s32 $0xFFFFFFB0  }
0x68: {  	_ =	swait.ge [sflag:s11], $0x2800  }
0x69: {  	[sflag:s11] =	ssyncset.done $0x0  }
0x6a: {  	[sflag:s11] =	ssyncadd.s32 $0xFFFFD800  }
0x6b: {  	[spmem:s18] =	stream.indirect.scatter.add.f32 [tilespmem:s6], [sflag:$0x5], $0x80, s4, s5, $0xb8;
	[tilespmem:$0x1B100] =	vst v63  }
0x6c: {  	_ =	swait.ge [sflag:s3], $0x2800  }
0x6d: {  	s0 =	rddreg [dreg:$0x1e]  }
0x6e: {  	[sflag:s3] =	ssyncset.done $0x0;
	s1 =	sshrl.u32 s0, $0x3  }
0x6f: {  	[sflag:s3] =	ssyncadd.s32 $0xFFFFD800;
	s16 =	sadd.s32 s21, s1  }
0x70: {  	[tilespmem:s4], [sflag:$0x3] =	stream.linear.gather [hbm4b:s16+s9], $0x50, $0x38;
	[tilespmem:$0x1B100] =	vst v63  }
0x71: {  	s1 =	simm.s32 $0xA0  }
0x72: {  	[tilespmem:s6], [sflag:$0x1] =	stream.indirect.gather [hbm4b:s20+s5], $0x80, s1, s5, $0xb8;
	[tilespmem:$0x1B100] =	vst v63  }
0x73: {  	_ =	swait.ge [sflag:s12], $0x50  }
0x74: {  	[sflag:s12] =	ssyncset.done $0x0  }
0x75: {  	[sflag:s12] =	ssyncadd.s32 $0xFFFFFFB0  }
0x76: {  	_ =	swait.ge [sflag:s13], $0x2800  }
0x77: {  	[sflag:s13] =	ssyncset.done $0x0  }
0x78: {  	[sflag:s13] =	ssyncadd.s32 $0xFFFFD800  }
0x79: {  	[spmem:s18] =	stream.indirect.scatter.add.f32 [tilespmem:s8], [sflag:$0x5], $0x80, s7, s5, $0xb8;
	[tilespmem:$0x1B100] =	vst v63  }
0x7a: {  	s31 =	simm.s32 $0x14;
	s29 =	simm.s32 $0x140;
	_ =	swait.ge [sflag:s3], $0x2800  }
0x7b: {  	s30 =	sadd.s32 $0xA0, s0;
	s16 =	simm.s32 $0x28;
	[sflag:s3] =	ssyncset.done $0x0  }
.LBB2_2:
0x7c: {  	s0 =	sadd.s32 s31, s2  }
0x7d: {  	[sflag:s3] =	ssyncadd.s32 $0xFFFFD800;
	s31 =	smov.u32 s16;
	s1 =	sadd.s32 $0x14, s16  }
0x7e: {  	[tilespmem:s7], [sflag:$0x4] =	stream.linear.gather [hbm4b:s0+s9], $0x50, $0x38;
	[tilespmem:$0x1B100] =	vst v63  }
0x7f: {  	p1 =	sne.s32 s16, $0x4C4;
	s0 =	sadd.s32 $0xFFFFFFB0, s29  }
0x80: {  	[tilespmem:s8], [sflag:$0x2] =	stream.indirect.gather [hbm4b:s20+s5], $0x80, s0, s5, $0xb8;
	[tilespmem:$0x1B100] =	vst v63  }
0x81: {  	_ =	swait.ge [sflag:s10], $0x50  }
0x82: {  	[sflag:s10] =	ssyncset.done $0x0  }
0x83: {  	[sflag:s10] =	ssyncadd.s32 $0xFFFFFFB0  }
0x84: {  	_ =	swait.ge [sflag:s11], $0x2800  }
0x85: {  	[sflag:s11] =	ssyncset.done $0x0  }
0x86: {  	[sflag:s11] =	ssyncadd.s32 $0xFFFFD800  }
0x87: {  	[spmem:s18] =	stream.indirect.scatter.add.f32 [tilespmem:s6], [sflag:$0x5], $0x80, s4, s5, $0xb8;
	[tilespmem:$0x1B100] =	vst v63  }
0x88: {  	_ =	swait.ge [sflag:s3], $0x2800  }
0x89: {  	s0 =	sshrl.u32 s30, $0x3;
	[sflag:s3] =	ssyncset.done $0x0  }
0x8a: {  	s0 =	sadd.s32 s21, s0;
	[sflag:s3] =	ssyncadd.s32 $0xFFFFD800  }
0x8b: {  	[tilespmem:s4], [sflag:$0x3] =	stream.linear.gather [hbm4b:s0+s9], $0x50, $0x38;
	[tilespmem:$0x1B100] =	vst v63  }
0x8c: {  	_ = 	snop  }
0x8d: {  	[tilespmem:s6], [sflag:$0x1] =	stream.indirect.gather [hbm4b:s20+s5], $0x80, s29, s5, $0xb8;
	[tilespmem:$0x1B100] =	vst v63  }
0x8e: {  	_ =	swait.ge [sflag:s12], $0x50  }
0x8f: {  	[sflag:s12] =	ssyncset.done $0x0  }
0x90: {  	[sflag:s12] =	ssyncadd.s32 $0xFFFFFFB0  }
0x91: {  	_ =	swait.ge [sflag:s13], $0x2800  }
.Ltmp0:
0x92: {  	[sflag:s13] =	ssyncset.done $0x0;
	(pc) =	sbr.rel @p1 .LBB2_2-.Ltmp0, $4  }
0x93: {  	[sflag:s13] =	ssyncadd.s32 $0xFFFFD800  }
0x94: {  	[spmem:s18] =	stream.indirect.scatter.add.f32 [tilespmem:s8], [sflag:$0x5], $0x80, s7, s5, $0xb8;
	[tilespmem:$0x1B100] =	vst v63  }
0x95: {  	s16 =	smov.u32 s1;
	_ =	swait.ge [sflag:s3], $0x2800  }
0x96: {  	s30 =	sadd.s32 $0xA0, s30;
	s29 =	sadd.s32 $0xA0, s29;
	[sflag:s3] =	ssyncset.done $0x0  }
0x97: {  	s0 =	sadd.s32 s31, s2;
	[sflag:s3] =	ssyncadd.s32 $0xFFFFD800  }
0x98: {  	[tilespmem:s7], [sflag:$0x4] =	stream.linear.gather [hbm4b:s0+s9], $0x50, $0x38;
	[tilespmem:$0x1B100] =	vst v63  }
0x99: {  	s31 =	sadd.s32 $0xFFFFFFB0, s29  }
0x9a: {  	[tilespmem:s8], [sflag:$0x2] =	stream.indirect.gather [hbm4b:s20+s5], $0x80, s31, s5, $0xb8;
	[tilespmem:$0x1B100] =	vst v63  }
0x9b: {  	_ =	swait.ge [sflag:s10], $0x50  }
0x9c: {  	[sflag:s10] =	ssyncset.done $0x0  }
0x9d: {  	[sflag:s10] =	ssyncadd.s32 $0xFFFFFFB0  }
0x9e: {  	_ =	swait.ge [sflag:s11], $0x2800  }
0x9f: {  	[sflag:s11] =	ssyncset.done $0x0  }
0xa0: {  	[sflag:s11] =	ssyncadd.s32 $0xFFFFD800  }
0xa1: {  	[spmem:s18] =	stream.indirect.scatter.add.f32 [tilespmem:s6], [sflag:$0x5], $0x80, s4, s5, $0xb8;
	[tilespmem:$0x1B100] =	vst v63  }
0xa2: {  	_ =	swait.ge [sflag:s3], $0x2800  }
0xa3: {  	s1 =	sshrl.u32 s30, $0x3;
	[sflag:s3] =	ssyncset.done $0x0  }
0xa4: {  	s0 =	sadd.s32 s21, s1;
	[sflag:s3] =	ssyncadd.s32 $0xFFFFD800  }
0xa5: {  	[tilespmem:s4], [sflag:$0x3] =	stream.linear.gather [hbm4b:s0+s9], $0x50, $0x38;
	[tilespmem:$0x1B100] =	vst v63  }
0xa6: {  	_ = 	snop  }
0xa7: {  	[tilespmem:s6], [sflag:$0x1] =	stream.indirect.gather [hbm4b:s20+s5], $0x80, s29, s5, $0xb8;
	[tilespmem:$0x1B100] =	vst v63  }
0xa8: {  	_ =	swait.ge [sflag:s12], $0x50  }
0xa9: {  	[sflag:s12] =	ssyncset.done $0x0  }
0xaa: {  	[sflag:s12] =	ssyncadd.s32 $0xFFFFFFB0  }
0xab: {  	_ =	swait.ge [sflag:s13], $0x2800  }
0xac: {  	[sflag:s13] =	ssyncset.done $0x0  }
0xad: {  	[sflag:s13] =	ssyncadd.s32 $0xFFFFD800  }
0xae: {  	[spmem:s18] =	stream.indirect.scatter.add.f32 [tilespmem:s8], [sflag:$0x5], $0x80, s7, s5, $0xb8;
	[tilespmem:$0x1B100] =	vst v63  }
0xaf: {  	_ =	swait.ge [sflag:s3], $0x2800  }
0xb0: {  	[sflag:s3] =	ssyncset.done $0x0  }
0xb1: {  	[sflag:s3] =	ssyncadd.s32 $0xFFFFD800  }
0xb2: {  	_ =	swait.ge [sflag:s10], $0x50  }
0xb3: {  	[sflag:s10] =	ssyncset.done $0x0  }
0xb4: {  	[sflag:s10] =	ssyncadd.s32 $0xFFFFFFB0  }
0xb5: {  	_ =	swait.ge [sflag:s11], $0x2800  }
0xb6: {  	[sflag:s11] =	ssyncset.done $0x0  }
0xb7: {  	[sflag:s11] =	ssyncadd.s32 $0xFFFFD800  }
0xb8: {  	[spmem:s18] =	stream.indirect.scatter.add.f32 [tilespmem:s6], [sflag:$0x5], $0x80, s4, s5, $0xb8;
	[tilespmem:$0x1B100] =	vst v63  }
0xb9: {  	_ =	swait.ge [sflag:s3], $0x2800  }
0xba: {  	[sflag:s3] =	ssyncset.done $0x0  }
0xbb: {  	[sflag:s3] =	ssyncadd.s32 $0xFFFFD800  }
0xbc: {  	[bflag:$0x0] =	sbarrier.arrive $0xFFFF  }
0xbd: {  	s16 =	rddreg [dreg:$0xb]  }
0xbe: {  	[hbm:s16], [sflag:s15] =	dma.local [spmem:s17], $0x500  }
0xbf: {  	_ =	swait.ge [sflag:s3], $0x500  }
0xc0: {  	[sflag:s3] =	ssyncset.done $0x0  }
0xc1: {  	s17 =	rddreg [dreg:$0xc];
	[sflag:s3] =	ssyncadd.s32 $0xFFFFFB00  }
0xc2: {  	[hbm:s17], [sflag:s15] =	dma.local [spmem:s19], $0x500  }
0xc3: {  	_ =	swait.ge [sflag:s3], $0x500  }
0xc4: {  	[sflag:s3] =	ssyncset.done $0x0  }
0xc5: {  	s19 =	rddreg [dreg:$0xd];
	[sflag:s3] =	ssyncadd.s32 $0xFFFFFB00  }
0xc6: {  	[hbm:s19], [sflag:s15] =	dma.local [spmem:s22], $0x500  }
0xc7: {  	_ =	swait.ge [sflag:s3], $0x500  }
0xc8: {  	[sflag:s3] =	ssyncset.done $0x0  }
0xc9: {  	s22 =	rddreg [dreg:$0xe];
	[sflag:s3] =	ssyncadd.s32 $0xFFFFFB00  }
0xca: {  	[hbm:s22], [sflag:s15] =	dma.local [spmem:s23], $0x500  }
0xcb: {  	_ =	swait.ge [sflag:s3], $0x500  }
0xcc: {  	[sflag:s3] =	ssyncset.done $0x0  }
0xcd: {  	s29 =	rddreg [dreg:$0xf];
	[sflag:s3] =	ssyncadd.s32 $0xFFFFFB00  }
0xce: {  	[hbm:s29], [sflag:s15] =	dma.local [spmem:s24], $0x500  }
0xcf: {  	_ =	swait.ge [sflag:s3], $0x500  }
0xd0: {  	[sflag:s3] =	ssyncset.done $0x0  }
0xd1: {  	s30 =	rddreg [dreg:$0x10];
	[sflag:s3] =	ssyncadd.s32 $0xFFFFFB00  }
0xd2: {  	[hbm:s30], [sflag:s15] =	dma.local [spmem:s25], $0x500  }
0xd3: {  	_ =	swait.ge [sflag:s3], $0x500  }
0xd4: {  	[sflag:s3] =	ssyncset.done $0x0  }
0xd5: {  	s31 =	rddreg [dreg:$0x11];
	[sflag:s3] =	ssyncadd.s32 $0xFFFFFB00  }
0xd6: {  	[hbm:s31], [sflag:s15] =	dma.local [spmem:s26], $0x500  }
0xd7: {  	_ =	swait.ge [sflag:s3], $0x500  }
0xd8: {  	[sflag:s3] =	ssyncset.done $0x0  }
0xd9: {  	s0 =	rddreg [dreg:$0x12];
	[sflag:s3] =	ssyncadd.s32 $0xFFFFFB00  }
0xda: {  	[hbm:s0], [sflag:s15] =	dma.local @!p0 [spmem:s28], $0x500  }
0xdb: {  	s0 =	simm.s32 @!p0 $0x5  }
0xdc: {  	_ =	swait.ge @!p0 [sflag:s0], $0x500  }
0xdd: {  	s14 =	sadd.s32 $0x1, s14;
	s1 =	rddreg [dreg:$0x1d]  }
0xde: {  	p1 =	sne.s32 s14, s1  }
.Ltmp1:
0xdf: {  	_ = 	snop;
	(pc) =	sbr.rel @p1 .LBB2_1-.Ltmp1, $3  }
0xe0: {  	_ =	sdelay $0x1  }
0xe1: {  	[sflag:s0] =	ssyncset.done @!p0 $0x0  }
0xe2: {  	[sflag:s0] =	ssyncadd.s32 @!p0 $0xFFFFFB00  }
0xe3: {  	_ =	sfence.sel $0x180000  }
0xe4: {  	[bflag:$0x0] =	sbarrier.arrive $0xFFFF  }
0xe5: {  	_ =	strace $0x90000050  }
0xe6: {  	s0 =	stileid.u32;
	[bflag:$0x2] =	sbarrier.arrive $0xFFFF  }
0xe7: {  	p0 =	sne.s32 s0, $0x0;
	s0 =	rddreg [dreg:$0x2]  }
0xe8: {  	s0 =	sadd.s32 @!p0 $0x100000, s0  }
0xe9: {  	[sflag:s0] =	ssyncadd.tile.s32 @!p0 $0x1;
	_ =	shalt  }
.Lfunc_end2:
_tile_overlayer_lowered:
.L_overlay_start_2:
0xea: {  	(tag) =	ssettag $0x2  }
0xeb: {  	s0 =	rddreg [dreg:$0x0];
	s2 =	stileid.u32  }
0xec: {  	s1 =	rddreg [dreg:$0x1];
	p0 =	sne.s32 s2, $0x0  }
0xed: {  	s3 =	rddreg [dreg:$0x2];
	[bflag:$0x3] =	sbarrier.arrive $0xFFFF;
	s2 =	simm.s32 @!p0 $0x1C05  }
0xee: {  	[timem:s3], [sflag:s2] =	dma.local @!p0 [hbm:s0], s1  }
0xef: {  	s0 =	simm.s32 @!p0 $0x5  }
0xf0: {  	_ =	swait.ge @!p0 [sflag:s0], s1  }
0xf1: {  	s1 =	ssub.s32 @!p0 $0x0, s1;
	[sflag:s0] =	ssyncset.done @!p0 $0x0  }
0xf2: {  	[sflag:s0] =	ssyncadd.s32 @!p0 s1  }
0xf3: {  	[bflag:$0x3] =	sbarrier.arrive $0xFFFF  }
0xf4: {  	_ =	shalt  }

</sc_bundles>
